<compile_context>
chip_gen: v7x
topology: tpu7x:2x2x1
jax: 0.10.2.dev20260603
libtpu: 0.0.44.dev20260713+nightly
codegen_flags: <defaults>
</compile_context>

<pallas_src>
import jax
import jax.numpy as jnp
import numpy as np
from jax import lax
from jax.experimental import pallas as pl
from jax.experimental.pallas import tpu as pltpu
from jax.experimental.pallas import tpu_sc as plsc

B = 128
N = 8192
K = 32
L = 16
NC = 2
NS = 16
NW = NC * NS
B_SC = 64
R = B_SC // NW
TB = 32
NV = N // L
CSTRIDE = N + L

INT_MIN = np.int32(-2147483648)
MASK31 = np.int32(0x7FFFFFFF)



def _digit(ub, shift):
    return lax.shift_right_logical(ub, np.int32(shift)) & np.int32(0xF)


def _ub_of(v):
    bb = lax.bitcast_convert_type(v, jnp.int32)
    return bb ^ (lax.shift_right_arithmetic(bb, 31) | INT_MIN)


def _sc_body(x_hbm, out_hbm, xv, c0, c1, hist):
    wid = lax.axis_index("s") * NC + lax.axis_index("c")
    lane = lax.iota(jnp.int32, L)
    lane16 = lane * L
    ones = jnp.ones((L,), jnp.int32)
    zeros16 = jnp.zeros((L,), jnp.int32)

    for j in range(R):
        pltpu.sync_copy(x_hbm.at[pl.ds(wid + j * NW, 1)],
                        xv.at[pl.ds(j, 1)])

    for t in range(R * 256 // L):
        hist[pl.ds(t * L, L)] = zeros16

    @plsc.parallel_loop(0, NV, unroll=4)
    def l0_body(i):
        for j in range(R):
            v = xv[j, pl.ds(i * L, L)]
            d = lax.shift_right_logical(_ub_of(v), np.int32(28))
            plsc.addupdate_scatter(
                hist, [np.int32(j * 256) + lane16 + d], ones)

    def pick(suf, kr):
        ge = suf >= kr
        bsel = plsc.all_reduce_population_count(ge) - np.int32(1)
        s_at = suf.at[bsel].get(mode="promise_in_bounds")
        nxt = jnp.minimum(bsel + np.int32(1), np.int32(L - 1))
        s_next = jnp.where(bsel == np.int32(L - 1), np.int32(0),
                           suf.at[nxt].get(mode="promise_in_bounds"))
        return bsel, kr - s_next, s_at - s_next

    def suffix(comb):
        return jnp.flip(plsc.cumsum(jnp.flip(comb)))

    bsels, krs, ms, tkeys = [], [], [], []
    for j in range(R):
        comb = hist[pl.ds(j * 256, L)]
        for l in range(1, L):
            comb = comb + hist[pl.ds(j * 256 + l * L, L)]
        b, kr, m = pick(suffix(comb), jnp.full((L,), K, jnp.int32))
        bsels.append(b)
        krs.append(kr)
        ms.append(m)
        tkeys.append(jnp.left_shift(b, np.int32(28)))

    for j in range(R):
        hist[pl.ds(j * 256, L)] = zeros16

    @plsc.parallel_loop(0, NV, unroll=2, carry=(jnp.int32(0),) * R)
    def compact0_body(i, offs):
        new = []
        for j in range(R):
            v = xv[j, pl.ds(i * L, L)]
            ub = _ub_of(v)
            msk = lax.shift_right_logical(ub, np.int32(28)) == bsels[j]
            plsc.store_compressed(
                c0.at[pl.ds(j * CSTRIDE + offs[j], L)], ub, mask=msk)
            plsc.addupdate_scatter(
                hist, [np.int32(j * 256) + _digit(ub, 24)], ones, mask=msk)
            pc = plsc.all_reduce_population_count(msk)
            new.append(offs[j] + pc[0])
        return tuple(new)

    tvecs = []
    for j in range(R):
        kr, m, tkey = krs[j], ms[j], tkeys[j]
        src, dst = c0, c1
        hb = np.int32(j * 256)
        for shift in range(24, -1, -4):
            bsel, kr, m2 = pick(suffix(hist[pl.ds(j * 256, L)]), kr)
            tkey = tkey | jnp.left_shift(bsel, np.int32(shift))

            if shift > 0:
                hist[pl.ds(j * 256, L)] = zeros16
                nv = lax.shift_right_logical(
                    m[0] + np.int32(L - 1), np.int32(4))

                def compact_body(i, off, src=src, dst=dst, m=m, shift=shift,
                                 bsel=bsel, j=j, hb=hb):
                    ub = src[pl.ds(j * CSTRIDE + i * L, L)]
                    valid = (lane + i * L) < m
                    msk = valid & (_digit(ub, shift) == bsel)
                    plsc.store_compressed(
                        dst.at[pl.ds(j * CSTRIDE + off, L)], ub, mask=msk)
                    plsc.addupdate_scatter(
                        hist, [hb + _digit(ub, shift - 4)], ones, mask=msk)
                    pc = plsc.all_reduce_population_count(msk)
                    return off + pc[0]

                lax.fori_loop(0, nv, compact_body, jnp.int32(0))
                src, dst = dst, src
            m = m2

        key_t = tkey ^ INT_MIN
        fb = key_t ^ (lax.shift_right_arithmetic(key_t, 31) & MASK31)
        tvecs.append(lax.bitcast_convert_type(fb, jnp.float32))

    @plsc.parallel_loop(0, NV, unroll=4)
    def mask_body(i):
        for j in range(R):
            sl = pl.ds(i * L, L)
            v = xv[j, sl]
            xv[j, sl] = jnp.where(v >= tvecs[j], v, np.float32(0.0))
    for j in range(R):
        pltpu.sync_copy(xv.at[pl.ds(j, 1)],
                        out_hbm.at[pl.ds(wid + j * NW, 1)])


def _tc_body(x_ref, o_ref):
    x = x_ref[...]
    b = lax.bitcast_convert_type(x, jnp.int32)
    key = b ^ (lax.shift_right_arithmetic(b, 31) & MASK31)

    def it(i, off):
        cand = off | jnp.left_shift(np.int32(1), np.int32(31) - i)
        thr = INT_MIN + cand
        cnt = jnp.sum((key >= thr).astype(jnp.int32), axis=1, keepdims=True)
        return jnp.where(cnt >= K, cand, off)

    off = lax.fori_loop(0, 32, it, jnp.zeros((TB, 1), jnp.int32))
    tkey = INT_MIN + off
    fb = tkey ^ (lax.shift_right_arithmetic(tkey, 31) & MASK31)
    t = lax.bitcast_convert_type(fb, jnp.float32)
    o_ref[...] = jnp.where(x >= t, x, np.float32(0.0))


@jax.jit
def kernel(x):
    mesh = plsc.VectorSubcoreMesh(
        core_axis_name="c", subcore_axis_name="s", num_cores=NC,
        num_subcores=NS)
    out = pl.kernel(
        _sc_body,
        out_type=jax.ShapeDtypeStruct((B, N), jnp.float32),
        mesh=mesh,
        compiler_params=pltpu.CompilerParams(
            needs_layout_passes=False, use_tc_tiling_on_sc=True),
        scratch_types=[
            pltpu.VMEM((R, N), jnp.float32),
            pltpu.VMEM((R * CSTRIDE,), jnp.int32),
            pltpu.VMEM((R * CSTRIDE,), jnp.int32),
            pltpu.VMEM((R * 256,), jnp.int32),
        ],
    )(x)
    n_tc_blocks = (B - B_SC) // TB
    out_tc = pl.pallas_call(
        _tc_body,
        grid=(n_tc_blocks,),
        in_specs=[pl.BlockSpec((TB, N), lambda i: (i + B_SC // TB, 0))],
        out_specs=pl.BlockSpec((TB, N), lambda i: (i, 0)),
        out_shape=jax.ShapeDtypeStruct((B - B_SC, N), jnp.float32),
    )(x)
    return lax.dynamic_update_slice(out, out_tc, (B_SC, 0))

# --- scband reference (transcript-rebuilt; emitter-appended) ---
"""Pipeline reference for scband-sparsify-kact1d-39109972198309 (READ-ONLY COPY).

The authoritative reference and input builder live on the scoring server;
editing this copy changes nothing except your own understanding.
"""

import jax, jax.numpy as jnp
import numpy as np

K = 32

def setup_inputs(seed: int = 0) -> dict:
    key = jax.random.key(seed)
    x = jax.random.normal(key, (128, 8192), dtype=jnp.float32)
    return {"x": x}

def reference(x):
    # topval = x.topk(k, dim=1)[0][:, -1]  -> k-th largest value per row
    topvals, _ = jax.lax.top_k(x, K)
    topval = topvals[:, -1]  # [B]
    # torch: topval.expand(N, B).permute(1, 0) -> broadcast threshold per row
    comp = (x >= topval[:, None]).astype(x.dtype)
    return comp * x

if __name__ == "__main__":
    import jax
    _d = setup_inputs()
    print(jax.jit(kernel)(*tuple(_d.values())))

</pallas_src>

<mosaic_0001>
#map = affine_map<(d0, d1) -> (0, 0)>
module attributes {stable_mosaic.version = 14 : i64} {
  func.func @_sc_body(%arg0: i32, %arg1: i32, %arg2: memref<128x8192xf32, #tpu.memory_space<hbm>>, %arg3: memref<128x8192xf32, #tpu.memory_space<hbm>>, %arg4: memref<2x8192xf32, #tpu.memory_space<vmem>>, %arg5: memref<16416xi32, #tpu.memory_space<vmem>>, %arg6: memref<16416xi32, #tpu.memory_space<vmem>>, %arg7: memref<512xi32, #tpu.memory_space<vmem>>) attributes {dimension_semantics = [#tpu.dimension_semantics<core_parallel>, #tpu.dimension_semantics<subcore_parallel>], iteration_bounds = array<i64: 2, 16>, scalar_prefetch = 0 : i64, scratch_operands = 4 : i64, tpu.core_type = #tpu.core_type<sc_vector_subcore>, window_params = [{transform_indices = #map}, {transform_indices = #map}]} {
    %mul3A = arith.constant 2 : i32
    %mul3A_0 = arith.muli %arg1, %mul3A : i32
    %add3A = arith.addi %mul3A_0, %arg0 : i32
    %iota3A = tpu.iota {dimensions = array<i32: 0>} : vector<16xi32>
    %mul3A_1 = arith.constant 16 : i32
    %mul3A_2 = vector.broadcast %mul3A_1 : i32 to vector<16xi32>
    %mul3A_3 = arith.muli %iota3A, %mul3A_2 : vector<16xi32>
    %broadcast_in_dim3A = arith.constant 1 : i32
    %broadcast_in_dim3A_4 = vector.broadcast %broadcast_in_dim3A : i32 to vector<16xi32>
    %broadcast_in_dim3A_5 = arith.constant 0 : i32
    %broadcast_in_dim3A_6 = vector.broadcast %broadcast_in_dim3A_5 : i32 to vector<16xi32>
    %add3A_7 = arith.constant 0 : i32
    %add3A_8 = arith.addi %add3A, %add3A_7 : i32
    "tpu.region"() ({
      %run_scoped3A = tpu.sem_alloc : memref<!tpu.dma_semaphore, #tpu.memory_space<semaphore_mem>>
      %dma_start3A = arith.constant 0 : i32
      %dma_start3A_1353 = arith.constant 0 : i32
      %dma_start3A_1354 = tpu.memref_slice %arg4[%dma_start3A, %dma_start3A_1353] : memref<2x8192xf32, #tpu.memory_space<vmem>> -> memref<1x8192xf32, #tpu.memory_space<vmem>>
      %dma_start3A_1355 = arith.constant 0 : i32
      %dma_start3A_1356 = tpu.memref_slice %arg2[%add3A_8, %dma_start3A_1355] : memref<128x8192xf32, #tpu.memory_space<hbm>> -> memref<1x8192xf32, #tpu.memory_space<hbm>>
      %dma_start3A_1357 = arith.constant 0 : i32
      %dma_start3A_1358 = arith.constant 0 : i32
      %dma_start3A_1359 = tpu.memref_slice %arg4[%dma_start3A_1357, %dma_start3A_1358] : memref<2x8192xf32, #tpu.memory_space<vmem>> -> memref<1x8192xf32, #tpu.memory_space<vmem>>
      %dma_start3A_1360 = arith.constant 0 : i32
      %dma_start3A_1361 = tpu.memref_slice %arg2[%add3A_8, %dma_start3A_1360] : memref<128x8192xf32, #tpu.memory_space<hbm>> -> memref<1x8192xf32, #tpu.memory_space<hbm>>
      tpu.enqueue_dma source(%dma_start3A_1361 : memref<1x8192xf32, #tpu.memory_space<hbm>>) target(%dma_start3A_1359 : memref<1x8192xf32, #tpu.memory_space<vmem>>) target_semaphore(%run_scoped3A : memref<!tpu.dma_semaphore, #tpu.memory_space<semaphore_mem>>)
      %dma_wait3A = arith.constant 0 : i32
      %dma_wait3A_1362 = arith.constant 0 : i32
      %dma_wait3A_1363 = tpu.memref_slice %arg4[%dma_wait3A, %dma_wait3A_1362] : memref<2x8192xf32, #tpu.memory_space<vmem>> -> memref<1x8192xf32, #tpu.memory_space<vmem>>
      %dma_wait3A_1364 = arith.constant 0 : i32
      %dma_wait3A_1365 = tpu.memref_slice %arg2[%add3A_8, %dma_wait3A_1364] : memref<128x8192xf32, #tpu.memory_space<hbm>> -> memref<1x8192xf32, #tpu.memory_space<hbm>>
      %dma_wait3A_1366 = arith.constant 0 : i32
      %dma_wait3A_1367 = arith.constant 0 : i32
      %dma_wait3A_1368 = tpu.memref_slice %arg4[%dma_wait3A_1366, %dma_wait3A_1367] : memref<2x8192xf32, #tpu.memory_space<vmem>> -> memref<1x8192xf32, #tpu.memory_space<vmem>>
      %dma_wait3A_1369 = arith.constant 0 : i32
      %dma_wait3A_1370 = tpu.memref_slice %arg2[%add3A_8, %dma_wait3A_1369] : memref<128x8192xf32, #tpu.memory_space<hbm>> -> memref<1x8192xf32, #tpu.memory_space<hbm>>
      tpu.wait_dma2 semaphore(%run_scoped3A : memref<!tpu.dma_semaphore, #tpu.memory_space<semaphore_mem>>) src(%dma_wait3A_1370 : memref<1x8192xf32, #tpu.memory_space<hbm>>) dst(%dma_wait3A_1368 : memref<1x8192xf32, #tpu.memory_space<vmem>>)
      tpu.yield
    }) : () -> ()
    %add3A_9 = arith.constant 32 : i32
    %add3A_10 = arith.addi %add3A, %add3A_9 : i32
    "tpu.region"() ({
      %run_scoped3A = tpu.sem_alloc : memref<!tpu.dma_semaphore, #tpu.memory_space<semaphore_mem>>
      %dma_start3A = arith.constant 1 : i32
      %dma_start3A_1353 = arith.constant 0 : i32
      %dma_start3A_1354 = tpu.memref_slice %arg4[%dma_start3A, %dma_start3A_1353] : memref<2x8192xf32, #tpu.memory_space<vmem>> -> memref<1x8192xf32, #tpu.memory_space<vmem>>
      %dma_start3A_1355 = arith.constant 0 : i32
      %dma_start3A_1356 = tpu.memref_slice %arg2[%add3A_10, %dma_start3A_1355] : memref<128x8192xf32, #tpu.memory_space<hbm>> -> memref<1x8192xf32, #tpu.memory_space<hbm>>
      %dma_start3A_1357 = arith.constant 1 : i32
      %dma_start3A_1358 = arith.constant 0 : i32
      %dma_start3A_1359 = tpu.memref_slice %arg4[%dma_start3A_1357, %dma_start3A_1358] : memref<2x8192xf32, #tpu.memory_space<vmem>> -> memref<1x8192xf32, #tpu.memory_space<vmem>>
      %dma_start3A_1360 = arith.constant 0 : i32
      %dma_start3A_1361 = tpu.memref_slice %arg2[%add3A_10, %dma_start3A_1360] : memref<128x8192xf32, #tpu.memory_space<hbm>> -> memref<1x8192xf32, #tpu.memory_space<hbm>>
      tpu.enqueue_dma source(%dma_start3A_1361 : memref<1x8192xf32, #tpu.memory_space<hbm>>) target(%dma_start3A_1359 : memref<1x8192xf32, #tpu.memory_space<vmem>>) target_semaphore(%run_scoped3A : memref<!tpu.dma_semaphore, #tpu.memory_space<semaphore_mem>>)
      %dma_wait3A = arith.constant 1 : i32
      %dma_wait3A_1362 = arith.constant 0 : i32
      %dma_wait3A_1363 = tpu.memref_slice %arg4[%dma_wait3A, %dma_wait3A_1362] : memref<2x8192xf32, #tpu.memory_space<vmem>> -> memref<1x8192xf32, #tpu.memory_space<vmem>>
      %dma_wait3A_1364 = arith.constant 0 : i32
      %dma_wait3A_1365 = tpu.memref_slice %arg2[%add3A_10, %dma_wait3A_1364] : memref<128x8192xf32, #tpu.memory_space<hbm>> -> memref<1x8192xf32, #tpu.memory_space<hbm>>
      %dma_wait3A_1366 = arith.constant 1 : i32
      %dma_wait3A_1367 = arith.constant 0 : i32
      %dma_wait3A_1368 = tpu.memref_slice %arg4[%dma_wait3A_1366, %dma_wait3A_1367] : memref<2x8192xf32, #tpu.memory_space<vmem>> -> memref<1x8192xf32, #tpu.memory_space<vmem>>
      %dma_wait3A_1369 = arith.constant 0 : i32
      %dma_wait3A_1370 = tpu.memref_slice %arg2[%add3A_10, %dma_wait3A_1369] : memref<128x8192xf32, #tpu.memory_space<hbm>> -> memref<1x8192xf32, #tpu.memory_space<hbm>>
      tpu.wait_dma2 semaphore(%run_scoped3A : memref<!tpu.dma_semaphore, #tpu.memory_space<semaphore_mem>>) src(%dma_wait3A_1370 : memref<1x8192xf32, #tpu.memory_space<hbm>>) dst(%dma_wait3A_1368 : memref<1x8192xf32, #tpu.memory_space<vmem>>)
      tpu.yield
    }) : () -> ()
    %swap3A = arith.constant 0 : index
    %swap3A_11 = tpu.vector_load %arg7[%swap3A] {strides = array<i32>} : memref<512xi32, #tpu.memory_space<vmem>>, vector<16xi32>,
    tpu.vector_store %arg7[%swap3A], %broadcast_in_dim3A_6 {strides = array<i32>} : memref<512xi32, #tpu.memory_space<vmem>>, vector<16xi32>,
    %swap3A_12 = arith.constant 16 : index
    %swap3A_13 = tpu.vector_load %arg7[%swap3A_12] {strides = array<i32>} : memref<512xi32, #tpu.memory_space<vmem>>, vector<16xi32>,
    tpu.vector_store %arg7[%swap3A_12], %broadcast_in_dim3A_6 {strides = array<i32>} : memref<512xi32, #tpu.memory_space<vmem>>, vector<16xi32>,
    %swap3A_14 = arith.constant 32 : index
    %swap3A_15 = tpu.vector_load %arg7[%swap3A_14] {strides = array<i32>} : memref<512xi32, #tpu.memory_space<vmem>>, vector<16xi32>,
    tpu.vector_store %arg7[%swap3A_14], %broadcast_in_dim3A_6 {strides = array<i32>} : memref<512xi32, #tpu.memory_space<vmem>>, vector<16xi32>,
    %swap3A_16 = arith.constant 48 : index
    %swap3A_17 = tpu.vector_load %arg7[%swap3A_16] {strides = array<i32>} : memref<512xi32, #tpu.memory_space<vmem>>, vector<16xi32>,
    tpu.vector_store %arg7[%swap3A_16], %broadcast_in_dim3A_6 {strides = array<i32>} : memref<512xi32, #tpu.memory_space<vmem>>, vector<16xi32>,
    %swap3A_18 = arith.constant 64 : index
    %swap3A_19 = tpu.vector_load %arg7[%swap3A_18] {strides = array<i32>} : memref<512xi32, #tpu.memory_space<vmem>>, vector<16xi32>,
    tpu.vector_store %arg7[%swap3A_18], %broadcast_in_dim3A_6 {strides = array<i32>} : memref<512xi32, #tpu.memory_space<vmem>>, vector<16xi32>,
    %swap3A_20 = arith.constant 80 : index
    %swap3A_21 = tpu.vector_load %arg7[%swap3A_20] {strides = array<i32>} : memref<512xi32, #tpu.memory_space<vmem>>, vector<16xi32>,
    tpu.vector_store %arg7[%swap3A_20], %broadcast_in_dim3A_6 {strides = array<i32>} : memref<512xi32, #tpu.memory_space<vmem>>, vector<16xi32>,
    %swap3A_22 = arith.constant 96 : index
    %swap3A_23 = tpu.vector_load %arg7[%swap3A_22] {strides = array<i32>} : memref<512xi32, #tpu.memory_space<vmem>>, vector<16xi32>,
    tpu.vector_store %arg7[%swap3A_22], %broadcast_in_dim3A_6 {strides = array<i32>} : memref<512xi32, #tpu.memory_space<vmem>>, vector<16xi32>,
    %swap3A_24 = arith.constant 112 : index
    %swap3A_25 = tpu.vector_load %arg7[%swap3A_24] {strides = array<i32>} : memref<512xi32, #tpu.memory_space<vmem>>, vector<16xi32>,
    tpu.vector_store %arg7[%swap3A_24], %broadcast_in_dim3A_6 {strides = array<i32>} : memref<512xi32, #tpu.memory_space<vmem>>, vector<16xi32>,
    %swap3A_26 = arith.constant 128 : index
    %swap3A_27 = tpu.vector_load %arg7[%swap3A_26] {strides = array<i32>} : memref<512xi32, #tpu.memory_space<vmem>>, vector<16xi32>,
    tpu.vector_store %arg7[%swap3A_26], %broadcast_in_dim3A_6 {strides = array<i32>} : memref<512xi32, #tpu.memory_space<vmem>>, vector<16xi32>,
    %swap3A_28 = arith.constant 144 : index
    %swap3A_29 = tpu.vector_load %arg7[%swap3A_28] {strides = array<i32>} : memref<512xi32, #tpu.memory_space<vmem>>, vector<16xi32>,
    tpu.vector_store %arg7[%swap3A_28], %broadcast_in_dim3A_6 {strides = array<i32>} : memref<512xi32, #tpu.memory_space<vmem>>, vector<16xi32>,
    %swap3A_30 = arith.constant 160 : index
    %swap3A_31 = tpu.vector_load %arg7[%swap3A_30] {strides = array<i32>} : memref<512xi32, #tpu.memory_space<vmem>>, vector<16xi32>,
    tpu.vector_store %arg7[%swap3A_30], %broadcast_in_dim3A_6 {strides = array<i32>} : memref<512xi32, #tpu.memory_space<vmem>>, vector<16xi32>,
    %swap3A_32 = arith.constant 176 : index
    %swap3A_33 = tpu.vector_load %arg7[%swap3A_32] {strides = array<i32>} : memref<512xi32, #tpu.memory_space<vmem>>, vector<16xi32>,
    tpu.vector_store %arg7[%swap3A_32], %broadcast_in_dim3A_6 {strides = array<i32>} : memref<512xi32, #tpu.memory_space<vmem>>, vector<16xi32>,
    %swap3A_34 = arith.constant 192 : index
    %swap3A_35 = tpu.vector_load %arg7[%swap3A_34] {strides = array<i32>} : memref<512xi32, #tpu.memory_space<vmem>>, vector<16xi32>,
    tpu.vector_store %arg7[%swap3A_34], %broadcast_in_dim3A_6 {strides = array<i32>} : memref<512xi32, #tpu.memory_space<vmem>>, vector<16xi32>,
    %swap3A_36 = arith.constant 208 : index
    %swap3A_37 = tpu.vector_load %arg7[%swap3A_36] {strides = array<i32>} : memref<512xi32, #tpu.memory_space<vmem>>, vector<16xi32>,
    tpu.vector_store %arg7[%swap3A_36], %broadcast_in_dim3A_6 {strides = array<i32>} : memref<512xi32, #tpu.memory_space<vmem>>, vector<16xi32>,
    %swap3A_38 = arith.constant 224 : index
    %swap3A_39 = tpu.vector_load %arg7[%swap3A_38] {strides = array<i32>} : memref<512xi32, #tpu.memory_space<vmem>>, vector<16xi32>,
    tpu.vector_store %arg7[%swap3A_38], %broadcast_in_dim3A_6 {strides = array<i32>} : memref<512xi32, #tpu.memory_space<vmem>>, vector<16xi32>,
    %swap3A_40 = arith.constant 240 : index
    %swap3A_41 = tpu.vector_load %arg7[%swap3A_40] {strides = array<i32>} : memref<512xi32, #tpu.memory_space<vmem>>, vector<16xi32>,
    tpu.vector_store %arg7[%swap3A_40], %broadcast_in_dim3A_6 {strides = array<i32>} : memref<512xi32, #tpu.memory_space<vmem>>, vector<16xi32>,
    %swap3A_42 = arith.constant 256 : index
    %swap3A_43 = tpu.vector_load %arg7[%swap3A_42] {strides = array<i32>} : memref<512xi32, #tpu.memory_space<vmem>>, vector<16xi32>,
    tpu.vector_store %arg7[%swap3A_42], %broadcast_in_dim3A_6 {strides = array<i32>} : memref<512xi32, #tpu.memory_space<vmem>>, vector<16xi32>,
    %swap3A_44 = arith.constant 272 : index
    %swap3A_45 = tpu.vector_load %arg7[%swap3A_44] {strides = array<i32>} : memref<512xi32, #tpu.memory_space<vmem>>, vector<16xi32>,
    tpu.vector_store %arg7[%swap3A_44], %broadcast_in_dim3A_6 {strides = array<i32>} : memref<512xi32, #tpu.memory_space<vmem>>, vector<16xi32>,
    %swap3A_46 = arith.constant 288 : index
    %swap3A_47 = tpu.vector_load %arg7[%swap3A_46] {strides = array<i32>} : memref<512xi32, #tpu.memory_space<vmem>>, vector<16xi32>,
    tpu.vector_store %arg7[%swap3A_46], %broadcast_in_dim3A_6 {strides = array<i32>} : memref<512xi32, #tpu.memory_space<vmem>>, vector<16xi32>,
    %swap3A_48 = arith.constant 304 : index
    %swap3A_49 = tpu.vector_load %arg7[%swap3A_48] {strides = array<i32>} : memref<512xi32, #tpu.memory_space<vmem>>, vector<16xi32>,
    tpu.vector_store %arg7[%swap3A_48], %broadcast_in_dim3A_6 {strides = array<i32>} : memref<512xi32, #tpu.memory_space<vmem>>, vector<16xi32>,
    %swap3A_50 = arith.constant 320 : index
    %swap3A_51 = tpu.vector_load %arg7[%swap3A_50] {strides = array<i32>} : memref<512xi32, #tpu.memory_space<vmem>>, vector<16xi32>,
    tpu.vector_store %arg7[%swap3A_50], %broadcast_in_dim3A_6 {strides = array<i32>} : memref<512xi32, #tpu.memory_space<vmem>>, vector<16xi32>,
    %swap3A_52 = arith.constant 336 : index
    %swap3A_53 = tpu.vector_load %arg7[%swap3A_52] {strides = array<i32>} : memref<512xi32, #tpu.memory_space<vmem>>, vector<16xi32>,
    tpu.vector_store %arg7[%swap3A_52], %broadcast_in_dim3A_6 {strides = array<i32>} : memref<512xi32, #tpu.memory_space<vmem>>, vector<16xi32>,
    %swap3A_54 = arith.constant 352 : index
    %swap3A_55 = tpu.vector_load %arg7[%swap3A_54] {strides = array<i32>} : memref<512xi32, #tpu.memory_space<vmem>>, vector<16xi32>,
    tpu.vector_store %arg7[%swap3A_54], %broadcast_in_dim3A_6 {strides = array<i32>} : memref<512xi32, #tpu.memory_space<vmem>>, vector<16xi32>,
    %swap3A_56 = arith.constant 368 : index
    %swap3A_57 = tpu.vector_load %arg7[%swap3A_56] {strides = array<i32>} : memref<512xi32, #tpu.memory_space<vmem>>, vector<16xi32>,
    tpu.vector_store %arg7[%swap3A_56], %broadcast_in_dim3A_6 {strides = array<i32>} : memref<512xi32, #tpu.memory_space<vmem>>, vector<16xi32>,
    %swap3A_58 = arith.constant 384 : index
    %swap3A_59 = tpu.vector_load %arg7[%swap3A_58] {strides = array<i32>} : memref<512xi32, #tpu.memory_space<vmem>>, vector<16xi32>,
    tpu.vector_store %arg7[%swap3A_58], %broadcast_in_dim3A_6 {strides = array<i32>} : memref<512xi32, #tpu.memory_space<vmem>>, vector<16xi32>,
    %swap3A_60 = arith.constant 400 : index
    %swap3A_61 = tpu.vector_load %arg7[%swap3A_60] {strides = array<i32>} : memref<512xi32, #tpu.memory_space<vmem>>, vector<16xi32>,
    tpu.vector_store %arg7[%swap3A_60], %broadcast_in_dim3A_6 {strides = array<i32>} : memref<512xi32, #tpu.memory_space<vmem>>, vector<16xi32>,
    %swap3A_62 = arith.constant 416 : index
    %swap3A_63 = tpu.vector_load %arg7[%swap3A_62] {strides = array<i32>} : memref<512xi32, #tpu.memory_space<vmem>>, vector<16xi32>,
    tpu.vector_store %arg7[%swap3A_62], %broadcast_in_dim3A_6 {strides = array<i32>} : memref<512xi32, #tpu.memory_space<vmem>>, vector<16xi32>,
    %swap3A_64 = arith.constant 432 : index
    %swap3A_65 = tpu.vector_load %arg7[%swap3A_64] {strides = array<i32>} : memref<512xi32, #tpu.memory_space<vmem>>, vector<16xi32>,
    tpu.vector_store %arg7[%swap3A_64], %broadcast_in_dim3A_6 {strides = array<i32>} : memref<512xi32, #tpu.memory_space<vmem>>, vector<16xi32>,
    %swap3A_66 = arith.constant 448 : index
    %swap3A_67 = tpu.vector_load %arg7[%swap3A_66] {strides = array<i32>} : memref<512xi32, #tpu.memory_space<vmem>>, vector<16xi32>,
    tpu.vector_store %arg7[%swap3A_66], %broadcast_in_dim3A_6 {strides = array<i32>} : memref<512xi32, #tpu.memory_space<vmem>>, vector<16xi32>,
    %swap3A_68 = arith.constant 464 : index
    %swap3A_69 = tpu.vector_load %arg7[%swap3A_68] {strides = array<i32>} : memref<512xi32, #tpu.memory_space<vmem>>, vector<16xi32>,
    tpu.vector_store %arg7[%swap3A_68], %broadcast_in_dim3A_6 {strides = array<i32>} : memref<512xi32, #tpu.memory_space<vmem>>, vector<16xi32>,
    %swap3A_70 = arith.constant 480 : index
    %swap3A_71 = tpu.vector_load %arg7[%swap3A_70] {strides = array<i32>} : memref<512xi32, #tpu.memory_space<vmem>>, vector<16xi32>,
    tpu.vector_store %arg7[%swap3A_70], %broadcast_in_dim3A_6 {strides = array<i32>} : memref<512xi32, #tpu.memory_space<vmem>>, vector<16xi32>,
    %swap3A_72 = arith.constant 496 : index
    %swap3A_73 = tpu.vector_load %arg7[%swap3A_72] {strides = array<i32>} : memref<512xi32, #tpu.memory_space<vmem>>, vector<16xi32>,
    tpu.vector_store %arg7[%swap3A_72], %broadcast_in_dim3A_6 {strides = array<i32>} : memref<512xi32, #tpu.memory_space<vmem>>, vector<16xi32>,
    %parallel_loop3A = arith.constant 0 : i32
    %parallel_loop3A_74 = arith.constant 512 : i32
    %parallel_loop3A_75 = arith.constant 1 : i32
    scf.for %parallel_loop3A_1353 = %parallel_loop3A to %parallel_loop3A_74 step %parallel_loop3A_75  : i32 {
      %parallel_loop3A_1354 = arith.constant 16 : i32
      %parallel_loop3A_1355 = arith.muli %parallel_loop3A_1353, %parallel_loop3A_1354 : i32
      %parallel_loop3A_1356 = arith.constant 0 : i32
      %parallel_loop3A_1357 = arith.index_cast %parallel_loop3A_1356 : i32 to index
      %parallel_loop3A_1358 = arith.index_cast %parallel_loop3A_1355 : i32 to index
      %parallel_loop3A_1359 = tpu.vector_load %arg4[%parallel_loop3A_1357, %parallel_loop3A_1358] {strides = array<i32>} : memref<2x8192xf32, #tpu.memory_space<vmem>>, vector<16xf32>,
      %parallel_loop3A_1360 = tpu.bitcast %parallel_loop3A_1359 : vector<16xf32> -> vector<16xi32>
      %parallel_loop3A_1361 = arith.constant 31 : i32
      %parallel_loop3A_1362 = vector.broadcast %parallel_loop3A_1361 : i32 to vector<16xi32>
      %parallel_loop3A_1363 = arith.shrsi %parallel_loop3A_1360, %parallel_loop3A_1362 : vector<16xi32>
      %parallel_loop3A_1364 = arith.constant -2147483648 : i32
      %parallel_loop3A_1365 = vector.broadcast %parallel_loop3A_1364 : i32 to vector<16xi32>
      %parallel_loop3A_1366 = arith.ori %parallel_loop3A_1363, %parallel_loop3A_1365 : vector<16xi32>
      %parallel_loop3A_1367 = arith.xori %parallel_loop3A_1360, %parallel_loop3A_1366 : vector<16xi32>
      %parallel_loop3A_1368 = arith.constant 28 : i32
      %parallel_loop3A_1369 = vector.broadcast %parallel_loop3A_1368 : i32 to vector<16xi32>
      %parallel_loop3A_1370 = arith.shrui %parallel_loop3A_1367, %parallel_loop3A_1369 : vector<16xi32>
      %parallel_loop3A_1371 = arith.constant 0 : i32
      %parallel_loop3A_1372 = vector.broadcast %parallel_loop3A_1371 : i32 to vector<16xi32>
      %parallel_loop3A_1373 = arith.addi %parallel_loop3A_1372, %mul3A_3 : vector<16xi32>
      %parallel_loop3A_1374 = arith.addi %parallel_loop3A_1373, %parallel_loop3A_1370 : vector<16xi32>
      tpu.vector_store_idx %arg7[%parallel_loop3A_1374], %broadcast_in_dim3A_4 {add = true} : memref<512xi32, #tpu.memory_space<vmem>>[vector<16xi32>], vector<16xi32>,
      %parallel_loop3A_1375 = arith.constant 16 : i32
      %parallel_loop3A_1376 = arith.muli %parallel_loop3A_1353, %parallel_loop3A_1375 : i32
      %parallel_loop3A_1377 = arith.constant 1 : i32
      %parallel_loop3A_1378 = arith.index_cast %parallel_loop3A_1377 : i32 to index
      %parallel_loop3A_1379 = arith.index_cast %parallel_loop3A_1376 : i32 to index
      %parallel_loop3A_1380 = tpu.vector_load %arg4[%parallel_loop3A_1378, %parallel_loop3A_1379] {strides = array<i32>} : memref<2x8192xf32, #tpu.memory_space<vmem>>, vector<16xf32>,
      %parallel_loop3A_1381 = tpu.bitcast %parallel_loop3A_1380 : vector<16xf32> -> vector<16xi32>
      %parallel_loop3A_1382 = arith.constant 31 : i32
      %parallel_loop3A_1383 = vector.broadcast %parallel_loop3A_1382 : i32 to vector<16xi32>
      %parallel_loop3A_1384 = arith.shrsi %parallel_loop3A_1381, %parallel_loop3A_1383 : vector<16xi32>
      %parallel_loop3A_1385 = arith.constant -2147483648 : i32
      %parallel_loop3A_1386 = vector.broadcast %parallel_loop3A_1385 : i32 to vector<16xi32>
      %parallel_loop3A_1387 = arith.ori %parallel_loop3A_1384, %parallel_loop3A_1386 : vector<16xi32>
      %parallel_loop3A_1388 = arith.xori %parallel_loop3A_1381, %parallel_loop3A_1387 : vector<16xi32>
      %parallel_loop3A_1389 = arith.constant 28 : i32
      %parallel_loop3A_1390 = vector.broadcast %parallel_loop3A_1389 : i32 to vector<16xi32>
      %parallel_loop3A_1391 = arith.shrui %parallel_loop3A_1388, %parallel_loop3A_1390 : vector<16xi32>
      %parallel_loop3A_1392 = arith.constant 256 : i32
      %parallel_loop3A_1393 = vector.broadcast %parallel_loop3A_1392 : i32 to vector<16xi32>
      %parallel_loop3A_1394 = arith.addi %parallel_loop3A_1393, %mul3A_3 : vector<16xi32>
      %parallel_loop3A_1395 = arith.addi %parallel_loop3A_1394, %parallel_loop3A_1391 : vector<16xi32>
      tpu.vector_store_idx %arg7[%parallel_loop3A_1395], %broadcast_in_dim3A_4 {add = true} : memref<512xi32, #tpu.memory_space<vmem>>[vector<16xi32>], vector<16xi32>,
    } {sc.loop_unroll_factor = 4 : i64, sc.parallel_access}
    %get3A = arith.constant 0 : index
    %get3A_76 = tpu.vector_load %arg7[%get3A] {strides = array<i32>} : memref<512xi32, #tpu.memory_space<vmem>>, vector<16xi32>,
    %get3A_77 = arith.constant 16 : index
    %get3A_78 = tpu.vector_load %arg7[%get3A_77] {strides = array<i32>} : memref<512xi32, #tpu.memory_space<vmem>>, vector<16xi32>,
    %add3A_79 = arith.addi %get3A_76, %get3A_78 : vector<16xi32>
    %get3A_80 = arith.constant 32 : index
    %get3A_81 = tpu.vector_load %arg7[%get3A_80] {strides = array<i32>} : memref<512xi32, #tpu.memory_space<vmem>>, vector<16xi32>,
    %add3A_82 = arith.addi %add3A_79, %get3A_81 : vector<16xi32>
    %get3A_83 = arith.constant 48 : index
    %get3A_84 = tpu.vector_load %arg7[%get3A_83] {strides = array<i32>} : memref<512xi32, #tpu.memory_space<vmem>>, vector<16xi32>,
    %add3A_85 = arith.addi %add3A_82, %get3A_84 : vector<16xi32>
    %get3A_86 = arith.constant 64 : index
    %get3A_87 = tpu.vector_load %arg7[%get3A_86] {strides = array<i32>} : memref<512xi32, #tpu.memory_space<vmem>>, vector<16xi32>,
    %add3A_88 = arith.addi %add3A_85, %get3A_87 : vector<16xi32>
    %get3A_89 = arith.constant 80 : index
    %get3A_90 = tpu.vector_load %arg7[%get3A_89] {strides = array<i32>} : memref<512xi32, #tpu.memory_space<vmem>>, vector<16xi32>,
    %add3A_91 = arith.addi %add3A_88, %get3A_90 : vector<16xi32>
    %get3A_92 = arith.constant 96 : index
    %get3A_93 = tpu.vector_load %arg7[%get3A_92] {strides = array<i32>} : memref<512xi32, #tpu.memory_space<vmem>>, vector<16xi32>,
    %add3A_94 = arith.addi %add3A_91, %get3A_93 : vector<16xi32>
    %get3A_95 = arith.constant 112 : index
    %get3A_96 = tpu.vector_load %arg7[%get3A_95] {strides = array<i32>} : memref<512xi32, #tpu.memory_space<vmem>>, vector<16xi32>,
    %add3A_97 = arith.addi %add3A_94, %get3A_96 : vector<16xi32>
    %get3A_98 = arith.constant 128 : index
    %get3A_99 = tpu.vector_load %arg7[%get3A_98] {strides = array<i32>} : memref<512xi32, #tpu.memory_space<vmem>>, vector<16xi32>,
    %add3A_100 = arith.addi %add3A_97, %get3A_99 : vector<16xi32>
    %get3A_101 = arith.constant 144 : index
    %get3A_102 = tpu.vector_load %arg7[%get3A_101] {strides = array<i32>} : memref<512xi32, #tpu.memory_space<vmem>>, vector<16xi32>,
    %add3A_103 = arith.addi %add3A_100, %get3A_102 : vector<16xi32>
    %get3A_104 = arith.constant 160 : index
    %get3A_105 = tpu.vector_load %arg7[%get3A_104] {strides = array<i32>} : memref<512xi32, #tpu.memory_space<vmem>>, vector<16xi32>,
    %add3A_106 = arith.addi %add3A_103, %get3A_105 : vector<16xi32>
    %get3A_107 = arith.constant 176 : index
    %get3A_108 = tpu.vector_load %arg7[%get3A_107] {strides = array<i32>} : memref<512xi32, #tpu.memory_space<vmem>>, vector<16xi32>,
    %add3A_109 = arith.addi %add3A_106, %get3A_108 : vector<16xi32>
    %get3A_110 = arith.constant 192 : index
    %get3A_111 = tpu.vector_load %arg7[%get3A_110] {strides = array<i32>} : memref<512xi32, #tpu.memory_space<vmem>>, vector<16xi32>,
    %add3A_112 = arith.addi %add3A_109, %get3A_111 : vector<16xi32>
    %get3A_113 = arith.constant 208 : index
    %get3A_114 = tpu.vector_load %arg7[%get3A_113] {strides = array<i32>} : memref<512xi32, #tpu.memory_space<vmem>>, vector<16xi32>,
    %add3A_115 = arith.addi %add3A_112, %get3A_114 : vector<16xi32>
    %get3A_116 = arith.constant 224 : index
    %get3A_117 = tpu.vector_load %arg7[%get3A_116] {strides = array<i32>} : memref<512xi32, #tpu.memory_space<vmem>>, vector<16xi32>,
    %add3A_118 = arith.addi %add3A_115, %get3A_117 : vector<16xi32>
    %get3A_119 = arith.constant 240 : index
    %get3A_120 = tpu.vector_load %arg7[%get3A_119] {strides = array<i32>} : memref<512xi32, #tpu.memory_space<vmem>>, vector<16xi32>,
    %add3A_121 = arith.addi %add3A_118, %get3A_120 : vector<16xi32>
    %rev3A = arith.constant 15 : i32
    %rev3A_122 = vector.broadcast %rev3A : i32 to vector<16xi32>
    %rev3A_123 = tpu.iota {dimensions = array<i32: 0>} : vector<16xi32>
    %rev3A_124 = arith.subi %rev3A_122, %rev3A_123 : vector<16xi32>
    %rev3A_125 = tpu.dynamic_gather %add3A_121[%rev3A_124] in [0] : vector<16xi32>, vector<16xi32> -> vector<16xi32>
    %broadcast_in_dim3A_126 = arith.constant true
    %broadcast_in_dim3A_127 = vector.broadcast %broadcast_in_dim3A_126 : i1 to vector<16xi1>
    %masked_cumsum3A = tpu.scan <sum>, %rev3A_125 masked %broadcast_in_dim3A_127 : vector<16xi32>, vector<16xi1> -> vector<16xi32>
    %rev3A_128 = arith.constant 15 : i32
    %rev3A_129 = vector.broadcast %rev3A_128 : i32 to vector<16xi32>
    %rev3A_130 = tpu.iota {dimensions = array<i32: 0>} : vector<16xi32>
    %rev3A_131 = arith.subi %rev3A_129, %rev3A_130 : vector<16xi32>
    %rev3A_132 = tpu.dynamic_gather %masked_cumsum3A[%rev3A_131] in [0] : vector<16xi32>, vector<16xi32> -> vector<16xi32>
    %broadcast_in_dim3A_133 = arith.constant 32 : i32
    %broadcast_in_dim3A_134 = vector.broadcast %broadcast_in_dim3A_133 : i32 to vector<16xi32>
    %ge3A = arith.cmpi sge, %rev3A_132, %broadcast_in_dim3A_134 : vector<16xi32>
    %all_reduce_population_count3A = tpu.all_reduce %ge3A {dim = 0 : i64, kind = #tpu.reduction_kind<sum>} : vector<16xi1> -> vector<16xi32>
    %sub3A = arith.constant 1 : i32
    %sub3A_135 = vector.broadcast %sub3A : i32 to vector<16xi32>
    %sub3A_136 = arith.subi %all_reduce_population_count3A, %sub3A_135 : vector<16xi32>
    %lt3A = arith.constant 0 : i32
    %lt3A_137 = vector.broadcast %lt3A : i32 to vector<16xi32>
    %lt3A_138 = arith.cmpi slt, %sub3A_136, %lt3A_137 : vector<16xi32>
    %add3A_139 = arith.constant 16 : i32
    %add3A_140 = vector.broadcast %add3A_139 : i32 to vector<16xi32>
    %add3A_141 = arith.addi %sub3A_136, %add3A_140 : vector<16xi32>
    %select_n3A = arith.select %lt3A_138, %add3A_141, %sub3A_136 : vector<16xi1>, vector<16xi32>
    %broadcast_in_dim3A_142 = vector.shape_cast %select_n3A : vector<16xi32> to vector<16x1xi32>
    %gather3A = vector.shape_cast %broadcast_in_dim3A_142 : vector<16x1xi32> to vector<16xi32>
    %gather3A_143 = tpu.dynamic_gather %rev3A_132[%gather3A] in [0] : vector<16xi32>, vector<16xi32> -> vector<16xi32>
    %add3A_144 = arith.constant 1 : i32
    %add3A_145 = vector.broadcast %add3A_144 : i32 to vector<16xi32>
    %add3A_146 = arith.addi %sub3A_136, %add3A_145 : vector<16xi32>
    %min3A = arith.constant 15 : i32
    %min3A_147 = vector.broadcast %min3A : i32 to vector<16xi32>
    %min3A_148 = arith.minsi %add3A_146, %min3A_147 : vector<16xi32>
    %eq3A = arith.constant 15 : i32
    %eq3A_149 = vector.broadcast %eq3A : i32 to vector<16xi32>
    %eq3A_150 = arith.cmpi eq, %sub3A_136, %eq3A_149 : vector<16xi32>
    %lt3A_151 = arith.constant 0 : i32
    %lt3A_152 = vector.broadcast %lt3A_151 : i32 to vector<16xi32>
    %lt3A_153 = arith.cmpi slt, %min3A_148, %lt3A_152 : vector<16xi32>
    %add3A_154 = arith.constant 16 : i32
    %add3A_155 = vector.broadcast %add3A_154 : i32 to vector<16xi32>
    %add3A_156 = arith.addi %min3A_148, %add3A_155 : vector<16xi32>
    %select_n3A_157 = arith.select %lt3A_153, %add3A_156, %min3A_148 : vector<16xi1>, vector<16xi32>
    %broadcast_in_dim3A_158 = vector.shape_cast %select_n3A_157 : vector<16xi32> to vector<16x1xi32>
    %gather3A_159 = vector.shape_cast %broadcast_in_dim3A_158 : vector<16x1xi32> to vector<16xi32>
    %gather3A_160 = tpu.dynamic_gather %rev3A_132[%gather3A_159] in [0] : vector<16xi32>, vector<16xi32> -> vector<16xi32>
    %jit3A = arith.constant 0 : i32
    %broadcast_in_dim3A_161 = vector.broadcast %jit3A : i32 to vector<16xi32>
    %select_n3A_162 = arith.select %eq3A_150, %broadcast_in_dim3A_161, %gather3A_160 : vector<16xi1>, vector<16xi32>
    %sub3A_163 = arith.subi %broadcast_in_dim3A_134, %select_n3A_162 : vector<16xi32>
    %sub3A_164 = arith.subi %gather3A_143, %select_n3A_162 : vector<16xi32>
    %shift_left3A = arith.constant 28 : i32
    %shift_left3A_165 = vector.broadcast %shift_left3A : i32 to vector<16xi32>
    %shift_left3A_166 = arith.shli %sub3A_136, %shift_left3A_165 : vector<16xi32>
    %get3A_167 = arith.constant 256 : index
    %get3A_168 = tpu.vector_load %arg7[%get3A_167] {strides = array<i32>} : memref<512xi32, #tpu.memory_space<vmem>>, vector<16xi32>,
    %get3A_169 = arith.constant 272 : index
    %get3A_170 = tpu.vector_load %arg7[%get3A_169] {strides = array<i32>} : memref<512xi32, #tpu.memory_space<vmem>>, vector<16xi32>,
    %add3A_171 = arith.addi %get3A_168, %get3A_170 : vector<16xi32>
    %get3A_172 = arith.constant 288 : index
    %get3A_173 = tpu.vector_load %arg7[%get3A_172] {strides = array<i32>} : memref<512xi32, #tpu.memory_space<vmem>>, vector<16xi32>,
    %add3A_174 = arith.addi %add3A_171, %get3A_173 : vector<16xi32>
    %get3A_175 = arith.constant 304 : index
    %get3A_176 = tpu.vector_load %arg7[%get3A_175] {strides = array<i32>} : memref<512xi32, #tpu.memory_space<vmem>>, vector<16xi32>,
    %add3A_177 = arith.addi %add3A_174, %get3A_176 : vector<16xi32>
    %get3A_178 = arith.constant 320 : index
    %get3A_179 = tpu.vector_load %arg7[%get3A_178] {strides = array<i32>} : memref<512xi32, #tpu.memory_space<vmem>>, vector<16xi32>,
    %add3A_180 = arith.addi %add3A_177, %get3A_179 : vector<16xi32>
    %get3A_181 = arith.constant 336 : index
    %get3A_182 = tpu.vector_load %arg7[%get3A_181] {strides = array<i32>} : memref<512xi32, #tpu.memory_space<vmem>>, vector<16xi32>,
    %add3A_183 = arith.addi %add3A_180, %get3A_182 : vector<16xi32>
    %get3A_184 = arith.constant 352 : index
    %get3A_185 = tpu.vector_load %arg7[%get3A_184] {strides = array<i32>} : memref<512xi32, #tpu.memory_space<vmem>>, vector<16xi32>,
    %add3A_186 = arith.addi %add3A_183, %get3A_185 : vector<16xi32>
    %get3A_187 = arith.constant 368 : index
    %get3A_188 = tpu.vector_load %arg7[%get3A_187] {strides = array<i32>} : memref<512xi32, #tpu.memory_space<vmem>>, vector<16xi32>,
    %add3A_189 = arith.addi %add3A_186, %get3A_188 : vector<16xi32>
    %get3A_190 = arith.constant 384 : index
    %get3A_191 = tpu.vector_load %arg7[%get3A_190] {strides = array<i32>} : memref<512xi32, #tpu.memory_space<vmem>>, vector<16xi32>,
    %add3A_192 = arith.addi %add3A_189, %get3A_191 : vector<16xi32>
    %get3A_193 = arith.constant 400 : index
    %get3A_194 = tpu.vector_load %arg7[%get3A_193] {strides = array<i32>} : memref<512xi32, #tpu.memory_space<vmem>>, vector<16xi32>,
    %add3A_195 = arith.addi %add3A_192, %get3A_194 : vector<16xi32>
    %get3A_196 = arith.constant 416 : index
    %get3A_197 = tpu.vector_load %arg7[%get3A_196] {strides = array<i32>} : memref<512xi32, #tpu.memory_space<vmem>>, vector<16xi32>,
    %add3A_198 = arith.addi %add3A_195, %get3A_197 : vector<16xi32>
    %get3A_199 = arith.constant 432 : index
    %get3A_200 = tpu.vector_load %arg7[%get3A_199] {strides = array<i32>} : memref<512xi32, #tpu.memory_space<vmem>>, vector<16xi32>,
    %add3A_201 = arith.addi %add3A_198, %get3A_200 : vector<16xi32>
    %get3A_202 = arith.constant 448 : index
    %get3A_203 = tpu.vector_load %arg7[%get3A_202] {strides = array<i32>} : memref<512xi32, #tpu.memory_space<vmem>>, vector<16xi32>,
    %add3A_204 = arith.addi %add3A_201, %get3A_203 : vector<16xi32>
    %get3A_205 = arith.constant 464 : index
    %get3A_206 = tpu.vector_load %arg7[%get3A_205] {strides = array<i32>} : memref<512xi32, #tpu.memory_space<vmem>>, vector<16xi32>,
    %add3A_207 = arith.addi %add3A_204, %get3A_206 : vector<16xi32>
    %get3A_208 = arith.constant 480 : index
    %get3A_209 = tpu.vector_load %arg7[%get3A_208] {strides = array<i32>} : memref<512xi32, #tpu.memory_space<vmem>>, vector<16xi32>,
    %add3A_210 = arith.addi %add3A_207, %get3A_209 : vector<16xi32>
    %get3A_211 = arith.constant 496 : index
    %get3A_212 = tpu.vector_load %arg7[%get3A_211] {strides = array<i32>} : memref<512xi32, #tpu.memory_space<vmem>>, vector<16xi32>,
    %add3A_213 = arith.addi %add3A_210, %get3A_212 : vector<16xi32>
    %rev3A_214 = arith.constant 15 : i32
    %rev3A_215 = vector.broadcast %rev3A_214 : i32 to vector<16xi32>
    %rev3A_216 = tpu.iota {dimensions = array<i32: 0>} : vector<16xi32>
    %rev3A_217 = arith.subi %rev3A_215, %rev3A_216 : vector<16xi32>
    %rev3A_218 = tpu.dynamic_gather %add3A_213[%rev3A_217] in [0] : vector<16xi32>, vector<16xi32> -> vector<16xi32>
    %broadcast_in_dim3A_219 = arith.constant true
    %broadcast_in_dim3A_220 = vector.broadcast %broadcast_in_dim3A_219 : i1 to vector<16xi1>
    %masked_cumsum3A_221 = tpu.scan <sum>, %rev3A_218 masked %broadcast_in_dim3A_220 : vector<16xi32>, vector<16xi1> -> vector<16xi32>
    %rev3A_222 = arith.constant 15 : i32
    %rev3A_223 = vector.broadcast %rev3A_222 : i32 to vector<16xi32>
    %rev3A_224 = tpu.iota {dimensions = array<i32: 0>} : vector<16xi32>
    %rev3A_225 = arith.subi %rev3A_223, %rev3A_224 : vector<16xi32>
    %rev3A_226 = tpu.dynamic_gather %masked_cumsum3A_221[%rev3A_225] in [0] : vector<16xi32>, vector<16xi32> -> vector<16xi32>
    %broadcast_in_dim3A_227 = arith.constant 32 : i32
    %broadcast_in_dim3A_228 = vector.broadcast %broadcast_in_dim3A_227 : i32 to vector<16xi32>
    %ge3A_229 = arith.cmpi sge, %rev3A_226, %broadcast_in_dim3A_228 : vector<16xi32>
    %all_reduce_population_count3A_230 = tpu.all_reduce %ge3A_229 {dim = 0 : i64, kind = #tpu.reduction_kind<sum>} : vector<16xi1> -> vector<16xi32>
    %sub3A_231 = arith.constant 1 : i32
    %sub3A_232 = vector.broadcast %sub3A_231 : i32 to vector<16xi32>
    %sub3A_233 = arith.subi %all_reduce_population_count3A_230, %sub3A_232 : vector<16xi32>
    %lt3A_234 = arith.constant 0 : i32
    %lt3A_235 = vector.broadcast %lt3A_234 : i32 to vector<16xi32>
    %lt3A_236 = arith.cmpi slt, %sub3A_233, %lt3A_235 : vector<16xi32>
    %add3A_237 = arith.constant 16 : i32
    %add3A_238 = vector.broadcast %add3A_237 : i32 to vector<16xi32>
    %add3A_239 = arith.addi %sub3A_233, %add3A_238 : vector<16xi32>
    %select_n3A_240 = arith.select %lt3A_236, %add3A_239, %sub3A_233 : vector<16xi1>, vector<16xi32>
    %broadcast_in_dim3A_241 = vector.shape_cast %select_n3A_240 : vector<16xi32> to vector<16x1xi32>
    %gather3A_242 = vector.shape_cast %broadcast_in_dim3A_241 : vector<16x1xi32> to vector<16xi32>
    %gather3A_243 = tpu.dynamic_gather %rev3A_226[%gather3A_242] in [0] : vector<16xi32>, vector<16xi32> -> vector<16xi32>
    %add3A_244 = arith.constant 1 : i32
    %add3A_245 = vector.broadcast %add3A_244 : i32 to vector<16xi32>
    %add3A_246 = arith.addi %sub3A_233, %add3A_245 : vector<16xi32>
    %min3A_247 = arith.constant 15 : i32
    %min3A_248 = vector.broadcast %min3A_247 : i32 to vector<16xi32>
    %min3A_249 = arith.minsi %add3A_246, %min3A_248 : vector<16xi32>
    %eq3A_250 = arith.constant 15 : i32
    %eq3A_251 = vector.broadcast %eq3A_250 : i32 to vector<16xi32>
    %eq3A_252 = arith.cmpi eq, %sub3A_233, %eq3A_251 : vector<16xi32>
    %lt3A_253 = arith.constant 0 : i32
    %lt3A_254 = vector.broadcast %lt3A_253 : i32 to vector<16xi32>
    %lt3A_255 = arith.cmpi slt, %min3A_249, %lt3A_254 : vector<16xi32>
    %add3A_256 = arith.constant 16 : i32
    %add3A_257 = vector.broadcast %add3A_256 : i32 to vector<16xi32>
    %add3A_258 = arith.addi %min3A_249, %add3A_257 : vector<16xi32>
    %select_n3A_259 = arith.select %lt3A_255, %add3A_258, %min3A_249 : vector<16xi1>, vector<16xi32>
    %broadcast_in_dim3A_260 = vector.shape_cast %select_n3A_259 : vector<16xi32> to vector<16x1xi32>
    %gather3A_261 = vector.shape_cast %broadcast_in_dim3A_260 : vector<16x1xi32> to vector<16xi32>
    %gather3A_262 = tpu.dynamic_gather %rev3A_226[%gather3A_261] in [0] : vector<16xi32>, vector<16xi32> -> vector<16xi32>
    %jit3A_263 = arith.constant 0 : i32
    %broadcast_in_dim3A_264 = vector.broadcast %jit3A_263 : i32 to vector<16xi32>
    %select_n3A_265 = arith.select %eq3A_252, %broadcast_in_dim3A_264, %gather3A_262 : vector<16xi1>, vector<16xi32>
    %sub3A_266 = arith.subi %broadcast_in_dim3A_228, %select_n3A_265 : vector<16xi32>
    %sub3A_267 = arith.subi %gather3A_243, %select_n3A_265 : vector<16xi32>
    %shift_left3A_268 = arith.constant 28 : i32
    %shift_left3A_269 = vector.broadcast %shift_left3A_268 : i32 to vector<16xi32>
    %shift_left3A_270 = arith.shli %sub3A_233, %shift_left3A_269 : vector<16xi32>
    %swap3A_271 = arith.constant 0 : index
    %swap3A_272 = tpu.vector_load %arg7[%swap3A_271] {strides = array<i32>} : memref<512xi32, #tpu.memory_space<vmem>>, vector<16xi32>,
    tpu.vector_store %arg7[%swap3A_271], %broadcast_in_dim3A_6 {strides = array<i32>} : memref<512xi32, #tpu.memory_space<vmem>>, vector<16xi32>,
    %swap3A_273 = arith.constant 256 : index
    %swap3A_274 = tpu.vector_load %arg7[%swap3A_273] {strides = array<i32>} : memref<512xi32, #tpu.memory_space<vmem>>, vector<16xi32>,
    tpu.vector_store %arg7[%swap3A_273], %broadcast_in_dim3A_6 {strides = array<i32>} : memref<512xi32, #tpu.memory_space<vmem>>, vector<16xi32>,
    %parallel_loop3A_275 = arith.constant 0 : i32
    %parallel_loop3A_276 = arith.constant 512 : i32
    %parallel_loop3A_277 = arith.constant 1 : i32
    %parallel_loop3A_278 = arith.constant 0 : i32
    %parallel_loop3A_279 = arith.constant 0 : i32
    %parallel_loop3A_280:2 = scf.for %parallel_loop3A_1353 = %parallel_loop3A_275 to %parallel_loop3A_276 step %parallel_loop3A_277 iter_args(%parallel_loop3A_1354 = %parallel_loop3A_278, %parallel_loop3A_1355 = %parallel_loop3A_279) -> (i32, i32)  : i32 {
      %parallel_loop3A_1356 = arith.constant 16 : i32
      %parallel_loop3A_1357 = arith.muli %parallel_loop3A_1353, %parallel_loop3A_1356 : i32
      %parallel_loop3A_1358 = arith.constant 0 : i32
      %parallel_loop3A_1359 = arith.index_cast %parallel_loop3A_1358 : i32 to index
      %parallel_loop3A_1360 = arith.index_cast %parallel_loop3A_1357 : i32 to index
      %parallel_loop3A_1361 = tpu.vector_load %arg4[%parallel_loop3A_1359, %parallel_loop3A_1360] {strides = array<i32>} : memref<2x8192xf32, #tpu.memory_space<vmem>>, vector<16xf32>,
      %parallel_loop3A_1362 = tpu.bitcast %parallel_loop3A_1361 : vector<16xf32> -> vector<16xi32>
      %parallel_loop3A_1363 = arith.constant 31 : i32
      %parallel_loop3A_1364 = vector.broadcast %parallel_loop3A_1363 : i32 to vector<16xi32>
      %parallel_loop3A_1365 = arith.shrsi %parallel_loop3A_1362, %parallel_loop3A_1364 : vector<16xi32>
      %parallel_loop3A_1366 = arith.constant -2147483648 : i32
      %parallel_loop3A_1367 = vector.broadcast %parallel_loop3A_1366 : i32 to vector<16xi32>
      %parallel_loop3A_1368 = arith.ori %parallel_loop3A_1365, %parallel_loop3A_1367 : vector<16xi32>
      %parallel_loop3A_1369 = arith.xori %parallel_loop3A_1362, %parallel_loop3A_1368 : vector<16xi32>
      %parallel_loop3A_1370 = arith.constant 28 : i32
      %parallel_loop3A_1371 = vector.broadcast %parallel_loop3A_1370 : i32 to vector<16xi32>
      %parallel_loop3A_1372 = arith.shrui %parallel_loop3A_1369, %parallel_loop3A_1371 : vector<16xi32>
      %parallel_loop3A_1373 = arith.cmpi eq, %parallel_loop3A_1372, %sub3A_136 : vector<16xi32>
      %parallel_loop3A_1374 = arith.constant 0 : i32
      %parallel_loop3A_1375 = arith.addi %parallel_loop3A_1374, %parallel_loop3A_1354 : i32
      %parallel_loop3A_1376 = arith.index_cast %parallel_loop3A_1375 : i32 to index
      %parallel_loop3A_1377 = tpu.vector_load %arg5[%parallel_loop3A_1376] masked %parallel_loop3A_1373 {strides = array<i32>} : memref<16416xi32, #tpu.memory_space<vmem>>, vector<16xi32>, vector<16xi1>
      tpu.vector_store %arg5[%parallel_loop3A_1376], %parallel_loop3A_1369 masked %parallel_loop3A_1373 {strides = array<i32>} : memref<16416xi32, #tpu.memory_space<vmem>>, vector<16xi32>, vector<16xi1>
      %parallel_loop3A_1378 = arith.constant 24 : i32
      %parallel_loop3A_1379 = vector.broadcast %parallel_loop3A_1378 : i32 to vector<16xi32>
      %parallel_loop3A_1380 = arith.shrui %parallel_loop3A_1369, %parallel_loop3A_1379 : vector<16xi32>
      %parallel_loop3A_1381 = arith.constant 15 : i32
      %parallel_loop3A_1382 = vector.broadcast %parallel_loop3A_1381 : i32 to vector<16xi32>
      %parallel_loop3A_1383 = arith.andi %parallel_loop3A_1380, %parallel_loop3A_1382 : vector<16xi32>
      %parallel_loop3A_1384 = arith.constant 0 : i32
      %parallel_loop3A_1385 = vector.broadcast %parallel_loop3A_1384 : i32 to vector<16xi32>
      %parallel_loop3A_1386 = arith.addi %parallel_loop3A_1385, %parallel_loop3A_1383 : vector<16xi32>
      tpu.vector_store_idx %arg7[%parallel_loop3A_1386], %broadcast_in_dim3A_4 masked %parallel_loop3A_1373 {add = true} : memref<512xi32, #tpu.memory_space<vmem>>[vector<16xi32>], vector<16xi32>, vector<16xi1>
      %parallel_loop3A_1387 = tpu.all_reduce %parallel_loop3A_1373 {dim = 0 : i64, kind = #tpu.reduction_kind<sum>} : vector<16xi1> -> vector<16xi32>
      %parallel_loop3A_1388 = vector.extract_strided_slice %parallel_loop3A_1387 {offsets = [0], sizes = [1], strides = [1]} : vector<16xi32> to vector<1xi32>
      %parallel_loop3A_1389 = vector.extract %parallel_loop3A_1388[0] : i32 from vector<1xi32>
      %parallel_loop3A_1390 = arith.addi %parallel_loop3A_1354, %parallel_loop3A_1389 : i32
      %parallel_loop3A_1391 = arith.constant 16 : i32
      %parallel_loop3A_1392 = arith.muli %parallel_loop3A_1353, %parallel_loop3A_1391 : i32
      %parallel_loop3A_1393 = arith.constant 1 : i32
      %parallel_loop3A_1394 = arith.index_cast %parallel_loop3A_1393 : i32 to index
      %parallel_loop3A_1395 = arith.index_cast %parallel_loop3A_1392 : i32 to index
      %parallel_loop3A_1396 = tpu.vector_load %arg4[%parallel_loop3A_1394, %parallel_loop3A_1395] {strides = array<i32>} : memref<2x8192xf32, #tpu.memory_space<vmem>>, vector<16xf32>,
      %parallel_loop3A_1397 = tpu.bitcast %parallel_loop3A_1396 : vector<16xf32> -> vector<16xi32>
      %parallel_loop3A_1398 = arith.constant 31 : i32
      %parallel_loop3A_1399 = vector.broadcast %parallel_loop3A_1398 : i32 to vector<16xi32>
      %parallel_loop3A_1400 = arith.shrsi %parallel_loop3A_1397, %parallel_loop3A_1399 : vector<16xi32>
      %parallel_loop3A_1401 = arith.constant -2147483648 : i32
      %parallel_loop3A_1402 = vector.broadcast %parallel_loop3A_1401 : i32 to vector<16xi32>
      %parallel_loop3A_1403 = arith.ori %parallel_loop3A_1400, %parallel_loop3A_1402 : vector<16xi32>
      %parallel_loop3A_1404 = arith.xori %parallel_loop3A_1397, %parallel_loop3A_1403 : vector<16xi32>
      %parallel_loop3A_1405 = arith.constant 28 : i32
      %parallel_loop3A_1406 = vector.broadcast %parallel_loop3A_1405 : i32 to vector<16xi32>
      %parallel_loop3A_1407 = arith.shrui %parallel_loop3A_1404, %parallel_loop3A_1406 : vector<16xi32>
      %parallel_loop3A_1408 = arith.cmpi eq, %parallel_loop3A_1407, %sub3A_233 : vector<16xi32>
      %parallel_loop3A_1409 = arith.constant 8208 : i32
      %parallel_loop3A_1410 = arith.addi %parallel_loop3A_1409, %parallel_loop3A_1355 : i32
      %parallel_loop3A_1411 = arith.index_cast %parallel_loop3A_1410 : i32 to index
      %parallel_loop3A_1412 = tpu.vector_load %arg5[%parallel_loop3A_1411] masked %parallel_loop3A_1408 {strides = array<i32>} : memref<16416xi32, #tpu.memory_space<vmem>>, vector<16xi32>, vector<16xi1>
      tpu.vector_store %arg5[%parallel_loop3A_1411], %parallel_loop3A_1404 masked %parallel_loop3A_1408 {strides = array<i32>} : memref<16416xi32, #tpu.memory_space<vmem>>, vector<16xi32>, vector<16xi1>
      %parallel_loop3A_1413 = arith.constant 24 : i32
      %parallel_loop3A_1414 = vector.broadcast %parallel_loop3A_1413 : i32 to vector<16xi32>
      %parallel_loop3A_1415 = arith.shrui %parallel_loop3A_1404, %parallel_loop3A_1414 : vector<16xi32>
      %parallel_loop3A_1416 = arith.constant 15 : i32
      %parallel_loop3A_1417 = vector.broadcast %parallel_loop3A_1416 : i32 to vector<16xi32>
      %parallel_loop3A_1418 = arith.andi %parallel_loop3A_1415, %parallel_loop3A_1417 : vector<16xi32>
      %parallel_loop3A_1419 = arith.constant 256 : i32
      %parallel_loop3A_1420 = vector.broadcast %parallel_loop3A_1419 : i32 to vector<16xi32>
      %parallel_loop3A_1421 = arith.addi %parallel_loop3A_1420, %parallel_loop3A_1418 : vector<16xi32>
      tpu.vector_store_idx %arg7[%parallel_loop3A_1421], %broadcast_in_dim3A_4 masked %parallel_loop3A_1408 {add = true} : memref<512xi32, #tpu.memory_space<vmem>>[vector<16xi32>], vector<16xi32>, vector<16xi1>
      %parallel_loop3A_1422 = tpu.all_reduce %parallel_loop3A_1408 {dim = 0 : i64, kind = #tpu.reduction_kind<sum>} : vector<16xi1> -> vector<16xi32>
      %parallel_loop3A_1423 = vector.extract_strided_slice %parallel_loop3A_1422 {offsets = [0], sizes = [1], strides = [1]} : vector<16xi32> to vector<1xi32>
      %parallel_loop3A_1424 = vector.extract %parallel_loop3A_1423[0] : i32 from vector<1xi32>
      %parallel_loop3A_1425 = arith.addi %parallel_loop3A_1355, %parallel_loop3A_1424 : i32
      scf.yield %parallel_loop3A_1390, %parallel_loop3A_1425 : i32, i32
    } {sc.loop_unroll_factor = 2 : i64, sc.parallel_access}
    %get3A_281 = arith.constant 0 : index
    %get3A_282 = tpu.vector_load %arg7[%get3A_281] {strides = array<i32>} : memref<512xi32, #tpu.memory_space<vmem>>, vector<16xi32>,
    %rev3A_283 = arith.constant 15 : i32
    %rev3A_284 = vector.broadcast %rev3A_283 : i32 to vector<16xi32>
    %rev3A_285 = tpu.iota {dimensions = array<i32: 0>} : vector<16xi32>
    %rev3A_286 = arith.subi %rev3A_284, %rev3A_285 : vector<16xi32>
    %rev3A_287 = tpu.dynamic_gather %get3A_282[%rev3A_286] in [0] : vector<16xi32>, vector<16xi32> -> vector<16xi32>
    %broadcast_in_dim3A_288 = arith.constant true
    %broadcast_in_dim3A_289 = vector.broadcast %broadcast_in_dim3A_288 : i1 to vector<16xi1>
    %masked_cumsum3A_290 = tpu.scan <sum>, %rev3A_287 masked %broadcast_in_dim3A_289 : vector<16xi32>, vector<16xi1> -> vector<16xi32>
    %rev3A_291 = arith.constant 15 : i32
    %rev3A_292 = vector.broadcast %rev3A_291 : i32 to vector<16xi32>
    %rev3A_293 = tpu.iota {dimensions = array<i32: 0>} : vector<16xi32>
    %rev3A_294 = arith.subi %rev3A_292, %rev3A_293 : vector<16xi32>
    %rev3A_295 = tpu.dynamic_gather %masked_cumsum3A_290[%rev3A_294] in [0] : vector<16xi32>, vector<16xi32> -> vector<16xi32>
    %ge3A_296 = arith.cmpi sge, %rev3A_295, %sub3A_163 : vector<16xi32>
    %all_reduce_population_count3A_297 = tpu.all_reduce %ge3A_296 {dim = 0 : i64, kind = #tpu.reduction_kind<sum>} : vector<16xi1> -> vector<16xi32>
    %sub3A_298 = arith.constant 1 : i32
    %sub3A_299 = vector.broadcast %sub3A_298 : i32 to vector<16xi32>
    %sub3A_300 = arith.subi %all_reduce_population_count3A_297, %sub3A_299 : vector<16xi32>
    %lt3A_301 = arith.constant 0 : i32
    %lt3A_302 = vector.broadcast %lt3A_301 : i32 to vector<16xi32>
    %lt3A_303 = arith.cmpi slt, %sub3A_300, %lt3A_302 : vector<16xi32>
    %add3A_304 = arith.constant 16 : i32
    %add3A_305 = vector.broadcast %add3A_304 : i32 to vector<16xi32>
    %add3A_306 = arith.addi %sub3A_300, %add3A_305 : vector<16xi32>
    %select_n3A_307 = arith.select %lt3A_303, %add3A_306, %sub3A_300 : vector<16xi1>, vector<16xi32>
    %broadcast_in_dim3A_308 = vector.shape_cast %select_n3A_307 : vector<16xi32> to vector<16x1xi32>
    %gather3A_309 = vector.shape_cast %broadcast_in_dim3A_308 : vector<16x1xi32> to vector<16xi32>
    %gather3A_310 = tpu.dynamic_gather %rev3A_295[%gather3A_309] in [0] : vector<16xi32>, vector<16xi32> -> vector<16xi32>
    %add3A_311 = arith.constant 1 : i32
    %add3A_312 = vector.broadcast %add3A_311 : i32 to vector<16xi32>
    %add3A_313 = arith.addi %sub3A_300, %add3A_312 : vector<16xi32>
    %min3A_314 = arith.constant 15 : i32
    %min3A_315 = vector.broadcast %min3A_314 : i32 to vector<16xi32>
    %min3A_316 = arith.minsi %add3A_313, %min3A_315 : vector<16xi32>
    %eq3A_317 = arith.constant 15 : i32
    %eq3A_318 = vector.broadcast %eq3A_317 : i32 to vector<16xi32>
    %eq3A_319 = arith.cmpi eq, %sub3A_300, %eq3A_318 : vector<16xi32>
    %lt3A_320 = arith.constant 0 : i32
    %lt3A_321 = vector.broadcast %lt3A_320 : i32 to vector<16xi32>
    %lt3A_322 = arith.cmpi slt, %min3A_316, %lt3A_321 : vector<16xi32>
    %add3A_323 = arith.constant 16 : i32
    %add3A_324 = vector.broadcast %add3A_323 : i32 to vector<16xi32>
    %add3A_325 = arith.addi %min3A_316, %add3A_324 : vector<16xi32>
    %select_n3A_326 = arith.select %lt3A_322, %add3A_325, %min3A_316 : vector<16xi1>, vector<16xi32>
    %broadcast_in_dim3A_327 = vector.shape_cast %select_n3A_326 : vector<16xi32> to vector<16x1xi32>
    %gather3A_328 = vector.shape_cast %broadcast_in_dim3A_327 : vector<16x1xi32> to vector<16xi32>
    %gather3A_329 = tpu.dynamic_gather %rev3A_295[%gather3A_328] in [0] : vector<16xi32>, vector<16xi32> -> vector<16xi32>
    %jit3A_330 = arith.constant 0 : i32
    %broadcast_in_dim3A_331 = vector.broadcast %jit3A_330 : i32 to vector<16xi32>
    %select_n3A_332 = arith.select %eq3A_319, %broadcast_in_dim3A_331, %gather3A_329 : vector<16xi1>, vector<16xi32>
    %sub3A_333 = arith.subi %sub3A_163, %select_n3A_332 : vector<16xi32>
    %sub3A_334 = arith.subi %gather3A_310, %select_n3A_332 : vector<16xi32>
    %shift_left3A_335 = arith.constant 24 : i32
    %shift_left3A_336 = vector.broadcast %shift_left3A_335 : i32 to vector<16xi32>
    %shift_left3A_337 = arith.shli %sub3A_300, %shift_left3A_336 : vector<16xi32>
    %or3A = arith.ori %shift_left3A_166, %shift_left3A_337 : vector<16xi32>
    %swap3A_338 = arith.constant 0 : index
    %swap3A_339 = tpu.vector_load %arg7[%swap3A_338] {strides = array<i32>} : memref<512xi32, #tpu.memory_space<vmem>>, vector<16xi32>,
    tpu.vector_store %arg7[%swap3A_338], %broadcast_in_dim3A_6 {strides = array<i32>} : memref<512xi32, #tpu.memory_space<vmem>>, vector<16xi32>,
    %slice3A = vector.extract_strided_slice %sub3A_164 {offsets = [0], sizes = [1], strides = [1]} : vector<16xi32> to vector<1xi32>
    %squeeze3A = vector.extract %slice3A[0] : i32 from vector<1xi32>
    %add3A_340 = arith.constant 15 : i32
    %add3A_341 = arith.addi %squeeze3A, %add3A_340 : i32
    %shift_right_logical3A = arith.constant 4 : i32
    %shift_right_logical3A_342 = arith.shrui %add3A_341, %shift_right_logical3A : i32
    %while3A = arith.constant 0 : i32
    %while3A_343 = arith.constant 0 : i32
    %while3A_344 = arith.subi %shift_right_logical3A_342, %while3A : i32
    %while3A_345 = arith.addi %while3A, %while3A_344 : i32
    %while3A_346 = arith.constant 1 : i32
    %while3A_347 = arith.divsi %while3A_344, %while3A_346 : i32
    %while3A_348 = arith.muli %while3A_347, %while3A_346 : i32
    %while3A_349 = arith.addi %while3A, %while3A_348 : i32
    %while3A_350 = arith.constant 1 : i32
    %while3A_351 = scf.for %while3A_1353 = %while3A to %while3A_349 step %while3A_350 iter_args(%while3A_1354 = %while3A_343) -> (i32)  : i32 {
      %mul3A_1355 = arith.constant 16 : i32
      %mul3A_1356 = arith.muli %while3A_1353, %mul3A_1355 : i32
      %add3A_1357 = arith.constant 0 : i32
      %add3A_1358 = arith.addi %add3A_1357, %mul3A_1356 : i32
      %get3A_1359 = arith.index_cast %add3A_1358 : i32 to index
      %get3A_1360 = tpu.vector_load %arg5[%get3A_1359] {strides = array<i32>} : memref<16416xi32, #tpu.memory_space<vmem>>, vector<16xi32>,
      %mul3A_1361 = arith.constant 16 : i32
      %mul3A_1362 = arith.muli %while3A_1353, %mul3A_1361 : i32
      %add3A_1363 = vector.broadcast %mul3A_1362 : i32 to vector<16xi32>
      %add3A_1364 = arith.addi %iota3A, %add3A_1363 : vector<16xi32>
      %lt3A_1365 = arith.cmpi slt, %add3A_1364, %sub3A_164 : vector<16xi32>
      %shift_right_logical3A_1366 = arith.constant 24 : i32
      %shift_right_logical3A_1367 = vector.broadcast %shift_right_logical3A_1366 : i32 to vector<16xi32>
      %shift_right_logical3A_1368 = arith.shrui %get3A_1360, %shift_right_logical3A_1367 : vector<16xi32>
      %and3A_1369 = arith.constant 15 : i32
      %and3A_1370 = vector.broadcast %and3A_1369 : i32 to vector<16xi32>
      %and3A_1371 = arith.andi %shift_right_logical3A_1368, %and3A_1370 : vector<16xi32>
      %eq3A_1372 = arith.cmpi eq, %and3A_1371, %sub3A_300 : vector<16xi32>
      %and3A_1373 = arith.andi %lt3A_1365, %eq3A_1372 : vector<16xi1>
      %add3A_1374 = arith.constant 0 : i32
      %add3A_1375 = arith.addi %add3A_1374, %while3A_1354 : i32
      %swap3A_1376 = arith.index_cast %add3A_1375 : i32 to index
      %swap3A_1377 = tpu.vector_load %arg6[%swap3A_1376] masked %and3A_1373 {strides = array<i32>} : memref<16416xi32, #tpu.memory_space<vmem>>, vector<16xi32>, vector<16xi1>
      tpu.vector_store %arg6[%swap3A_1376], %get3A_1360 masked %and3A_1373 {strides = array<i32>} : memref<16416xi32, #tpu.memory_space<vmem>>, vector<16xi32>, vector<16xi1>
      %shift_right_logical3A_1378 = arith.constant 20 : i32
      %shift_right_logical3A_1379 = vector.broadcast %shift_right_logical3A_1378 : i32 to vector<16xi32>
      %shift_right_logical3A_1380 = arith.shrui %get3A_1360, %shift_right_logical3A_1379 : vector<16xi32>
      %and3A_1381 = arith.constant 15 : i32
      %and3A_1382 = vector.broadcast %and3A_1381 : i32 to vector<16xi32>
      %and3A_1383 = arith.andi %shift_right_logical3A_1380, %and3A_1382 : vector<16xi32>
      %add3A_1384 = arith.constant 0 : i32
      %add3A_1385 = vector.broadcast %add3A_1384 : i32 to vector<16xi32>
      %add3A_1386 = arith.addi %add3A_1385, %and3A_1383 : vector<16xi32>
      tpu.vector_store_idx %arg7[%add3A_1386], %broadcast_in_dim3A_4 masked %and3A_1373 {add = true} : memref<512xi32, #tpu.memory_space<vmem>>[vector<16xi32>], vector<16xi32>, vector<16xi1>
      %all_reduce_population_count3A_1387 = tpu.all_reduce %and3A_1373 {dim = 0 : i64, kind = #tpu.reduction_kind<sum>} : vector<16xi1> -> vector<16xi32>
      %slice3A_1388 = vector.extract_strided_slice %all_reduce_population_count3A_1387 {offsets = [0], sizes = [1], strides = [1]} : vector<16xi32> to vector<1xi32>
      %squeeze3A_1389 = vector.extract %slice3A_1388[0] : i32 from vector<1xi32>
      %add3A_1390 = arith.addi %while3A_1354, %squeeze3A_1389 : i32
      scf.yield %add3A_1390 : i32
    }
    %while3A_352 = arith.constant 1 : i32
    %while3A_353 = scf.for %while3A_1353 = %while3A_349 to %while3A_345 step %while3A_352 iter_args(%while3A_1354 = %while3A_351) -> (i32)  : i32 {
      %mul3A_1355 = arith.constant 16 : i32
      %mul3A_1356 = arith.muli %while3A_1353, %mul3A_1355 : i32
      %add3A_1357 = arith.constant 0 : i32
      %add3A_1358 = arith.addi %add3A_1357, %mul3A_1356 : i32
      %get3A_1359 = arith.index_cast %add3A_1358 : i32 to index
      %get3A_1360 = tpu.vector_load %arg5[%get3A_1359] {strides = array<i32>} : memref<16416xi32, #tpu.memory_space<vmem>>, vector<16xi32>,
      %mul3A_1361 = arith.constant 16 : i32
      %mul3A_1362 = arith.muli %while3A_1353, %mul3A_1361 : i32
      %add3A_1363 = vector.broadcast %mul3A_1362 : i32 to vector<16xi32>
      %add3A_1364 = arith.addi %iota3A, %add3A_1363 : vector<16xi32>
      %lt3A_1365 = arith.cmpi slt, %add3A_1364, %sub3A_164 : vector<16xi32>
      %shift_right_logical3A_1366 = arith.constant 24 : i32
      %shift_right_logical3A_1367 = vector.broadcast %shift_right_logical3A_1366 : i32 to vector<16xi32>
      %shift_right_logical3A_1368 = arith.shrui %get3A_1360, %shift_right_logical3A_1367 : vector<16xi32>
      %and3A_1369 = arith.constant 15 : i32
      %and3A_1370 = vector.broadcast %and3A_1369 : i32 to vector<16xi32>
      %and3A_1371 = arith.andi %shift_right_logical3A_1368, %and3A_1370 : vector<16xi32>
      %eq3A_1372 = arith.cmpi eq, %and3A_1371, %sub3A_300 : vector<16xi32>
      %and3A_1373 = arith.andi %lt3A_1365, %eq3A_1372 : vector<16xi1>
      %add3A_1374 = arith.constant 0 : i32
      %add3A_1375 = arith.addi %add3A_1374, %while3A_1354 : i32
      %swap3A_1376 = arith.index_cast %add3A_1375 : i32 to index
      %swap3A_1377 = tpu.vector_load %arg6[%swap3A_1376] masked %and3A_1373 {strides = array<i32>} : memref<16416xi32, #tpu.memory_space<vmem>>, vector<16xi32>, vector<16xi1>
      tpu.vector_store %arg6[%swap3A_1376], %get3A_1360 masked %and3A_1373 {strides = array<i32>} : memref<16416xi32, #tpu.memory_space<vmem>>, vector<16xi32>, vector<16xi1>
      %shift_right_logical3A_1378 = arith.constant 20 : i32
      %shift_right_logical3A_1379 = vector.broadcast %shift_right_logical3A_1378 : i32 to vector<16xi32>
      %shift_right_logical3A_1380 = arith.shrui %get3A_1360, %shift_right_logical3A_1379 : vector<16xi32>
      %and3A_1381 = arith.constant 15 : i32
      %and3A_1382 = vector.broadcast %and3A_1381 : i32 to vector<16xi32>
      %and3A_1383 = arith.andi %shift_right_logical3A_1380, %and3A_1382 : vector<16xi32>
      %add3A_1384 = arith.constant 0 : i32
      %add3A_1385 = vector.broadcast %add3A_1384 : i32 to vector<16xi32>
      %add3A_1386 = arith.addi %add3A_1385, %and3A_1383 : vector<16xi32>
      tpu.vector_store_idx %arg7[%add3A_1386], %broadcast_in_dim3A_4 masked %and3A_1373 {add = true} : memref<512xi32, #tpu.memory_space<vmem>>[vector<16xi32>], vector<16xi32>, vector<16xi1>
      %all_reduce_population_count3A_1387 = tpu.all_reduce %and3A_1373 {dim = 0 : i64, kind = #tpu.reduction_kind<sum>} : vector<16xi1> -> vector<16xi32>
      %slice3A_1388 = vector.extract_strided_slice %all_reduce_population_count3A_1387 {offsets = [0], sizes = [1], strides = [1]} : vector<16xi32> to vector<1xi32>
      %squeeze3A_1389 = vector.extract %slice3A_1388[0] : i32 from vector<1xi32>
      %add3A_1390 = arith.addi %while3A_1354, %squeeze3A_1389 : i32
      scf.yield %add3A_1390 : i32
    }
    %get3A_354 = arith.constant 0 : index
    %get3A_355 = tpu.vector_load %arg7[%get3A_354] {strides = array<i32>} : memref<512xi32, #tpu.memory_space<vmem>>, vector<16xi32>,
    %rev3A_356 = arith.constant 15 : i32
    %rev3A_357 = vector.broadcast %rev3A_356 : i32 to vector<16xi32>
    %rev3A_358 = tpu.iota {dimensions = array<i32: 0>} : vector<16xi32>
    %rev3A_359 = arith.subi %rev3A_357, %rev3A_358 : vector<16xi32>
    %rev3A_360 = tpu.dynamic_gather %get3A_355[%rev3A_359] in [0] : vector<16xi32>, vector<16xi32> -> vector<16xi32>
    %broadcast_in_dim3A_361 = arith.constant true
    %broadcast_in_dim3A_362 = vector.broadcast %broadcast_in_dim3A_361 : i1 to vector<16xi1>
    %masked_cumsum3A_363 = tpu.scan <sum>, %rev3A_360 masked %broadcast_in_dim3A_362 : vector<16xi32>, vector<16xi1> -> vector<16xi32>
    %rev3A_364 = arith.constant 15 : i32
    %rev3A_365 = vector.broadcast %rev3A_364 : i32 to vector<16xi32>
    %rev3A_366 = tpu.iota {dimensions = array<i32: 0>} : vector<16xi32>
    %rev3A_367 = arith.subi %rev3A_365, %rev3A_366 : vector<16xi32>
    %rev3A_368 = tpu.dynamic_gather %masked_cumsum3A_363[%rev3A_367] in [0] : vector<16xi32>, vector<16xi32> -> vector<16xi32>
    %ge3A_369 = arith.cmpi sge, %rev3A_368, %sub3A_333 : vector<16xi32>
    %all_reduce_population_count3A_370 = tpu.all_reduce %ge3A_369 {dim = 0 : i64, kind = #tpu.reduction_kind<sum>} : vector<16xi1> -> vector<16xi32>
    %sub3A_371 = arith.constant 1 : i32
    %sub3A_372 = vector.broadcast %sub3A_371 : i32 to vector<16xi32>
    %sub3A_373 = arith.subi %all_reduce_population_count3A_370, %sub3A_372 : vector<16xi32>
    %lt3A_374 = arith.constant 0 : i32
    %lt3A_375 = vector.broadcast %lt3A_374 : i32 to vector<16xi32>
    %lt3A_376 = arith.cmpi slt, %sub3A_373, %lt3A_375 : vector<16xi32>
    %add3A_377 = arith.constant 16 : i32
    %add3A_378 = vector.broadcast %add3A_377 : i32 to vector<16xi32>
    %add3A_379 = arith.addi %sub3A_373, %add3A_378 : vector<16xi32>
    %select_n3A_380 = arith.select %lt3A_376, %add3A_379, %sub3A_373 : vector<16xi1>, vector<16xi32>
    %broadcast_in_dim3A_381 = vector.shape_cast %select_n3A_380 : vector<16xi32> to vector<16x1xi32>
    %gather3A_382 = vector.shape_cast %broadcast_in_dim3A_381 : vector<16x1xi32> to vector<16xi32>
    %gather3A_383 = tpu.dynamic_gather %rev3A_368[%gather3A_382] in [0] : vector<16xi32>, vector<16xi32> -> vector<16xi32>
    %add3A_384 = arith.constant 1 : i32
    %add3A_385 = vector.broadcast %add3A_384 : i32 to vector<16xi32>
    %add3A_386 = arith.addi %sub3A_373, %add3A_385 : vector<16xi32>
    %min3A_387 = arith.constant 15 : i32
    %min3A_388 = vector.broadcast %min3A_387 : i32 to vector<16xi32>
    %min3A_389 = arith.minsi %add3A_386, %min3A_388 : vector<16xi32>
    %eq3A_390 = arith.constant 15 : i32
    %eq3A_391 = vector.broadcast %eq3A_390 : i32 to vector<16xi32>
    %eq3A_392 = arith.cmpi eq, %sub3A_373, %eq3A_391 : vector<16xi32>
    %lt3A_393 = arith.constant 0 : i32
    %lt3A_394 = vector.broadcast %lt3A_393 : i32 to vector<16xi32>
    %lt3A_395 = arith.cmpi slt, %min3A_389, %lt3A_394 : vector<16xi32>
    %add3A_396 = arith.constant 16 : i32
    %add3A_397 = vector.broadcast %add3A_396 : i32 to vector<16xi32>
    %add3A_398 = arith.addi %min3A_389, %add3A_397 : vector<16xi32>
    %select_n3A_399 = arith.select %lt3A_395, %add3A_398, %min3A_389 : vector<16xi1>, vector<16xi32>
    %broadcast_in_dim3A_400 = vector.shape_cast %select_n3A_399 : vector<16xi32> to vector<16x1xi32>
    %gather3A_401 = vector.shape_cast %broadcast_in_dim3A_400 : vector<16x1xi32> to vector<16xi32>
    %gather3A_402 = tpu.dynamic_gather %rev3A_368[%gather3A_401] in [0] : vector<16xi32>, vector<16xi32> -> vector<16xi32>
    %jit3A_403 = arith.constant 0 : i32
    %broadcast_in_dim3A_404 = vector.broadcast %jit3A_403 : i32 to vector<16xi32>
    %select_n3A_405 = arith.select %eq3A_392, %broadcast_in_dim3A_404, %gather3A_402 : vector<16xi1>, vector<16xi32>
    %sub3A_406 = arith.subi %sub3A_333, %select_n3A_405 : vector<16xi32>
    %sub3A_407 = arith.subi %gather3A_383, %select_n3A_405 : vector<16xi32>
    %shift_left3A_408 = arith.constant 20 : i32
    %shift_left3A_409 = vector.broadcast %shift_left3A_408 : i32 to vector<16xi32>
    %shift_left3A_410 = arith.shli %sub3A_373, %shift_left3A_409 : vector<16xi32>
    %or3A_411 = arith.ori %or3A, %shift_left3A_410 : vector<16xi32>
    %swap3A_412 = arith.constant 0 : index
    %swap3A_413 = tpu.vector_load %arg7[%swap3A_412] {strides = array<i32>} : memref<512xi32, #tpu.memory_space<vmem>>, vector<16xi32>,
    tpu.vector_store %arg7[%swap3A_412], %broadcast_in_dim3A_6 {strides = array<i32>} : memref<512xi32, #tpu.memory_space<vmem>>, vector<16xi32>,
    %slice3A_414 = vector.extract_strided_slice %sub3A_334 {offsets = [0], sizes = [1], strides = [1]} : vector<16xi32> to vector<1xi32>
    %squeeze3A_415 = vector.extract %slice3A_414[0] : i32 from vector<1xi32>
    %add3A_416 = arith.constant 15 : i32
    %add3A_417 = arith.addi %squeeze3A_415, %add3A_416 : i32
    %shift_right_logical3A_418 = arith.constant 4 : i32
    %shift_right_logical3A_419 = arith.shrui %add3A_417, %shift_right_logical3A_418 : i32
    %while3A_420 = arith.constant 0 : i32
    %while3A_421 = arith.constant 0 : i32
    %while3A_422 = arith.subi %shift_right_logical3A_419, %while3A_420 : i32
    %while3A_423 = arith.addi %while3A_420, %while3A_422 : i32
    %while3A_424 = arith.constant 1 : i32
    %while3A_425 = arith.divsi %while3A_422, %while3A_424 : i32
    %while3A_426 = arith.muli %while3A_425, %while3A_424 : i32
    %while3A_427 = arith.addi %while3A_420, %while3A_426 : i32
    %while3A_428 = arith.constant 1 : i32
    %while3A_429 = scf.for %while3A_1353 = %while3A_420 to %while3A_427 step %while3A_428 iter_args(%while3A_1354 = %while3A_421) -> (i32)  : i32 {
      %mul3A_1355 = arith.constant 16 : i32
      %mul3A_1356 = arith.muli %while3A_1353, %mul3A_1355 : i32
      %add3A_1357 = arith.constant 0 : i32
      %add3A_1358 = arith.addi %add3A_1357, %mul3A_1356 : i32
      %get3A_1359 = arith.index_cast %add3A_1358 : i32 to index
      %get3A_1360 = tpu.vector_load %arg6[%get3A_1359] {strides = array<i32>} : memref<16416xi32, #tpu.memory_space<vmem>>, vector<16xi32>,
      %mul3A_1361 = arith.constant 16 : i32
      %mul3A_1362 = arith.muli %while3A_1353, %mul3A_1361 : i32
      %add3A_1363 = vector.broadcast %mul3A_1362 : i32 to vector<16xi32>
      %add3A_1364 = arith.addi %iota3A, %add3A_1363 : vector<16xi32>
      %lt3A_1365 = arith.cmpi slt, %add3A_1364, %sub3A_334 : vector<16xi32>
      %shift_right_logical3A_1366 = arith.constant 20 : i32
      %shift_right_logical3A_1367 = vector.broadcast %shift_right_logical3A_1366 : i32 to vector<16xi32>
      %shift_right_logical3A_1368 = arith.shrui %get3A_1360, %shift_right_logical3A_1367 : vector<16xi32>
      %and3A_1369 = arith.constant 15 : i32
      %and3A_1370 = vector.broadcast %and3A_1369 : i32 to vector<16xi32>
      %and3A_1371 = arith.andi %shift_right_logical3A_1368, %and3A_1370 : vector<16xi32>
      %eq3A_1372 = arith.cmpi eq, %and3A_1371, %sub3A_373 : vector<16xi32>
      %and3A_1373 = arith.andi %lt3A_1365, %eq3A_1372 : vector<16xi1>
      %add3A_1374 = arith.constant 0 : i32
      %add3A_1375 = arith.addi %add3A_1374, %while3A_1354 : i32
      %swap3A_1376 = arith.index_cast %add3A_1375 : i32 to index
      %swap3A_1377 = tpu.vector_load %arg5[%swap3A_1376] masked %and3A_1373 {strides = array<i32>} : memref<16416xi32, #tpu.memory_space<vmem>>, vector<16xi32>, vector<16xi1>
      tpu.vector_store %arg5[%swap3A_1376], %get3A_1360 masked %and3A_1373 {strides = array<i32>} : memref<16416xi32, #tpu.memory_space<vmem>>, vector<16xi32>, vector<16xi1>
      %shift_right_logical3A_1378 = arith.constant 16 : i32
      %shift_right_logical3A_1379 = vector.broadcast %shift_right_logical3A_1378 : i32 to vector<16xi32>
      %shift_right_logical3A_1380 = arith.shrui %get3A_1360, %shift_right_logical3A_1379 : vector<16xi32>
      %and3A_1381 = arith.constant 15 : i32
      %and3A_1382 = vector.broadcast %and3A_1381 : i32 to vector<16xi32>
      %and3A_1383 = arith.andi %shift_right_logical3A_1380, %and3A_1382 : vector<16xi32>
      %add3A_1384 = arith.constant 0 : i32
      %add3A_1385 = vector.broadcast %add3A_1384 : i32 to vector<16xi32>
      %add3A_1386 = arith.addi %add3A_1385, %and3A_1383 : vector<16xi32>
      tpu.vector_store_idx %arg7[%add3A_1386], %broadcast_in_dim3A_4 masked %and3A_1373 {add = true} : memref<512xi32, #tpu.memory_space<vmem>>[vector<16xi32>], vector<16xi32>, vector<16xi1>
      %all_reduce_population_count3A_1387 = tpu.all_reduce %and3A_1373 {dim = 0 : i64, kind = #tpu.reduction_kind<sum>} : vector<16xi1> -> vector<16xi32>
      %slice3A_1388 = vector.extract_strided_slice %all_reduce_population_count3A_1387 {offsets = [0], sizes = [1], strides = [1]} : vector<16xi32> to vector<1xi32>
      %squeeze3A_1389 = vector.extract %slice3A_1388[0] : i32 from vector<1xi32>
      %add3A_1390 = arith.addi %while3A_1354, %squeeze3A_1389 : i32
      scf.yield %add3A_1390 : i32
    }
    %while3A_430 = arith.constant 1 : i32
    %while3A_431 = scf.for %while3A_1353 = %while3A_427 to %while3A_423 step %while3A_430 iter_args(%while3A_1354 = %while3A_429) -> (i32)  : i32 {
      %mul3A_1355 = arith.constant 16 : i32
      %mul3A_1356 = arith.muli %while3A_1353, %mul3A_1355 : i32
      %add3A_1357 = arith.constant 0 : i32
      %add3A_1358 = arith.addi %add3A_1357, %mul3A_1356 : i32
      %get3A_1359 = arith.index_cast %add3A_1358 : i32 to index
      %get3A_1360 = tpu.vector_load %arg6[%get3A_1359] {strides = array<i32>} : memref<16416xi32, #tpu.memory_space<vmem>>, vector<16xi32>,
      %mul3A_1361 = arith.constant 16 : i32
      %mul3A_1362 = arith.muli %while3A_1353, %mul3A_1361 : i32
      %add3A_1363 = vector.broadcast %mul3A_1362 : i32 to vector<16xi32>
      %add3A_1364 = arith.addi %iota3A, %add3A_1363 : vector<16xi32>
      %lt3A_1365 = arith.cmpi slt, %add3A_1364, %sub3A_334 : vector<16xi32>
      %shift_right_logical3A_1366 = arith.constant 20 : i32
      %shift_right_logical3A_1367 = vector.broadcast %shift_right_logical3A_1366 : i32 to vector<16xi32>
      %shift_right_logical3A_1368 = arith.shrui %get3A_1360, %shift_right_logical3A_1367 : vector<16xi32>
      %and3A_1369 = arith.constant 15 : i32
      %and3A_1370 = vector.broadcast %and3A_1369 : i32 to vector<16xi32>
      %and3A_1371 = arith.andi %shift_right_logical3A_1368, %and3A_1370 : vector<16xi32>
      %eq3A_1372 = arith.cmpi eq, %and3A_1371, %sub3A_373 : vector<16xi32>
      %and3A_1373 = arith.andi %lt3A_1365, %eq3A_1372 : vector<16xi1>
      %add3A_1374 = arith.constant 0 : i32
      %add3A_1375 = arith.addi %add3A_1374, %while3A_1354 : i32
      %swap3A_1376 = arith.index_cast %add3A_1375 : i32 to index
      %swap3A_1377 = tpu.vector_load %arg5[%swap3A_1376] masked %and3A_1373 {strides = array<i32>} : memref<16416xi32, #tpu.memory_space<vmem>>, vector<16xi32>, vector<16xi1>
      tpu.vector_store %arg5[%swap3A_1376], %get3A_1360 masked %and3A_1373 {strides = array<i32>} : memref<16416xi32, #tpu.memory_space<vmem>>, vector<16xi32>, vector<16xi1>
      %shift_right_logical3A_1378 = arith.constant 16 : i32
      %shift_right_logical3A_1379 = vector.broadcast %shift_right_logical3A_1378 : i32 to vector<16xi32>
      %shift_right_logical3A_1380 = arith.shrui %get3A_1360, %shift_right_logical3A_1379 : vector<16xi32>
      %and3A_1381 = arith.constant 15 : i32
      %and3A_1382 = vector.broadcast %and3A_1381 : i32 to vector<16xi32>
      %and3A_1383 = arith.andi %shift_right_logical3A_1380, %and3A_1382 : vector<16xi32>
      %add3A_1384 = arith.constant 0 : i32
      %add3A_1385 = vector.broadcast %add3A_1384 : i32 to vector<16xi32>
      %add3A_1386 = arith.addi %add3A_1385, %and3A_1383 : vector<16xi32>
      tpu.vector_store_idx %arg7[%add3A_1386], %broadcast_in_dim3A_4 masked %and3A_1373 {add = true} : memref<512xi32, #tpu.memory_space<vmem>>[vector<16xi32>], vector<16xi32>, vector<16xi1>
      %all_reduce_population_count3A_1387 = tpu.all_reduce %and3A_1373 {dim = 0 : i64, kind = #tpu.reduction_kind<sum>} : vector<16xi1> -> vector<16xi32>
      %slice3A_1388 = vector.extract_strided_slice %all_reduce_population_count3A_1387 {offsets = [0], sizes = [1], strides = [1]} : vector<16xi32> to vector<1xi32>
      %squeeze3A_1389 = vector.extract %slice3A_1388[0] : i32 from vector<1xi32>
      %add3A_1390 = arith.addi %while3A_1354, %squeeze3A_1389 : i32
      scf.yield %add3A_1390 : i32
    }
    %get3A_432 = arith.constant 0 : index
    %get3A_433 = tpu.vector_load %arg7[%get3A_432] {strides = array<i32>} : memref<512xi32, #tpu.memory_space<vmem>>, vector<16xi32>,
    %rev3A_434 = arith.constant 15 : i32
    %rev3A_435 = vector.broadcast %rev3A_434 : i32 to vector<16xi32>
    %rev3A_436 = tpu.iota {dimensions = array<i32: 0>} : vector<16xi32>
    %rev3A_437 = arith.subi %rev3A_435, %rev3A_436 : vector<16xi32>
    %rev3A_438 = tpu.dynamic_gather %get3A_433[%rev3A_437] in [0] : vector<16xi32>, vector<16xi32> -> vector<16xi32>
    %broadcast_in_dim3A_439 = arith.constant true
    %broadcast_in_dim3A_440 = vector.broadcast %broadcast_in_dim3A_439 : i1 to vector<16xi1>
    %masked_cumsum3A_441 = tpu.scan <sum>, %rev3A_438 masked %broadcast_in_dim3A_440 : vector<16xi32>, vector<16xi1> -> vector<16xi32>
    %rev3A_442 = arith.constant 15 : i32
    %rev3A_443 = vector.broadcast %rev3A_442 : i32 to vector<16xi32>
    %rev3A_444 = tpu.iota {dimensions = array<i32: 0>} : vector<16xi32>
    %rev3A_445 = arith.subi %rev3A_443, %rev3A_444 : vector<16xi32>
    %rev3A_446 = tpu.dynamic_gather %masked_cumsum3A_441[%rev3A_445] in [0] : vector<16xi32>, vector<16xi32> -> vector<16xi32>
    %ge3A_447 = arith.cmpi sge, %rev3A_446, %sub3A_406 : vector<16xi32>
    %all_reduce_population_count3A_448 = tpu.all_reduce %ge3A_447 {dim = 0 : i64, kind = #tpu.reduction_kind<sum>} : vector<16xi1> -> vector<16xi32>
    %sub3A_449 = arith.constant 1 : i32
    %sub3A_450 = vector.broadcast %sub3A_449 : i32 to vector<16xi32>
    %sub3A_451 = arith.subi %all_reduce_population_count3A_448, %sub3A_450 : vector<16xi32>
    %lt3A_452 = arith.constant 0 : i32
    %lt3A_453 = vector.broadcast %lt3A_452 : i32 to vector<16xi32>
    %lt3A_454 = arith.cmpi slt, %sub3A_451, %lt3A_453 : vector<16xi32>
    %add3A_455 = arith.constant 16 : i32
    %add3A_456 = vector.broadcast %add3A_455 : i32 to vector<16xi32>
    %add3A_457 = arith.addi %sub3A_451, %add3A_456 : vector<16xi32>
    %select_n3A_458 = arith.select %lt3A_454, %add3A_457, %sub3A_451 : vector<16xi1>, vector<16xi32>
    %broadcast_in_dim3A_459 = vector.shape_cast %select_n3A_458 : vector<16xi32> to vector<16x1xi32>
    %gather3A_460 = vector.shape_cast %broadcast_in_dim3A_459 : vector<16x1xi32> to vector<16xi32>
    %gather3A_461 = tpu.dynamic_gather %rev3A_446[%gather3A_460] in [0] : vector<16xi32>, vector<16xi32> -> vector<16xi32>
    %add3A_462 = arith.constant 1 : i32
    %add3A_463 = vector.broadcast %add3A_462 : i32 to vector<16xi32>
    %add3A_464 = arith.addi %sub3A_451, %add3A_463 : vector<16xi32>
    %min3A_465 = arith.constant 15 : i32
    %min3A_466 = vector.broadcast %min3A_465 : i32 to vector<16xi32>
    %min3A_467 = arith.minsi %add3A_464, %min3A_466 : vector<16xi32>
    %eq3A_468 = arith.constant 15 : i32
    %eq3A_469 = vector.broadcast %eq3A_468 : i32 to vector<16xi32>
    %eq3A_470 = arith.cmpi eq, %sub3A_451, %eq3A_469 : vector<16xi32>
    %lt3A_471 = arith.constant 0 : i32
    %lt3A_472 = vector.broadcast %lt3A_471 : i32 to vector<16xi32>
    %lt3A_473 = arith.cmpi slt, %min3A_467, %lt3A_472 : vector<16xi32>
    %add3A_474 = arith.constant 16 : i32
    %add3A_475 = vector.broadcast %add3A_474 : i32 to vector<16xi32>
    %add3A_476 = arith.addi %min3A_467, %add3A_475 : vector<16xi32>
    %select_n3A_477 = arith.select %lt3A_473, %add3A_476, %min3A_467 : vector<16xi1>, vector<16xi32>
    %broadcast_in_dim3A_478 = vector.shape_cast %select_n3A_477 : vector<16xi32> to vector<16x1xi32>
    %gather3A_479 = vector.shape_cast %broadcast_in_dim3A_478 : vector<16x1xi32> to vector<16xi32>
    %gather3A_480 = tpu.dynamic_gather %rev3A_446[%gather3A_479] in [0] : vector<16xi32>, vector<16xi32> -> vector<16xi32>
    %jit3A_481 = arith.constant 0 : i32
    %broadcast_in_dim3A_482 = vector.broadcast %jit3A_481 : i32 to vector<16xi32>
    %select_n3A_483 = arith.select %eq3A_470, %broadcast_in_dim3A_482, %gather3A_480 : vector<16xi1>, vector<16xi32>
    %sub3A_484 = arith.subi %sub3A_406, %select_n3A_483 : vector<16xi32>
    %sub3A_485 = arith.subi %gather3A_461, %select_n3A_483 : vector<16xi32>
    %shift_left3A_486 = arith.constant 16 : i32
    %shift_left3A_487 = vector.broadcast %shift_left3A_486 : i32 to vector<16xi32>
    %shift_left3A_488 = arith.shli %sub3A_451, %shift_left3A_487 : vector<16xi32>
    %or3A_489 = arith.ori %or3A_411, %shift_left3A_488 : vector<16xi32>
    %swap3A_490 = arith.constant 0 : index
    %swap3A_491 = tpu.vector_load %arg7[%swap3A_490] {strides = array<i32>} : memref<512xi32, #tpu.memory_space<vmem>>, vector<16xi32>,
    tpu.vector_store %arg7[%swap3A_490], %broadcast_in_dim3A_6 {strides = array<i32>} : memref<512xi32, #tpu.memory_space<vmem>>, vector<16xi32>,
    %slice3A_492 = vector.extract_strided_slice %sub3A_407 {offsets = [0], sizes = [1], strides = [1]} : vector<16xi32> to vector<1xi32>
    %squeeze3A_493 = vector.extract %slice3A_492[0] : i32 from vector<1xi32>
    %add3A_494 = arith.constant 15 : i32
    %add3A_495 = arith.addi %squeeze3A_493, %add3A_494 : i32
    %shift_right_logical3A_496 = arith.constant 4 : i32
    %shift_right_logical3A_497 = arith.shrui %add3A_495, %shift_right_logical3A_496 : i32
    %while3A_498 = arith.constant 0 : i32
    %while3A_499 = arith.constant 0 : i32
    %while3A_500 = arith.subi %shift_right_logical3A_497, %while3A_498 : i32
    %while3A_501 = arith.addi %while3A_498, %while3A_500 : i32
    %while3A_502 = arith.constant 1 : i32
    %while3A_503 = arith.divsi %while3A_500, %while3A_502 : i32
    %while3A_504 = arith.muli %while3A_503, %while3A_502 : i32
    %while3A_505 = arith.addi %while3A_498, %while3A_504 : i32
    %while3A_506 = arith.constant 1 : i32
    %while3A_507 = scf.for %while3A_1353 = %while3A_498 to %while3A_505 step %while3A_506 iter_args(%while3A_1354 = %while3A_499) -> (i32)  : i32 {
      %mul3A_1355 = arith.constant 16 : i32
      %mul3A_1356 = arith.muli %while3A_1353, %mul3A_1355 : i32
      %add3A_1357 = arith.constant 0 : i32
      %add3A_1358 = arith.addi %add3A_1357, %mul3A_1356 : i32
      %get3A_1359 = arith.index_cast %add3A_1358 : i32 to index
      %get3A_1360 = tpu.vector_load %arg5[%get3A_1359] {strides = array<i32>} : memref<16416xi32, #tpu.memory_space<vmem>>, vector<16xi32>,
      %mul3A_1361 = arith.constant 16 : i32
      %mul3A_1362 = arith.muli %while3A_1353, %mul3A_1361 : i32
      %add3A_1363 = vector.broadcast %mul3A_1362 : i32 to vector<16xi32>
      %add3A_1364 = arith.addi %iota3A, %add3A_1363 : vector<16xi32>
      %lt3A_1365 = arith.cmpi slt, %add3A_1364, %sub3A_407 : vector<16xi32>
      %shift_right_logical3A_1366 = arith.constant 16 : i32
      %shift_right_logical3A_1367 = vector.broadcast %shift_right_logical3A_1366 : i32 to vector<16xi32>
      %shift_right_logical3A_1368 = arith.shrui %get3A_1360, %shift_right_logical3A_1367 : vector<16xi32>
      %and3A_1369 = arith.constant 15 : i32
      %and3A_1370 = vector.broadcast %and3A_1369 : i32 to vector<16xi32>
      %and3A_1371 = arith.andi %shift_right_logical3A_1368, %and3A_1370 : vector<16xi32>
      %eq3A_1372 = arith.cmpi eq, %and3A_1371, %sub3A_451 : vector<16xi32>
      %and3A_1373 = arith.andi %lt3A_1365, %eq3A_1372 : vector<16xi1>
      %add3A_1374 = arith.constant 0 : i32
      %add3A_1375 = arith.addi %add3A_1374, %while3A_1354 : i32
      %swap3A_1376 = arith.index_cast %add3A_1375 : i32 to index
      %swap3A_1377 = tpu.vector_load %arg6[%swap3A_1376] masked %and3A_1373 {strides = array<i32>} : memref<16416xi32, #tpu.memory_space<vmem>>, vector<16xi32>, vector<16xi1>
      tpu.vector_store %arg6[%swap3A_1376], %get3A_1360 masked %and3A_1373 {strides = array<i32>} : memref<16416xi32, #tpu.memory_space<vmem>>, vector<16xi32>, vector<16xi1>
      %shift_right_logical3A_1378 = arith.constant 12 : i32
      %shift_right_logical3A_1379 = vector.broadcast %shift_right_logical3A_1378 : i32 to vector<16xi32>
      %shift_right_logical3A_1380 = arith.shrui %get3A_1360, %shift_right_logical3A_1379 : vector<16xi32>
      %and3A_1381 = arith.constant 15 : i32
      %and3A_1382 = vector.broadcast %and3A_1381 : i32 to vector<16xi32>
      %and3A_1383 = arith.andi %shift_right_logical3A_1380, %and3A_1382 : vector<16xi32>
      %add3A_1384 = arith.constant 0 : i32
      %add3A_1385 = vector.broadcast %add3A_1384 : i32 to vector<16xi32>
      %add3A_1386 = arith.addi %add3A_1385, %and3A_1383 : vector<16xi32>
      tpu.vector_store_idx %arg7[%add3A_1386], %broadcast_in_dim3A_4 masked %and3A_1373 {add = true} : memref<512xi32, #tpu.memory_space<vmem>>[vector<16xi32>], vector<16xi32>, vector<16xi1>
      %all_reduce_population_count3A_1387 = tpu.all_reduce %and3A_1373 {dim = 0 : i64, kind = #tpu.reduction_kind<sum>} : vector<16xi1> -> vector<16xi32>
      %slice3A_1388 = vector.extract_strided_slice %all_reduce_population_count3A_1387 {offsets = [0], sizes = [1], strides = [1]} : vector<16xi32> to vector<1xi32>
      %squeeze3A_1389 = vector.extract %slice3A_1388[0] : i32 from vector<1xi32>
      %add3A_1390 = arith.addi %while3A_1354, %squeeze3A_1389 : i32
      scf.yield %add3A_1390 : i32
    }
    %while3A_508 = arith.constant 1 : i32
    %while3A_509 = scf.for %while3A_1353 = %while3A_505 to %while3A_501 step %while3A_508 iter_args(%while3A_1354 = %while3A_507) -> (i32)  : i32 {
      %mul3A_1355 = arith.constant 16 : i32
      %mul3A_1356 = arith.muli %while3A_1353, %mul3A_1355 : i32
      %add3A_1357 = arith.constant 0 : i32
      %add3A_1358 = arith.addi %add3A_1357, %mul3A_1356 : i32
      %get3A_1359 = arith.index_cast %add3A_1358 : i32 to index
      %get3A_1360 = tpu.vector_load %arg5[%get3A_1359] {strides = array<i32>} : memref<16416xi32, #tpu.memory_space<vmem>>, vector<16xi32>,
      %mul3A_1361 = arith.constant 16 : i32
      %mul3A_1362 = arith.muli %while3A_1353, %mul3A_1361 : i32
      %add3A_1363 = vector.broadcast %mul3A_1362 : i32 to vector<16xi32>
      %add3A_1364 = arith.addi %iota3A, %add3A_1363 : vector<16xi32>
      %lt3A_1365 = arith.cmpi slt, %add3A_1364, %sub3A_407 : vector<16xi32>
      %shift_right_logical3A_1366 = arith.constant 16 : i32
      %shift_right_logical3A_1367 = vector.broadcast %shift_right_logical3A_1366 : i32 to vector<16xi32>
      %shift_right_logical3A_1368 = arith.shrui %get3A_1360, %shift_right_logical3A_1367 : vector<16xi32>
      %and3A_1369 = arith.constant 15 : i32
      %and3A_1370 = vector.broadcast %and3A_1369 : i32 to vector<16xi32>
      %and3A_1371 = arith.andi %shift_right_logical3A_1368, %and3A_1370 : vector<16xi32>
      %eq3A_1372 = arith.cmpi eq, %and3A_1371, %sub3A_451 : vector<16xi32>
      %and3A_1373 = arith.andi %lt3A_1365, %eq3A_1372 : vector<16xi1>
      %add3A_1374 = arith.constant 0 : i32
      %add3A_1375 = arith.addi %add3A_1374, %while3A_1354 : i32
      %swap3A_1376 = arith.index_cast %add3A_1375 : i32 to index
      %swap3A_1377 = tpu.vector_load %arg6[%swap3A_1376] masked %and3A_1373 {strides = array<i32>} : memref<16416xi32, #tpu.memory_space<vmem>>, vector<16xi32>, vector<16xi1>
      tpu.vector_store %arg6[%swap3A_1376], %get3A_1360 masked %and3A_1373 {strides = array<i32>} : memref<16416xi32, #tpu.memory_space<vmem>>, vector<16xi32>, vector<16xi1>
      %shift_right_logical3A_1378 = arith.constant 12 : i32
      %shift_right_logical3A_1379 = vector.broadcast %shift_right_logical3A_1378 : i32 to vector<16xi32>
      %shift_right_logical3A_1380 = arith.shrui %get3A_1360, %shift_right_logical3A_1379 : vector<16xi32>
      %and3A_1381 = arith.constant 15 : i32
      %and3A_1382 = vector.broadcast %and3A_1381 : i32 to vector<16xi32>
      %and3A_1383 = arith.andi %shift_right_logical3A_1380, %and3A_1382 : vector<16xi32>
      %add3A_1384 = arith.constant 0 : i32
      %add3A_1385 = vector.broadcast %add3A_1384 : i32 to vector<16xi32>
      %add3A_1386 = arith.addi %add3A_1385, %and3A_1383 : vector<16xi32>
      tpu.vector_store_idx %arg7[%add3A_1386], %broadcast_in_dim3A_4 masked %and3A_1373 {add = true} : memref<512xi32, #tpu.memory_space<vmem>>[vector<16xi32>], vector<16xi32>, vector<16xi1>
      %all_reduce_population_count3A_1387 = tpu.all_reduce %and3A_1373 {dim = 0 : i64, kind = #tpu.reduction_kind<sum>} : vector<16xi1> -> vector<16xi32>
      %slice3A_1388 = vector.extract_strided_slice %all_reduce_population_count3A_1387 {offsets = [0], sizes = [1], strides = [1]} : vector<16xi32> to vector<1xi32>
      %squeeze3A_1389 = vector.extract %slice3A_1388[0] : i32 from vector<1xi32>
      %add3A_1390 = arith.addi %while3A_1354, %squeeze3A_1389 : i32
      scf.yield %add3A_1390 : i32
    }
    %get3A_510 = arith.constant 0 : index
    %get3A_511 = tpu.vector_load %arg7[%get3A_510] {strides = array<i32>} : memref<512xi32, #tpu.memory_space<vmem>>, vector<16xi32>,
    %rev3A_512 = arith.constant 15 : i32
    %rev3A_513 = vector.broadcast %rev3A_512 : i32 to vector<16xi32>
    %rev3A_514 = tpu.iota {dimensions = array<i32: 0>} : vector<16xi32>
    %rev3A_515 = arith.subi %rev3A_513, %rev3A_514 : vector<16xi32>
    %rev3A_516 = tpu.dynamic_gather %get3A_511[%rev3A_515] in [0] : vector<16xi32>, vector<16xi32> -> vector<16xi32>
    %broadcast_in_dim3A_517 = arith.constant true
    %broadcast_in_dim3A_518 = vector.broadcast %broadcast_in_dim3A_517 : i1 to vector<16xi1>
    %masked_cumsum3A_519 = tpu.scan <sum>, %rev3A_516 masked %broadcast_in_dim3A_518 : vector<16xi32>, vector<16xi1> -> vector<16xi32>
    %rev3A_520 = arith.constant 15 : i32
    %rev3A_521 = vector.broadcast %rev3A_520 : i32 to vector<16xi32>
    %rev3A_522 = tpu.iota {dimensions = array<i32: 0>} : vector<16xi32>
    %rev3A_523 = arith.subi %rev3A_521, %rev3A_522 : vector<16xi32>
    %rev3A_524 = tpu.dynamic_gather %masked_cumsum3A_519[%rev3A_523] in [0] : vector<16xi32>, vector<16xi32> -> vector<16xi32>
    %ge3A_525 = arith.cmpi sge, %rev3A_524, %sub3A_484 : vector<16xi32>
    %all_reduce_population_count3A_526 = tpu.all_reduce %ge3A_525 {dim = 0 : i64, kind = #tpu.reduction_kind<sum>} : vector<16xi1> -> vector<16xi32>
    %sub3A_527 = arith.constant 1 : i32
    %sub3A_528 = vector.broadcast %sub3A_527 : i32 to vector<16xi32>
    %sub3A_529 = arith.subi %all_reduce_population_count3A_526, %sub3A_528 : vector<16xi32>
    %lt3A_530 = arith.constant 0 : i32
    %lt3A_531 = vector.broadcast %lt3A_530 : i32 to vector<16xi32>
    %lt3A_532 = arith.cmpi slt, %sub3A_529, %lt3A_531 : vector<16xi32>
    %add3A_533 = arith.constant 16 : i32
    %add3A_534 = vector.broadcast %add3A_533 : i32 to vector<16xi32>
    %add3A_535 = arith.addi %sub3A_529, %add3A_534 : vector<16xi32>
    %select_n3A_536 = arith.select %lt3A_532, %add3A_535, %sub3A_529 : vector<16xi1>, vector<16xi32>
    %broadcast_in_dim3A_537 = vector.shape_cast %select_n3A_536 : vector<16xi32> to vector<16x1xi32>
    %gather3A_538 = vector.shape_cast %broadcast_in_dim3A_537 : vector<16x1xi32> to vector<16xi32>
    %gather3A_539 = tpu.dynamic_gather %rev3A_524[%gather3A_538] in [0] : vector<16xi32>, vector<16xi32> -> vector<16xi32>
    %add3A_540 = arith.constant 1 : i32
    %add3A_541 = vector.broadcast %add3A_540 : i32 to vector<16xi32>
    %add3A_542 = arith.addi %sub3A_529, %add3A_541 : vector<16xi32>
    %min3A_543 = arith.constant 15 : i32
    %min3A_544 = vector.broadcast %min3A_543 : i32 to vector<16xi32>
    %min3A_545 = arith.minsi %add3A_542, %min3A_544 : vector<16xi32>
    %eq3A_546 = arith.constant 15 : i32
    %eq3A_547 = vector.broadcast %eq3A_546 : i32 to vector<16xi32>
    %eq3A_548 = arith.cmpi eq, %sub3A_529, %eq3A_547 : vector<16xi32>
    %lt3A_549 = arith.constant 0 : i32
    %lt3A_550 = vector.broadcast %lt3A_549 : i32 to vector<16xi32>
    %lt3A_551 = arith.cmpi slt, %min3A_545, %lt3A_550 : vector<16xi32>
    %add3A_552 = arith.constant 16 : i32
    %add3A_553 = vector.broadcast %add3A_552 : i32 to vector<16xi32>
    %add3A_554 = arith.addi %min3A_545, %add3A_553 : vector<16xi32>
    %select_n3A_555 = arith.select %lt3A_551, %add3A_554, %min3A_545 : vector<16xi1>, vector<16xi32>
    %broadcast_in_dim3A_556 = vector.shape_cast %select_n3A_555 : vector<16xi32> to vector<16x1xi32>
    %gather3A_557 = vector.shape_cast %broadcast_in_dim3A_556 : vector<16x1xi32> to vector<16xi32>
    %gather3A_558 = tpu.dynamic_gather %rev3A_524[%gather3A_557] in [0] : vector<16xi32>, vector<16xi32> -> vector<16xi32>
    %jit3A_559 = arith.constant 0 : i32
    %broadcast_in_dim3A_560 = vector.broadcast %jit3A_559 : i32 to vector<16xi32>
    %select_n3A_561 = arith.select %eq3A_548, %broadcast_in_dim3A_560, %gather3A_558 : vector<16xi1>, vector<16xi32>
    %sub3A_562 = arith.subi %sub3A_484, %select_n3A_561 : vector<16xi32>
    %sub3A_563 = arith.subi %gather3A_539, %select_n3A_561 : vector<16xi32>
    %shift_left3A_564 = arith.constant 12 : i32
    %shift_left3A_565 = vector.broadcast %shift_left3A_564 : i32 to vector<16xi32>
    %shift_left3A_566 = arith.shli %sub3A_529, %shift_left3A_565 : vector<16xi32>
    %or3A_567 = arith.ori %or3A_489, %shift_left3A_566 : vector<16xi32>
    %swap3A_568 = arith.constant 0 : index
    %swap3A_569 = tpu.vector_load %arg7[%swap3A_568] {strides = array<i32>} : memref<512xi32, #tpu.memory_space<vmem>>, vector<16xi32>,
    tpu.vector_store %arg7[%swap3A_568], %broadcast_in_dim3A_6 {strides = array<i32>} : memref<512xi32, #tpu.memory_space<vmem>>, vector<16xi32>,
    %slice3A_570 = vector.extract_strided_slice %sub3A_485 {offsets = [0], sizes = [1], strides = [1]} : vector<16xi32> to vector<1xi32>
    %squeeze3A_571 = vector.extract %slice3A_570[0] : i32 from vector<1xi32>
    %add3A_572 = arith.constant 15 : i32
    %add3A_573 = arith.addi %squeeze3A_571, %add3A_572 : i32
    %shift_right_logical3A_574 = arith.constant 4 : i32
    %shift_right_logical3A_575 = arith.shrui %add3A_573, %shift_right_logical3A_574 : i32
    %while3A_576 = arith.constant 0 : i32
    %while3A_577 = arith.constant 0 : i32
    %while3A_578 = arith.subi %shift_right_logical3A_575, %while3A_576 : i32
    %while3A_579 = arith.addi %while3A_576, %while3A_578 : i32
    %while3A_580 = arith.constant 1 : i32
    %while3A_581 = arith.divsi %while3A_578, %while3A_580 : i32
    %while3A_582 = arith.muli %while3A_581, %while3A_580 : i32
    %while3A_583 = arith.addi %while3A_576, %while3A_582 : i32
    %while3A_584 = arith.constant 1 : i32
    %while3A_585 = scf.for %while3A_1353 = %while3A_576 to %while3A_583 step %while3A_584 iter_args(%while3A_1354 = %while3A_577) -> (i32)  : i32 {
      %mul3A_1355 = arith.constant 16 : i32
      %mul3A_1356 = arith.muli %while3A_1353, %mul3A_1355 : i32
      %add3A_1357 = arith.constant 0 : i32
      %add3A_1358 = arith.addi %add3A_1357, %mul3A_1356 : i32
      %get3A_1359 = arith.index_cast %add3A_1358 : i32 to index
      %get3A_1360 = tpu.vector_load %arg6[%get3A_1359] {strides = array<i32>} : memref<16416xi32, #tpu.memory_space<vmem>>, vector<16xi32>,
      %mul3A_1361 = arith.constant 16 : i32
      %mul3A_1362 = arith.muli %while3A_1353, %mul3A_1361 : i32
      %add3A_1363 = vector.broadcast %mul3A_1362 : i32 to vector<16xi32>
      %add3A_1364 = arith.addi %iota3A, %add3A_1363 : vector<16xi32>
      %lt3A_1365 = arith.cmpi slt, %add3A_1364, %sub3A_485 : vector<16xi32>
      %shift_right_logical3A_1366 = arith.constant 12 : i32
      %shift_right_logical3A_1367 = vector.broadcast %shift_right_logical3A_1366 : i32 to vector<16xi32>
      %shift_right_logical3A_1368 = arith.shrui %get3A_1360, %shift_right_logical3A_1367 : vector<16xi32>
      %and3A_1369 = arith.constant 15 : i32
      %and3A_1370 = vector.broadcast %and3A_1369 : i32 to vector<16xi32>
      %and3A_1371 = arith.andi %shift_right_logical3A_1368, %and3A_1370 : vector<16xi32>
      %eq3A_1372 = arith.cmpi eq, %and3A_1371, %sub3A_529 : vector<16xi32>
      %and3A_1373 = arith.andi %lt3A_1365, %eq3A_1372 : vector<16xi1>
      %add3A_1374 = arith.constant 0 : i32
      %add3A_1375 = arith.addi %add3A_1374, %while3A_1354 : i32
      %swap3A_1376 = arith.index_cast %add3A_1375 : i32 to index
      %swap3A_1377 = tpu.vector_load %arg5[%swap3A_1376] masked %and3A_1373 {strides = array<i32>} : memref<16416xi32, #tpu.memory_space<vmem>>, vector<16xi32>, vector<16xi1>
      tpu.vector_store %arg5[%swap3A_1376], %get3A_1360 masked %and3A_1373 {strides = array<i32>} : memref<16416xi32, #tpu.memory_space<vmem>>, vector<16xi32>, vector<16xi1>
      %shift_right_logical3A_1378 = arith.constant 8 : i32
      %shift_right_logical3A_1379 = vector.broadcast %shift_right_logical3A_1378 : i32 to vector<16xi32>
      %shift_right_logical3A_1380 = arith.shrui %get3A_1360, %shift_right_logical3A_1379 : vector<16xi32>
      %and3A_1381 = arith.constant 15 : i32
      %and3A_1382 = vector.broadcast %and3A_1381 : i32 to vector<16xi32>
      %and3A_1383 = arith.andi %shift_right_logical3A_1380, %and3A_1382 : vector<16xi32>
      %add3A_1384 = arith.constant 0 : i32
      %add3A_1385 = vector.broadcast %add3A_1384 : i32 to vector<16xi32>
      %add3A_1386 = arith.addi %add3A_1385, %and3A_1383 : vector<16xi32>
      tpu.vector_store_idx %arg7[%add3A_1386], %broadcast_in_dim3A_4 masked %and3A_1373 {add = true} : memref<512xi32, #tpu.memory_space<vmem>>[vector<16xi32>], vector<16xi32>, vector<16xi1>
      %all_reduce_population_count3A_1387 = tpu.all_reduce %and3A_1373 {dim = 0 : i64, kind = #tpu.reduction_kind<sum>} : vector<16xi1> -> vector<16xi32>
      %slice3A_1388 = vector.extract_strided_slice %all_reduce_population_count3A_1387 {offsets = [0], sizes = [1], strides = [1]} : vector<16xi32> to vector<1xi32>
      %squeeze3A_1389 = vector.extract %slice3A_1388[0] : i32 from vector<1xi32>
      %add3A_1390 = arith.addi %while3A_1354, %squeeze3A_1389 : i32
      scf.yield %add3A_1390 : i32
    }
    %while3A_586 = arith.constant 1 : i32
    %while3A_587 = scf.for %while3A_1353 = %while3A_583 to %while3A_579 step %while3A_586 iter_args(%while3A_1354 = %while3A_585) -> (i32)  : i32 {
      %mul3A_1355 = arith.constant 16 : i32
      %mul3A_1356 = arith.muli %while3A_1353, %mul3A_1355 : i32
      %add3A_1357 = arith.constant 0 : i32
      %add3A_1358 = arith.addi %add3A_1357, %mul3A_1356 : i32
      %get3A_1359 = arith.index_cast %add3A_1358 : i32 to index
      %get3A_1360 = tpu.vector_load %arg6[%get3A_1359] {strides = array<i32>} : memref<16416xi32, #tpu.memory_space<vmem>>, vector<16xi32>,
      %mul3A_1361 = arith.constant 16 : i32
      %mul3A_1362 = arith.muli %while3A_1353, %mul3A_1361 : i32
      %add3A_1363 = vector.broadcast %mul3A_1362 : i32 to vector<16xi32>
      %add3A_1364 = arith.addi %iota3A, %add3A_1363 : vector<16xi32>
      %lt3A_1365 = arith.cmpi slt, %add3A_1364, %sub3A_485 : vector<16xi32>
      %shift_right_logical3A_1366 = arith.constant 12 : i32
      %shift_right_logical3A_1367 = vector.broadcast %shift_right_logical3A_1366 : i32 to vector<16xi32>
      %shift_right_logical3A_1368 = arith.shrui %get3A_1360, %shift_right_logical3A_1367 : vector<16xi32>
      %and3A_1369 = arith.constant 15 : i32
      %and3A_1370 = vector.broadcast %and3A_1369 : i32 to vector<16xi32>
      %and3A_1371 = arith.andi %shift_right_logical3A_1368, %and3A_1370 : vector<16xi32>
      %eq3A_1372 = arith.cmpi eq, %and3A_1371, %sub3A_529 : vector<16xi32>
      %and3A_1373 = arith.andi %lt3A_1365, %eq3A_1372 : vector<16xi1>
      %add3A_1374 = arith.constant 0 : i32
      %add3A_1375 = arith.addi %add3A_1374, %while3A_1354 : i32
      %swap3A_1376 = arith.index_cast %add3A_1375 : i32 to index
      %swap3A_1377 = tpu.vector_load %arg5[%swap3A_1376] masked %and3A_1373 {strides = array<i32>} : memref<16416xi32, #tpu.memory_space<vmem>>, vector<16xi32>, vector<16xi1>
      tpu.vector_store %arg5[%swap3A_1376], %get3A_1360 masked %and3A_1373 {strides = array<i32>} : memref<16416xi32, #tpu.memory_space<vmem>>, vector<16xi32>, vector<16xi1>
      %shift_right_logical3A_1378 = arith.constant 8 : i32
      %shift_right_logical3A_1379 = vector.broadcast %shift_right_logical3A_1378 : i32 to vector<16xi32>
      %shift_right_logical3A_1380 = arith.shrui %get3A_1360, %shift_right_logical3A_1379 : vector<16xi32>
      %and3A_1381 = arith.constant 15 : i32
      %and3A_1382 = vector.broadcast %and3A_1381 : i32 to vector<16xi32>
      %and3A_1383 = arith.andi %shift_right_logical3A_1380, %and3A_1382 : vector<16xi32>
      %add3A_1384 = arith.constant 0 : i32
      %add3A_1385 = vector.broadcast %add3A_1384 : i32 to vector<16xi32>
      %add3A_1386 = arith.addi %add3A_1385, %and3A_1383 : vector<16xi32>
      tpu.vector_store_idx %arg7[%add3A_1386], %broadcast_in_dim3A_4 masked %and3A_1373 {add = true} : memref<512xi32, #tpu.memory_space<vmem>>[vector<16xi32>], vector<16xi32>, vector<16xi1>
      %all_reduce_population_count3A_1387 = tpu.all_reduce %and3A_1373 {dim = 0 : i64, kind = #tpu.reduction_kind<sum>} : vector<16xi1> -> vector<16xi32>
      %slice3A_1388 = vector.extract_strided_slice %all_reduce_population_count3A_1387 {offsets = [0], sizes = [1], strides = [1]} : vector<16xi32> to vector<1xi32>
      %squeeze3A_1389 = vector.extract %slice3A_1388[0] : i32 from vector<1xi32>
      %add3A_1390 = arith.addi %while3A_1354, %squeeze3A_1389 : i32
      scf.yield %add3A_1390 : i32
    }
    %get3A_588 = arith.constant 0 : index
    %get3A_589 = tpu.vector_load %arg7[%get3A_588] {strides = array<i32>} : memref<512xi32, #tpu.memory_space<vmem>>, vector<16xi32>,
    %rev3A_590 = arith.constant 15 : i32
    %rev3A_591 = vector.broadcast %rev3A_590 : i32 to vector<16xi32>
    %rev3A_592 = tpu.iota {dimensions = array<i32: 0>} : vector<16xi32>
    %rev3A_593 = arith.subi %rev3A_591, %rev3A_592 : vector<16xi32>
    %rev3A_594 = tpu.dynamic_gather %get3A_589[%rev3A_593] in [0] : vector<16xi32>, vector<16xi32> -> vector<16xi32>
    %broadcast_in_dim3A_595 = arith.constant true
    %broadcast_in_dim3A_596 = vector.broadcast %broadcast_in_dim3A_595 : i1 to vector<16xi1>
    %masked_cumsum3A_597 = tpu.scan <sum>, %rev3A_594 masked %broadcast_in_dim3A_596 : vector<16xi32>, vector<16xi1> -> vector<16xi32>
    %rev3A_598 = arith.constant 15 : i32
    %rev3A_599 = vector.broadcast %rev3A_598 : i32 to vector<16xi32>
    %rev3A_600 = tpu.iota {dimensions = array<i32: 0>} : vector<16xi32>
    %rev3A_601 = arith.subi %rev3A_599, %rev3A_600 : vector<16xi32>
    %rev3A_602 = tpu.dynamic_gather %masked_cumsum3A_597[%rev3A_601] in [0] : vector<16xi32>, vector<16xi32> -> vector<16xi32>
    %ge3A_603 = arith.cmpi sge, %rev3A_602, %sub3A_562 : vector<16xi32>
    %all_reduce_population_count3A_604 = tpu.all_reduce %ge3A_603 {dim = 0 : i64, kind = #tpu.reduction_kind<sum>} : vector<16xi1> -> vector<16xi32>
    %sub3A_605 = arith.constant 1 : i32
    %sub3A_606 = vector.broadcast %sub3A_605 : i32 to vector<16xi32>
    %sub3A_607 = arith.subi %all_reduce_population_count3A_604, %sub3A_606 : vector<16xi32>
    %lt3A_608 = arith.constant 0 : i32
    %lt3A_609 = vector.broadcast %lt3A_608 : i32 to vector<16xi32>
    %lt3A_610 = arith.cmpi slt, %sub3A_607, %lt3A_609 : vector<16xi32>
    %add3A_611 = arith.constant 16 : i32
    %add3A_612 = vector.broadcast %add3A_611 : i32 to vector<16xi32>
    %add3A_613 = arith.addi %sub3A_607, %add3A_612 : vector<16xi32>
    %select_n3A_614 = arith.select %lt3A_610, %add3A_613, %sub3A_607 : vector<16xi1>, vector<16xi32>
    %broadcast_in_dim3A_615 = vector.shape_cast %select_n3A_614 : vector<16xi32> to vector<16x1xi32>
    %gather3A_616 = vector.shape_cast %broadcast_in_dim3A_615 : vector<16x1xi32> to vector<16xi32>
    %gather3A_617 = tpu.dynamic_gather %rev3A_602[%gather3A_616] in [0] : vector<16xi32>, vector<16xi32> -> vector<16xi32>
    %add3A_618 = arith.constant 1 : i32
    %add3A_619 = vector.broadcast %add3A_618 : i32 to vector<16xi32>
    %add3A_620 = arith.addi %sub3A_607, %add3A_619 : vector<16xi32>
    %min3A_621 = arith.constant 15 : i32
    %min3A_622 = vector.broadcast %min3A_621 : i32 to vector<16xi32>
    %min3A_623 = arith.minsi %add3A_620, %min3A_622 : vector<16xi32>
    %eq3A_624 = arith.constant 15 : i32
    %eq3A_625 = vector.broadcast %eq3A_624 : i32 to vector<16xi32>
    %eq3A_626 = arith.cmpi eq, %sub3A_607, %eq3A_625 : vector<16xi32>
    %lt3A_627 = arith.constant 0 : i32
    %lt3A_628 = vector.broadcast %lt3A_627 : i32 to vector<16xi32>
    %lt3A_629 = arith.cmpi slt, %min3A_623, %lt3A_628 : vector<16xi32>
    %add3A_630 = arith.constant 16 : i32
    %add3A_631 = vector.broadcast %add3A_630 : i32 to vector<16xi32>
    %add3A_632 = arith.addi %min3A_623, %add3A_631 : vector<16xi32>
    %select_n3A_633 = arith.select %lt3A_629, %add3A_632, %min3A_623 : vector<16xi1>, vector<16xi32>
    %broadcast_in_dim3A_634 = vector.shape_cast %select_n3A_633 : vector<16xi32> to vector<16x1xi32>
    %gather3A_635 = vector.shape_cast %broadcast_in_dim3A_634 : vector<16x1xi32> to vector<16xi32>
    %gather3A_636 = tpu.dynamic_gather %rev3A_602[%gather3A_635] in [0] : vector<16xi32>, vector<16xi32> -> vector<16xi32>
    %jit3A_637 = arith.constant 0 : i32
    %broadcast_in_dim3A_638 = vector.broadcast %jit3A_637 : i32 to vector<16xi32>
    %select_n3A_639 = arith.select %eq3A_626, %broadcast_in_dim3A_638, %gather3A_636 : vector<16xi1>, vector<16xi32>
    %sub3A_640 = arith.subi %sub3A_562, %select_n3A_639 : vector<16xi32>
    %sub3A_641 = arith.subi %gather3A_617, %select_n3A_639 : vector<16xi32>
    %shift_left3A_642 = arith.constant 8 : i32
    %shift_left3A_643 = vector.broadcast %shift_left3A_642 : i32 to vector<16xi32>
    %shift_left3A_644 = arith.shli %sub3A_607, %shift_left3A_643 : vector<16xi32>
    %or3A_645 = arith.ori %or3A_567, %shift_left3A_644 : vector<16xi32>
    %swap3A_646 = arith.constant 0 : index
    %swap3A_647 = tpu.vector_load %arg7[%swap3A_646] {strides = array<i32>} : memref<512xi32, #tpu.memory_space<vmem>>, vector<16xi32>,
    tpu.vector_store %arg7[%swap3A_646], %broadcast_in_dim3A_6 {strides = array<i32>} : memref<512xi32, #tpu.memory_space<vmem>>, vector<16xi32>,
    %slice3A_648 = vector.extract_strided_slice %sub3A_563 {offsets = [0], sizes = [1], strides = [1]} : vector<16xi32> to vector<1xi32>
    %squeeze3A_649 = vector.extract %slice3A_648[0] : i32 from vector<1xi32>
    %add3A_650 = arith.constant 15 : i32
    %add3A_651 = arith.addi %squeeze3A_649, %add3A_650 : i32
    %shift_right_logical3A_652 = arith.constant 4 : i32
    %shift_right_logical3A_653 = arith.shrui %add3A_651, %shift_right_logical3A_652 : i32
    %while3A_654 = arith.constant 0 : i32
    %while3A_655 = arith.constant 0 : i32
    %while3A_656 = arith.subi %shift_right_logical3A_653, %while3A_654 : i32
    %while3A_657 = arith.addi %while3A_654, %while3A_656 : i32
    %while3A_658 = arith.constant 1 : i32
    %while3A_659 = arith.divsi %while3A_656, %while3A_658 : i32
    %while3A_660 = arith.muli %while3A_659, %while3A_658 : i32
    %while3A_661 = arith.addi %while3A_654, %while3A_660 : i32
    %while3A_662 = arith.constant 1 : i32
    %while3A_663 = scf.for %while3A_1353 = %while3A_654 to %while3A_661 step %while3A_662 iter_args(%while3A_1354 = %while3A_655) -> (i32)  : i32 {
      %mul3A_1355 = arith.constant 16 : i32
      %mul3A_1356 = arith.muli %while3A_1353, %mul3A_1355 : i32
      %add3A_1357 = arith.constant 0 : i32
      %add3A_1358 = arith.addi %add3A_1357, %mul3A_1356 : i32
      %get3A_1359 = arith.index_cast %add3A_1358 : i32 to index
      %get3A_1360 = tpu.vector_load %arg5[%get3A_1359] {strides = array<i32>} : memref<16416xi32, #tpu.memory_space<vmem>>, vector<16xi32>,
      %mul3A_1361 = arith.constant 16 : i32
      %mul3A_1362 = arith.muli %while3A_1353, %mul3A_1361 : i32
      %add3A_1363 = vector.broadcast %mul3A_1362 : i32 to vector<16xi32>
      %add3A_1364 = arith.addi %iota3A, %add3A_1363 : vector<16xi32>
      %lt3A_1365 = arith.cmpi slt, %add3A_1364, %sub3A_563 : vector<16xi32>
      %shift_right_logical3A_1366 = arith.constant 8 : i32
      %shift_right_logical3A_1367 = vector.broadcast %shift_right_logical3A_1366 : i32 to vector<16xi32>
      %shift_right_logical3A_1368 = arith.shrui %get3A_1360, %shift_right_logical3A_1367 : vector<16xi32>
      %and3A_1369 = arith.constant 15 : i32
      %and3A_1370 = vector.broadcast %and3A_1369 : i32 to vector<16xi32>
      %and3A_1371 = arith.andi %shift_right_logical3A_1368, %and3A_1370 : vector<16xi32>
      %eq3A_1372 = arith.cmpi eq, %and3A_1371, %sub3A_607 : vector<16xi32>
      %and3A_1373 = arith.andi %lt3A_1365, %eq3A_1372 : vector<16xi1>
      %add3A_1374 = arith.constant 0 : i32
      %add3A_1375 = arith.addi %add3A_1374, %while3A_1354 : i32
      %swap3A_1376 = arith.index_cast %add3A_1375 : i32 to index
      %swap3A_1377 = tpu.vector_load %arg6[%swap3A_1376] masked %and3A_1373 {strides = array<i32>} : memref<16416xi32, #tpu.memory_space<vmem>>, vector<16xi32>, vector<16xi1>
      tpu.vector_store %arg6[%swap3A_1376], %get3A_1360 masked %and3A_1373 {strides = array<i32>} : memref<16416xi32, #tpu.memory_space<vmem>>, vector<16xi32>, vector<16xi1>
      %shift_right_logical3A_1378 = arith.constant 4 : i32
      %shift_right_logical3A_1379 = vector.broadcast %shift_right_logical3A_1378 : i32 to vector<16xi32>
      %shift_right_logical3A_1380 = arith.shrui %get3A_1360, %shift_right_logical3A_1379 : vector<16xi32>
      %and3A_1381 = arith.constant 15 : i32
      %and3A_1382 = vector.broadcast %and3A_1381 : i32 to vector<16xi32>
      %and3A_1383 = arith.andi %shift_right_logical3A_1380, %and3A_1382 : vector<16xi32>
      %add3A_1384 = arith.constant 0 : i32
      %add3A_1385 = vector.broadcast %add3A_1384 : i32 to vector<16xi32>
      %add3A_1386 = arith.addi %add3A_1385, %and3A_1383 : vector<16xi32>
      tpu.vector_store_idx %arg7[%add3A_1386], %broadcast_in_dim3A_4 masked %and3A_1373 {add = true} : memref<512xi32, #tpu.memory_space<vmem>>[vector<16xi32>], vector<16xi32>, vector<16xi1>
      %all_reduce_population_count3A_1387 = tpu.all_reduce %and3A_1373 {dim = 0 : i64, kind = #tpu.reduction_kind<sum>} : vector<16xi1> -> vector<16xi32>
      %slice3A_1388 = vector.extract_strided_slice %all_reduce_population_count3A_1387 {offsets = [0], sizes = [1], strides = [1]} : vector<16xi32> to vector<1xi32>
      %squeeze3A_1389 = vector.extract %slice3A_1388[0] : i32 from vector<1xi32>
      %add3A_1390 = arith.addi %while3A_1354, %squeeze3A_1389 : i32
      scf.yield %add3A_1390 : i32
    }
    %while3A_664 = arith.constant 1 : i32
    %while3A_665 = scf.for %while3A_1353 = %while3A_661 to %while3A_657 step %while3A_664 iter_args(%while3A_1354 = %while3A_663) -> (i32)  : i32 {
      %mul3A_1355 = arith.constant 16 : i32
      %mul3A_1356 = arith.muli %while3A_1353, %mul3A_1355 : i32
      %add3A_1357 = arith.constant 0 : i32
      %add3A_1358 = arith.addi %add3A_1357, %mul3A_1356 : i32
      %get3A_1359 = arith.index_cast %add3A_1358 : i32 to index
      %get3A_1360 = tpu.vector_load %arg5[%get3A_1359] {strides = array<i32>} : memref<16416xi32, #tpu.memory_space<vmem>>, vector<16xi32>,
      %mul3A_1361 = arith.constant 16 : i32
      %mul3A_1362 = arith.muli %while3A_1353, %mul3A_1361 : i32
      %add3A_1363 = vector.broadcast %mul3A_1362 : i32 to vector<16xi32>
      %add3A_1364 = arith.addi %iota3A, %add3A_1363 : vector<16xi32>
      %lt3A_1365 = arith.cmpi slt, %add3A_1364, %sub3A_563 : vector<16xi32>
      %shift_right_logical3A_1366 = arith.constant 8 : i32
      %shift_right_logical3A_1367 = vector.broadcast %shift_right_logical3A_1366 : i32 to vector<16xi32>
      %shift_right_logical3A_1368 = arith.shrui %get3A_1360, %shift_right_logical3A_1367 : vector<16xi32>
      %and3A_1369 = arith.constant 15 : i32
      %and3A_1370 = vector.broadcast %and3A_1369 : i32 to vector<16xi32>
      %and3A_1371 = arith.andi %shift_right_logical3A_1368, %and3A_1370 : vector<16xi32>
      %eq3A_1372 = arith.cmpi eq, %and3A_1371, %sub3A_607 : vector<16xi32>
      %and3A_1373 = arith.andi %lt3A_1365, %eq3A_1372 : vector<16xi1>
      %add3A_1374 = arith.constant 0 : i32
      %add3A_1375 = arith.addi %add3A_1374, %while3A_1354 : i32
      %swap3A_1376 = arith.index_cast %add3A_1375 : i32 to index
      %swap3A_1377 = tpu.vector_load %arg6[%swap3A_1376] masked %and3A_1373 {strides = array<i32>} : memref<16416xi32, #tpu.memory_space<vmem>>, vector<16xi32>, vector<16xi1>
      tpu.vector_store %arg6[%swap3A_1376], %get3A_1360 masked %and3A_1373 {strides = array<i32>} : memref<16416xi32, #tpu.memory_space<vmem>>, vector<16xi32>, vector<16xi1>
      %shift_right_logical3A_1378 = arith.constant 4 : i32
      %shift_right_logical3A_1379 = vector.broadcast %shift_right_logical3A_1378 : i32 to vector<16xi32>
      %shift_right_logical3A_1380 = arith.shrui %get3A_1360, %shift_right_logical3A_1379 : vector<16xi32>
      %and3A_1381 = arith.constant 15 : i32
      %and3A_1382 = vector.broadcast %and3A_1381 : i32 to vector<16xi32>
      %and3A_1383 = arith.andi %shift_right_logical3A_1380, %and3A_1382 : vector<16xi32>
      %add3A_1384 = arith.constant 0 : i32
      %add3A_1385 = vector.broadcast %add3A_1384 : i32 to vector<16xi32>
      %add3A_1386 = arith.addi %add3A_1385, %and3A_1383 : vector<16xi32>
      tpu.vector_store_idx %arg7[%add3A_1386], %broadcast_in_dim3A_4 masked %and3A_1373 {add = true} : memref<512xi32, #tpu.memory_space<vmem>>[vector<16xi32>], vector<16xi32>, vector<16xi1>
      %all_reduce_population_count3A_1387 = tpu.all_reduce %and3A_1373 {dim = 0 : i64, kind = #tpu.reduction_kind<sum>} : vector<16xi1> -> vector<16xi32>
      %slice3A_1388 = vector.extract_strided_slice %all_reduce_population_count3A_1387 {offsets = [0], sizes = [1], strides = [1]} : vector<16xi32> to vector<1xi32>
      %squeeze3A_1389 = vector.extract %slice3A_1388[0] : i32 from vector<1xi32>
      %add3A_1390 = arith.addi %while3A_1354, %squeeze3A_1389 : i32
      scf.yield %add3A_1390 : i32
    }
    %get3A_666 = arith.constant 0 : index
    %get3A_667 = tpu.vector_load %arg7[%get3A_666] {strides = array<i32>} : memref<512xi32, #tpu.memory_space<vmem>>, vector<16xi32>,
    %rev3A_668 = arith.constant 15 : i32
    %rev3A_669 = vector.broadcast %rev3A_668 : i32 to vector<16xi32>
    %rev3A_670 = tpu.iota {dimensions = array<i32: 0>} : vector<16xi32>
    %rev3A_671 = arith.subi %rev3A_669, %rev3A_670 : vector<16xi32>
    %rev3A_672 = tpu.dynamic_gather %get3A_667[%rev3A_671] in [0] : vector<16xi32>, vector<16xi32> -> vector<16xi32>
    %broadcast_in_dim3A_673 = arith.constant true
    %broadcast_in_dim3A_674 = vector.broadcast %broadcast_in_dim3A_673 : i1 to vector<16xi1>
    %masked_cumsum3A_675 = tpu.scan <sum>, %rev3A_672 masked %broadcast_in_dim3A_674 : vector<16xi32>, vector<16xi1> -> vector<16xi32>
    %rev3A_676 = arith.constant 15 : i32
    %rev3A_677 = vector.broadcast %rev3A_676 : i32 to vector<16xi32>
    %rev3A_678 = tpu.iota {dimensions = array<i32: 0>} : vector<16xi32>
    %rev3A_679 = arith.subi %rev3A_677, %rev3A_678 : vector<16xi32>
    %rev3A_680 = tpu.dynamic_gather %masked_cumsum3A_675[%rev3A_679] in [0] : vector<16xi32>, vector<16xi32> -> vector<16xi32>
    %ge3A_681 = arith.cmpi sge, %rev3A_680, %sub3A_640 : vector<16xi32>
    %all_reduce_population_count3A_682 = tpu.all_reduce %ge3A_681 {dim = 0 : i64, kind = #tpu.reduction_kind<sum>} : vector<16xi1> -> vector<16xi32>
    %sub3A_683 = arith.constant 1 : i32
    %sub3A_684 = vector.broadcast %sub3A_683 : i32 to vector<16xi32>
    %sub3A_685 = arith.subi %all_reduce_population_count3A_682, %sub3A_684 : vector<16xi32>
    %lt3A_686 = arith.constant 0 : i32
    %lt3A_687 = vector.broadcast %lt3A_686 : i32 to vector<16xi32>
    %lt3A_688 = arith.cmpi slt, %sub3A_685, %lt3A_687 : vector<16xi32>
    %add3A_689 = arith.constant 16 : i32
    %add3A_690 = vector.broadcast %add3A_689 : i32 to vector<16xi32>
    %add3A_691 = arith.addi %sub3A_685, %add3A_690 : vector<16xi32>
    %select_n3A_692 = arith.select %lt3A_688, %add3A_691, %sub3A_685 : vector<16xi1>, vector<16xi32>
    %broadcast_in_dim3A_693 = vector.shape_cast %select_n3A_692 : vector<16xi32> to vector<16x1xi32>
    %gather3A_694 = vector.shape_cast %broadcast_in_dim3A_693 : vector<16x1xi32> to vector<16xi32>
    %gather3A_695 = tpu.dynamic_gather %rev3A_680[%gather3A_694] in [0] : vector<16xi32>, vector<16xi32> -> vector<16xi32>
    %add3A_696 = arith.constant 1 : i32
    %add3A_697 = vector.broadcast %add3A_696 : i32 to vector<16xi32>
    %add3A_698 = arith.addi %sub3A_685, %add3A_697 : vector<16xi32>
    %min3A_699 = arith.constant 15 : i32
    %min3A_700 = vector.broadcast %min3A_699 : i32 to vector<16xi32>
    %min3A_701 = arith.minsi %add3A_698, %min3A_700 : vector<16xi32>
    %eq3A_702 = arith.constant 15 : i32
    %eq3A_703 = vector.broadcast %eq3A_702 : i32 to vector<16xi32>
    %eq3A_704 = arith.cmpi eq, %sub3A_685, %eq3A_703 : vector<16xi32>
    %lt3A_705 = arith.constant 0 : i32
    %lt3A_706 = vector.broadcast %lt3A_705 : i32 to vector<16xi32>
    %lt3A_707 = arith.cmpi slt, %min3A_701, %lt3A_706 : vector<16xi32>
    %add3A_708 = arith.constant 16 : i32
    %add3A_709 = vector.broadcast %add3A_708 : i32 to vector<16xi32>
    %add3A_710 = arith.addi %min3A_701, %add3A_709 : vector<16xi32>
    %select_n3A_711 = arith.select %lt3A_707, %add3A_710, %min3A_701 : vector<16xi1>, vector<16xi32>
    %broadcast_in_dim3A_712 = vector.shape_cast %select_n3A_711 : vector<16xi32> to vector<16x1xi32>
    %gather3A_713 = vector.shape_cast %broadcast_in_dim3A_712 : vector<16x1xi32> to vector<16xi32>
    %gather3A_714 = tpu.dynamic_gather %rev3A_680[%gather3A_713] in [0] : vector<16xi32>, vector<16xi32> -> vector<16xi32>
    %jit3A_715 = arith.constant 0 : i32
    %broadcast_in_dim3A_716 = vector.broadcast %jit3A_715 : i32 to vector<16xi32>
    %select_n3A_717 = arith.select %eq3A_704, %broadcast_in_dim3A_716, %gather3A_714 : vector<16xi1>, vector<16xi32>
    %sub3A_718 = arith.subi %sub3A_640, %select_n3A_717 : vector<16xi32>
    %sub3A_719 = arith.subi %gather3A_695, %select_n3A_717 : vector<16xi32>
    %shift_left3A_720 = arith.constant 4 : i32
    %shift_left3A_721 = vector.broadcast %shift_left3A_720 : i32 to vector<16xi32>
    %shift_left3A_722 = arith.shli %sub3A_685, %shift_left3A_721 : vector<16xi32>
    %or3A_723 = arith.ori %or3A_645, %shift_left3A_722 : vector<16xi32>
    %swap3A_724 = arith.constant 0 : index
    %swap3A_725 = tpu.vector_load %arg7[%swap3A_724] {strides = array<i32>} : memref<512xi32, #tpu.memory_space<vmem>>, vector<16xi32>,
    tpu.vector_store %arg7[%swap3A_724], %broadcast_in_dim3A_6 {strides = array<i32>} : memref<512xi32, #tpu.memory_space<vmem>>, vector<16xi32>,
    %slice3A_726 = vector.extract_strided_slice %sub3A_641 {offsets = [0], sizes = [1], strides = [1]} : vector<16xi32> to vector<1xi32>
    %squeeze3A_727 = vector.extract %slice3A_726[0] : i32 from vector<1xi32>
    %add3A_728 = arith.constant 15 : i32
    %add3A_729 = arith.addi %squeeze3A_727, %add3A_728 : i32
    %shift_right_logical3A_730 = arith.constant 4 : i32
    %shift_right_logical3A_731 = arith.shrui %add3A_729, %shift_right_logical3A_730 : i32
    %while3A_732 = arith.constant 0 : i32
    %while3A_733 = arith.constant 0 : i32
    %while3A_734 = arith.subi %shift_right_logical3A_731, %while3A_732 : i32
    %while3A_735 = arith.addi %while3A_732, %while3A_734 : i32
    %while3A_736 = arith.constant 1 : i32
    %while3A_737 = arith.divsi %while3A_734, %while3A_736 : i32
    %while3A_738 = arith.muli %while3A_737, %while3A_736 : i32
    %while3A_739 = arith.addi %while3A_732, %while3A_738 : i32
    %while3A_740 = arith.constant 1 : i32
    %while3A_741 = scf.for %while3A_1353 = %while3A_732 to %while3A_739 step %while3A_740 iter_args(%while3A_1354 = %while3A_733) -> (i32)  : i32 {
      %mul3A_1355 = arith.constant 16 : i32
      %mul3A_1356 = arith.muli %while3A_1353, %mul3A_1355 : i32
      %add3A_1357 = arith.constant 0 : i32
      %add3A_1358 = arith.addi %add3A_1357, %mul3A_1356 : i32
      %get3A_1359 = arith.index_cast %add3A_1358 : i32 to index
      %get3A_1360 = tpu.vector_load %arg6[%get3A_1359] {strides = array<i32>} : memref<16416xi32, #tpu.memory_space<vmem>>, vector<16xi32>,
      %mul3A_1361 = arith.constant 16 : i32
      %mul3A_1362 = arith.muli %while3A_1353, %mul3A_1361 : i32
      %add3A_1363 = vector.broadcast %mul3A_1362 : i32 to vector<16xi32>
      %add3A_1364 = arith.addi %iota3A, %add3A_1363 : vector<16xi32>
      %lt3A_1365 = arith.cmpi slt, %add3A_1364, %sub3A_641 : vector<16xi32>
      %shift_right_logical3A_1366 = arith.constant 4 : i32
      %shift_right_logical3A_1367 = vector.broadcast %shift_right_logical3A_1366 : i32 to vector<16xi32>
      %shift_right_logical3A_1368 = arith.shrui %get3A_1360, %shift_right_logical3A_1367 : vector<16xi32>
      %and3A_1369 = arith.constant 15 : i32
      %and3A_1370 = vector.broadcast %and3A_1369 : i32 to vector<16xi32>
      %and3A_1371 = arith.andi %shift_right_logical3A_1368, %and3A_1370 : vector<16xi32>
      %eq3A_1372 = arith.cmpi eq, %and3A_1371, %sub3A_685 : vector<16xi32>
      %and3A_1373 = arith.andi %lt3A_1365, %eq3A_1372 : vector<16xi1>
      %add3A_1374 = arith.constant 0 : i32
      %add3A_1375 = arith.addi %add3A_1374, %while3A_1354 : i32
      %swap3A_1376 = arith.index_cast %add3A_1375 : i32 to index
      %swap3A_1377 = tpu.vector_load %arg5[%swap3A_1376] masked %and3A_1373 {strides = array<i32>} : memref<16416xi32, #tpu.memory_space<vmem>>, vector<16xi32>, vector<16xi1>
      tpu.vector_store %arg5[%swap3A_1376], %get3A_1360 masked %and3A_1373 {strides = array<i32>} : memref<16416xi32, #tpu.memory_space<vmem>>, vector<16xi32>, vector<16xi1>
      %shift_right_logical3A_1378 = arith.constant 0 : i32
      %shift_right_logical3A_1379 = vector.broadcast %shift_right_logical3A_1378 : i32 to vector<16xi32>
      %shift_right_logical3A_1380 = arith.shrui %get3A_1360, %shift_right_logical3A_1379 : vector<16xi32>
      %and3A_1381 = arith.constant 15 : i32
      %and3A_1382 = vector.broadcast %and3A_1381 : i32 to vector<16xi32>
      %and3A_1383 = arith.andi %shift_right_logical3A_1380, %and3A_1382 : vector<16xi32>
      %add3A_1384 = arith.constant 0 : i32
      %add3A_1385 = vector.broadcast %add3A_1384 : i32 to vector<16xi32>
      %add3A_1386 = arith.addi %add3A_1385, %and3A_1383 : vector<16xi32>
      tpu.vector_store_idx %arg7[%add3A_1386], %broadcast_in_dim3A_4 masked %and3A_1373 {add = true} : memref<512xi32, #tpu.memory_space<vmem>>[vector<16xi32>], vector<16xi32>, vector<16xi1>
      %all_reduce_population_count3A_1387 = tpu.all_reduce %and3A_1373 {dim = 0 : i64, kind = #tpu.reduction_kind<sum>} : vector<16xi1> -> vector<16xi32>
      %slice3A_1388 = vector.extract_strided_slice %all_reduce_population_count3A_1387 {offsets = [0], sizes = [1], strides = [1]} : vector<16xi32> to vector<1xi32>
      %squeeze3A_1389 = vector.extract %slice3A_1388[0] : i32 from vector<1xi32>
      %add3A_1390 = arith.addi %while3A_1354, %squeeze3A_1389 : i32
      scf.yield %add3A_1390 : i32
    }
    %while3A_742 = arith.constant 1 : i32
    %while3A_743 = scf.for %while3A_1353 = %while3A_739 to %while3A_735 step %while3A_742 iter_args(%while3A_1354 = %while3A_741) -> (i32)  : i32 {
      %mul3A_1355 = arith.constant 16 : i32
      %mul3A_1356 = arith.muli %while3A_1353, %mul3A_1355 : i32
      %add3A_1357 = arith.constant 0 : i32
      %add3A_1358 = arith.addi %add3A_1357, %mul3A_1356 : i32
      %get3A_1359 = arith.index_cast %add3A_1358 : i32 to index
      %get3A_1360 = tpu.vector_load %arg6[%get3A_1359] {strides = array<i32>} : memref<16416xi32, #tpu.memory_space<vmem>>, vector<16xi32>,
      %mul3A_1361 = arith.constant 16 : i32
      %mul3A_1362 = arith.muli %while3A_1353, %mul3A_1361 : i32
      %add3A_1363 = vector.broadcast %mul3A_1362 : i32 to vector<16xi32>
      %add3A_1364 = arith.addi %iota3A, %add3A_1363 : vector<16xi32>
      %lt3A_1365 = arith.cmpi slt, %add3A_1364, %sub3A_641 : vector<16xi32>
      %shift_right_logical3A_1366 = arith.constant 4 : i32
      %shift_right_logical3A_1367 = vector.broadcast %shift_right_logical3A_1366 : i32 to vector<16xi32>
      %shift_right_logical3A_1368 = arith.shrui %get3A_1360, %shift_right_logical3A_1367 : vector<16xi32>
      %and3A_1369 = arith.constant 15 : i32
      %and3A_1370 = vector.broadcast %and3A_1369 : i32 to vector<16xi32>
      %and3A_1371 = arith.andi %shift_right_logical3A_1368, %and3A_1370 : vector<16xi32>
      %eq3A_1372 = arith.cmpi eq, %and3A_1371, %sub3A_685 : vector<16xi32>
      %and3A_1373 = arith.andi %lt3A_1365, %eq3A_1372 : vector<16xi1>
      %add3A_1374 = arith.constant 0 : i32
      %add3A_1375 = arith.addi %add3A_1374, %while3A_1354 : i32
      %swap3A_1376 = arith.index_cast %add3A_1375 : i32 to index
      %swap3A_1377 = tpu.vector_load %arg5[%swap3A_1376] masked %and3A_1373 {strides = array<i32>} : memref<16416xi32, #tpu.memory_space<vmem>>, vector<16xi32>, vector<16xi1>
      tpu.vector_store %arg5[%swap3A_1376], %get3A_1360 masked %and3A_1373 {strides = array<i32>} : memref<16416xi32, #tpu.memory_space<vmem>>, vector<16xi32>, vector<16xi1>
      %shift_right_logical3A_1378 = arith.constant 0 : i32
      %shift_right_logical3A_1379 = vector.broadcast %shift_right_logical3A_1378 : i32 to vector<16xi32>
      %shift_right_logical3A_1380 = arith.shrui %get3A_1360, %shift_right_logical3A_1379 : vector<16xi32>
      %and3A_1381 = arith.constant 15 : i32
      %and3A_1382 = vector.broadcast %and3A_1381 : i32 to vector<16xi32>
      %and3A_1383 = arith.andi %shift_right_logical3A_1380, %and3A_1382 : vector<16xi32>
      %add3A_1384 = arith.constant 0 : i32
      %add3A_1385 = vector.broadcast %add3A_1384 : i32 to vector<16xi32>
      %add3A_1386 = arith.addi %add3A_1385, %and3A_1383 : vector<16xi32>
      tpu.vector_store_idx %arg7[%add3A_1386], %broadcast_in_dim3A_4 masked %and3A_1373 {add = true} : memref<512xi32, #tpu.memory_space<vmem>>[vector<16xi32>], vector<16xi32>, vector<16xi1>
      %all_reduce_population_count3A_1387 = tpu.all_reduce %and3A_1373 {dim = 0 : i64, kind = #tpu.reduction_kind<sum>} : vector<16xi1> -> vector<16xi32>
      %slice3A_1388 = vector.extract_strided_slice %all_reduce_population_count3A_1387 {offsets = [0], sizes = [1], strides = [1]} : vector<16xi32> to vector<1xi32>
      %squeeze3A_1389 = vector.extract %slice3A_1388[0] : i32 from vector<1xi32>
      %add3A_1390 = arith.addi %while3A_1354, %squeeze3A_1389 : i32
      scf.yield %add3A_1390 : i32
    }
    %get3A_744 = arith.constant 0 : index
    %get3A_745 = tpu.vector_load %arg7[%get3A_744] {strides = array<i32>} : memref<512xi32, #tpu.memory_space<vmem>>, vector<16xi32>,
    %rev3A_746 = arith.constant 15 : i32
    %rev3A_747 = vector.broadcast %rev3A_746 : i32 to vector<16xi32>
    %rev3A_748 = tpu.iota {dimensions = array<i32: 0>} : vector<16xi32>
    %rev3A_749 = arith.subi %rev3A_747, %rev3A_748 : vector<16xi32>
    %rev3A_750 = tpu.dynamic_gather %get3A_745[%rev3A_749] in [0] : vector<16xi32>, vector<16xi32> -> vector<16xi32>
    %broadcast_in_dim3A_751 = arith.constant true
    %broadcast_in_dim3A_752 = vector.broadcast %broadcast_in_dim3A_751 : i1 to vector<16xi1>
    %masked_cumsum3A_753 = tpu.scan <sum>, %rev3A_750 masked %broadcast_in_dim3A_752 : vector<16xi32>, vector<16xi1> -> vector<16xi32>
    %rev3A_754 = arith.constant 15 : i32
    %rev3A_755 = vector.broadcast %rev3A_754 : i32 to vector<16xi32>
    %rev3A_756 = tpu.iota {dimensions = array<i32: 0>} : vector<16xi32>
    %rev3A_757 = arith.subi %rev3A_755, %rev3A_756 : vector<16xi32>
    %rev3A_758 = tpu.dynamic_gather %masked_cumsum3A_753[%rev3A_757] in [0] : vector<16xi32>, vector<16xi32> -> vector<16xi32>
    %ge3A_759 = arith.cmpi sge, %rev3A_758, %sub3A_718 : vector<16xi32>
    %all_reduce_population_count3A_760 = tpu.all_reduce %ge3A_759 {dim = 0 : i64, kind = #tpu.reduction_kind<sum>} : vector<16xi1> -> vector<16xi32>
    %sub3A_761 = arith.constant 1 : i32
    %sub3A_762 = vector.broadcast %sub3A_761 : i32 to vector<16xi32>
    %sub3A_763 = arith.subi %all_reduce_population_count3A_760, %sub3A_762 : vector<16xi32>
    %lt3A_764 = arith.constant 0 : i32
    %lt3A_765 = vector.broadcast %lt3A_764 : i32 to vector<16xi32>
    %lt3A_766 = arith.cmpi slt, %sub3A_763, %lt3A_765 : vector<16xi32>
    %add3A_767 = arith.constant 16 : i32
    %add3A_768 = vector.broadcast %add3A_767 : i32 to vector<16xi32>
    %add3A_769 = arith.addi %sub3A_763, %add3A_768 : vector<16xi32>
    %select_n3A_770 = arith.select %lt3A_766, %add3A_769, %sub3A_763 : vector<16xi1>, vector<16xi32>
    %broadcast_in_dim3A_771 = vector.shape_cast %select_n3A_770 : vector<16xi32> to vector<16x1xi32>
    %gather3A_772 = vector.shape_cast %broadcast_in_dim3A_771 : vector<16x1xi32> to vector<16xi32>
    %gather3A_773 = tpu.dynamic_gather %rev3A_758[%gather3A_772] in [0] : vector<16xi32>, vector<16xi32> -> vector<16xi32>
    %add3A_774 = arith.constant 1 : i32
    %add3A_775 = vector.broadcast %add3A_774 : i32 to vector<16xi32>
    %add3A_776 = arith.addi %sub3A_763, %add3A_775 : vector<16xi32>
    %min3A_777 = arith.constant 15 : i32
    %min3A_778 = vector.broadcast %min3A_777 : i32 to vector<16xi32>
    %min3A_779 = arith.minsi %add3A_776, %min3A_778 : vector<16xi32>
    %eq3A_780 = arith.constant 15 : i32
    %eq3A_781 = vector.broadcast %eq3A_780 : i32 to vector<16xi32>
    %eq3A_782 = arith.cmpi eq, %sub3A_763, %eq3A_781 : vector<16xi32>
    %lt3A_783 = arith.constant 0 : i32
    %lt3A_784 = vector.broadcast %lt3A_783 : i32 to vector<16xi32>
    %lt3A_785 = arith.cmpi slt, %min3A_779, %lt3A_784 : vector<16xi32>
    %add3A_786 = arith.constant 16 : i32
    %add3A_787 = vector.broadcast %add3A_786 : i32 to vector<16xi32>
    %add3A_788 = arith.addi %min3A_779, %add3A_787 : vector<16xi32>
    %select_n3A_789 = arith.select %lt3A_785, %add3A_788, %min3A_779 : vector<16xi1>, vector<16xi32>
    %broadcast_in_dim3A_790 = vector.shape_cast %select_n3A_789 : vector<16xi32> to vector<16x1xi32>
    %gather3A_791 = vector.shape_cast %broadcast_in_dim3A_790 : vector<16x1xi32> to vector<16xi32>
    %gather3A_792 = tpu.dynamic_gather %rev3A_758[%gather3A_791] in [0] : vector<16xi32>, vector<16xi32> -> vector<16xi32>
    %jit3A_793 = arith.constant 0 : i32
    %broadcast_in_dim3A_794 = vector.broadcast %jit3A_793 : i32 to vector<16xi32>
    %select_n3A_795 = arith.select %eq3A_782, %broadcast_in_dim3A_794, %gather3A_792 : vector<16xi1>, vector<16xi32>
    %sub3A_796 = arith.subi %sub3A_718, %select_n3A_795 : vector<16xi32>
    %sub3A_797 = arith.subi %gather3A_773, %select_n3A_795 : vector<16xi32>
    %shift_left3A_798 = arith.constant 0 : i32
    %shift_left3A_799 = vector.broadcast %shift_left3A_798 : i32 to vector<16xi32>
    %shift_left3A_800 = arith.shli %sub3A_763, %shift_left3A_799 : vector<16xi32>
    %or3A_801 = arith.ori %or3A_723, %shift_left3A_800 : vector<16xi32>
    %xor3A = arith.constant -2147483648 : i32
    %xor3A_802 = vector.broadcast %xor3A : i32 to vector<16xi32>
    %xor3A_803 = arith.xori %or3A_801, %xor3A_802 : vector<16xi32>
    %shift_right_arithmetic3A = arith.constant 31 : i32
    %shift_right_arithmetic3A_804 = vector.broadcast %shift_right_arithmetic3A : i32 to vector<16xi32>
    %shift_right_arithmetic3A_805 = arith.shrsi %xor3A_803, %shift_right_arithmetic3A_804 : vector<16xi32>
    %and3A = arith.constant 2147483647 : i32
    %and3A_806 = vector.broadcast %and3A : i32 to vector<16xi32>
    %and3A_807 = arith.andi %shift_right_arithmetic3A_805, %and3A_806 : vector<16xi32>
    %xor3A_808 = arith.xori %xor3A_803, %and3A_807 : vector<16xi32>
    %bitcast_convert_type3A = tpu.bitcast %xor3A_808 : vector<16xi32> -> vector<16xf32>
    %get3A_809 = arith.constant 256 : index
    %get3A_810 = tpu.vector_load %arg7[%get3A_809] {strides = array<i32>} : memref<512xi32, #tpu.memory_space<vmem>>, vector<16xi32>,
    %rev3A_811 = arith.constant 15 : i32
    %rev3A_812 = vector.broadcast %rev3A_811 : i32 to vector<16xi32>
    %rev3A_813 = tpu.iota {dimensions = array<i32: 0>} : vector<16xi32>
    %rev3A_814 = arith.subi %rev3A_812, %rev3A_813 : vector<16xi32>
    %rev3A_815 = tpu.dynamic_gather %get3A_810[%rev3A_814] in [0] : vector<16xi32>, vector<16xi32> -> vector<16xi32>
    %broadcast_in_dim3A_816 = arith.constant true
    %broadcast_in_dim3A_817 = vector.broadcast %broadcast_in_dim3A_816 : i1 to vector<16xi1>
    %masked_cumsum3A_818 = tpu.scan <sum>, %rev3A_815 masked %broadcast_in_dim3A_817 : vector<16xi32>, vector<16xi1> -> vector<16xi32>
    %rev3A_819 = arith.constant 15 : i32
    %rev3A_820 = vector.broadcast %rev3A_819 : i32 to vector<16xi32>
    %rev3A_821 = tpu.iota {dimensions = array<i32: 0>} : vector<16xi32>
    %rev3A_822 = arith.subi %rev3A_820, %rev3A_821 : vector<16xi32>
    %rev3A_823 = tpu.dynamic_gather %masked_cumsum3A_818[%rev3A_822] in [0] : vector<16xi32>, vector<16xi32> -> vector<16xi32>
    %ge3A_824 = arith.cmpi sge, %rev3A_823, %sub3A_266 : vector<16xi32>
    %all_reduce_population_count3A_825 = tpu.all_reduce %ge3A_824 {dim = 0 : i64, kind = #tpu.reduction_kind<sum>} : vector<16xi1> -> vector<16xi32>
    %sub3A_826 = arith.constant 1 : i32
    %sub3A_827 = vector.broadcast %sub3A_826 : i32 to vector<16xi32>
    %sub3A_828 = arith.subi %all_reduce_population_count3A_825, %sub3A_827 : vector<16xi32>
    %lt3A_829 = arith.constant 0 : i32
    %lt3A_830 = vector.broadcast %lt3A_829 : i32 to vector<16xi32>
    %lt3A_831 = arith.cmpi slt, %sub3A_828, %lt3A_830 : vector<16xi32>
    %add3A_832 = arith.constant 16 : i32
    %add3A_833 = vector.broadcast %add3A_832 : i32 to vector<16xi32>
    %add3A_834 = arith.addi %sub3A_828, %add3A_833 : vector<16xi32>
    %select_n3A_835 = arith.select %lt3A_831, %add3A_834, %sub3A_828 : vector<16xi1>, vector<16xi32>
    %broadcast_in_dim3A_836 = vector.shape_cast %select_n3A_835 : vector<16xi32> to vector<16x1xi32>
    %gather3A_837 = vector.shape_cast %broadcast_in_dim3A_836 : vector<16x1xi32> to vector<16xi32>
    %gather3A_838 = tpu.dynamic_gather %rev3A_823[%gather3A_837] in [0] : vector<16xi32>, vector<16xi32> -> vector<16xi32>
    %add3A_839 = arith.constant 1 : i32
    %add3A_840 = vector.broadcast %add3A_839 : i32 to vector<16xi32>
    %add3A_841 = arith.addi %sub3A_828, %add3A_840 : vector<16xi32>
    %min3A_842 = arith.constant 15 : i32
    %min3A_843 = vector.broadcast %min3A_842 : i32 to vector<16xi32>
    %min3A_844 = arith.minsi %add3A_841, %min3A_843 : vector<16xi32>
    %eq3A_845 = arith.constant 15 : i32
    %eq3A_846 = vector.broadcast %eq3A_845 : i32 to vector<16xi32>
    %eq3A_847 = arith.cmpi eq, %sub3A_828, %eq3A_846 : vector<16xi32>
    %lt3A_848 = arith.constant 0 : i32
    %lt3A_849 = vector.broadcast %lt3A_848 : i32 to vector<16xi32>
    %lt3A_850 = arith.cmpi slt, %min3A_844, %lt3A_849 : vector<16xi32>
    %add3A_851 = arith.constant 16 : i32
    %add3A_852 = vector.broadcast %add3A_851 : i32 to vector<16xi32>
    %add3A_853 = arith.addi %min3A_844, %add3A_852 : vector<16xi32>
    %select_n3A_854 = arith.select %lt3A_850, %add3A_853, %min3A_844 : vector<16xi1>, vector<16xi32>
    %broadcast_in_dim3A_855 = vector.shape_cast %select_n3A_854 : vector<16xi32> to vector<16x1xi32>
    %gather3A_856 = vector.shape_cast %broadcast_in_dim3A_855 : vector<16x1xi32> to vector<16xi32>
    %gather3A_857 = tpu.dynamic_gather %rev3A_823[%gather3A_856] in [0] : vector<16xi32>, vector<16xi32> -> vector<16xi32>
    %jit3A_858 = arith.constant 0 : i32
    %broadcast_in_dim3A_859 = vector.broadcast %jit3A_858 : i32 to vector<16xi32>
    %select_n3A_860 = arith.select %eq3A_847, %broadcast_in_dim3A_859, %gather3A_857 : vector<16xi1>, vector<16xi32>
    %sub3A_861 = arith.subi %sub3A_266, %select_n3A_860 : vector<16xi32>
    %sub3A_862 = arith.subi %gather3A_838, %select_n3A_860 : vector<16xi32>
    %shift_left3A_863 = arith.constant 24 : i32
    %shift_left3A_864 = vector.broadcast %shift_left3A_863 : i32 to vector<16xi32>
    %shift_left3A_865 = arith.shli %sub3A_828, %shift_left3A_864 : vector<16xi32>
    %or3A_866 = arith.ori %shift_left3A_270, %shift_left3A_865 : vector<16xi32>
    %swap3A_867 = arith.constant 256 : index
    %swap3A_868 = tpu.vector_load %arg7[%swap3A_867] {strides = array<i32>} : memref<512xi32, #tpu.memory_space<vmem>>, vector<16xi32>,
    tpu.vector_store %arg7[%swap3A_867], %broadcast_in_dim3A_6 {strides = array<i32>} : memref<512xi32, #tpu.memory_space<vmem>>, vector<16xi32>,
    %slice3A_869 = vector.extract_strided_slice %sub3A_267 {offsets = [0], sizes = [1], strides = [1]} : vector<16xi32> to vector<1xi32>
    %squeeze3A_870 = vector.extract %slice3A_869[0] : i32 from vector<1xi32>
    %add3A_871 = arith.constant 15 : i32
    %add3A_872 = arith.addi %squeeze3A_870, %add3A_871 : i32
    %shift_right_logical3A_873 = arith.constant 4 : i32
    %shift_right_logical3A_874 = arith.shrui %add3A_872, %shift_right_logical3A_873 : i32
    %while3A_875 = arith.constant 0 : i32
    %while3A_876 = arith.constant 0 : i32
    %while3A_877 = arith.subi %shift_right_logical3A_874, %while3A_875 : i32
    %while3A_878 = arith.addi %while3A_875, %while3A_877 : i32
    %while3A_879 = arith.constant 1 : i32
    %while3A_880 = arith.divsi %while3A_877, %while3A_879 : i32
    %while3A_881 = arith.muli %while3A_880, %while3A_879 : i32
    %while3A_882 = arith.addi %while3A_875, %while3A_881 : i32
    %while3A_883 = arith.constant 1 : i32
    %while3A_884 = scf.for %while3A_1353 = %while3A_875 to %while3A_882 step %while3A_883 iter_args(%while3A_1354 = %while3A_876) -> (i32)  : i32 {
      %mul3A_1355 = arith.constant 16 : i32
      %mul3A_1356 = arith.muli %while3A_1353, %mul3A_1355 : i32
      %add3A_1357 = arith.constant 8208 : i32
      %add3A_1358 = arith.addi %add3A_1357, %mul3A_1356 : i32
      %get3A_1359 = arith.index_cast %add3A_1358 : i32 to index
      %get3A_1360 = tpu.vector_load %arg5[%get3A_1359] {strides = array<i32>} : memref<16416xi32, #tpu.memory_space<vmem>>, vector<16xi32>,
      %mul3A_1361 = arith.constant 16 : i32
      %mul3A_1362 = arith.muli %while3A_1353, %mul3A_1361 : i32
      %add3A_1363 = vector.broadcast %mul3A_1362 : i32 to vector<16xi32>
      %add3A_1364 = arith.addi %iota3A, %add3A_1363 : vector<16xi32>
      %lt3A_1365 = arith.cmpi slt, %add3A_1364, %sub3A_267 : vector<16xi32>
      %shift_right_logical3A_1366 = arith.constant 24 : i32
      %shift_right_logical3A_1367 = vector.broadcast %shift_right_logical3A_1366 : i32 to vector<16xi32>
      %shift_right_logical3A_1368 = arith.shrui %get3A_1360, %shift_right_logical3A_1367 : vector<16xi32>
      %and3A_1369 = arith.constant 15 : i32
      %and3A_1370 = vector.broadcast %and3A_1369 : i32 to vector<16xi32>
      %and3A_1371 = arith.andi %shift_right_logical3A_1368, %and3A_1370 : vector<16xi32>
      %eq3A_1372 = arith.cmpi eq, %and3A_1371, %sub3A_828 : vector<16xi32>
      %and3A_1373 = arith.andi %lt3A_1365, %eq3A_1372 : vector<16xi1>
      %add3A_1374 = arith.constant 8208 : i32
      %add3A_1375 = arith.addi %add3A_1374, %while3A_1354 : i32
      %swap3A_1376 = arith.index_cast %add3A_1375 : i32 to index
      %swap3A_1377 = tpu.vector_load %arg6[%swap3A_1376] masked %and3A_1373 {strides = array<i32>} : memref<16416xi32, #tpu.memory_space<vmem>>, vector<16xi32>, vector<16xi1>
      tpu.vector_store %arg6[%swap3A_1376], %get3A_1360 masked %and3A_1373 {strides = array<i32>} : memref<16416xi32, #tpu.memory_space<vmem>>, vector<16xi32>, vector<16xi1>
      %shift_right_logical3A_1378 = arith.constant 20 : i32
      %shift_right_logical3A_1379 = vector.broadcast %shift_right_logical3A_1378 : i32 to vector<16xi32>
      %shift_right_logical3A_1380 = arith.shrui %get3A_1360, %shift_right_logical3A_1379 : vector<16xi32>
      %and3A_1381 = arith.constant 15 : i32
      %and3A_1382 = vector.broadcast %and3A_1381 : i32 to vector<16xi32>
      %and3A_1383 = arith.andi %shift_right_logical3A_1380, %and3A_1382 : vector<16xi32>
      %add3A_1384 = arith.constant 256 : i32
      %add3A_1385 = vector.broadcast %add3A_1384 : i32 to vector<16xi32>
      %add3A_1386 = arith.addi %add3A_1385, %and3A_1383 : vector<16xi32>
      tpu.vector_store_idx %arg7[%add3A_1386], %broadcast_in_dim3A_4 masked %and3A_1373 {add = true} : memref<512xi32, #tpu.memory_space<vmem>>[vector<16xi32>], vector<16xi32>, vector<16xi1>
      %all_reduce_population_count3A_1387 = tpu.all_reduce %and3A_1373 {dim = 0 : i64, kind = #tpu.reduction_kind<sum>} : vector<16xi1> -> vector<16xi32>
      %slice3A_1388 = vector.extract_strided_slice %all_reduce_population_count3A_1387 {offsets = [0], sizes = [1], strides = [1]} : vector<16xi32> to vector<1xi32>
      %squeeze3A_1389 = vector.extract %slice3A_1388[0] : i32 from vector<1xi32>
      %add3A_1390 = arith.addi %while3A_1354, %squeeze3A_1389 : i32
      scf.yield %add3A_1390 : i32
    }
    %while3A_885 = arith.constant 1 : i32
    %while3A_886 = scf.for %while3A_1353 = %while3A_882 to %while3A_878 step %while3A_885 iter_args(%while3A_1354 = %while3A_884) -> (i32)  : i32 {
      %mul3A_1355 = arith.constant 16 : i32
      %mul3A_1356 = arith.muli %while3A_1353, %mul3A_1355 : i32
      %add3A_1357 = arith.constant 8208 : i32
      %add3A_1358 = arith.addi %add3A_1357, %mul3A_1356 : i32
      %get3A_1359 = arith.index_cast %add3A_1358 : i32 to index
      %get3A_1360 = tpu.vector_load %arg5[%get3A_1359] {strides = array<i32>} : memref<16416xi32, #tpu.memory_space<vmem>>, vector<16xi32>,
      %mul3A_1361 = arith.constant 16 : i32
      %mul3A_1362 = arith.muli %while3A_1353, %mul3A_1361 : i32
      %add3A_1363 = vector.broadcast %mul3A_1362 : i32 to vector<16xi32>
      %add3A_1364 = arith.addi %iota3A, %add3A_1363 : vector<16xi32>
      %lt3A_1365 = arith.cmpi slt, %add3A_1364, %sub3A_267 : vector<16xi32>
      %shift_right_logical3A_1366 = arith.constant 24 : i32
      %shift_right_logical3A_1367 = vector.broadcast %shift_right_logical3A_1366 : i32 to vector<16xi32>
      %shift_right_logical3A_1368 = arith.shrui %get3A_1360, %shift_right_logical3A_1367 : vector<16xi32>
      %and3A_1369 = arith.constant 15 : i32
      %and3A_1370 = vector.broadcast %and3A_1369 : i32 to vector<16xi32>
      %and3A_1371 = arith.andi %shift_right_logical3A_1368, %and3A_1370 : vector<16xi32>
      %eq3A_1372 = arith.cmpi eq, %and3A_1371, %sub3A_828 : vector<16xi32>
      %and3A_1373 = arith.andi %lt3A_1365, %eq3A_1372 : vector<16xi1>
      %add3A_1374 = arith.constant 8208 : i32
      %add3A_1375 = arith.addi %add3A_1374, %while3A_1354 : i32
      %swap3A_1376 = arith.index_cast %add3A_1375 : i32 to index
      %swap3A_1377 = tpu.vector_load %arg6[%swap3A_1376] masked %and3A_1373 {strides = array<i32>} : memref<16416xi32, #tpu.memory_space<vmem>>, vector<16xi32>, vector<16xi1>
      tpu.vector_store %arg6[%swap3A_1376], %get3A_1360 masked %and3A_1373 {strides = array<i32>} : memref<16416xi32, #tpu.memory_space<vmem>>, vector<16xi32>, vector<16xi1>
      %shift_right_logical3A_1378 = arith.constant 20 : i32
      %shift_right_logical3A_1379 = vector.broadcast %shift_right_logical3A_1378 : i32 to vector<16xi32>
      %shift_right_logical3A_1380 = arith.shrui %get3A_1360, %shift_right_logical3A_1379 : vector<16xi32>
      %and3A_1381 = arith.constant 15 : i32
      %and3A_1382 = vector.broadcast %and3A_1381 : i32 to vector<16xi32>
      %and3A_1383 = arith.andi %shift_right_logical3A_1380, %and3A_1382 : vector<16xi32>
      %add3A_1384 = arith.constant 256 : i32
      %add3A_1385 = vector.broadcast %add3A_1384 : i32 to vector<16xi32>
      %add3A_1386 = arith.addi %add3A_1385, %and3A_1383 : vector<16xi32>
      tpu.vector_store_idx %arg7[%add3A_1386], %broadcast_in_dim3A_4 masked %and3A_1373 {add = true} : memref<512xi32, #tpu.memory_space<vmem>>[vector<16xi32>], vector<16xi32>, vector<16xi1>
      %all_reduce_population_count3A_1387 = tpu.all_reduce %and3A_1373 {dim = 0 : i64, kind = #tpu.reduction_kind<sum>} : vector<16xi1> -> vector<16xi32>
      %slice3A_1388 = vector.extract_strided_slice %all_reduce_population_count3A_1387 {offsets = [0], sizes = [1], strides = [1]} : vector<16xi32> to vector<1xi32>
      %squeeze3A_1389 = vector.extract %slice3A_1388[0] : i32 from vector<1xi32>
      %add3A_1390 = arith.addi %while3A_1354, %squeeze3A_1389 : i32
      scf.yield %add3A_1390 : i32
    }
    %get3A_887 = arith.constant 256 : index
    %get3A_888 = tpu.vector_load %arg7[%get3A_887] {strides = array<i32>} : memref<512xi32, #tpu.memory_space<vmem>>, vector<16xi32>,
    %rev3A_889 = arith.constant 15 : i32
    %rev3A_890 = vector.broadcast %rev3A_889 : i32 to vector<16xi32>
    %rev3A_891 = tpu.iota {dimensions = array<i32: 0>} : vector<16xi32>
    %rev3A_892 = arith.subi %rev3A_890, %rev3A_891 : vector<16xi32>
    %rev3A_893 = tpu.dynamic_gather %get3A_888[%rev3A_892] in [0] : vector<16xi32>, vector<16xi32> -> vector<16xi32>
    %broadcast_in_dim3A_894 = arith.constant true
    %broadcast_in_dim3A_895 = vector.broadcast %broadcast_in_dim3A_894 : i1 to vector<16xi1>
    %masked_cumsum3A_896 = tpu.scan <sum>, %rev3A_893 masked %broadcast_in_dim3A_895 : vector<16xi32>, vector<16xi1> -> vector<16xi32>
    %rev3A_897 = arith.constant 15 : i32
    %rev3A_898 = vector.broadcast %rev3A_897 : i32 to vector<16xi32>
    %rev3A_899 = tpu.iota {dimensions = array<i32: 0>} : vector<16xi32>
    %rev3A_900 = arith.subi %rev3A_898, %rev3A_899 : vector<16xi32>
    %rev3A_901 = tpu.dynamic_gather %masked_cumsum3A_896[%rev3A_900] in [0] : vector<16xi32>, vector<16xi32> -> vector<16xi32>
    %ge3A_902 = arith.cmpi sge, %rev3A_901, %sub3A_861 : vector<16xi32>
    %all_reduce_population_count3A_903 = tpu.all_reduce %ge3A_902 {dim = 0 : i64, kind = #tpu.reduction_kind<sum>} : vector<16xi1> -> vector<16xi32>
    %sub3A_904 = arith.constant 1 : i32
    %sub3A_905 = vector.broadcast %sub3A_904 : i32 to vector<16xi32>
    %sub3A_906 = arith.subi %all_reduce_population_count3A_903, %sub3A_905 : vector<16xi32>
    %lt3A_907 = arith.constant 0 : i32
    %lt3A_908 = vector.broadcast %lt3A_907 : i32 to vector<16xi32>
    %lt3A_909 = arith.cmpi slt, %sub3A_906, %lt3A_908 : vector<16xi32>
    %add3A_910 = arith.constant 16 : i32
    %add3A_911 = vector.broadcast %add3A_910 : i32 to vector<16xi32>
    %add3A_912 = arith.addi %sub3A_906, %add3A_911 : vector<16xi32>
    %select_n3A_913 = arith.select %lt3A_909, %add3A_912, %sub3A_906 : vector<16xi1>, vector<16xi32>
    %broadcast_in_dim3A_914 = vector.shape_cast %select_n3A_913 : vector<16xi32> to vector<16x1xi32>
    %gather3A_915 = vector.shape_cast %broadcast_in_dim3A_914 : vector<16x1xi32> to vector<16xi32>
    %gather3A_916 = tpu.dynamic_gather %rev3A_901[%gather3A_915] in [0] : vector<16xi32>, vector<16xi32> -> vector<16xi32>
    %add3A_917 = arith.constant 1 : i32
    %add3A_918 = vector.broadcast %add3A_917 : i32 to vector<16xi32>
    %add3A_919 = arith.addi %sub3A_906, %add3A_918 : vector<16xi32>
    %min3A_920 = arith.constant 15 : i32
    %min3A_921 = vector.broadcast %min3A_920 : i32 to vector<16xi32>
    %min3A_922 = arith.minsi %add3A_919, %min3A_921 : vector<16xi32>
    %eq3A_923 = arith.constant 15 : i32
    %eq3A_924 = vector.broadcast %eq3A_923 : i32 to vector<16xi32>
    %eq3A_925 = arith.cmpi eq, %sub3A_906, %eq3A_924 : vector<16xi32>
    %lt3A_926 = arith.constant 0 : i32
    %lt3A_927 = vector.broadcast %lt3A_926 : i32 to vector<16xi32>
    %lt3A_928 = arith.cmpi slt, %min3A_922, %lt3A_927 : vector<16xi32>
    %add3A_929 = arith.constant 16 : i32
    %add3A_930 = vector.broadcast %add3A_929 : i32 to vector<16xi32>
    %add3A_931 = arith.addi %min3A_922, %add3A_930 : vector<16xi32>
    %select_n3A_932 = arith.select %lt3A_928, %add3A_931, %min3A_922 : vector<16xi1>, vector<16xi32>
    %broadcast_in_dim3A_933 = vector.shape_cast %select_n3A_932 : vector<16xi32> to vector<16x1xi32>
    %gather3A_934 = vector.shape_cast %broadcast_in_dim3A_933 : vector<16x1xi32> to vector<16xi32>
    %gather3A_935 = tpu.dynamic_gather %rev3A_901[%gather3A_934] in [0] : vector<16xi32>, vector<16xi32> -> vector<16xi32>
    %jit3A_936 = arith.constant 0 : i32
    %broadcast_in_dim3A_937 = vector.broadcast %jit3A_936 : i32 to vector<16xi32>
    %select_n3A_938 = arith.select %eq3A_925, %broadcast_in_dim3A_937, %gather3A_935 : vector<16xi1>, vector<16xi32>
    %sub3A_939 = arith.subi %sub3A_861, %select_n3A_938 : vector<16xi32>
    %sub3A_940 = arith.subi %gather3A_916, %select_n3A_938 : vector<16xi32>
    %shift_left3A_941 = arith.constant 20 : i32
    %shift_left3A_942 = vector.broadcast %shift_left3A_941 : i32 to vector<16xi32>
    %shift_left3A_943 = arith.shli %sub3A_906, %shift_left3A_942 : vector<16xi32>
    %or3A_944 = arith.ori %or3A_866, %shift_left3A_943 : vector<16xi32>
    %swap3A_945 = arith.constant 256 : index
    %swap3A_946 = tpu.vector_load %arg7[%swap3A_945] {strides = array<i32>} : memref<512xi32, #tpu.memory_space<vmem>>, vector<16xi32>,
    tpu.vector_store %arg7[%swap3A_945], %broadcast_in_dim3A_6 {strides = array<i32>} : memref<512xi32, #tpu.memory_space<vmem>>, vector<16xi32>,
    %slice3A_947 = vector.extract_strided_slice %sub3A_862 {offsets = [0], sizes = [1], strides = [1]} : vector<16xi32> to vector<1xi32>
    %squeeze3A_948 = vector.extract %slice3A_947[0] : i32 from vector<1xi32>
    %add3A_949 = arith.constant 15 : i32
    %add3A_950 = arith.addi %squeeze3A_948, %add3A_949 : i32
    %shift_right_logical3A_951 = arith.constant 4 : i32
    %shift_right_logical3A_952 = arith.shrui %add3A_950, %shift_right_logical3A_951 : i32
    %while3A_953 = arith.constant 0 : i32
    %while3A_954 = arith.constant 0 : i32
    %while3A_955 = arith.subi %shift_right_logical3A_952, %while3A_953 : i32
    %while3A_956 = arith.addi %while3A_953, %while3A_955 : i32
    %while3A_957 = arith.constant 1 : i32
    %while3A_958 = arith.divsi %while3A_955, %while3A_957 : i32
    %while3A_959 = arith.muli %while3A_958, %while3A_957 : i32
    %while3A_960 = arith.addi %while3A_953, %while3A_959 : i32
    %while3A_961 = arith.constant 1 : i32
    %while3A_962 = scf.for %while3A_1353 = %while3A_953 to %while3A_960 step %while3A_961 iter_args(%while3A_1354 = %while3A_954) -> (i32)  : i32 {
      %mul3A_1355 = arith.constant 16 : i32
      %mul3A_1356 = arith.muli %while3A_1353, %mul3A_1355 : i32
      %add3A_1357 = arith.constant 8208 : i32
      %add3A_1358 = arith.addi %add3A_1357, %mul3A_1356 : i32
      %get3A_1359 = arith.index_cast %add3A_1358 : i32 to index
      %get3A_1360 = tpu.vector_load %arg6[%get3A_1359] {strides = array<i32>} : memref<16416xi32, #tpu.memory_space<vmem>>, vector<16xi32>,
      %mul3A_1361 = arith.constant 16 : i32
      %mul3A_1362 = arith.muli %while3A_1353, %mul3A_1361 : i32
      %add3A_1363 = vector.broadcast %mul3A_1362 : i32 to vector<16xi32>
      %add3A_1364 = arith.addi %iota3A, %add3A_1363 : vector<16xi32>
      %lt3A_1365 = arith.cmpi slt, %add3A_1364, %sub3A_862 : vector<16xi32>
      %shift_right_logical3A_1366 = arith.constant 20 : i32
      %shift_right_logical3A_1367 = vector.broadcast %shift_right_logical3A_1366 : i32 to vector<16xi32>
      %shift_right_logical3A_1368 = arith.shrui %get3A_1360, %shift_right_logical3A_1367 : vector<16xi32>
      %and3A_1369 = arith.constant 15 : i32
      %and3A_1370 = vector.broadcast %and3A_1369 : i32 to vector<16xi32>
      %and3A_1371 = arith.andi %shift_right_logical3A_1368, %and3A_1370 : vector<16xi32>
      %eq3A_1372 = arith.cmpi eq, %and3A_1371, %sub3A_906 : vector<16xi32>
      %and3A_1373 = arith.andi %lt3A_1365, %eq3A_1372 : vector<16xi1>
      %add3A_1374 = arith.constant 8208 : i32
      %add3A_1375 = arith.addi %add3A_1374, %while3A_1354 : i32
      %swap3A_1376 = arith.index_cast %add3A_1375 : i32 to index
      %swap3A_1377 = tpu.vector_load %arg5[%swap3A_1376] masked %and3A_1373 {strides = array<i32>} : memref<16416xi32, #tpu.memory_space<vmem>>, vector<16xi32>, vector<16xi1>
      tpu.vector_store %arg5[%swap3A_1376], %get3A_1360 masked %and3A_1373 {strides = array<i32>} : memref<16416xi32, #tpu.memory_space<vmem>>, vector<16xi32>, vector<16xi1>
      %shift_right_logical3A_1378 = arith.constant 16 : i32
      %shift_right_logical3A_1379 = vector.broadcast %shift_right_logical3A_1378 : i32 to vector<16xi32>
      %shift_right_logical3A_1380 = arith.shrui %get3A_1360, %shift_right_logical3A_1379 : vector<16xi32>
      %and3A_1381 = arith.constant 15 : i32
      %and3A_1382 = vector.broadcast %and3A_1381 : i32 to vector<16xi32>
      %and3A_1383 = arith.andi %shift_right_logical3A_1380, %and3A_1382 : vector<16xi32>
      %add3A_1384 = arith.constant 256 : i32
      %add3A_1385 = vector.broadcast %add3A_1384 : i32 to vector<16xi32>
      %add3A_1386 = arith.addi %add3A_1385, %and3A_1383 : vector<16xi32>
      tpu.vector_store_idx %arg7[%add3A_1386], %broadcast_in_dim3A_4 masked %and3A_1373 {add = true} : memref<512xi32, #tpu.memory_space<vmem>>[vector<16xi32>], vector<16xi32>, vector<16xi1>
      %all_reduce_population_count3A_1387 = tpu.all_reduce %and3A_1373 {dim = 0 : i64, kind = #tpu.reduction_kind<sum>} : vector<16xi1> -> vector<16xi32>
      %slice3A_1388 = vector.extract_strided_slice %all_reduce_population_count3A_1387 {offsets = [0], sizes = [1], strides = [1]} : vector<16xi32> to vector<1xi32>
      %squeeze3A_1389 = vector.extract %slice3A_1388[0] : i32 from vector<1xi32>
      %add3A_1390 = arith.addi %while3A_1354, %squeeze3A_1389 : i32
      scf.yield %add3A_1390 : i32
    }
    %while3A_963 = arith.constant 1 : i32
    %while3A_964 = scf.for %while3A_1353 = %while3A_960 to %while3A_956 step %while3A_963 iter_args(%while3A_1354 = %while3A_962) -> (i32)  : i32 {
      %mul3A_1355 = arith.constant 16 : i32
      %mul3A_1356 = arith.muli %while3A_1353, %mul3A_1355 : i32
      %add3A_1357 = arith.constant 8208 : i32
      %add3A_1358 = arith.addi %add3A_1357, %mul3A_1356 : i32
      %get3A_1359 = arith.index_cast %add3A_1358 : i32 to index
      %get3A_1360 = tpu.vector_load %arg6[%get3A_1359] {strides = array<i32>} : memref<16416xi32, #tpu.memory_space<vmem>>, vector<16xi32>,
      %mul3A_1361 = arith.constant 16 : i32
      %mul3A_1362 = arith.muli %while3A_1353, %mul3A_1361 : i32
      %add3A_1363 = vector.broadcast %mul3A_1362 : i32 to vector<16xi32>
      %add3A_1364 = arith.addi %iota3A, %add3A_1363 : vector<16xi32>
      %lt3A_1365 = arith.cmpi slt, %add3A_1364, %sub3A_862 : vector<16xi32>
      %shift_right_logical3A_1366 = arith.constant 20 : i32
      %shift_right_logical3A_1367 = vector.broadcast %shift_right_logical3A_1366 : i32 to vector<16xi32>
      %shift_right_logical3A_1368 = arith.shrui %get3A_1360, %shift_right_logical3A_1367 : vector<16xi32>
      %and3A_1369 = arith.constant 15 : i32
      %and3A_1370 = vector.broadcast %and3A_1369 : i32 to vector<16xi32>
      %and3A_1371 = arith.andi %shift_right_logical3A_1368, %and3A_1370 : vector<16xi32>
      %eq3A_1372 = arith.cmpi eq, %and3A_1371, %sub3A_906 : vector<16xi32>
      %and3A_1373 = arith.andi %lt3A_1365, %eq3A_1372 : vector<16xi1>
      %add3A_1374 = arith.constant 8208 : i32
      %add3A_1375 = arith.addi %add3A_1374, %while3A_1354 : i32
      %swap3A_1376 = arith.index_cast %add3A_1375 : i32 to index
      %swap3A_1377 = tpu.vector_load %arg5[%swap3A_1376] masked %and3A_1373 {strides = array<i32>} : memref<16416xi32, #tpu.memory_space<vmem>>, vector<16xi32>, vector<16xi1>
      tpu.vector_store %arg5[%swap3A_1376], %get3A_1360 masked %and3A_1373 {strides = array<i32>} : memref<16416xi32, #tpu.memory_space<vmem>>, vector<16xi32>, vector<16xi1>
      %shift_right_logical3A_1378 = arith.constant 16 : i32
      %shift_right_logical3A_1379 = vector.broadcast %shift_right_logical3A_1378 : i32 to vector<16xi32>
      %shift_right_logical3A_1380 = arith.shrui %get3A_1360, %shift_right_logical3A_1379 : vector<16xi32>
      %and3A_1381 = arith.constant 15 : i32
      %and3A_1382 = vector.broadcast %and3A_1381 : i32 to vector<16xi32>
      %and3A_1383 = arith.andi %shift_right_logical3A_1380, %and3A_1382 : vector<16xi32>
      %add3A_1384 = arith.constant 256 : i32
      %add3A_1385 = vector.broadcast %add3A_1384 : i32 to vector<16xi32>
      %add3A_1386 = arith.addi %add3A_1385, %and3A_1383 : vector<16xi32>
      tpu.vector_store_idx %arg7[%add3A_1386], %broadcast_in_dim3A_4 masked %and3A_1373 {add = true} : memref<512xi32, #tpu.memory_space<vmem>>[vector<16xi32>], vector<16xi32>, vector<16xi1>
      %all_reduce_population_count3A_1387 = tpu.all_reduce %and3A_1373 {dim = 0 : i64, kind = #tpu.reduction_kind<sum>} : vector<16xi1> -> vector<16xi32>
      %slice3A_1388 = vector.extract_strided_slice %all_reduce_population_count3A_1387 {offsets = [0], sizes = [1], strides = [1]} : vector<16xi32> to vector<1xi32>
      %squeeze3A_1389 = vector.extract %slice3A_1388[0] : i32 from vector<1xi32>
      %add3A_1390 = arith.addi %while3A_1354, %squeeze3A_1389 : i32
      scf.yield %add3A_1390 : i32
    }
    %get3A_965 = arith.constant 256 : index
    %get3A_966 = tpu.vector_load %arg7[%get3A_965] {strides = array<i32>} : memref<512xi32, #tpu.memory_space<vmem>>, vector<16xi32>,
    %rev3A_967 = arith.constant 15 : i32
    %rev3A_968 = vector.broadcast %rev3A_967 : i32 to vector<16xi32>
    %rev3A_969 = tpu.iota {dimensions = array<i32: 0>} : vector<16xi32>
    %rev3A_970 = arith.subi %rev3A_968, %rev3A_969 : vector<16xi32>
    %rev3A_971 = tpu.dynamic_gather %get3A_966[%rev3A_970] in [0] : vector<16xi32>, vector<16xi32> -> vector<16xi32>
    %broadcast_in_dim3A_972 = arith.constant true
    %broadcast_in_dim3A_973 = vector.broadcast %broadcast_in_dim3A_972 : i1 to vector<16xi1>
    %masked_cumsum3A_974 = tpu.scan <sum>, %rev3A_971 masked %broadcast_in_dim3A_973 : vector<16xi32>, vector<16xi1> -> vector<16xi32>
    %rev3A_975 = arith.constant 15 : i32
    %rev3A_976 = vector.broadcast %rev3A_975 : i32 to vector<16xi32>
    %rev3A_977 = tpu.iota {dimensions = array<i32: 0>} : vector<16xi32>
    %rev3A_978 = arith.subi %rev3A_976, %rev3A_977 : vector<16xi32>
    %rev3A_979 = tpu.dynamic_gather %masked_cumsum3A_974[%rev3A_978] in [0] : vector<16xi32>, vector<16xi32> -> vector<16xi32>
    %ge3A_980 = arith.cmpi sge, %rev3A_979, %sub3A_939 : vector<16xi32>
    %all_reduce_population_count3A_981 = tpu.all_reduce %ge3A_980 {dim = 0 : i64, kind = #tpu.reduction_kind<sum>} : vector<16xi1> -> vector<16xi32>
    %sub3A_982 = arith.constant 1 : i32
    %sub3A_983 = vector.broadcast %sub3A_982 : i32 to vector<16xi32>
    %sub3A_984 = arith.subi %all_reduce_population_count3A_981, %sub3A_983 : vector<16xi32>
    %lt3A_985 = arith.constant 0 : i32
    %lt3A_986 = vector.broadcast %lt3A_985 : i32 to vector<16xi32>
    %lt3A_987 = arith.cmpi slt, %sub3A_984, %lt3A_986 : vector<16xi32>
    %add3A_988 = arith.constant 16 : i32
    %add3A_989 = vector.broadcast %add3A_988 : i32 to vector<16xi32>
    %add3A_990 = arith.addi %sub3A_984, %add3A_989 : vector<16xi32>
    %select_n3A_991 = arith.select %lt3A_987, %add3A_990, %sub3A_984 : vector<16xi1>, vector<16xi32>
    %broadcast_in_dim3A_992 = vector.shape_cast %select_n3A_991 : vector<16xi32> to vector<16x1xi32>
    %gather3A_993 = vector.shape_cast %broadcast_in_dim3A_992 : vector<16x1xi32> to vector<16xi32>
    %gather3A_994 = tpu.dynamic_gather %rev3A_979[%gather3A_993] in [0] : vector<16xi32>, vector<16xi32> -> vector<16xi32>
    %add3A_995 = arith.constant 1 : i32
    %add3A_996 = vector.broadcast %add3A_995 : i32 to vector<16xi32>
    %add3A_997 = arith.addi %sub3A_984, %add3A_996 : vector<16xi32>
    %min3A_998 = arith.constant 15 : i32
    %min3A_999 = vector.broadcast %min3A_998 : i32 to vector<16xi32>
    %min3A_1000 = arith.minsi %add3A_997, %min3A_999 : vector<16xi32>
    %eq3A_1001 = arith.constant 15 : i32
    %eq3A_1002 = vector.broadcast %eq3A_1001 : i32 to vector<16xi32>
    %eq3A_1003 = arith.cmpi eq, %sub3A_984, %eq3A_1002 : vector<16xi32>
    %lt3A_1004 = arith.constant 0 : i32
    %lt3A_1005 = vector.broadcast %lt3A_1004 : i32 to vector<16xi32>
    %lt3A_1006 = arith.cmpi slt, %min3A_1000, %lt3A_1005 : vector<16xi32>
    %add3A_1007 = arith.constant 16 : i32
    %add3A_1008 = vector.broadcast %add3A_1007 : i32 to vector<16xi32>
    %add3A_1009 = arith.addi %min3A_1000, %add3A_1008 : vector<16xi32>
    %select_n3A_1010 = arith.select %lt3A_1006, %add3A_1009, %min3A_1000 : vector<16xi1>, vector<16xi32>
    %broadcast_in_dim3A_1011 = vector.shape_cast %select_n3A_1010 : vector<16xi32> to vector<16x1xi32>
    %gather3A_1012 = vector.shape_cast %broadcast_in_dim3A_1011 : vector<16x1xi32> to vector<16xi32>
    %gather3A_1013 = tpu.dynamic_gather %rev3A_979[%gather3A_1012] in [0] : vector<16xi32>, vector<16xi32> -> vector<16xi32>
    %jit3A_1014 = arith.constant 0 : i32
    %broadcast_in_dim3A_1015 = vector.broadcast %jit3A_1014 : i32 to vector<16xi32>
    %select_n3A_1016 = arith.select %eq3A_1003, %broadcast_in_dim3A_1015, %gather3A_1013 : vector<16xi1>, vector<16xi32>
    %sub3A_1017 = arith.subi %sub3A_939, %select_n3A_1016 : vector<16xi32>
    %sub3A_1018 = arith.subi %gather3A_994, %select_n3A_1016 : vector<16xi32>
    %shift_left3A_1019 = arith.constant 16 : i32
    %shift_left3A_1020 = vector.broadcast %shift_left3A_1019 : i32 to vector<16xi32>
    %shift_left3A_1021 = arith.shli %sub3A_984, %shift_left3A_1020 : vector<16xi32>
    %or3A_1022 = arith.ori %or3A_944, %shift_left3A_1021 : vector<16xi32>
    %swap3A_1023 = arith.constant 256 : index
    %swap3A_1024 = tpu.vector_load %arg7[%swap3A_1023] {strides = array<i32>} : memref<512xi32, #tpu.memory_space<vmem>>, vector<16xi32>,
    tpu.vector_store %arg7[%swap3A_1023], %broadcast_in_dim3A_6 {strides = array<i32>} : memref<512xi32, #tpu.memory_space<vmem>>, vector<16xi32>,
    %slice3A_1025 = vector.extract_strided_slice %sub3A_940 {offsets = [0], sizes = [1], strides = [1]} : vector<16xi32> to vector<1xi32>
    %squeeze3A_1026 = vector.extract %slice3A_1025[0] : i32 from vector<1xi32>
    %add3A_1027 = arith.constant 15 : i32
    %add3A_1028 = arith.addi %squeeze3A_1026, %add3A_1027 : i32
    %shift_right_logical3A_1029 = arith.constant 4 : i32
    %shift_right_logical3A_1030 = arith.shrui %add3A_1028, %shift_right_logical3A_1029 : i32
    %while3A_1031 = arith.constant 0 : i32
    %while3A_1032 = arith.constant 0 : i32
    %while3A_1033 = arith.subi %shift_right_logical3A_1030, %while3A_1031 : i32
    %while3A_1034 = arith.addi %while3A_1031, %while3A_1033 : i32
    %while3A_1035 = arith.constant 1 : i32
    %while3A_1036 = arith.divsi %while3A_1033, %while3A_1035 : i32
    %while3A_1037 = arith.muli %while3A_1036, %while3A_1035 : i32
    %while3A_1038 = arith.addi %while3A_1031, %while3A_1037 : i32
    %while3A_1039 = arith.constant 1 : i32
    %while3A_1040 = scf.for %while3A_1353 = %while3A_1031 to %while3A_1038 step %while3A_1039 iter_args(%while3A_1354 = %while3A_1032) -> (i32)  : i32 {
      %mul3A_1355 = arith.constant 16 : i32
      %mul3A_1356 = arith.muli %while3A_1353, %mul3A_1355 : i32
      %add3A_1357 = arith.constant 8208 : i32
      %add3A_1358 = arith.addi %add3A_1357, %mul3A_1356 : i32
      %get3A_1359 = arith.index_cast %add3A_1358 : i32 to index
      %get3A_1360 = tpu.vector_load %arg5[%get3A_1359] {strides = array<i32>} : memref<16416xi32, #tpu.memory_space<vmem>>, vector<16xi32>,
      %mul3A_1361 = arith.constant 16 : i32
      %mul3A_1362 = arith.muli %while3A_1353, %mul3A_1361 : i32
      %add3A_1363 = vector.broadcast %mul3A_1362 : i32 to vector<16xi32>
      %add3A_1364 = arith.addi %iota3A, %add3A_1363 : vector<16xi32>
      %lt3A_1365 = arith.cmpi slt, %add3A_1364, %sub3A_940 : vector<16xi32>
      %shift_right_logical3A_1366 = arith.constant 16 : i32
      %shift_right_logical3A_1367 = vector.broadcast %shift_right_logical3A_1366 : i32 to vector<16xi32>
      %shift_right_logical3A_1368 = arith.shrui %get3A_1360, %shift_right_logical3A_1367 : vector<16xi32>
      %and3A_1369 = arith.constant 15 : i32
      %and3A_1370 = vector.broadcast %and3A_1369 : i32 to vector<16xi32>
      %and3A_1371 = arith.andi %shift_right_logical3A_1368, %and3A_1370 : vector<16xi32>
      %eq3A_1372 = arith.cmpi eq, %and3A_1371, %sub3A_984 : vector<16xi32>
      %and3A_1373 = arith.andi %lt3A_1365, %eq3A_1372 : vector<16xi1>
      %add3A_1374 = arith.constant 8208 : i32
      %add3A_1375 = arith.addi %add3A_1374, %while3A_1354 : i32
      %swap3A_1376 = arith.index_cast %add3A_1375 : i32 to index
      %swap3A_1377 = tpu.vector_load %arg6[%swap3A_1376] masked %and3A_1373 {strides = array<i32>} : memref<16416xi32, #tpu.memory_space<vmem>>, vector<16xi32>, vector<16xi1>
      tpu.vector_store %arg6[%swap3A_1376], %get3A_1360 masked %and3A_1373 {strides = array<i32>} : memref<16416xi32, #tpu.memory_space<vmem>>, vector<16xi32>, vector<16xi1>
      %shift_right_logical3A_1378 = arith.constant 12 : i32
      %shift_right_logical3A_1379 = vector.broadcast %shift_right_logical3A_1378 : i32 to vector<16xi32>
      %shift_right_logical3A_1380 = arith.shrui %get3A_1360, %shift_right_logical3A_1379 : vector<16xi32>
      %and3A_1381 = arith.constant 15 : i32
      %and3A_1382 = vector.broadcast %and3A_1381 : i32 to vector<16xi32>
      %and3A_1383 = arith.andi %shift_right_logical3A_1380, %and3A_1382 : vector<16xi32>
      %add3A_1384 = arith.constant 256 : i32
      %add3A_1385 = vector.broadcast %add3A_1384 : i32 to vector<16xi32>
      %add3A_1386 = arith.addi %add3A_1385, %and3A_1383 : vector<16xi32>
      tpu.vector_store_idx %arg7[%add3A_1386], %broadcast_in_dim3A_4 masked %and3A_1373 {add = true} : memref<512xi32, #tpu.memory_space<vmem>>[vector<16xi32>], vector<16xi32>, vector<16xi1>
      %all_reduce_population_count3A_1387 = tpu.all_reduce %and3A_1373 {dim = 0 : i64, kind = #tpu.reduction_kind<sum>} : vector<16xi1> -> vector<16xi32>
      %slice3A_1388 = vector.extract_strided_slice %all_reduce_population_count3A_1387 {offsets = [0], sizes = [1], strides = [1]} : vector<16xi32> to vector<1xi32>
      %squeeze3A_1389 = vector.extract %slice3A_1388[0] : i32 from vector<1xi32>
      %add3A_1390 = arith.addi %while3A_1354, %squeeze3A_1389 : i32
      scf.yield %add3A_1390 : i32
    }
    %while3A_1041 = arith.constant 1 : i32
    %while3A_1042 = scf.for %while3A_1353 = %while3A_1038 to %while3A_1034 step %while3A_1041 iter_args(%while3A_1354 = %while3A_1040) -> (i32)  : i32 {
      %mul3A_1355 = arith.constant 16 : i32
      %mul3A_1356 = arith.muli %while3A_1353, %mul3A_1355 : i32
      %add3A_1357 = arith.constant 8208 : i32
      %add3A_1358 = arith.addi %add3A_1357, %mul3A_1356 : i32
      %get3A_1359 = arith.index_cast %add3A_1358 : i32 to index
      %get3A_1360 = tpu.vector_load %arg5[%get3A_1359] {strides = array<i32>} : memref<16416xi32, #tpu.memory_space<vmem>>, vector<16xi32>,
      %mul3A_1361 = arith.constant 16 : i32
      %mul3A_1362 = arith.muli %while3A_1353, %mul3A_1361 : i32
      %add3A_1363 = vector.broadcast %mul3A_1362 : i32 to vector<16xi32>
      %add3A_1364 = arith.addi %iota3A, %add3A_1363 : vector<16xi32>
      %lt3A_1365 = arith.cmpi slt, %add3A_1364, %sub3A_940 : vector<16xi32>
      %shift_right_logical3A_1366 = arith.constant 16 : i32
      %shift_right_logical3A_1367 = vector.broadcast %shift_right_logical3A_1366 : i32 to vector<16xi32>
      %shift_right_logical3A_1368 = arith.shrui %get3A_1360, %shift_right_logical3A_1367 : vector<16xi32>
      %and3A_1369 = arith.constant 15 : i32
      %and3A_1370 = vector.broadcast %and3A_1369 : i32 to vector<16xi32>
      %and3A_1371 = arith.andi %shift_right_logical3A_1368, %and3A_1370 : vector<16xi32>
      %eq3A_1372 = arith.cmpi eq, %and3A_1371, %sub3A_984 : vector<16xi32>
      %and3A_1373 = arith.andi %lt3A_1365, %eq3A_1372 : vector<16xi1>
      %add3A_1374 = arith.constant 8208 : i32
      %add3A_1375 = arith.addi %add3A_1374, %while3A_1354 : i32
      %swap3A_1376 = arith.index_cast %add3A_1375 : i32 to index
      %swap3A_1377 = tpu.vector_load %arg6[%swap3A_1376] masked %and3A_1373 {strides = array<i32>} : memref<16416xi32, #tpu.memory_space<vmem>>, vector<16xi32>, vector<16xi1>
      tpu.vector_store %arg6[%swap3A_1376], %get3A_1360 masked %and3A_1373 {strides = array<i32>} : memref<16416xi32, #tpu.memory_space<vmem>>, vector<16xi32>, vector<16xi1>
      %shift_right_logical3A_1378 = arith.constant 12 : i32
      %shift_right_logical3A_1379 = vector.broadcast %shift_right_logical3A_1378 : i32 to vector<16xi32>
      %shift_right_logical3A_1380 = arith.shrui %get3A_1360, %shift_right_logical3A_1379 : vector<16xi32>
      %and3A_1381 = arith.constant 15 : i32
      %and3A_1382 = vector.broadcast %and3A_1381 : i32 to vector<16xi32>
      %and3A_1383 = arith.andi %shift_right_logical3A_1380, %and3A_1382 : vector<16xi32>
      %add3A_1384 = arith.constant 256 : i32
      %add3A_1385 = vector.broadcast %add3A_1384 : i32 to vector<16xi32>
      %add3A_1386 = arith.addi %add3A_1385, %and3A_1383 : vector<16xi32>
      tpu.vector_store_idx %arg7[%add3A_1386], %broadcast_in_dim3A_4 masked %and3A_1373 {add = true} : memref<512xi32, #tpu.memory_space<vmem>>[vector<16xi32>], vector<16xi32>, vector<16xi1>
      %all_reduce_population_count3A_1387 = tpu.all_reduce %and3A_1373 {dim = 0 : i64, kind = #tpu.reduction_kind<sum>} : vector<16xi1> -> vector<16xi32>
      %slice3A_1388 = vector.extract_strided_slice %all_reduce_population_count3A_1387 {offsets = [0], sizes = [1], strides = [1]} : vector<16xi32> to vector<1xi32>
      %squeeze3A_1389 = vector.extract %slice3A_1388[0] : i32 from vector<1xi32>
      %add3A_1390 = arith.addi %while3A_1354, %squeeze3A_1389 : i32
      scf.yield %add3A_1390 : i32
    }
    %get3A_1043 = arith.constant 256 : index
    %get3A_1044 = tpu.vector_load %arg7[%get3A_1043] {strides = array<i32>} : memref<512xi32, #tpu.memory_space<vmem>>, vector<16xi32>,
    %rev3A_1045 = arith.constant 15 : i32
    %rev3A_1046 = vector.broadcast %rev3A_1045 : i32 to vector<16xi32>
    %rev3A_1047 = tpu.iota {dimensions = array<i32: 0>} : vector<16xi32>
    %rev3A_1048 = arith.subi %rev3A_1046, %rev3A_1047 : vector<16xi32>
    %rev3A_1049 = tpu.dynamic_gather %get3A_1044[%rev3A_1048] in [0] : vector<16xi32>, vector<16xi32> -> vector<16xi32>
    %broadcast_in_dim3A_1050 = arith.constant true
    %broadcast_in_dim3A_1051 = vector.broadcast %broadcast_in_dim3A_1050 : i1 to vector<16xi1>
    %masked_cumsum3A_1052 = tpu.scan <sum>, %rev3A_1049 masked %broadcast_in_dim3A_1051 : vector<16xi32>, vector<16xi1> -> vector<16xi32>
    %rev3A_1053 = arith.constant 15 : i32
    %rev3A_1054 = vector.broadcast %rev3A_1053 : i32 to vector<16xi32>
    %rev3A_1055 = tpu.iota {dimensions = array<i32: 0>} : vector<16xi32>
    %rev3A_1056 = arith.subi %rev3A_1054, %rev3A_1055 : vector<16xi32>
    %rev3A_1057 = tpu.dynamic_gather %masked_cumsum3A_1052[%rev3A_1056] in [0] : vector<16xi32>, vector<16xi32> -> vector<16xi32>
    %ge3A_1058 = arith.cmpi sge, %rev3A_1057, %sub3A_1017 : vector<16xi32>
    %all_reduce_population_count3A_1059 = tpu.all_reduce %ge3A_1058 {dim = 0 : i64, kind = #tpu.reduction_kind<sum>} : vector<16xi1> -> vector<16xi32>
    %sub3A_1060 = arith.constant 1 : i32
    %sub3A_1061 = vector.broadcast %sub3A_1060 : i32 to vector<16xi32>
    %sub3A_1062 = arith.subi %all_reduce_population_count3A_1059, %sub3A_1061 : vector<16xi32>
    %lt3A_1063 = arith.constant 0 : i32
    %lt3A_1064 = vector.broadcast %lt3A_1063 : i32 to vector<16xi32>
    %lt3A_1065 = arith.cmpi slt, %sub3A_1062, %lt3A_1064 : vector<16xi32>
    %add3A_1066 = arith.constant 16 : i32
    %add3A_1067 = vector.broadcast %add3A_1066 : i32 to vector<16xi32>
    %add3A_1068 = arith.addi %sub3A_1062, %add3A_1067 : vector<16xi32>
    %select_n3A_1069 = arith.select %lt3A_1065, %add3A_1068, %sub3A_1062 : vector<16xi1>, vector<16xi32>
    %broadcast_in_dim3A_1070 = vector.shape_cast %select_n3A_1069 : vector<16xi32> to vector<16x1xi32>
    %gather3A_1071 = vector.shape_cast %broadcast_in_dim3A_1070 : vector<16x1xi32> to vector<16xi32>
    %gather3A_1072 = tpu.dynamic_gather %rev3A_1057[%gather3A_1071] in [0] : vector<16xi32>, vector<16xi32> -> vector<16xi32>
    %add3A_1073 = arith.constant 1 : i32
    %add3A_1074 = vector.broadcast %add3A_1073 : i32 to vector<16xi32>
    %add3A_1075 = arith.addi %sub3A_1062, %add3A_1074 : vector<16xi32>
    %min3A_1076 = arith.constant 15 : i32
    %min3A_1077 = vector.broadcast %min3A_1076 : i32 to vector<16xi32>
    %min3A_1078 = arith.minsi %add3A_1075, %min3A_1077 : vector<16xi32>
    %eq3A_1079 = arith.constant 15 : i32
    %eq3A_1080 = vector.broadcast %eq3A_1079 : i32 to vector<16xi32>
    %eq3A_1081 = arith.cmpi eq, %sub3A_1062, %eq3A_1080 : vector<16xi32>
    %lt3A_1082 = arith.constant 0 : i32
    %lt3A_1083 = vector.broadcast %lt3A_1082 : i32 to vector<16xi32>
    %lt3A_1084 = arith.cmpi slt, %min3A_1078, %lt3A_1083 : vector<16xi32>
    %add3A_1085 = arith.constant 16 : i32
    %add3A_1086 = vector.broadcast %add3A_1085 : i32 to vector<16xi32>
    %add3A_1087 = arith.addi %min3A_1078, %add3A_1086 : vector<16xi32>
    %select_n3A_1088 = arith.select %lt3A_1084, %add3A_1087, %min3A_1078 : vector<16xi1>, vector<16xi32>
    %broadcast_in_dim3A_1089 = vector.shape_cast %select_n3A_1088 : vector<16xi32> to vector<16x1xi32>
    %gather3A_1090 = vector.shape_cast %broadcast_in_dim3A_1089 : vector<16x1xi32> to vector<16xi32>
    %gather3A_1091 = tpu.dynamic_gather %rev3A_1057[%gather3A_1090] in [0] : vector<16xi32>, vector<16xi32> -> vector<16xi32>
    %jit3A_1092 = arith.constant 0 : i32
    %broadcast_in_dim3A_1093 = vector.broadcast %jit3A_1092 : i32 to vector<16xi32>
    %select_n3A_1094 = arith.select %eq3A_1081, %broadcast_in_dim3A_1093, %gather3A_1091 : vector<16xi1>, vector<16xi32>
    %sub3A_1095 = arith.subi %sub3A_1017, %select_n3A_1094 : vector<16xi32>
    %sub3A_1096 = arith.subi %gather3A_1072, %select_n3A_1094 : vector<16xi32>
    %shift_left3A_1097 = arith.constant 12 : i32
    %shift_left3A_1098 = vector.broadcast %shift_left3A_1097 : i32 to vector<16xi32>
    %shift_left3A_1099 = arith.shli %sub3A_1062, %shift_left3A_1098 : vector<16xi32>
    %or3A_1100 = arith.ori %or3A_1022, %shift_left3A_1099 : vector<16xi32>
    %swap3A_1101 = arith.constant 256 : index
    %swap3A_1102 = tpu.vector_load %arg7[%swap3A_1101] {strides = array<i32>} : memref<512xi32, #tpu.memory_space<vmem>>, vector<16xi32>,
    tpu.vector_store %arg7[%swap3A_1101], %broadcast_in_dim3A_6 {strides = array<i32>} : memref<512xi32, #tpu.memory_space<vmem>>, vector<16xi32>,
    %slice3A_1103 = vector.extract_strided_slice %sub3A_1018 {offsets = [0], sizes = [1], strides = [1]} : vector<16xi32> to vector<1xi32>
    %squeeze3A_1104 = vector.extract %slice3A_1103[0] : i32 from vector<1xi32>
    %add3A_1105 = arith.constant 15 : i32
    %add3A_1106 = arith.addi %squeeze3A_1104, %add3A_1105 : i32
    %shift_right_logical3A_1107 = arith.constant 4 : i32
    %shift_right_logical3A_1108 = arith.shrui %add3A_1106, %shift_right_logical3A_1107 : i32
    %while3A_1109 = arith.constant 0 : i32
    %while3A_1110 = arith.constant 0 : i32
    %while3A_1111 = arith.subi %shift_right_logical3A_1108, %while3A_1109 : i32
    %while3A_1112 = arith.addi %while3A_1109, %while3A_1111 : i32
    %while3A_1113 = arith.constant 1 : i32
    %while3A_1114 = arith.divsi %while3A_1111, %while3A_1113 : i32
    %while3A_1115 = arith.muli %while3A_1114, %while3A_1113 : i32
    %while3A_1116 = arith.addi %while3A_1109, %while3A_1115 : i32
    %while3A_1117 = arith.constant 1 : i32
    %while3A_1118 = scf.for %while3A_1353 = %while3A_1109 to %while3A_1116 step %while3A_1117 iter_args(%while3A_1354 = %while3A_1110) -> (i32)  : i32 {
      %mul3A_1355 = arith.constant 16 : i32
      %mul3A_1356 = arith.muli %while3A_1353, %mul3A_1355 : i32
      %add3A_1357 = arith.constant 8208 : i32
      %add3A_1358 = arith.addi %add3A_1357, %mul3A_1356 : i32
      %get3A_1359 = arith.index_cast %add3A_1358 : i32 to index
      %get3A_1360 = tpu.vector_load %arg6[%get3A_1359] {strides = array<i32>} : memref<16416xi32, #tpu.memory_space<vmem>>, vector<16xi32>,
      %mul3A_1361 = arith.constant 16 : i32
      %mul3A_1362 = arith.muli %while3A_1353, %mul3A_1361 : i32
      %add3A_1363 = vector.broadcast %mul3A_1362 : i32 to vector<16xi32>
      %add3A_1364 = arith.addi %iota3A, %add3A_1363 : vector<16xi32>
      %lt3A_1365 = arith.cmpi slt, %add3A_1364, %sub3A_1018 : vector<16xi32>
      %shift_right_logical3A_1366 = arith.constant 12 : i32
      %shift_right_logical3A_1367 = vector.broadcast %shift_right_logical3A_1366 : i32 to vector<16xi32>
      %shift_right_logical3A_1368 = arith.shrui %get3A_1360, %shift_right_logical3A_1367 : vector<16xi32>
      %and3A_1369 = arith.constant 15 : i32
      %and3A_1370 = vector.broadcast %and3A_1369 : i32 to vector<16xi32>
      %and3A_1371 = arith.andi %shift_right_logical3A_1368, %and3A_1370 : vector<16xi32>
      %eq3A_1372 = arith.cmpi eq, %and3A_1371, %sub3A_1062 : vector<16xi32>
      %and3A_1373 = arith.andi %lt3A_1365, %eq3A_1372 : vector<16xi1>
      %add3A_1374 = arith.constant 8208 : i32
      %add3A_1375 = arith.addi %add3A_1374, %while3A_1354 : i32
      %swap3A_1376 = arith.index_cast %add3A_1375 : i32 to index
      %swap3A_1377 = tpu.vector_load %arg5[%swap3A_1376] masked %and3A_1373 {strides = array<i32>} : memref<16416xi32, #tpu.memory_space<vmem>>, vector<16xi32>, vector<16xi1>
      tpu.vector_store %arg5[%swap3A_1376], %get3A_1360 masked %and3A_1373 {strides = array<i32>} : memref<16416xi32, #tpu.memory_space<vmem>>, vector<16xi32>, vector<16xi1>
      %shift_right_logical3A_1378 = arith.constant 8 : i32
      %shift_right_logical3A_1379 = vector.broadcast %shift_right_logical3A_1378 : i32 to vector<16xi32>
      %shift_right_logical3A_1380 = arith.shrui %get3A_1360, %shift_right_logical3A_1379 : vector<16xi32>
      %and3A_1381 = arith.constant 15 : i32
      %and3A_1382 = vector.broadcast %and3A_1381 : i32 to vector<16xi32>
      %and3A_1383 = arith.andi %shift_right_logical3A_1380, %and3A_1382 : vector<16xi32>
      %add3A_1384 = arith.constant 256 : i32
      %add3A_1385 = vector.broadcast %add3A_1384 : i32 to vector<16xi32>
      %add3A_1386 = arith.addi %add3A_1385, %and3A_1383 : vector<16xi32>
      tpu.vector_store_idx %arg7[%add3A_1386], %broadcast_in_dim3A_4 masked %and3A_1373 {add = true} : memref<512xi32, #tpu.memory_space<vmem>>[vector<16xi32>], vector<16xi32>, vector<16xi1>
      %all_reduce_population_count3A_1387 = tpu.all_reduce %and3A_1373 {dim = 0 : i64, kind = #tpu.reduction_kind<sum>} : vector<16xi1> -> vector<16xi32>
      %slice3A_1388 = vector.extract_strided_slice %all_reduce_population_count3A_1387 {offsets = [0], sizes = [1], strides = [1]} : vector<16xi32> to vector<1xi32>
      %squeeze3A_1389 = vector.extract %slice3A_1388[0] : i32 from vector<1xi32>
      %add3A_1390 = arith.addi %while3A_1354, %squeeze3A_1389 : i32
      scf.yield %add3A_1390 : i32
    }
    %while3A_1119 = arith.constant 1 : i32
    %while3A_1120 = scf.for %while3A_1353 = %while3A_1116 to %while3A_1112 step %while3A_1119 iter_args(%while3A_1354 = %while3A_1118) -> (i32)  : i32 {
      %mul3A_1355 = arith.constant 16 : i32
      %mul3A_1356 = arith.muli %while3A_1353, %mul3A_1355 : i32
      %add3A_1357 = arith.constant 8208 : i32
      %add3A_1358 = arith.addi %add3A_1357, %mul3A_1356 : i32
      %get3A_1359 = arith.index_cast %add3A_1358 : i32 to index
      %get3A_1360 = tpu.vector_load %arg6[%get3A_1359] {strides = array<i32>} : memref<16416xi32, #tpu.memory_space<vmem>>, vector<16xi32>,
      %mul3A_1361 = arith.constant 16 : i32
      %mul3A_1362 = arith.muli %while3A_1353, %mul3A_1361 : i32
      %add3A_1363 = vector.broadcast %mul3A_1362 : i32 to vector<16xi32>
      %add3A_1364 = arith.addi %iota3A, %add3A_1363 : vector<16xi32>
      %lt3A_1365 = arith.cmpi slt, %add3A_1364, %sub3A_1018 : vector<16xi32>
      %shift_right_logical3A_1366 = arith.constant 12 : i32
      %shift_right_logical3A_1367 = vector.broadcast %shift_right_logical3A_1366 : i32 to vector<16xi32>
      %shift_right_logical3A_1368 = arith.shrui %get3A_1360, %shift_right_logical3A_1367 : vector<16xi32>
      %and3A_1369 = arith.constant 15 : i32
      %and3A_1370 = vector.broadcast %and3A_1369 : i32 to vector<16xi32>
      %and3A_1371 = arith.andi %shift_right_logical3A_1368, %and3A_1370 : vector<16xi32>
      %eq3A_1372 = arith.cmpi eq, %and3A_1371, %sub3A_1062 : vector<16xi32>
      %and3A_1373 = arith.andi %lt3A_1365, %eq3A_1372 : vector<16xi1>
      %add3A_1374 = arith.constant 8208 : i32
      %add3A_1375 = arith.addi %add3A_1374, %while3A_1354 : i32
      %swap3A_1376 = arith.index_cast %add3A_1375 : i32 to index
      %swap3A_1377 = tpu.vector_load %arg5[%swap3A_1376] masked %and3A_1373 {strides = array<i32>} : memref<16416xi32, #tpu.memory_space<vmem>>, vector<16xi32>, vector<16xi1>
      tpu.vector_store %arg5[%swap3A_1376], %get3A_1360 masked %and3A_1373 {strides = array<i32>} : memref<16416xi32, #tpu.memory_space<vmem>>, vector<16xi32>, vector<16xi1>
      %shift_right_logical3A_1378 = arith.constant 8 : i32
      %shift_right_logical3A_1379 = vector.broadcast %shift_right_logical3A_1378 : i32 to vector<16xi32>
      %shift_right_logical3A_1380 = arith.shrui %get3A_1360, %shift_right_logical3A_1379 : vector<16xi32>
      %and3A_1381 = arith.constant 15 : i32
      %and3A_1382 = vector.broadcast %and3A_1381 : i32 to vector<16xi32>
      %and3A_1383 = arith.andi %shift_right_logical3A_1380, %and3A_1382 : vector<16xi32>
      %add3A_1384 = arith.constant 256 : i32
      %add3A_1385 = vector.broadcast %add3A_1384 : i32 to vector<16xi32>
      %add3A_1386 = arith.addi %add3A_1385, %and3A_1383 : vector<16xi32>
      tpu.vector_store_idx %arg7[%add3A_1386], %broadcast_in_dim3A_4 masked %and3A_1373 {add = true} : memref<512xi32, #tpu.memory_space<vmem>>[vector<16xi32>], vector<16xi32>, vector<16xi1>
      %all_reduce_population_count3A_1387 = tpu.all_reduce %and3A_1373 {dim = 0 : i64, kind = #tpu.reduction_kind<sum>} : vector<16xi1> -> vector<16xi32>
      %slice3A_1388 = vector.extract_strided_slice %all_reduce_population_count3A_1387 {offsets = [0], sizes = [1], strides = [1]} : vector<16xi32> to vector<1xi32>
      %squeeze3A_1389 = vector.extract %slice3A_1388[0] : i32 from vector<1xi32>
      %add3A_1390 = arith.addi %while3A_1354, %squeeze3A_1389 : i32
      scf.yield %add3A_1390 : i32
    }
    %get3A_1121 = arith.constant 256 : index
    %get3A_1122 = tpu.vector_load %arg7[%get3A_1121] {strides = array<i32>} : memref<512xi32, #tpu.memory_space<vmem>>, vector<16xi32>,
    %rev3A_1123 = arith.constant 15 : i32
    %rev3A_1124 = vector.broadcast %rev3A_1123 : i32 to vector<16xi32>
    %rev3A_1125 = tpu.iota {dimensions = array<i32: 0>} : vector<16xi32>
    %rev3A_1126 = arith.subi %rev3A_1124, %rev3A_1125 : vector<16xi32>
    %rev3A_1127 = tpu.dynamic_gather %get3A_1122[%rev3A_1126] in [0] : vector<16xi32>, vector<16xi32> -> vector<16xi32>
    %broadcast_in_dim3A_1128 = arith.constant true
    %broadcast_in_dim3A_1129 = vector.broadcast %broadcast_in_dim3A_1128 : i1 to vector<16xi1>
    %masked_cumsum3A_1130 = tpu.scan <sum>, %rev3A_1127 masked %broadcast_in_dim3A_1129 : vector<16xi32>, vector<16xi1> -> vector<16xi32>
    %rev3A_1131 = arith.constant 15 : i32
    %rev3A_1132 = vector.broadcast %rev3A_1131 : i32 to vector<16xi32>
    %rev3A_1133 = tpu.iota {dimensions = array<i32: 0>} : vector<16xi32>
    %rev3A_1134 = arith.subi %rev3A_1132, %rev3A_1133 : vector<16xi32>
    %rev3A_1135 = tpu.dynamic_gather %masked_cumsum3A_1130[%rev3A_1134] in [0] : vector<16xi32>, vector<16xi32> -> vector<16xi32>
    %ge3A_1136 = arith.cmpi sge, %rev3A_1135, %sub3A_1095 : vector<16xi32>
    %all_reduce_population_count3A_1137 = tpu.all_reduce %ge3A_1136 {dim = 0 : i64, kind = #tpu.reduction_kind<sum>} : vector<16xi1> -> vector<16xi32>
    %sub3A_1138 = arith.constant 1 : i32
    %sub3A_1139 = vector.broadcast %sub3A_1138 : i32 to vector<16xi32>
    %sub3A_1140 = arith.subi %all_reduce_population_count3A_1137, %sub3A_1139 : vector<16xi32>
    %lt3A_1141 = arith.constant 0 : i32
    %lt3A_1142 = vector.broadcast %lt3A_1141 : i32 to vector<16xi32>
    %lt3A_1143 = arith.cmpi slt, %sub3A_1140, %lt3A_1142 : vector<16xi32>
    %add3A_1144 = arith.constant 16 : i32
    %add3A_1145 = vector.broadcast %add3A_1144 : i32 to vector<16xi32>
    %add3A_1146 = arith.addi %sub3A_1140, %add3A_1145 : vector<16xi32>
    %select_n3A_1147 = arith.select %lt3A_1143, %add3A_1146, %sub3A_1140 : vector<16xi1>, vector<16xi32>
    %broadcast_in_dim3A_1148 = vector.shape_cast %select_n3A_1147 : vector<16xi32> to vector<16x1xi32>
    %gather3A_1149 = vector.shape_cast %broadcast_in_dim3A_1148 : vector<16x1xi32> to vector<16xi32>
    %gather3A_1150 = tpu.dynamic_gather %rev3A_1135[%gather3A_1149] in [0] : vector<16xi32>, vector<16xi32> -> vector<16xi32>
    %add3A_1151 = arith.constant 1 : i32
    %add3A_1152 = vector.broadcast %add3A_1151 : i32 to vector<16xi32>
    %add3A_1153 = arith.addi %sub3A_1140, %add3A_1152 : vector<16xi32>
    %min3A_1154 = arith.constant 15 : i32
    %min3A_1155 = vector.broadcast %min3A_1154 : i32 to vector<16xi32>
    %min3A_1156 = arith.minsi %add3A_1153, %min3A_1155 : vector<16xi32>
    %eq3A_1157 = arith.constant 15 : i32
    %eq3A_1158 = vector.broadcast %eq3A_1157 : i32 to vector<16xi32>
    %eq3A_1159 = arith.cmpi eq, %sub3A_1140, %eq3A_1158 : vector<16xi32>
    %lt3A_1160 = arith.constant 0 : i32
    %lt3A_1161 = vector.broadcast %lt3A_1160 : i32 to vector<16xi32>
    %lt3A_1162 = arith.cmpi slt, %min3A_1156, %lt3A_1161 : vector<16xi32>
    %add3A_1163 = arith.constant 16 : i32
    %add3A_1164 = vector.broadcast %add3A_1163 : i32 to vector<16xi32>
    %add3A_1165 = arith.addi %min3A_1156, %add3A_1164 : vector<16xi32>
    %select_n3A_1166 = arith.select %lt3A_1162, %add3A_1165, %min3A_1156 : vector<16xi1>, vector<16xi32>
    %broadcast_in_dim3A_1167 = vector.shape_cast %select_n3A_1166 : vector<16xi32> to vector<16x1xi32>
    %gather3A_1168 = vector.shape_cast %broadcast_in_dim3A_1167 : vector<16x1xi32> to vector<16xi32>
    %gather3A_1169 = tpu.dynamic_gather %rev3A_1135[%gather3A_1168] in [0] : vector<16xi32>, vector<16xi32> -> vector<16xi32>
    %jit3A_1170 = arith.constant 0 : i32
    %broadcast_in_dim3A_1171 = vector.broadcast %jit3A_1170 : i32 to vector<16xi32>
    %select_n3A_1172 = arith.select %eq3A_1159, %broadcast_in_dim3A_1171, %gather3A_1169 : vector<16xi1>, vector<16xi32>
    %sub3A_1173 = arith.subi %sub3A_1095, %select_n3A_1172 : vector<16xi32>
    %sub3A_1174 = arith.subi %gather3A_1150, %select_n3A_1172 : vector<16xi32>
    %shift_left3A_1175 = arith.constant 8 : i32
    %shift_left3A_1176 = vector.broadcast %shift_left3A_1175 : i32 to vector<16xi32>
    %shift_left3A_1177 = arith.shli %sub3A_1140, %shift_left3A_1176 : vector<16xi32>
    %or3A_1178 = arith.ori %or3A_1100, %shift_left3A_1177 : vector<16xi32>
    %swap3A_1179 = arith.constant 256 : index
    %swap3A_1180 = tpu.vector_load %arg7[%swap3A_1179] {strides = array<i32>} : memref<512xi32, #tpu.memory_space<vmem>>, vector<16xi32>,
    tpu.vector_store %arg7[%swap3A_1179], %broadcast_in_dim3A_6 {strides = array<i32>} : memref<512xi32, #tpu.memory_space<vmem>>, vector<16xi32>,
    %slice3A_1181 = vector.extract_strided_slice %sub3A_1096 {offsets = [0], sizes = [1], strides = [1]} : vector<16xi32> to vector<1xi32>
    %squeeze3A_1182 = vector.extract %slice3A_1181[0] : i32 from vector<1xi32>
    %add3A_1183 = arith.constant 15 : i32
    %add3A_1184 = arith.addi %squeeze3A_1182, %add3A_1183 : i32
    %shift_right_logical3A_1185 = arith.constant 4 : i32
    %shift_right_logical3A_1186 = arith.shrui %add3A_1184, %shift_right_logical3A_1185 : i32
    %while3A_1187 = arith.constant 0 : i32
    %while3A_1188 = arith.constant 0 : i32
    %while3A_1189 = arith.subi %shift_right_logical3A_1186, %while3A_1187 : i32
    %while3A_1190 = arith.addi %while3A_1187, %while3A_1189 : i32
    %while3A_1191 = arith.constant 1 : i32
    %while3A_1192 = arith.divsi %while3A_1189, %while3A_1191 : i32
    %while3A_1193 = arith.muli %while3A_1192, %while3A_1191 : i32
    %while3A_1194 = arith.addi %while3A_1187, %while3A_1193 : i32
    %while3A_1195 = arith.constant 1 : i32
    %while3A_1196 = scf.for %while3A_1353 = %while3A_1187 to %while3A_1194 step %while3A_1195 iter_args(%while3A_1354 = %while3A_1188) -> (i32)  : i32 {
      %mul3A_1355 = arith.constant 16 : i32
      %mul3A_1356 = arith.muli %while3A_1353, %mul3A_1355 : i32
      %add3A_1357 = arith.constant 8208 : i32
      %add3A_1358 = arith.addi %add3A_1357, %mul3A_1356 : i32
      %get3A_1359 = arith.index_cast %add3A_1358 : i32 to index
      %get3A_1360 = tpu.vector_load %arg5[%get3A_1359] {strides = array<i32>} : memref<16416xi32, #tpu.memory_space<vmem>>, vector<16xi32>,
      %mul3A_1361 = arith.constant 16 : i32
      %mul3A_1362 = arith.muli %while3A_1353, %mul3A_1361 : i32
      %add3A_1363 = vector.broadcast %mul3A_1362 : i32 to vector<16xi32>
      %add3A_1364 = arith.addi %iota3A, %add3A_1363 : vector<16xi32>
      %lt3A_1365 = arith.cmpi slt, %add3A_1364, %sub3A_1096 : vector<16xi32>
      %shift_right_logical3A_1366 = arith.constant 8 : i32
      %shift_right_logical3A_1367 = vector.broadcast %shift_right_logical3A_1366 : i32 to vector<16xi32>
      %shift_right_logical3A_1368 = arith.shrui %get3A_1360, %shift_right_logical3A_1367 : vector<16xi32>
      %and3A_1369 = arith.constant 15 : i32
      %and3A_1370 = vector.broadcast %and3A_1369 : i32 to vector<16xi32>
      %and3A_1371 = arith.andi %shift_right_logical3A_1368, %and3A_1370 : vector<16xi32>
      %eq3A_1372 = arith.cmpi eq, %and3A_1371, %sub3A_1140 : vector<16xi32>
      %and3A_1373 = arith.andi %lt3A_1365, %eq3A_1372 : vector<16xi1>
      %add3A_1374 = arith.constant 8208 : i32
      %add3A_1375 = arith.addi %add3A_1374, %while3A_1354 : i32
      %swap3A_1376 = arith.index_cast %add3A_1375 : i32 to index
      %swap3A_1377 = tpu.vector_load %arg6[%swap3A_1376] masked %and3A_1373 {strides = array<i32>} : memref<16416xi32, #tpu.memory_space<vmem>>, vector<16xi32>, vector<16xi1>
      tpu.vector_store %arg6[%swap3A_1376], %get3A_1360 masked %and3A_1373 {strides = array<i32>} : memref<16416xi32, #tpu.memory_space<vmem>>, vector<16xi32>, vector<16xi1>
      %shift_right_logical3A_1378 = arith.constant 4 : i32
      %shift_right_logical3A_1379 = vector.broadcast %shift_right_logical3A_1378 : i32 to vector<16xi32>
      %shift_right_logical3A_1380 = arith.shrui %get3A_1360, %shift_right_logical3A_1379 : vector<16xi32>
      %and3A_1381 = arith.constant 15 : i32
      %and3A_1382 = vector.broadcast %and3A_1381 : i32 to vector<16xi32>
      %and3A_1383 = arith.andi %shift_right_logical3A_1380, %and3A_1382 : vector<16xi32>
      %add3A_1384 = arith.constant 256 : i32
      %add3A_1385 = vector.broadcast %add3A_1384 : i32 to vector<16xi32>
      %add3A_1386 = arith.addi %add3A_1385, %and3A_1383 : vector<16xi32>
      tpu.vector_store_idx %arg7[%add3A_1386], %broadcast_in_dim3A_4 masked %and3A_1373 {add = true} : memref<512xi32, #tpu.memory_space<vmem>>[vector<16xi32>], vector<16xi32>, vector<16xi1>
      %all_reduce_population_count3A_1387 = tpu.all_reduce %and3A_1373 {dim = 0 : i64, kind = #tpu.reduction_kind<sum>} : vector<16xi1> -> vector<16xi32>
      %slice3A_1388 = vector.extract_strided_slice %all_reduce_population_count3A_1387 {offsets = [0], sizes = [1], strides = [1]} : vector<16xi32> to vector<1xi32>
      %squeeze3A_1389 = vector.extract %slice3A_1388[0] : i32 from vector<1xi32>
      %add3A_1390 = arith.addi %while3A_1354, %squeeze3A_1389 : i32
      scf.yield %add3A_1390 : i32
    }
    %while3A_1197 = arith.constant 1 : i32
    %while3A_1198 = scf.for %while3A_1353 = %while3A_1194 to %while3A_1190 step %while3A_1197 iter_args(%while3A_1354 = %while3A_1196) -> (i32)  : i32 {
      %mul3A_1355 = arith.constant 16 : i32
      %mul3A_1356 = arith.muli %while3A_1353, %mul3A_1355 : i32
      %add3A_1357 = arith.constant 8208 : i32
      %add3A_1358 = arith.addi %add3A_1357, %mul3A_1356 : i32
      %get3A_1359 = arith.index_cast %add3A_1358 : i32 to index
      %get3A_1360 = tpu.vector_load %arg5[%get3A_1359] {strides = array<i32>} : memref<16416xi32, #tpu.memory_space<vmem>>, vector<16xi32>,
      %mul3A_1361 = arith.constant 16 : i32
      %mul3A_1362 = arith.muli %while3A_1353, %mul3A_1361 : i32
      %add3A_1363 = vector.broadcast %mul3A_1362 : i32 to vector<16xi32>
      %add3A_1364 = arith.addi %iota3A, %add3A_1363 : vector<16xi32>
      %lt3A_1365 = arith.cmpi slt, %add3A_1364, %sub3A_1096 : vector<16xi32>
      %shift_right_logical3A_1366 = arith.constant 8 : i32
      %shift_right_logical3A_1367 = vector.broadcast %shift_right_logical3A_1366 : i32 to vector<16xi32>
      %shift_right_logical3A_1368 = arith.shrui %get3A_1360, %shift_right_logical3A_1367 : vector<16xi32>
      %and3A_1369 = arith.constant 15 : i32
      %and3A_1370 = vector.broadcast %and3A_1369 : i32 to vector<16xi32>
      %and3A_1371 = arith.andi %shift_right_logical3A_1368, %and3A_1370 : vector<16xi32>
      %eq3A_1372 = arith.cmpi eq, %and3A_1371, %sub3A_1140 : vector<16xi32>
      %and3A_1373 = arith.andi %lt3A_1365, %eq3A_1372 : vector<16xi1>
      %add3A_1374 = arith.constant 8208 : i32
      %add3A_1375 = arith.addi %add3A_1374, %while3A_1354 : i32
      %swap3A_1376 = arith.index_cast %add3A_1375 : i32 to index
      %swap3A_1377 = tpu.vector_load %arg6[%swap3A_1376] masked %and3A_1373 {strides = array<i32>} : memref<16416xi32, #tpu.memory_space<vmem>>, vector<16xi32>, vector<16xi1>
      tpu.vector_store %arg6[%swap3A_1376], %get3A_1360 masked %and3A_1373 {strides = array<i32>} : memref<16416xi32, #tpu.memory_space<vmem>>, vector<16xi32>, vector<16xi1>
      %shift_right_logical3A_1378 = arith.constant 4 : i32
      %shift_right_logical3A_1379 = vector.broadcast %shift_right_logical3A_1378 : i32 to vector<16xi32>
      %shift_right_logical3A_1380 = arith.shrui %get3A_1360, %shift_right_logical3A_1379 : vector<16xi32>
      %and3A_1381 = arith.constant 15 : i32
      %and3A_1382 = vector.broadcast %and3A_1381 : i32 to vector<16xi32>
      %and3A_1383 = arith.andi %shift_right_logical3A_1380, %and3A_1382 : vector<16xi32>
      %add3A_1384 = arith.constant 256 : i32
      %add3A_1385 = vector.broadcast %add3A_1384 : i32 to vector<16xi32>
      %add3A_1386 = arith.addi %add3A_1385, %and3A_1383 : vector<16xi32>
      tpu.vector_store_idx %arg7[%add3A_1386], %broadcast_in_dim3A_4 masked %and3A_1373 {add = true} : memref<512xi32, #tpu.memory_space<vmem>>[vector<16xi32>], vector<16xi32>, vector<16xi1>
      %all_reduce_population_count3A_1387 = tpu.all_reduce %and3A_1373 {dim = 0 : i64, kind = #tpu.reduction_kind<sum>} : vector<16xi1> -> vector<16xi32>
      %slice3A_1388 = vector.extract_strided_slice %all_reduce_population_count3A_1387 {offsets = [0], sizes = [1], strides = [1]} : vector<16xi32> to vector<1xi32>
      %squeeze3A_1389 = vector.extract %slice3A_1388[0] : i32 from vector<1xi32>
      %add3A_1390 = arith.addi %while3A_1354, %squeeze3A_1389 : i32
      scf.yield %add3A_1390 : i32
    }
    %get3A_1199 = arith.constant 256 : index
    %get3A_1200 = tpu.vector_load %arg7[%get3A_1199] {strides = array<i32>} : memref<512xi32, #tpu.memory_space<vmem>>, vector<16xi32>,
    %rev3A_1201 = arith.constant 15 : i32
    %rev3A_1202 = vector.broadcast %rev3A_1201 : i32 to vector<16xi32>
    %rev3A_1203 = tpu.iota {dimensions = array<i32: 0>} : vector<16xi32>
    %rev3A_1204 = arith.subi %rev3A_1202, %rev3A_1203 : vector<16xi32>
    %rev3A_1205 = tpu.dynamic_gather %get3A_1200[%rev3A_1204] in [0] : vector<16xi32>, vector<16xi32> -> vector<16xi32>
    %broadcast_in_dim3A_1206 = arith.constant true
    %broadcast_in_dim3A_1207 = vector.broadcast %broadcast_in_dim3A_1206 : i1 to vector<16xi1>
    %masked_cumsum3A_1208 = tpu.scan <sum>, %rev3A_1205 masked %broadcast_in_dim3A_1207 : vector<16xi32>, vector<16xi1> -> vector<16xi32>
    %rev3A_1209 = arith.constant 15 : i32
    %rev3A_1210 = vector.broadcast %rev3A_1209 : i32 to vector<16xi32>
    %rev3A_1211 = tpu.iota {dimensions = array<i32: 0>} : vector<16xi32>
    %rev3A_1212 = arith.subi %rev3A_1210, %rev3A_1211 : vector<16xi32>
    %rev3A_1213 = tpu.dynamic_gather %masked_cumsum3A_1208[%rev3A_1212] in [0] : vector<16xi32>, vector<16xi32> -> vector<16xi32>
    %ge3A_1214 = arith.cmpi sge, %rev3A_1213, %sub3A_1173 : vector<16xi32>
    %all_reduce_population_count3A_1215 = tpu.all_reduce %ge3A_1214 {dim = 0 : i64, kind = #tpu.reduction_kind<sum>} : vector<16xi1> -> vector<16xi32>
    %sub3A_1216 = arith.constant 1 : i32
    %sub3A_1217 = vector.broadcast %sub3A_1216 : i32 to vector<16xi32>
    %sub3A_1218 = arith.subi %all_reduce_population_count3A_1215, %sub3A_1217 : vector<16xi32>
    %lt3A_1219 = arith.constant 0 : i32
    %lt3A_1220 = vector.broadcast %lt3A_1219 : i32 to vector<16xi32>
    %lt3A_1221 = arith.cmpi slt, %sub3A_1218, %lt3A_1220 : vector<16xi32>
    %add3A_1222 = arith.constant 16 : i32
    %add3A_1223 = vector.broadcast %add3A_1222 : i32 to vector<16xi32>
    %add3A_1224 = arith.addi %sub3A_1218, %add3A_1223 : vector<16xi32>
    %select_n3A_1225 = arith.select %lt3A_1221, %add3A_1224, %sub3A_1218 : vector<16xi1>, vector<16xi32>
    %broadcast_in_dim3A_1226 = vector.shape_cast %select_n3A_1225 : vector<16xi32> to vector<16x1xi32>
    %gather3A_1227 = vector.shape_cast %broadcast_in_dim3A_1226 : vector<16x1xi32> to vector<16xi32>
    %gather3A_1228 = tpu.dynamic_gather %rev3A_1213[%gather3A_1227] in [0] : vector<16xi32>, vector<16xi32> -> vector<16xi32>
    %add3A_1229 = arith.constant 1 : i32
    %add3A_1230 = vector.broadcast %add3A_1229 : i32 to vector<16xi32>
    %add3A_1231 = arith.addi %sub3A_1218, %add3A_1230 : vector<16xi32>
    %min3A_1232 = arith.constant 15 : i32
    %min3A_1233 = vector.broadcast %min3A_1232 : i32 to vector<16xi32>
    %min3A_1234 = arith.minsi %add3A_1231, %min3A_1233 : vector<16xi32>
    %eq3A_1235 = arith.constant 15 : i32
    %eq3A_1236 = vector.broadcast %eq3A_1235 : i32 to vector<16xi32>
    %eq3A_1237 = arith.cmpi eq, %sub3A_1218, %eq3A_1236 : vector<16xi32>
    %lt3A_1238 = arith.constant 0 : i32
    %lt3A_1239 = vector.broadcast %lt3A_1238 : i32 to vector<16xi32>
    %lt3A_1240 = arith.cmpi slt, %min3A_1234, %lt3A_1239 : vector<16xi32>
    %add3A_1241 = arith.constant 16 : i32
    %add3A_1242 = vector.broadcast %add3A_1241 : i32 to vector<16xi32>
    %add3A_1243 = arith.addi %min3A_1234, %add3A_1242 : vector<16xi32>
    %select_n3A_1244 = arith.select %lt3A_1240, %add3A_1243, %min3A_1234 : vector<16xi1>, vector<16xi32>
    %broadcast_in_dim3A_1245 = vector.shape_cast %select_n3A_1244 : vector<16xi32> to vector<16x1xi32>
    %gather3A_1246 = vector.shape_cast %broadcast_in_dim3A_1245 : vector<16x1xi32> to vector<16xi32>
    %gather3A_1247 = tpu.dynamic_gather %rev3A_1213[%gather3A_1246] in [0] : vector<16xi32>, vector<16xi32> -> vector<16xi32>
    %jit3A_1248 = arith.constant 0 : i32
    %broadcast_in_dim3A_1249 = vector.broadcast %jit3A_1248 : i32 to vector<16xi32>
    %select_n3A_1250 = arith.select %eq3A_1237, %broadcast_in_dim3A_1249, %gather3A_1247 : vector<16xi1>, vector<16xi32>
    %sub3A_1251 = arith.subi %sub3A_1173, %select_n3A_1250 : vector<16xi32>
    %sub3A_1252 = arith.subi %gather3A_1228, %select_n3A_1250 : vector<16xi32>
    %shift_left3A_1253 = arith.constant 4 : i32
    %shift_left3A_1254 = vector.broadcast %shift_left3A_1253 : i32 to vector<16xi32>
    %shift_left3A_1255 = arith.shli %sub3A_1218, %shift_left3A_1254 : vector<16xi32>
    %or3A_1256 = arith.ori %or3A_1178, %shift_left3A_1255 : vector<16xi32>
    %swap3A_1257 = arith.constant 256 : index
    %swap3A_1258 = tpu.vector_load %arg7[%swap3A_1257] {strides = array<i32>} : memref<512xi32, #tpu.memory_space<vmem>>, vector<16xi32>,
    tpu.vector_store %arg7[%swap3A_1257], %broadcast_in_dim3A_6 {strides = array<i32>} : memref<512xi32, #tpu.memory_space<vmem>>, vector<16xi32>,
    %slice3A_1259 = vector.extract_strided_slice %sub3A_1174 {offsets = [0], sizes = [1], strides = [1]} : vector<16xi32> to vector<1xi32>
    %squeeze3A_1260 = vector.extract %slice3A_1259[0] : i32 from vector<1xi32>
    %add3A_1261 = arith.constant 15 : i32
    %add3A_1262 = arith.addi %squeeze3A_1260, %add3A_1261 : i32
    %shift_right_logical3A_1263 = arith.constant 4 : i32
    %shift_right_logical3A_1264 = arith.shrui %add3A_1262, %shift_right_logical3A_1263 : i32
    %while3A_1265 = arith.constant 0 : i32
    %while3A_1266 = arith.constant 0 : i32
    %while3A_1267 = arith.subi %shift_right_logical3A_1264, %while3A_1265 : i32
    %while3A_1268 = arith.addi %while3A_1265, %while3A_1267 : i32
    %while3A_1269 = arith.constant 1 : i32
    %while3A_1270 = arith.divsi %while3A_1267, %while3A_1269 : i32
    %while3A_1271 = arith.muli %while3A_1270, %while3A_1269 : i32
    %while3A_1272 = arith.addi %while3A_1265, %while3A_1271 : i32
    %while3A_1273 = arith.constant 1 : i32
    %while3A_1274 = scf.for %while3A_1353 = %while3A_1265 to %while3A_1272 step %while3A_1273 iter_args(%while3A_1354 = %while3A_1266) -> (i32)  : i32 {
      %mul3A_1355 = arith.constant 16 : i32
      %mul3A_1356 = arith.muli %while3A_1353, %mul3A_1355 : i32
      %add3A_1357 = arith.constant 8208 : i32
      %add3A_1358 = arith.addi %add3A_1357, %mul3A_1356 : i32
      %get3A_1359 = arith.index_cast %add3A_1358 : i32 to index
      %get3A_1360 = tpu.vector_load %arg6[%get3A_1359] {strides = array<i32>} : memref<16416xi32, #tpu.memory_space<vmem>>, vector<16xi32>,
      %mul3A_1361 = arith.constant 16 : i32
      %mul3A_1362 = arith.muli %while3A_1353, %mul3A_1361 : i32
      %add3A_1363 = vector.broadcast %mul3A_1362 : i32 to vector<16xi32>
      %add3A_1364 = arith.addi %iota3A, %add3A_1363 : vector<16xi32>
      %lt3A_1365 = arith.cmpi slt, %add3A_1364, %sub3A_1174 : vector<16xi32>
      %shift_right_logical3A_1366 = arith.constant 4 : i32
      %shift_right_logical3A_1367 = vector.broadcast %shift_right_logical3A_1366 : i32 to vector<16xi32>
      %shift_right_logical3A_1368 = arith.shrui %get3A_1360, %shift_right_logical3A_1367 : vector<16xi32>
      %and3A_1369 = arith.constant 15 : i32
      %and3A_1370 = vector.broadcast %and3A_1369 : i32 to vector<16xi32>
      %and3A_1371 = arith.andi %shift_right_logical3A_1368, %and3A_1370 : vector<16xi32>
      %eq3A_1372 = arith.cmpi eq, %and3A_1371, %sub3A_1218 : vector<16xi32>
      %and3A_1373 = arith.andi %lt3A_1365, %eq3A_1372 : vector<16xi1>
      %add3A_1374 = arith.constant 8208 : i32
      %add3A_1375 = arith.addi %add3A_1374, %while3A_1354 : i32
      %swap3A_1376 = arith.index_cast %add3A_1375 : i32 to index
      %swap3A_1377 = tpu.vector_load %arg5[%swap3A_1376] masked %and3A_1373 {strides = array<i32>} : memref<16416xi32, #tpu.memory_space<vmem>>, vector<16xi32>, vector<16xi1>
      tpu.vector_store %arg5[%swap3A_1376], %get3A_1360 masked %and3A_1373 {strides = array<i32>} : memref<16416xi32, #tpu.memory_space<vmem>>, vector<16xi32>, vector<16xi1>
      %shift_right_logical3A_1378 = arith.constant 0 : i32
      %shift_right_logical3A_1379 = vector.broadcast %shift_right_logical3A_1378 : i32 to vector<16xi32>
      %shift_right_logical3A_1380 = arith.shrui %get3A_1360, %shift_right_logical3A_1379 : vector<16xi32>
      %and3A_1381 = arith.constant 15 : i32
      %and3A_1382 = vector.broadcast %and3A_1381 : i32 to vector<16xi32>
      %and3A_1383 = arith.andi %shift_right_logical3A_1380, %and3A_1382 : vector<16xi32>
      %add3A_1384 = arith.constant 256 : i32
      %add3A_1385 = vector.broadcast %add3A_1384 : i32 to vector<16xi32>
      %add3A_1386 = arith.addi %add3A_1385, %and3A_1383 : vector<16xi32>
      tpu.vector_store_idx %arg7[%add3A_1386], %broadcast_in_dim3A_4 masked %and3A_1373 {add = true} : memref<512xi32, #tpu.memory_space<vmem>>[vector<16xi32>], vector<16xi32>, vector<16xi1>
      %all_reduce_population_count3A_1387 = tpu.all_reduce %and3A_1373 {dim = 0 : i64, kind = #tpu.reduction_kind<sum>} : vector<16xi1> -> vector<16xi32>
      %slice3A_1388 = vector.extract_strided_slice %all_reduce_population_count3A_1387 {offsets = [0], sizes = [1], strides = [1]} : vector<16xi32> to vector<1xi32>
      %squeeze3A_1389 = vector.extract %slice3A_1388[0] : i32 from vector<1xi32>
      %add3A_1390 = arith.addi %while3A_1354, %squeeze3A_1389 : i32
      scf.yield %add3A_1390 : i32
    }
    %while3A_1275 = arith.constant 1 : i32
    %while3A_1276 = scf.for %while3A_1353 = %while3A_1272 to %while3A_1268 step %while3A_1275 iter_args(%while3A_1354 = %while3A_1274) -> (i32)  : i32 {
      %mul3A_1355 = arith.constant 16 : i32
      %mul3A_1356 = arith.muli %while3A_1353, %mul3A_1355 : i32
      %add3A_1357 = arith.constant 8208 : i32
      %add3A_1358 = arith.addi %add3A_1357, %mul3A_1356 : i32
      %get3A_1359 = arith.index_cast %add3A_1358 : i32 to index
      %get3A_1360 = tpu.vector_load %arg6[%get3A_1359] {strides = array<i32>} : memref<16416xi32, #tpu.memory_space<vmem>>, vector<16xi32>,
      %mul3A_1361 = arith.constant 16 : i32
      %mul3A_1362 = arith.muli %while3A_1353, %mul3A_1361 : i32
      %add3A_1363 = vector.broadcast %mul3A_1362 : i32 to vector<16xi32>
      %add3A_1364 = arith.addi %iota3A, %add3A_1363 : vector<16xi32>
      %lt3A_1365 = arith.cmpi slt, %add3A_1364, %sub3A_1174 : vector<16xi32>
      %shift_right_logical3A_1366 = arith.constant 4 : i32
      %shift_right_logical3A_1367 = vector.broadcast %shift_right_logical3A_1366 : i32 to vector<16xi32>
      %shift_right_logical3A_1368 = arith.shrui %get3A_1360, %shift_right_logical3A_1367 : vector<16xi32>
      %and3A_1369 = arith.constant 15 : i32
      %and3A_1370 = vector.broadcast %and3A_1369 : i32 to vector<16xi32>
      %and3A_1371 = arith.andi %shift_right_logical3A_1368, %and3A_1370 : vector<16xi32>
      %eq3A_1372 = arith.cmpi eq, %and3A_1371, %sub3A_1218 : vector<16xi32>
      %and3A_1373 = arith.andi %lt3A_1365, %eq3A_1372 : vector<16xi1>
      %add3A_1374 = arith.constant 8208 : i32
      %add3A_1375 = arith.addi %add3A_1374, %while3A_1354 : i32
      %swap3A_1376 = arith.index_cast %add3A_1375 : i32 to index
      %swap3A_1377 = tpu.vector_load %arg5[%swap3A_1376] masked %and3A_1373 {strides = array<i32>} : memref<16416xi32, #tpu.memory_space<vmem>>, vector<16xi32>, vector<16xi1>
      tpu.vector_store %arg5[%swap3A_1376], %get3A_1360 masked %and3A_1373 {strides = array<i32>} : memref<16416xi32, #tpu.memory_space<vmem>>, vector<16xi32>, vector<16xi1>
      %shift_right_logical3A_1378 = arith.constant 0 : i32
      %shift_right_logical3A_1379 = vector.broadcast %shift_right_logical3A_1378 : i32 to vector<16xi32>
      %shift_right_logical3A_1380 = arith.shrui %get3A_1360, %shift_right_logical3A_1379 : vector<16xi32>
      %and3A_1381 = arith.constant 15 : i32
      %and3A_1382 = vector.broadcast %and3A_1381 : i32 to vector<16xi32>
      %and3A_1383 = arith.andi %shift_right_logical3A_1380, %and3A_1382 : vector<16xi32>
      %add3A_1384 = arith.constant 256 : i32
      %add3A_1385 = vector.broadcast %add3A_1384 : i32 to vector<16xi32>
      %add3A_1386 = arith.addi %add3A_1385, %and3A_1383 : vector<16xi32>
      tpu.vector_store_idx %arg7[%add3A_1386], %broadcast_in_dim3A_4 masked %and3A_1373 {add = true} : memref<512xi32, #tpu.memory_space<vmem>>[vector<16xi32>], vector<16xi32>, vector<16xi1>
      %all_reduce_population_count3A_1387 = tpu.all_reduce %and3A_1373 {dim = 0 : i64, kind = #tpu.reduction_kind<sum>} : vector<16xi1> -> vector<16xi32>
      %slice3A_1388 = vector.extract_strided_slice %all_reduce_population_count3A_1387 {offsets = [0], sizes = [1], strides = [1]} : vector<16xi32> to vector<1xi32>
      %squeeze3A_1389 = vector.extract %slice3A_1388[0] : i32 from vector<1xi32>
      %add3A_1390 = arith.addi %while3A_1354, %squeeze3A_1389 : i32
      scf.yield %add3A_1390 : i32
    }
    %get3A_1277 = arith.constant 256 : index
    %get3A_1278 = tpu.vector_load %arg7[%get3A_1277] {strides = array<i32>} : memref<512xi32, #tpu.memory_space<vmem>>, vector<16xi32>,
    %rev3A_1279 = arith.constant 15 : i32
    %rev3A_1280 = vector.broadcast %rev3A_1279 : i32 to vector<16xi32>
    %rev3A_1281 = tpu.iota {dimensions = array<i32: 0>} : vector<16xi32>
    %rev3A_1282 = arith.subi %rev3A_1280, %rev3A_1281 : vector<16xi32>
    %rev3A_1283 = tpu.dynamic_gather %get3A_1278[%rev3A_1282] in [0] : vector<16xi32>, vector<16xi32> -> vector<16xi32>
    %broadcast_in_dim3A_1284 = arith.constant true
    %broadcast_in_dim3A_1285 = vector.broadcast %broadcast_in_dim3A_1284 : i1 to vector<16xi1>
    %masked_cumsum3A_1286 = tpu.scan <sum>, %rev3A_1283 masked %broadcast_in_dim3A_1285 : vector<16xi32>, vector<16xi1> -> vector<16xi32>
    %rev3A_1287 = arith.constant 15 : i32
    %rev3A_1288 = vector.broadcast %rev3A_1287 : i32 to vector<16xi32>
    %rev3A_1289 = tpu.iota {dimensions = array<i32: 0>} : vector<16xi32>
    %rev3A_1290 = arith.subi %rev3A_1288, %rev3A_1289 : vector<16xi32>
    %rev3A_1291 = tpu.dynamic_gather %masked_cumsum3A_1286[%rev3A_1290] in [0] : vector<16xi32>, vector<16xi32> -> vector<16xi32>
    %ge3A_1292 = arith.cmpi sge, %rev3A_1291, %sub3A_1251 : vector<16xi32>
    %all_reduce_population_count3A_1293 = tpu.all_reduce %ge3A_1292 {dim = 0 : i64, kind = #tpu.reduction_kind<sum>} : vector<16xi1> -> vector<16xi32>
    %sub3A_1294 = arith.constant 1 : i32
    %sub3A_1295 = vector.broadcast %sub3A_1294 : i32 to vector<16xi32>
    %sub3A_1296 = arith.subi %all_reduce_population_count3A_1293, %sub3A_1295 : vector<16xi32>
    %lt3A_1297 = arith.constant 0 : i32
    %lt3A_1298 = vector.broadcast %lt3A_1297 : i32 to vector<16xi32>
    %lt3A_1299 = arith.cmpi slt, %sub3A_1296, %lt3A_1298 : vector<16xi32>
    %add3A_1300 = arith.constant 16 : i32
    %add3A_1301 = vector.broadcast %add3A_1300 : i32 to vector<16xi32>
    %add3A_1302 = arith.addi %sub3A_1296, %add3A_1301 : vector<16xi32>
    %select_n3A_1303 = arith.select %lt3A_1299, %add3A_1302, %sub3A_1296 : vector<16xi1>, vector<16xi32>
    %broadcast_in_dim3A_1304 = vector.shape_cast %select_n3A_1303 : vector<16xi32> to vector<16x1xi32>
    %gather3A_1305 = vector.shape_cast %broadcast_in_dim3A_1304 : vector<16x1xi32> to vector<16xi32>
    %gather3A_1306 = tpu.dynamic_gather %rev3A_1291[%gather3A_1305] in [0] : vector<16xi32>, vector<16xi32> -> vector<16xi32>
    %add3A_1307 = arith.constant 1 : i32
    %add3A_1308 = vector.broadcast %add3A_1307 : i32 to vector<16xi32>
    %add3A_1309 = arith.addi %sub3A_1296, %add3A_1308 : vector<16xi32>
    %min3A_1310 = arith.constant 15 : i32
    %min3A_1311 = vector.broadcast %min3A_1310 : i32 to vector<16xi32>
    %min3A_1312 = arith.minsi %add3A_1309, %min3A_1311 : vector<16xi32>
    %eq3A_1313 = arith.constant 15 : i32
    %eq3A_1314 = vector.broadcast %eq3A_1313 : i32 to vector<16xi32>
    %eq3A_1315 = arith.cmpi eq, %sub3A_1296, %eq3A_1314 : vector<16xi32>
    %lt3A_1316 = arith.constant 0 : i32
    %lt3A_1317 = vector.broadcast %lt3A_1316 : i32 to vector<16xi32>
    %lt3A_1318 = arith.cmpi slt, %min3A_1312, %lt3A_1317 : vector<16xi32>
    %add3A_1319 = arith.constant 16 : i32
    %add3A_1320 = vector.broadcast %add3A_1319 : i32 to vector<16xi32>
    %add3A_1321 = arith.addi %min3A_1312, %add3A_1320 : vector<16xi32>
    %select_n3A_1322 = arith.select %lt3A_1318, %add3A_1321, %min3A_1312 : vector<16xi1>, vector<16xi32>
    %broadcast_in_dim3A_1323 = vector.shape_cast %select_n3A_1322 : vector<16xi32> to vector<16x1xi32>
    %gather3A_1324 = vector.shape_cast %broadcast_in_dim3A_1323 : vector<16x1xi32> to vector<16xi32>
    %gather3A_1325 = tpu.dynamic_gather %rev3A_1291[%gather3A_1324] in [0] : vector<16xi32>, vector<16xi32> -> vector<16xi32>
    %jit3A_1326 = arith.constant 0 : i32
    %broadcast_in_dim3A_1327 = vector.broadcast %jit3A_1326 : i32 to vector<16xi32>
    %select_n3A_1328 = arith.select %eq3A_1315, %broadcast_in_dim3A_1327, %gather3A_1325 : vector<16xi1>, vector<16xi32>
    %sub3A_1329 = arith.subi %sub3A_1251, %select_n3A_1328 : vector<16xi32>
    %sub3A_1330 = arith.subi %gather3A_1306, %select_n3A_1328 : vector<16xi32>
    %shift_left3A_1331 = arith.constant 0 : i32
    %shift_left3A_1332 = vector.broadcast %shift_left3A_1331 : i32 to vector<16xi32>
    %shift_left3A_1333 = arith.shli %sub3A_1296, %shift_left3A_1332 : vector<16xi32>
    %or3A_1334 = arith.ori %or3A_1256, %shift_left3A_1333 : vector<16xi32>
    %xor3A_1335 = arith.constant -2147483648 : i32
    %xor3A_1336 = vector.broadcast %xor3A_1335 : i32 to vector<16xi32>
    %xor3A_1337 = arith.xori %or3A_1334, %xor3A_1336 : vector<16xi32>
    %shift_right_arithmetic3A_1338 = arith.constant 31 : i32
    %shift_right_arithmetic3A_1339 = vector.broadcast %shift_right_arithmetic3A_1338 : i32 to vector<16xi32>
    %shift_right_arithmetic3A_1340 = arith.shrsi %xor3A_1337, %shift_right_arithmetic3A_1339 : vector<16xi32>
    %and3A_1341 = arith.constant 2147483647 : i32
    %and3A_1342 = vector.broadcast %and3A_1341 : i32 to vector<16xi32>
    %and3A_1343 = arith.andi %shift_right_arithmetic3A_1340, %and3A_1342 : vector<16xi32>
    %xor3A_1344 = arith.xori %xor3A_1337, %and3A_1343 : vector<16xi32>
    %bitcast_convert_type3A_1345 = tpu.bitcast %xor3A_1344 : vector<16xi32> -> vector<16xf32>
    %parallel_loop3A_1346 = arith.constant 0 : i32
    %parallel_loop3A_1347 = arith.constant 512 : i32
    %parallel_loop3A_1348 = arith.constant 1 : i32
    scf.for %parallel_loop3A_1353 = %parallel_loop3A_1346 to %parallel_loop3A_1347 step %parallel_loop3A_1348  : i32 {
      %parallel_loop3A_1354 = arith.constant 16 : i32
      %parallel_loop3A_1355 = arith.muli %parallel_loop3A_1353, %parallel_loop3A_1354 : i32
      %parallel_loop3A_1356 = arith.constant 0 : i32
      %parallel_loop3A_1357 = arith.index_cast %parallel_loop3A_1356 : i32 to index
      %parallel_loop3A_1358 = arith.index_cast %parallel_loop3A_1355 : i32 to index
      %parallel_loop3A_1359 = tpu.vector_load %arg4[%parallel_loop3A_1357, %parallel_loop3A_1358] {strides = array<i32>} : memref<2x8192xf32, #tpu.memory_space<vmem>>, vector<16xf32>,
      %parallel_loop3A_1360 = arith.cmpf oge, %parallel_loop3A_1359, %bitcast_convert_type3A : vector<16xf32>
      %parallel_loop3A_1361 = arith.constant 0.000000e+00 : f32
      %parallel_loop3A_1362 = vector.broadcast %parallel_loop3A_1361 : f32 to vector<16xf32>
      %parallel_loop3A_1363 = arith.select %parallel_loop3A_1360, %parallel_loop3A_1359, %parallel_loop3A_1362 : vector<16xi1>, vector<16xf32>
      %parallel_loop3A_1364 = arith.constant 0 : i32
      %parallel_loop3A_1365 = arith.index_cast %parallel_loop3A_1364 : i32 to index
      %parallel_loop3A_1366 = arith.index_cast %parallel_loop3A_1355 : i32 to index
      %parallel_loop3A_1367 = tpu.vector_load %arg4[%parallel_loop3A_1365, %parallel_loop3A_1366] {strides = array<i32>} : memref<2x8192xf32, #tpu.memory_space<vmem>>, vector<16xf32>,
      tpu.vector_store %arg4[%parallel_loop3A_1365, %parallel_loop3A_1366], %parallel_loop3A_1363 {strides = array<i32>} : memref<2x8192xf32, #tpu.memory_space<vmem>>, vector<16xf32>,
      %parallel_loop3A_1368 = arith.constant 16 : i32
      %parallel_loop3A_1369 = arith.muli %parallel_loop3A_1353, %parallel_loop3A_1368 : i32
      %parallel_loop3A_1370 = arith.constant 1 : i32
      %parallel_loop3A_1371 = arith.index_cast %parallel_loop3A_1370 : i32 to index
      %parallel_loop3A_1372 = arith.index_cast %parallel_loop3A_1369 : i32 to index
      %parallel_loop3A_1373 = tpu.vector_load %arg4[%parallel_loop3A_1371, %parallel_loop3A_1372] {strides = array<i32>} : memref<2x8192xf32, #tpu.memory_space<vmem>>, vector<16xf32>,
      %parallel_loop3A_1374 = arith.cmpf oge, %parallel_loop3A_1373, %bitcast_convert_type3A_1345 : vector<16xf32>
      %parallel_loop3A_1375 = arith.constant 0.000000e+00 : f32
      %parallel_loop3A_1376 = vector.broadcast %parallel_loop3A_1375 : f32 to vector<16xf32>
      %parallel_loop3A_1377 = arith.select %parallel_loop3A_1374, %parallel_loop3A_1373, %parallel_loop3A_1376 : vector<16xi1>, vector<16xf32>
      %parallel_loop3A_1378 = arith.constant 1 : i32
      %parallel_loop3A_1379 = arith.index_cast %parallel_loop3A_1378 : i32 to index
      %parallel_loop3A_1380 = arith.index_cast %parallel_loop3A_1369 : i32 to index
      %parallel_loop3A_1381 = tpu.vector_load %arg4[%parallel_loop3A_1379, %parallel_loop3A_1380] {strides = array<i32>} : memref<2x8192xf32, #tpu.memory_space<vmem>>, vector<16xf32>,
      tpu.vector_store %arg4[%parallel_loop3A_1379, %parallel_loop3A_1380], %parallel_loop3A_1377 {strides = array<i32>} : memref<2x8192xf32, #tpu.memory_space<vmem>>, vector<16xf32>,
    } {sc.loop_unroll_factor = 4 : i64, sc.parallel_access}
    %add3A_1349 = arith.constant 0 : i32
    %add3A_1350 = arith.addi %add3A, %add3A_1349 : i32
    "tpu.region"() ({
      %run_scoped3A = tpu.sem_alloc : memref<!tpu.dma_semaphore, #tpu.memory_space<semaphore_mem>>
      %dma_start3A = arith.constant 0 : i32
      %dma_start3A_1353 = arith.constant 0 : i32
      %dma_start3A_1354 = tpu.memref_slice %arg4[%dma_start3A, %dma_start3A_1353] : memref<2x8192xf32, #tpu.memory_space<vmem>> -> memref<1x8192xf32, #tpu.memory_space<vmem>>
      %dma_start3A_1355 = arith.constant 0 : i32
      %dma_start3A_1356 = tpu.memref_slice %arg3[%add3A_1350, %dma_start3A_1355] : memref<128x8192xf32, #tpu.memory_space<hbm>> -> memref<1x8192xf32, #tpu.memory_space<hbm>>
      %dma_start3A_1357 = arith.constant 0 : i32
      %dma_start3A_1358 = tpu.memref_slice %arg3[%add3A_1350, %dma_start3A_1357] : memref<128x8192xf32, #tpu.memory_space<hbm>> -> memref<1x8192xf32, #tpu.memory_space<hbm>>
      %dma_start3A_1359 = arith.constant 0 : i32
      %dma_start3A_1360 = arith.constant 0 : i32
      %dma_start3A_1361 = tpu.memref_slice %arg4[%dma_start3A_1359, %dma_start3A_1360] : memref<2x8192xf32, #tpu.memory_space<vmem>> -> memref<1x8192xf32, #tpu.memory_space<vmem>>
      tpu.enqueue_dma source(%dma_start3A_1361 : memref<1x8192xf32, #tpu.memory_space<vmem>>) target(%dma_start3A_1358 : memref<1x8192xf32, #tpu.memory_space<hbm>>) target_semaphore(%run_scoped3A : memref<!tpu.dma_semaphore, #tpu.memory_space<semaphore_mem>>)
      %dma_wait3A = arith.constant 0 : i32
      %dma_wait3A_1362 = arith.constant 0 : i32
      %dma_wait3A_1363 = tpu.memref_slice %arg4[%dma_wait3A, %dma_wait3A_1362] : memref<2x8192xf32, #tpu.memory_space<vmem>> -> memref<1x8192xf32, #tpu.memory_space<vmem>>
      %dma_wait3A_1364 = arith.constant 0 : i32
      %dma_wait3A_1365 = tpu.memref_slice %arg3[%add3A_1350, %dma_wait3A_1364] : memref<128x8192xf32, #tpu.memory_space<hbm>> -> memref<1x8192xf32, #tpu.memory_space<hbm>>
      %dma_wait3A_1366 = arith.constant 0 : i32
      %dma_wait3A_1367 = tpu.memref_slice %arg3[%add3A_1350, %dma_wait3A_1366] : memref<128x8192xf32, #tpu.memory_space<hbm>> -> memref<1x8192xf32, #tpu.memory_space<hbm>>
      %dma_wait3A_1368 = arith.constant 0 : i32
      %dma_wait3A_1369 = arith.constant 0 : i32
      %dma_wait3A_1370 = tpu.memref_slice %arg4[%dma_wait3A_1368, %dma_wait3A_1369] : memref<2x8192xf32, #tpu.memory_space<vmem>> -> memref<1x8192xf32, #tpu.memory_space<vmem>>
      tpu.wait_dma2 semaphore(%run_scoped3A : memref<!tpu.dma_semaphore, #tpu.memory_space<semaphore_mem>>) src(%dma_wait3A_1370 : memref<1x8192xf32, #tpu.memory_space<vmem>>) dst(%dma_wait3A_1367 : memref<1x8192xf32, #tpu.memory_space<hbm>>)
      tpu.yield
    }) : () -> ()
    %add3A_1351 = arith.constant 32 : i32
    %add3A_1352 = arith.addi %add3A, %add3A_1351 : i32
    "tpu.region"() ({
      %run_scoped3A = tpu.sem_alloc : memref<!tpu.dma_semaphore, #tpu.memory_space<semaphore_mem>>
      %dma_start3A = arith.constant 1 : i32
      %dma_start3A_1353 = arith.constant 0 : i32
      %dma_start3A_1354 = tpu.memref_slice %arg4[%dma_start3A, %dma_start3A_1353] : memref<2x8192xf32, #tpu.memory_space<vmem>> -> memref<1x8192xf32, #tpu.memory_space<vmem>>
      %dma_start3A_1355 = arith.constant 0 : i32
      %dma_start3A_1356 = tpu.memref_slice %arg3[%add3A_1352, %dma_start3A_1355] : memref<128x8192xf32, #tpu.memory_space<hbm>> -> memref<1x8192xf32, #tpu.memory_space<hbm>>
      %dma_start3A_1357 = arith.constant 0 : i32
      %dma_start3A_1358 = tpu.memref_slice %arg3[%add3A_1352, %dma_start3A_1357] : memref<128x8192xf32, #tpu.memory_space<hbm>> -> memref<1x8192xf32, #tpu.memory_space<hbm>>
      %dma_start3A_1359 = arith.constant 1 : i32
      %dma_start3A_1360 = arith.constant 0 : i32
      %dma_start3A_1361 = tpu.memref_slice %arg4[%dma_start3A_1359, %dma_start3A_1360] : memref<2x8192xf32, #tpu.memory_space<vmem>> -> memref<1x8192xf32, #tpu.memory_space<vmem>>
      tpu.enqueue_dma source(%dma_start3A_1361 : memref<1x8192xf32, #tpu.memory_space<vmem>>) target(%dma_start3A_1358 : memref<1x8192xf32, #tpu.memory_space<hbm>>) target_semaphore(%run_scoped3A : memref<!tpu.dma_semaphore, #tpu.memory_space<semaphore_mem>>)
      %dma_wait3A = arith.constant 1 : i32
      %dma_wait3A_1362 = arith.constant 0 : i32
      %dma_wait3A_1363 = tpu.memref_slice %arg4[%dma_wait3A, %dma_wait3A_1362] : memref<2x8192xf32, #tpu.memory_space<vmem>> -> memref<1x8192xf32, #tpu.memory_space<vmem>>
      %dma_wait3A_1364 = arith.constant 0 : i32
      %dma_wait3A_1365 = tpu.memref_slice %arg3[%add3A_1352, %dma_wait3A_1364] : memref<128x8192xf32, #tpu.memory_space<hbm>> -> memref<1x8192xf32, #tpu.memory_space<hbm>>
      %dma_wait3A_1366 = arith.constant 0 : i32
      %dma_wait3A_1367 = tpu.memref_slice %arg3[%add3A_1352, %dma_wait3A_1366] : memref<128x8192xf32, #tpu.memory_space<hbm>> -> memref<1x8192xf32, #tpu.memory_space<hbm>>
      %dma_wait3A_1368 = arith.constant 1 : i32
      %dma_wait3A_1369 = arith.constant 0 : i32
      %dma_wait3A_1370 = tpu.memref_slice %arg4[%dma_wait3A_1368, %dma_wait3A_1369] : memref<2x8192xf32, #tpu.memory_space<vmem>> -> memref<1x8192xf32, #tpu.memory_space<vmem>>
      tpu.wait_dma2 semaphore(%run_scoped3A : memref<!tpu.dma_semaphore, #tpu.memory_space<semaphore_mem>>) src(%dma_wait3A_1370 : memref<1x8192xf32, #tpu.memory_space<vmem>>) dst(%dma_wait3A_1367 : memref<1x8192xf32, #tpu.memory_space<hbm>>)
      tpu.yield
    }) : () -> ()
    return
  }
}

module attributes {stable_mosaic.version = 14 : i64} {
  func.func @_tc_body(%arg0: i32, %arg1: memref<32x8192xf32, #tpu.memory_space<vmem>>, %arg2: memref<32x8192xf32, #tpu.memory_space<vmem>>) attributes {dimension_semantics = [#tpu.dimension_semantics<arbitrary>], iteration_bounds = array<i64: 2>, scalar_prefetch = 0 : i64, scratch_operands = 0 : i64, tpu.core_type = #tpu.core_type<tc>, window_params = [{transform_indices = @transform_0, window_bounds = array<i64: 32, 8192>}, {transform_indices = @transform_1, window_bounds = array<i64: 32, 8192>}]} {
    %get3A = arith.constant 0 : index
    %get3A_0 = arith.constant 0 : index
    %get3A_1 = vector.load %arg1[%get3A, %get3A_0] : memref<32x8192xf32, #tpu.memory_space<vmem>>, vector<32x8192xf32>
    %bitcast_convert_type3A = tpu.bitcast %get3A_1 : vector<32x8192xf32> -> vector<32x8192xi32>
    %shift_right_arithmetic3A = arith.constant 31 : i32
    %shift_right_arithmetic3A_2 = vector.broadcast %shift_right_arithmetic3A : i32 to vector<32x8192xi32>
    %shift_right_arithmetic3A_3 = arith.shrsi %bitcast_convert_type3A, %shift_right_arithmetic3A_2 : vector<32x8192xi32>
    %and3A = arith.constant 2147483647 : i32
    %and3A_4 = vector.broadcast %and3A : i32 to vector<32x8192xi32>
    %and3A_5 = arith.andi %shift_right_arithmetic3A_3, %and3A_4 : vector<32x8192xi32>
    %xor3A = arith.xori %bitcast_convert_type3A, %and3A_5 : vector<32x8192xi32>
    %broadcast_in_dim3A = arith.constant 0 : i32
    %broadcast_in_dim3A_6 = vector.broadcast %broadcast_in_dim3A : i32 to vector<32x1xi32>
    %scan3A = arith.constant 0 : i32
    %scan3A_7 = arith.constant 32 : i32
    %scan3A_8 = arith.addi %scan3A, %scan3A_7 : i32
    %scan3A_9 = arith.constant 1 : i32
    %scan3A_10 = scf.for %scan3A_26 = %scan3A to %scan3A_8 step %scan3A_9 iter_args(%scan3A_27 = %broadcast_in_dim3A_6) -> (vector<32x1xi32>)  : i32 {
      %sub3A = arith.constant 31 : i32
      %sub3A_28 = arith.subi %sub3A, %scan3A_26 : i32
      %shift_left3A = arith.constant 1 : i32
      %shift_left3A_29 = arith.shli %shift_left3A, %sub3A_28 : i32
      %or3A = vector.broadcast %shift_left3A_29 : i32 to vector<32x1xi32>
      %or3A_30 = arith.ori %scan3A_27, %or3A : vector<32x1xi32>
      %add3A_31 = arith.constant -2147483648 : i32
      %add3A_32 = vector.broadcast %add3A_31 : i32 to vector<32x1xi32>
      %add3A_33 = arith.addi %add3A_32, %or3A_30 : vector<32x1xi32>
      %ge3A_34 = vector.broadcast %add3A_33 : vector<32x1xi32> to vector<32x8192xi32>
      %ge3A_35 = arith.cmpi sge, %xor3A, %ge3A_34 : vector<32x8192xi32>
      %convert_element_type3A = arith.extui %ge3A_35 : vector<32x8192xi1> to vector<32x8192xi32>
      %reduce_sum3A = arith.constant dense<0> : vector<32xi32>
      %reduce_sum3A_36 = vector.multi_reduction <add>, %convert_element_type3A, %reduce_sum3A [1] : vector<32x8192xi32> to vector<32xi32>
      %broadcast_in_dim3A_37 = vector.shape_cast %reduce_sum3A_36 : vector<32xi32> to vector<32x1xi32>
      %ge3A_38 = arith.constant 32 : i32
      %ge3A_39 = vector.broadcast %ge3A_38 : i32 to vector<32x1xi32>
      %ge3A_40 = arith.cmpi sge, %broadcast_in_dim3A_37, %ge3A_39 : vector<32x1xi32>
      %select_n3A_41 = arith.select %ge3A_40, %or3A_30, %scan3A_27 : vector<32x1xi1>, vector<32x1xi32>
      scf.yield %select_n3A_41 : vector<32x1xi32>
    }
    %scan3A_11 = arith.constant 32 : i32
    %add3A = arith.constant -2147483648 : i32
    %add3A_12 = vector.broadcast %add3A : i32 to vector<32x1xi32>
    %add3A_13 = arith.addi %add3A_12, %scan3A_10 : vector<32x1xi32>
    %shift_right_arithmetic3A_14 = arith.constant 31 : i32
    %shift_right_arithmetic3A_15 = vector.broadcast %shift_right_arithmetic3A_14 : i32 to vector<32x1xi32>
    %shift_right_arithmetic3A_16 = arith.shrsi %add3A_13, %shift_right_arithmetic3A_15 : vector<32x1xi32>
    %and3A_17 = arith.constant 2147483647 : i32
    %and3A_18 = vector.broadcast %and3A_17 : i32 to vector<32x1xi32>
    %and3A_19 = arith.andi %shift_right_arithmetic3A_16, %and3A_18 : vector<32x1xi32>
    %xor3A_20 = arith.xori %add3A_13, %and3A_19 : vector<32x1xi32>
    %bitcast_convert_type3A_21 = tpu.bitcast %xor3A_20 : vector<32x1xi32> -> vector<32x1xf32>
    %ge3A = vector.broadcast %bitcast_convert_type3A_21 : vector<32x1xf32> to vector<32x8192xf32>
    %ge3A_22 = arith.cmpf oge, %get3A_1, %ge3A : vector<32x8192xf32>
    %jit3A = arith.constant 0.000000e+00 : f32
    %broadcast_in_dim3A_23 = vector.broadcast %jit3A : f32 to vector<32x8192xf32>
    %select_n3A = arith.select %ge3A_22, %get3A_1, %broadcast_in_dim3A_23 : vector<32x8192xi1>, vector<32x8192xf32>
    %swap3A = arith.constant 0 : index
    %swap3A_24 = arith.constant 0 : index
    %swap3A_25 = vector.load %arg2[%swap3A, %swap3A_24] : memref<32x8192xf32, #tpu.memory_space<vmem>>, vector<32x8192xf32>
    tpu.vector_store %arg2[%swap3A, %swap3A_24], %select_n3A {strides = array<i32>} : memref<32x8192xf32, #tpu.memory_space<vmem>>, vector<32x8192xf32>,
    return
  }
  func.func @transform_0(%arg0: i32) -> (i32, i32) {
    %add3A = arith.constant 2 : i32
    %add3A_0 = arith.addi %arg0, %add3A : i32
    %c0_i32 = arith.constant 0 : i32
    %c0_i32_1 = arith.constant 0 : i32
    return %add3A_0, %c0_i32 : i32, i32
  }
  func.func @transform_1(%arg0: i32) -> (i32, i32) {
    %c0_i32 = arith.constant 0 : i32
    %c0_i32_0 = arith.constant 0 : i32
    return %arg0, %c0_i32 : i32, i32
  }
}

</mosaic_0001>

<sc_bundles>
// kernel: kernel.4.cloned.1.call-start
scs
__scs_entry_jumppad:
0x0: {  	(pc) =	sbr.rel $0x88, $3  }
0x1: {  	(tag) =	ssettag $0x0;
	lr =	simm.s32 $0x1  }
0x2: {  	[smem:$0x3FA0] =	sst lr;
	_ =	strace $0xD0000000  }
0x3: {  	_ = 	snop  }
0x4: {  	_ = 	snop  }
0x5: {  	_ = 	snop  }
0x6: {  	_ = 	snop  }
0x7: {  	_ = 	snop  }
__scs_overlays_trampoline_lowered:
0x8: {  	[smem:$0x3FAF] =	sst s0  }
0x9: {  	[smem:$0x3FB0] =	sst s1  }
0xa: {  	[smem:$0x3FB1] =	sst s2  }
0xb: {  	[smem:$0x3FB2] =	sst s3  }
0xc: {  	[smem:$0x3FB3] =	sst s4  }
0xd: {  	[smem:$0x3FB4] =	sst s5  }
0xe: {  	[smem:$0x3FB5] =	sst s6  }
0xf: {  	[smem:$0x3FB6] =	sst s7  }
0x10: {  	[smem:$0x3FB7] =	sst s8  }
0x11: {  	[smem:$0x3FB8] =	sst s9;
	s0 =	simm.s32 @!p0 $0x0  }
0x12: {  	s1 =	sld [smem:$0x3F9E];
	s0 =	simm.s32 @p0 $0x1  }
0x13: {  	[smem:$0x3FB9] =	sst s0;
	s0 =	simm.s32 @!p1 $0x0  }
0x14: {  	s2 =	sld [smem:$0x3F9D];
	s0 =	simm.s32 @p1 $0x1  }
0x15: {  	[smem:$0x3FBA] =	sst s0;
	s0 =	simm.s32 @!p2 $0x0  }
0x16: {  	s3 =	sld [smem:$0x3FDB];
	s0 =	simm.s32 @p2 $0x1  }
0x17: {  	s4 =	simm.s32 $0x1BF5;
	[smem:$0x3FBC] =	sst s0  }
0x18: {  	s0 =	sld [smem:$0x3F9F];
	_ =	swait.ge [sflag:s4], $0x0  }
0x19: {  	s7 =	sld [smem:$0x3FA0]  }
0x1a: {  	s8 =	sadd.s32 $0xFFFFE003, lr  }
0x1b: {  	s9 =	sadd.s32 $0xFFFFFEF7, lr;
	s5 =	simm.s32 $0xFFFFFFFF;
	p2 =	slt.u32 s8, $0xFFFFF086  }
0x1c: {  	p1 =	slt.u32 s9, $0xF7A;
	s5 =	simm.s32 @!p2 $0x0  }
0x1d: {  	s5 =	simm.s32 @p1 $0x1;
	p0 =	seq.s32 s7, s2  }
0x1e: {  	s7 =	smul.u32 @!p0 $0xF7A, s2;
	p2 =	seq.s32 @!p0 s5, $0x0  }
0x1f: {  	s9 =	smul.u32 $0xF7A, s1;
	s8 =	simm.s32 @!p0 $0x1BF5;
	p2 =	por !p2, p0  }
0x20: {  	[sflag:s8] =	ssyncset.s32 @!p0 $0xFFFFF086;
	s6 =	sadd.s32 @!p0 s3, s7;
	s7 =	simm.s32 @!p0 $0x108  }
0x21: {  	s3 =	sadd.s32 s3, s9;
	s6 =	sadd.s32 @!p0 $0x88, s6;
	s7 =	simm.s32 @p2 $0x1082  }
0x22: {  	[simem:s7], [sflag:s8] =	dma.local @!p0 [hbm:s6], $0xF7A  }
0x23: {  	s9 =	sor.u32 $0xD0000000, s2;
	s6 =	simm.s32 $0x108;
	_ =	swait.ge @!p0 [sflag:s8], $0x0  }
0x24: {  	s3 =	sadd.s32 $0x88, s3;
	s6 =	simm.s32 @!p1 $0x1082;
	[sflag:s4] =	ssyncset.s32 $0xFFFFF086  }
0x25: {  	[simem:s6], [sflag:s4] =	dma.local [hbm:s3], $0xF7A  }
0x26: {  	[smem:$0x3FA0] =	sst s1;
	(tag) =	ssettag s2;
	_ =	strace s9  }
0x27: {  	s1 =	sld [smem:$0x3FB0]  }
0x28: {  	s2 =	sld [smem:$0x3FB1]  }
0x29: {  	s4 =	sld [smem:$0x3FB3]  }
0x2a: {  	p0 =	seq.s32 s5, $0x0;
	s5 =	sld [smem:$0x3FB4]  }
0x2b: {  	s6 =	sld [smem:$0x3FB5]  }
0x2c: {  	s7 =	sld [smem:$0x3FB6]  }
0x2d: {  	s3 =	simm.s32 $0x108;
	s8 =	sld [smem:$0x3FB7]  }
0x2e: {  	s3 =	simm.s32 @!p0 $0x1082;
	s9 =	sld [smem:$0x3FB8]  }
0x2f: {  	lr =	sadd.s32 s0, s3;
	s0 =	sld [smem:$0x3FAF]  }
0x30: {  	s3 =	sld [smem:$0x3FB2]  }
0x31: {  	[smem:$0x3FBB] =	sst s10  }
0x32: {  	s10 =	sld [smem:$0x3FB9];
	_ =	sdelay $0x3  }
0x33: {  	p0 =	seq.s32 s10, $0x1;
	s10 =	sld [smem:$0x3FBB];
	_ =	sdelay $0x3  }
0x34: {  	[smem:$0x3FBB] =	sst s10  }
0x35: {  	s10 =	sld [smem:$0x3FBA];
	_ =	sdelay $0x3  }
0x36: {  	p1 =	seq.s32 s10, $0x1;
	s10 =	sld [smem:$0x3FBB];
	_ =	sdelay $0x3  }
0x37: {  	[smem:$0x3FBB] =	sst s10  }
0x38: {  	s10 =	sld [smem:$0x3FBC]  }
0x39: {  	_ = 	snop;
	(pc) =	sbr.ind lr, $3  }
0x3a: {  	_ = 	snop  }
0x3b: {  	_ = 	snop  }
0x3c: {  	p2 =	seq.s32 s10, $0x1;
	s10 =	sld [smem:$0x3FBB]  }
0x3d: {  	_ =	shalt  }
0x3e: {  	_ =	shalt  }
0x3f: {  	_ =	shalt  }
0x40: {  	_ =	shalt  }
0x41: {  	_ =	shalt  }
0x42: {  	_ =	shalt  }
0x43: {  	_ =	shalt  }
0x44: {  	_ =	shalt  }
0x45: {  	_ =	shalt  }
0x46: {  	_ =	shalt  }
0x47: {  	_ =	shalt  }
0x48: {  	_ =	shalt  }
0x49: {  	_ =	shalt  }
0x4a: {  	_ =	shalt  }
0x4b: {  	_ =	shalt  }
0x4c: {  	_ =	shalt  }
0x4d: {  	_ =	shalt  }
0x4e: {  	_ =	shalt  }
0x4f: {  	_ =	shalt  }
0x50: {  	_ =	shalt  }
0x51: {  	_ =	shalt  }
0x52: {  	_ =	shalt  }
0x53: {  	_ =	shalt  }
0x54: {  	_ =	shalt  }
0x55: {  	_ =	shalt  }
0x56: {  	_ =	shalt  }
0x57: {  	_ =	shalt  }
0x58: {  	_ =	shalt  }
0x59: {  	_ =	shalt  }
0x5a: {  	_ =	shalt  }
0x5b: {  	_ =	shalt  }
0x5c: {  	_ =	shalt  }
0x5d: {  	_ =	shalt  }
0x5e: {  	_ =	shalt  }
0x5f: {  	_ =	shalt  }
0x60: {  	_ =	shalt  }
0x61: {  	_ =	shalt  }
0x62: {  	_ =	shalt  }
0x63: {  	_ =	shalt  }
0x64: {  	_ =	shalt  }
0x65: {  	_ =	shalt  }
0x66: {  	_ =	shalt  }
0x67: {  	_ =	shalt  }
0x68: {  	_ =	shalt  }
0x69: {  	_ =	shalt  }
0x6a: {  	_ =	shalt  }
0x6b: {  	_ =	shalt  }
0x6c: {  	_ =	shalt  }
0x6d: {  	_ =	shalt  }
0x6e: {  	_ =	shalt  }
0x6f: {  	_ =	shalt  }
0x70: {  	_ =	shalt  }
0x71: {  	_ =	shalt  }
0x72: {  	_ =	shalt  }
0x73: {  	_ =	shalt  }
0x74: {  	_ =	shalt  }
0x75: {  	_ =	shalt  }
0x76: {  	_ =	shalt  }
0x77: {  	_ =	shalt  }
0x78: {  	_ =	shalt  }
0x79: {  	_ =	shalt  }
0x7a: {  	_ =	shalt  }
0x7b: {  	_ =	shalt  }
0x7c: {  	_ =	shalt  }
0x7d: {  	_ =	shalt  }
0x7e: {  	_ =	shalt  }
0x7f: {  	_ =	shalt  }
0x80: {  	_ =	shalt  }
0x81: {  	_ =	shalt  }
0x82: {  	_ =	shalt  }
0x83: {  	_ =	shalt  }
0x84: {  	_ =	shalt  }
0x85: {  	_ =	shalt  }
0x86: {  	_ =	shalt  }
0x87: {  	_ =	shalt  }
.Lfunc_end0:
.L_simem_size_0:
called_computation_lowered:
.L_overlay_start_0:
0x88: {  	s2 =	sld [smem:$0x3FD9]  }
0x89: {  	s3 =	sld [smem:$0x3FFE];
	_ =	sdelay $0x1  }
0x8a: {  	s1 =	srdreg.scid  }
0x8b: {  	s0 =	sand.u32 $0x1, s1  }
0x8c: {  	s18 =	sshll.u32 s0, $0xA;
	s2 =	sadd.s32 s3, s2  }
0x8d: {  	s2 =	sadd.s32 s2, s18  }
0x8e: {  	[smem:$0x3FC7] =	sst s2  }
0x8f: {  	_ = 	snop  }
0x90: {  	s2 =	sld [smem:$0x3FC9]  }
0x91: {  	s19 =	sld [smem:$0x3FD0];
	(tm) =	ssettm $0x1  }
0x92: {  	s4 =	sld [smem:$0x3FFB];
	_ =	sdelay $0x3  }
0x93: {  	_ =	strace s4  }
0x94: {  	s4 =	sld [smem:$0x3FFC];
	_ =	sdelay $0x3  }
0x95: {  	_ =	strace s4  }
0x96: {  	s4 =	sld [smem:$0x3FFD];
	_ =	sdelay $0x3  }
0x97: {  	_ =	strace s4  }
0x98: {  	_ =	strace $0x8FFFFFFF  }
0x99: {  	s20 =	sld [smem:$0x3FDB];
	_ =	sdelay $0x1  }
0x9a: {  	s5 =	simm.s32 $_scs_section_size  }
0x9b: {  	s6 =	simm.s32 $_size__tile_overlayer_lowered;
	s7 =	simm.s32 $_tile_overlayer_lowered  }
0x9c: {  	s23 =	simm.s32 $0x1BFF;
	s22 =	sshll.u32 s7, $0x1;
	s4 =	sadd.s32 s5, s20  }
0x9d: {  	s8 =	simm.s32 $0x0;
	s21 =	sshll.u32 s6, $0x1;
	s6 =	sadd.s32 s22, s4  }
0x9e: {  	[timem:s8], [sflag:s23] =	dma.local [hbm:s6], s21  }
0x9f: {  	_ =	swait.ge [sflag:s23], s21  }
0xa0: {  	s5 =	ssub.s32 $0x0, s21;
	[sflag:s23] =	ssyncset.done $0x0  }
0xa1: {  	[sflag:s23] =	ssyncadd.s32 s5;
	_ =	sdelay $0x1  }
0xa2: {  	s24 =	simm.s32 $0x1B8B  }
0xa3: {  	_ =	swait.ge [sflag:s24], $0x1  }
0xa4: {  	[sflag:s24] =	ssyncset.done $0x0  }
0xa5: {  	s25 =	simm.s32 $0x1B8E;
	[sflag:s24] =	ssyncadd.s32 $0xFFFFFFFF  }
0xa6: {  	s26 =	simm.s32 $execute0_lowered;
	[smem:$0x3FD2] =	sst s25  }
0xa7: {  	s5 =	sshll.u32 s26, $0x1;
	_ =	strace $0x80000046;
	[dreg:$0x1] =	wrdreg $0xFFFFFFFF  }
0xa8: {  	s28 =	simm.s32 $_size_execute0_lowered;
	s4 =	sadd.s32 s4, s5;
	[dreg:$0x0] =	wrdreg $0x0  }
0xa9: {  	s5 =	sshll.u32 s28, $0x1;
	[dreg:$0x2] =	wrdreg s4  }
0xaa: {  	[dreg:$0x3] =	wrdreg s5  }
0xab: {  	[dreg:$0x4] =	wrdreg $0xC0  }
0xac: {  	_ =	task [dreg:s8], $0x5FFFF  }
0xad: {  	[dreg:$0x1] =	wrdreg $0xFFFFFFFF  }
0xae: {  	[dreg:$0x0] =	wrdreg $0x60  }
0xaf: {  	[dreg:$0x2] =	wrdreg s2  }
0xb0: {  	[dreg:$0x3] =	wrdreg s19  }
0xb1: {  	[dreg:$0x4] =	wrdreg $0x9  }
0xb2: {  	_ =	task.clear_ibuf [dreg:s8], $0x5FFFF;
	_ =	strace $0x90000046  }
0xb3: {  	s29 =	simm.s32 $0x9;
	_ =	strace $0x80000048  }
0xb4: {  	_ =	swait.ge [sflag:s29], $0x1  }
0xb5: {  	[sflag:s29] =	ssyncadd.s32 $0xFFFFFFFF  }
0xb6: {  	_ =	strace $0x90000048  }
0xb7: {  	_ =	sfence  }
0xb8: {  	s30 =	sld [smem:$0x0];
	_ =	sdelay $0x2  }
0xb9: {  	s31 =	sshll.u32 s1, $0xD;
	s1 =	sshrl.u32 s1, $0x2  }
0xba: {  	s3 =	sand.u32 $0x4000, s31;
	s1 =	sadd.s32 s1, s30  }
0xbb: {  	s0 =	sor.u32 s3, s0;
	s1 =	sshll.u32 s1, $0x11  }
0xbc: {  	s0 =	sor.u32 s1, s0  }
0xbd: {  	s0 =	sadd.s32 $0x8F2B, s0  }
0xbe: {  	[sflag:s0] =	ssyncadd.remote.s32 $0x1  }
0xbf: {  	_ =	sfence.sel $0xFFFF  }
0xc0: {  	[dreg:$0x0] =	wrdreg $0xFFFFFFFF;
	(pc) =	sbr.abs _section_cstart, $3  }
0xc1: {  	[dreg:$0x1] =	wrdreg $0xFFFFFFFF  }
0xc2: {  	_ =	task.clear_ibuf [dreg:s8], $0x2FFFF;
	_ =	strace $0x9FFFFFFF  }
0xc3: {  	(tm) =	ssettm $0x7FFFFFFF  }
tec
execute0_lowered:
.L_overlay_start_1:
0x0: {  	(tag) =	ssettag $0x1  }
0x1: {  	s4 =	rddreg [dreg:$0x0]  }
0x2: {  	s6 =	rddreg [dreg:$0x1]  }
0x3: {  	s2 =	srdreg.scid;
	s1 =	stileid.u32  }
0x4: {  	s0 =	rddreg [dreg:$0x2];
	s9 =	simm.s32 $0xC100;
	s10 =	simm.s32 $0x0  }
0x5: {  	s3 =	sand.u32 $0x1, s2;
	s29 =	sshll.u32 s1, $0x5;
	s5 =	sshll.u32 s1, $0xB  }
0x6: {  	s2 =	simm.s32 $0x0;
	s7 =	sshll.u32 s3, $0x4;
	s8 =	sand.u32 $0x60, s29  }
0x7: {  	s5 =	sand.u32 $0x6000, s5;
	[smem:$0x7FF] =	sst s2;
	s3 =	ssub.s32 $0x2, s3  }
0x8: {  	v0 =	vlaneseq.u32;
	s7 =	sor.u32 s7, s8;
	_ =	strace $0x80000047;
	s30 =	sshrl.u32 s3, $0x1  }
0x9: {  	v1 =	vmul.u32 $0x10, v0;
	v5 =	vmul.u32 $0xFFFFFFFF, v0;
	s8 =	simm.s32 $0x1;
	s5 =	sor.u32 s5, s7;
	s7 =	ssub.s32 s3, s30  }
0xa: {  	v2 =	vimm.s32 $0x0;
	v3 =	vimm.s32 $0x1;
	s31 =	sor.u32 $0x8000, s5;
	s3 =	sadd.s32 s4, s5;
	s5 =	sadd.s32 s6, s5  }
0xb: {  	v6 =	vimm.s32 $0x7FFFFFFF;
	v4 =	vor.u32 $0x100, v1;
	v5 =	vadd.s32 $0xF, v5;
	s7 =	smax.u32 s7, $0x1;
	s4 =	sadd.s32 s4, s31;
	s6 =	sadd.s32 s6, s31  }
.LBB2_1:
0xc: {  	s11 =	simm.s32 $0x80  }
0xd: {  	s14 =	sadd.s32 $0x0, s3;
	s12 =	simm.s32 $0x100;
	s13 =	simm.s32 $0x0  }
.LBB2_2:
0xe: {  	[tilespmem:s13], [sflag:$0x1] =	stream.linear.gather [hbm4b:s14+s2], $0x80, $0x38;
	[tilespmem:$0xC300] =	vst v63  }
0xf: {  	s14 =	smov.u32 s11;
	s13 =	smov.u32 s12;
	p0 =	sne.s32 s11, $0x1F80  }
.Ltmp0:
0x10: {  	s11 =	sadd.s32 $0x80, s11;
	(pc) =	sbr.rel @p0 .LBB2_2-.Ltmp0, $2  }
0x11: {  	_ =	sdelay $0x2  }
0x12: {  	s12 =	sadd.s32 $0x100, s12;
	s14 =	sadd.s32 s14, s3  }
0x13: {  	[tilespmem:s13], [sflag:$0x1] =	stream.linear.gather [hbm4b:s14+s2], $0x80, $0x38;
	[tilespmem:$0xC300] =	vst v63  }
0x14: {  	_ =	swait.ge [sflag:s8], $0x2000  }
0x15: {  	s11 =	simm.s32 $0x80;
	s12 =	simm.s32 $0x80;
	[sflag:s8] =	ssyncset.done $0x0  }
0x16: {  	s14 =	sadd.s32 $0x0, s4;
	s13 =	simm.s32 $0x180;
	[sflag:s8] =	ssyncadd.s32 $0xFFFFE000  }
.LBB2_4:
0x17: {  	[tilespmem:s11], [sflag:$0x1] =	stream.linear.gather [hbm4b:s14+s2], $0x80, $0x38;
	[tilespmem:$0xC300] =	vst v63  }
0x18: {  	s14 =	smov.u32 s12;
	s11 =	smov.u32 s13;
	p0 =	sne.s32 s12, $0x1F80  }
.Ltmp1:
0x19: {  	s12 =	sadd.s32 $0x80, s12;
	(pc) =	sbr.rel @p0 .LBB2_4-.Ltmp1, $2  }
0x1a: {  	_ =	sdelay $0x2  }
0x1b: {  	s13 =	sadd.s32 $0x100, s13;
	s14 =	sadd.s32 s14, s4  }
0x1c: {  	[tilespmem:s11], [sflag:$0x1] =	stream.linear.gather [hbm4b:s14+s2], $0x80, $0x38;
	[tilespmem:$0xC300] =	vst v63  }
0x1d: {  	_ =	swait.ge [sflag:s8], $0x2000  }
0x1e: {  	[sflag:s8] =	ssyncset.done $0x0  }
0x1f: {  	[sflag:s8] =	ssyncadd.s32 $0xFFFFE000  }
0x20: {  	[tilespmem:$0xC100] =	vst v2  }
0x21: {  	[tilespmem:$0xC110] =	vst v2  }
0x22: {  	[tilespmem:$0xC120] =	vst v2  }
0x23: {  	[tilespmem:$0xC130] =	vst v2  }
0x24: {  	[tilespmem:$0xC140] =	vst v2  }
0x25: {  	[tilespmem:$0xC150] =	vst v2  }
0x26: {  	[tilespmem:$0xC160] =	vst v2  }
0x27: {  	[tilespmem:$0xC170] =	vst v2  }
0x28: {  	[tilespmem:$0xC180] =	vst v2  }
0x29: {  	[tilespmem:$0xC190] =	vst v2  }
0x2a: {  	[tilespmem:$0xC1A0] =	vst v2  }
0x2b: {  	[tilespmem:$0xC1B0] =	vst v2  }
0x2c: {  	[tilespmem:$0xC1C0] =	vst v2  }
0x2d: {  	[tilespmem:$0xC1D0] =	vst v2  }
0x2e: {  	[tilespmem:$0xC1E0] =	vst v2  }
0x2f: {  	[tilespmem:$0xC1F0] =	vst v2  }
0x30: {  	[tilespmem:$0xC200] =	vst v2  }
0x31: {  	[tilespmem:$0xC210] =	vst v2  }
0x32: {  	[tilespmem:$0xC220] =	vst v2  }
0x33: {  	[tilespmem:$0xC230] =	vst v2  }
0x34: {  	[tilespmem:$0xC240] =	vst v2  }
0x35: {  	[tilespmem:$0xC250] =	vst v2  }
0x36: {  	[tilespmem:$0xC260] =	vst v2  }
0x37: {  	[tilespmem:$0xC270] =	vst v2  }
0x38: {  	[tilespmem:$0xC280] =	vst v2  }
0x39: {  	[tilespmem:$0xC290] =	vst v2  }
0x3a: {  	[tilespmem:$0xC2A0] =	vst v2  }
0x3b: {  	[tilespmem:$0xC2B0] =	vst v2  }
0x3c: {  	[tilespmem:$0xC2C0] =	vst v2  }
0x3d: {  	s24 =	simm.s32 $0x0;
	[tilespmem:$0xC2D0] =	vst v2  }
0x3e: {  	s12 =	sand.u32 $0x40, s24;
	s11 =	sand.u32 $0x3F00, s24;
	[tilespmem:$0xC2E0] =	vst v2  }
0x3f: {  	s11 =	sor.u32 s12, s11;
	[tilespmem:$0xC2F0] =	vst v2  }
0x40: {  	v7 =	vld [tilespmem:s11+$0x30];
	_ =	sdelay $0x4  }
0x41: {  	v8 =	vshra.s32 v7, $0x1F  }
0x42: {  	v8 =	vor.u32 $0x80000000, v8  }
0x43: {  	v7 =	vxor.u32 v7, v8  }
0x44: {  	v8 =	vld [tilespmem:s11+$0x0];
	v7 =	vshrl.u32 v7, $0x1C  }
0x45: {  	v9 =	vld [tilespmem:s11+$0x10];
	v7 =	vor.u32 v1, v7  }
0x46: {  	p0 =	por $0x0, $0x0;
	s12 =	simm.s32 $0x1  }
0x47: {  	s12 =	simm.s32 @!p0 $0x0;
	v10 =	vld [tilespmem:s11+$0x20]  }
0x48: {  	s13 =	simm.s32 $0x40;
	s25 =	sshll.u32 s12, $0x6;
	s11 =	simm.s32 $0x80  }
0x49: {  	s13 =	sand.u32 $0x40, s13;
	s12 =	sadd.s32 $0x0, s25;
	s15 =	sand.u32 $0x3F00, s11;
	v11 =	vshra.s32 v8, $0x1F  }
0x4a: {  	s26 =	sadd.s32 $0x30, s12;
	s13 =	sor.u32 s13, s15;
	v11 =	vor.u32 $0x80000000, v11;
	[tilespmem:v7+s9+$0x0] =	vst.idx.add.s32.msk $0xffff, v3;
	v7 =	vshra.s32 v9, $0x1F  }
0x4b: {  	s14 =	sor.u32 $0x80, s26;
	v8 =	vxor.u32 v8, v11;
	v11 =	vld [tilespmem:s13+$0x30];
	v7 =	vor.u32 $0x80000000, v7  }
0x4c: {  	v13 =	vshra.s32 v10, $0x1F;
	v12 =	vld [tilespmem:s14+$0x0];
	v8 =	vshrl.u32 v8, $0x1C;
	v7 =	vxor.u32 v9, v7  }
0x4d: {  	v9 =	vor.u32 $0x80000000, v13;
	v13 =	vld [tilespmem:s13+$0x0];
	v8 =	vor.u32 v1, v8;
	v7 =	vshrl.u32 v7, $0x1C  }
0x4e: {  	v9 =	vxor.u32 v10, v9;
	v10 =	vld [tilespmem:s13+$0x10];
	v7 =	vor.u32 v1, v7  }
0x4f: {  	v14 =	vld [tilespmem:s13+$0x20];
	v9 =	vshrl.u32 v9, $0x1C  }
0x50: {  	v9 =	vor.u32 v1, v9  }
0x51: {  	v16 =	vshra.s32 v11, $0x1F;
	v15 =	vshra.s32 v12, $0x1F  }
0x52: {  	v16 =	vor.u32 $0x80000000, v16;
	v15 =	vor.u32 $0x80000000, v15;
	v17 =	vshra.s32 v13, $0x1F;
	[tilespmem:v8+s9+$0x0] =	vst.idx.add.s32.msk $0xffff, v3  }
0x53: {  	s29 =	sor.u32 $0x80, s12;
	v11 =	vxor.u32 v11, v16;
	v12 =	vxor.u32 v12, v15;
	v8 =	vshra.s32 v10, $0x1F;
	[tilespmem:v7+s9+$0x0] =	vst.idx.add.s32.msk $0xffff, v3  }
0x54: {  	s28 =	sadd.s32 $0x10, s12;
	v15 =	vshra.s32 v14, $0x1F;
	v12 =	vshrl.u32 v12, $0x1C;
	v63 =	vor.u32 $0x80000000, v8;
	v8 =	vld [tilespmem:s29+$0x0]  }
0x55: {  	s12 =	sadd.s32 $0x20, s12;
	s13 =	sor.u32 $0x80, s28;
	v11 =	vshrl.u32 v11, $0x1C;
	v7 =	vor.u32 v4, v12;
	[tilespmem:v9+s9+$0x0] =	vst.idx.add.s32.msk $0xffff, v3;
	v9 =	vor.u32 $0x80000000, v17  }
0x56: {  	s30 =	sor.u32 $0x80, s12;
	v12 =	vor.u32 v1, v11;
	v11 =	vxor.u32 v10, v63;
	v10 =	vld [tilespmem:s13+$0x0];
	v9 =	vxor.u32 v13, v9  }
0x57: {  	p0 =	por !p0, !p0;
	s15 =	simm.s32 $0x1;
	v13 =	vor.u32 $0x80000000, v15;
	v15 =	vshrl.u32 v9, $0x1C;
	v9 =	vld [tilespmem:s30+$0x0]  }
0x58: {  	s15 =	simm.s32 @!p0 $0x0  }
0x59: {  	s31 =	sshll.u32 s15, $0x6;
	v11 =	vshrl.u32 v11, $0x1C;
	v14 =	vxor.u32 v14, v13  }
0x5a: {  	s12 =	simm.s32 $0x4;
	s14 =	sadd.s32 $0x80, s31;
	s13 =	simm.s32 $0x80;
	v11 =	vor.u32 v1, v11;
	v13 =	vor.u32 v1, v15;
	v14 =	vshrl.u32 v14, $0x1C  }
.LBB2_6:
0x5b: {  	s15 =	sand.u32 $0x40, s13;
	v14 =	vor.u32 v1, v14;
	s16 =	sadd.s32 $0x30, s14;
	s11 =	sadd.s32 $0x80, s11;
	v15 =	vshra.s32 v8, $0x1F;
	v16 =	vshra.s32 v10, $0x1F;
	[tilespmem:v7+s9+$0x0] =	vst.idx.add.s32.msk $0xffff, v3  }
0x5c: {  	s12 =	sadd.s32 $0x4, s12;
	s17 =	sand.u32 $0x3F00, s11;
	[tilespmem:v12+s9+$0x0] =	vst.idx.add.s32.msk $0xffff, v3;
	s16 =	sor.u32 $0x80, s16;
	v7 =	vor.u32 $0x80000000, v15;
	v12 =	vor.u32 $0x80000000, v16;
	v15 =	vshra.s32 v9, $0x1F  }
0x5d: {  	p1 =	slt.u32 s12, $0x1FC;
	s15 =	sor.u32 s15, s17;
	s17 =	sadd.s32 $0x10, s14;
	v16 =	vld [tilespmem:s16+$0x0];
	v7 =	vxor.u32 v8, v7;
	v8 =	vxor.u32 v10, v12;
	v10 =	vor.u32 $0x80000000, v15  }
0x5e: {  	s16 =	sor.u32 $0x80, s14;
	s14 =	sadd.s32 $0x20, s14;
	v12 =	vld [tilespmem:s15+$0x30];
	s17 =	sor.u32 $0x80, s17;
	v7 =	vshrl.u32 v7, $0x1C;
	v8 =	vshrl.u32 v8, $0x1C;
	v9 =	vxor.u32 v9, v10  }
0x5f: {  	s14 =	sor.u32 $0x80, s14;
	v15 =	vld [tilespmem:s15+$0x0];
	v17 =	vor.u32 v4, v7;
	v18 =	vor.u32 v4, v8;
	v7 =	vshrl.u32 v9, $0x1C  }
0x60: {  	v19 =	vld [tilespmem:s15+$0x10];
	v20 =	vor.u32 v4, v7  }
0x61: {  	v21 =	vld [tilespmem:s15+$0x20]  }
0x62: {  	[tilespmem:v13+s9+$0x0] =	vst.idx.add.s32.msk $0xffff, v3;
	v7 =	vshra.s32 v16, $0x1F  }
0x63: {  	v8 =	vshra.s32 v12, $0x1F;
	[tilespmem:v11+s9+$0x0] =	vst.idx.add.s32.msk $0xffff, v3;
	v7 =	vor.u32 $0x80000000, v7  }
0x64: {  	v9 =	vshra.s32 v15, $0x1F;
	v8 =	vor.u32 $0x80000000, v8;
	[tilespmem:v14+s9+$0x0] =	vst.idx.add.s32.msk $0xffff, v3;
	v7 =	vxor.u32 v16, v7  }
0x65: {  	v11 =	vshra.s32 v19, $0x1F;
	v10 =	vxor.u32 v12, v8;
	v8 =	vld [tilespmem:s16+$0x0];
	v7 =	vshrl.u32 v7, $0x1C  }
.Ltmp2:
0x66: {  	v13 =	vshra.s32 v21, $0x1F;
	v12 =	vshrl.u32 v10, $0x1C;
	v10 =	vld [tilespmem:s17+$0x0];
	v7 =	vor.u32 v4, v7;
	(pc) =	sbr.rel @p1 .LBB2_6-.Ltmp2, $4  }
0x67: {  	p0 =	por !p0, !p0;
	v14 =	vor.u32 $0x80000000, v9;
	v11 =	vor.u32 $0x80000000, v11;
	v12 =	vor.u32 v1, v12;
	v9 =	vld [tilespmem:s14+$0x0];
	s14 =	simm.s32 $0x1  }
0x68: {  	v14 =	vxor.u32 v15, v14;
	v11 =	vxor.u32 v19, v11;
	v13 =	vor.u32 $0x80000000, v13;
	s14 =	simm.s32 @!p0 $0x0;
	[tilespmem:v17+s9+$0x0] =	vst.idx.add.s32.msk $0xffff, v3  }
0x69: {  	v14 =	vshrl.u32 v14, $0x1C;
	v11 =	vshrl.u32 v11, $0x1C;
	v15 =	vxor.u32 v21, v13;
	s14 =	sshll.u32 s14, $0x6;
	[tilespmem:v18+s9+$0x0] =	vst.idx.add.s32.msk $0xffff, v3  }
0x6a: {  	s13 =	sadd.s32 $0x40, s13;
	v13 =	vor.u32 v1, v14;
	v11 =	vor.u32 v1, v11;
	v14 =	vshrl.u32 v15, $0x1C;
	s14 =	sadd.s32 s14, s11;
	[tilespmem:v20+s9+$0x0] =	vst.idx.add.s32.msk $0xffff, v3  }
0x6b: {  	_ =	sdelay $0x3  }
0x6c: {  	[tilespmem:v12+s9+$0x0] =	vst.idx.add.s32.msk $0xffff, v3  }
0x6d: {  	v14 =	vor.u32 v1, v14;
	s11 =	sadd.s32 $0x30, s14;
	[tilespmem:v13+s9+$0x0] =	vst.idx.add.s32.msk $0xffff, v3  }
0x6e: {  	[tilespmem:v11+s9+$0x0] =	vst.idx.add.s32.msk $0xffff, v3;
	v13 =	vshra.s32 v10, $0x1F;
	s29 =	sadd.s32 $0x10, s14;
	s11 =	sor.u32 $0x80, s11  }
0x6f: {  	v11 =	vshra.s32 v8, $0x1F;
	v13 =	vor.u32 $0x80000000, v13;
	v12 =	vld [tilespmem:s11+$0x0];
	s11 =	sor.u32 $0x80, s29  }
0x70: {  	s12 =	sor.u32 $0x80, s14;
	v11 =	vor.u32 $0x80000000, v11;
	v10 =	vxor.u32 v10, v13;
	v13 =	vld [tilespmem:s11+$0x0]  }
0x71: {  	s13 =	sadd.s32 $0x20, s14;
	v15 =	vld [tilespmem:s12+$0x0];
	v8 =	vxor.u32 v8, v11  }
0x72: {  	s30 =	sor.u32 $0x80, s13;
	v8 =	vshrl.u32 v8, $0x1C;
	[tilespmem:v14+s9+$0x0] =	vst.idx.add.s32.msk $0xffff, v3;
	v14 =	vshra.s32 v9, $0x1F  }
0x73: {  	v10 =	vshrl.u32 v10, $0x1C;
	v8 =	vor.u32 v4, v8;
	v11 =	vor.u32 $0x80000000, v14;
	v16 =	vld [tilespmem:s30+$0x0]  }
0x74: {  	v10 =	vor.u32 v4, v10;
	v14 =	vshra.s32 v12, $0x1F;
	v9 =	vxor.u32 v9, v11  }
0x75: {  	v11 =	vor.u32 $0x80000000, v14;
	v9 =	vshrl.u32 v9, $0x1C;
	v14 =	vshra.s32 v13, $0x1F  }
0x76: {  	v11 =	vxor.u32 v12, v11;
	v9 =	vor.u32 v4, v9;
	v12 =	vshra.s32 v15, $0x1F  }
0x77: {  	v14 =	vor.u32 $0x80000000, v14;
	v11 =	vshrl.u32 v11, $0x1C;
	v12 =	vor.u32 $0x80000000, v12  }
0x78: {  	v13 =	vxor.u32 v13, v14;
	v11 =	vor.u32 v4, v11;
	v17 =	vshra.s32 v16, $0x1F  }
0x79: {  	[tilespmem:v7+s9+$0x0] =	vst.idx.add.s32.msk $0xffff, v3;
	v12 =	vxor.u32 v15, v12;
	v7 =	vshrl.u32 v13, $0x1C;
	v14 =	vor.u32 $0x80000000, v17  }
0x7a: {  	v12 =	vshrl.u32 v12, $0x1C;
	v7 =	vor.u32 v4, v7;
	v13 =	vxor.u32 v16, v14  }
0x7b: {  	[tilespmem:v8+s9+$0x0] =	vst.idx.add.s32.msk $0xffff, v3;
	v12 =	vor.u32 v4, v12;
	v8 =	vshrl.u32 v13, $0x1C  }
0x7c: {  	[tilespmem:v10+s9+$0x0] =	vst.idx.add.s32.msk $0xffff, v3;
	v8 =	vor.u32 v4, v8  }
0x7d: {  	[tilespmem:v9+s9+$0x0] =	vst.idx.add.s32.msk $0xffff, v3  }
0x7e: {  	[tilespmem:v11+s9+$0x0] =	vst.idx.add.s32.msk $0xffff, v3  }
0x7f: {  	[tilespmem:v7+s9+$0x0] =	vst.idx.add.s32.msk $0xffff, v3  }
0x80: {  	[tilespmem:v12+s9+$0x0] =	vst.idx.add.s32.msk $0xffff, v3  }
0x81: {  	[tilespmem:v8+s9+$0x0] =	vst.idx.add.s32.msk $0xffff, v3  }
0x82: {  	v7 =	vld [tilespmem:$0xC100]  }
0x83: {  	v8 =	vld [tilespmem:$0xC110]  }
0x84: {  	v9 =	vld [tilespmem:$0xC120]  }
0x85: {  	v10 =	vld [tilespmem:$0xC130]  }
0x86: {  	v11 =	vld [tilespmem:$0xC140]  }
0x87: {  	v12 =	vld [tilespmem:$0xC150]  }
0x88: {  	v7 =	vadd.s32 v7, v8;
	v8 =	vld [tilespmem:$0xC160]  }
0x89: {  	v7 =	vadd.s32 v9, v7;
	v9 =	vld [tilespmem:$0xC170]  }
0x8a: {  	v7 =	vadd.s32 v10, v7;
	v10 =	vld [tilespmem:$0xC180]  }
0x8b: {  	v7 =	vadd.s32 v11, v7;
	v11 =	vld [tilespmem:$0xC190]  }
0x8c: {  	v7 =	vadd.s32 v12, v7;
	v12 =	vld [tilespmem:$0xC1A0]  }
0x8d: {  	v7 =	vadd.s32 v8, v7;
	v8 =	vld [tilespmem:$0xC1B0]  }
0x8e: {  	v7 =	vadd.s32 v9, v7;
	v9 =	vld [tilespmem:$0xC1C0]  }
0x8f: {  	v7 =	vadd.s32 v10, v7;
	v10 =	vld [tilespmem:$0xC1D0]  }
0x90: {  	v7 =	vadd.s32 v11, v7;
	v11 =	vld [tilespmem:$0xC1E0]  }
0x91: {  	v7 =	vadd.s32 v12, v7;
	v12 =	vld [tilespmem:$0xC1F0]  }
0x92: {  	v13 =	vld [tilespmem:$0xC250];
	v7 =	vadd.s32 v8, v7  }
0x93: {  	v8 =	vld [tilespmem:$0xC200];
	v7 =	vadd.s32 v9, v7  }
0x94: {  	v9 =	vld [tilespmem:$0xC210];
	v7 =	vadd.s32 v10, v7  }
0x95: {  	v10 =	vld [tilespmem:$0xC220];
	v7 =	vadd.s32 v11, v7  }
0x96: {  	v11 =	vld [tilespmem:$0xC230];
	v7 =	vadd.s32 v12, v7  }
0x97: {  	v12 =	vld [tilespmem:$0xC240];
	v7 =	vperm.xlane v7, v5  }
0x98: {  	v14 =	vld [tilespmem:$0xC260]  }
0x99: {  	(xrf0) =	vadd.scan.msk.s32 $0xffff, v7;
	v7 =	vadd.s32 v8, v9;
	v8 =	vld [tilespmem:$0xC270]  }
0x9a: {  	s31 =	simm.s32 $0x0;
	v9 =	vld [tilespmem:$0xC280];
	v7 =	vadd.s32 v10, v7  }
0x9b: {  	s18 =	sand.u32 $0x60, s31;
	s19 =	sand.u32 $0x3F00, s31;
	[tilespmem:$0xC100] =	vst v2;
	v10 =	vld [tilespmem:$0xC290];
	v7 =	vadd.s32 v11, v7  }
0x9c: {  	s11 =	sor.u32 s18, s19;
	[tilespmem:$0xC200] =	vst v2;
	v11 =	vld [tilespmem:$0xC2A0];
	v7 =	vadd.s32 v12, v7  }
0x9d: {  	v12 =	vld [tilespmem:s11+$0x0];
	v7 =	vadd.s32 v13, v7  }
0x9e: {  	v13 =	vld [tilespmem:$0xC2B0];
	v7 =	vadd.s32 v14, v7  }
0x9f: {  	v7 =	vadd.s32 v8, v7;
	v8 =	vld [tilespmem:$0xC2C0]  }
0xa0: {  	v14, _, _ =	vpop (xrf0);
	v7 =	vadd.s32 v9, v7;
	v9 =	vld [tilespmem:$0xC2D0]  }
0xa1: {  	v14 =	vperm.xlane v14, v5;
	v7 =	vadd.s32 v10, v7;
	v10 =	vld [tilespmem:$0xC2E0]  }
0xa2: {  	v7 =	vadd.s32 v11, v7;
	v11 =	vld [tilespmem:$0xC2F0]  }
0xa3: {  	v15 =	vshra.s32 v12, $0x1F;
	vm0 =	vgt.s32 v14, $0x1F;
	v7 =	vadd.s32 v13, v7  }
0xa4: {  	s20 =	simm.s32 $0x40;
	s21 =	simm.s32 $0x20;
	v16 =	vmpcnt.ones.xlane vm0;
	v13 =	vor.u32 $0x80000000, v15;
	v8 =	vadd.s32 v8, v7  }
0xa5: {  	s14 =	sand.u32 $0x60, s21;
	s12 =	sand.u32 $0x3F00, s20;
	v13 =	vxor.u32 v12, v13;
	v8 =	vadd.s32 v9, v8  }
0xa6: {  	s12 =	sor.u32 s14, s12;
	v7 =	vadd.s32 $0xFFFFFFFF, v16;
	v9 =	vshrl.u32 v13, $0x1C;
	v8 =	vadd.s32 v10, v8  }
0xa7: {  	vm1 =	veq.s32 v9, v7;
	v10 =	vld [tilespmem:s12+$0x0];
	v8 =	vadd.s32 v11, v8  }
0xa8: {  	v9 =	vmpcnt.ones.xlane vm1;
	v11 =	vld [tilespmem:s11+$0x10];
	v8 =	vperm.xlane v8, v5;
	_ =	sdelay $0x1  }
0xa9: {  	(v2sf) =	vpush v9, $0x0;
	(xrf0) =	vadd.scan.msk.s32 $0xffff, v8;
	_ =	sdelay $0x1  }
0xaa: {  	v8 =	vshra.s32 v10, $0x1F  }
0xab: {  	v9 =	vshra.s32 v11, $0x1F;
	v8 =	vor.u32 $0x80000000, v8  }
0xac: {  	v9 =	vor.u32 $0x80000000, v9;
	v15 =	vxor.u32 v10, v8  }
0xad: {  	vm0 =	vlt.s32 v16, $0xF;
	v11 =	vxor.u32 v11, v9;
	v9 =	vshrl.u32 v15, $0x1C  }
0xae: {  	v17 =	vld [tilespmem:s12+$0x10];
	vm2 =	vmmov vm1;
	v8 =	vnsel vm0, $0xF, v16;
	vm0 =	veq.s32 v9, v7;
	v10, _, _ =	vpop (xrf0)  }
0xaf: {  	s22 =	simm.s32 $0x80;
	s15 =	simm.s32 $0x40;
	v9 =	vmpcnt.ones.xlane vm0;
	v16 =	vperm.xlane v10, v5;
	v10 =	vshrl.u32 v11, $0x1C  }
0xb0: {  	s15 =	sand.u32 $0x60, s15;
	s14 =	sand.u32 $0x3F00, s22;
	vm2 =	vmmov vm2;
	vm1 =	veq.s32 v10, v7;
	v10 =	vshrl.u32 v13, $0x18  }
0xb1: {  	s14 =	sor.u32 s15, s14;
	(v2sf) =	vpush v9, $0x0;
	v9 =	vperm.xlane v14, v7;
	v12 =	vmpcnt.ones.xlane vm1  }
0xb2: {  	v19 =	vld [tilespmem:s14+$0x0];
	vm3 =	vgt.s32 v16, $0x1F;
	v18 =	vand.u32 $0xF, v10;
	v10 =	vperm.xlane v14, v8  }
0xb3: {  	v14 =	vshra.s32 v17, $0x1F;
	v20 =	vmpcnt.ones.xlane vm3;
	(v2sf) =	vpush v12, $0x0  }
0xb4: {  	v21 =	vshrl.u32 v11, $0x18;
	v23 =	vor.u32 $0x80000000, v14  }
0xb5: {  	v22 =	vld [tilespmem:s14+$0x10];
	[tilespmem:s31+$0x4000] =	vst.msk vm2, v13;
	v21 =	vand.u32 $0xF, v21;
	v13 =	vxor.u32 v17, v23;
	vm3 =	vlt.s32 v20, $0xF  }
0xb6: {  	v17 =	vshrl.u32 v15, $0x18;
	v8 =	vadd.s32 $0xFFFFFFFF, v20;
	v20 =	vnsel vm3, $0xF, v20  }
0xb7: {  	v12 =	vperm.xlane v16, v8;
	s23 =	spop (v2sf);
	v14 =	vperm.xlane v16, v20;
	v16 =	vshra.s32 v19, $0x1F  }
0xb8: {  	v17 =	vand.u32 $0xF, v17;
	[tilespmem:v18+s9+$0x0] =	vst.idx.add.s32.msk vm2, v3;
	s15 =	sadd.s32 $0x0, s23;
	v16 =	vor.u32 $0x80000000, v16  }
0xb9: {  	v18 =	vshrl.u32 v13, $0x1C;
	v20 =	vld [tilespmem:s11+$0x80];
	[tilespmem:s15+$0x4000] =	vst.msk vm1, v11;
	v11 =	vshrl.u32 v13, $0x18;
	v23 =	vxor.u32 v19, v16  }
0xba: {  	v16 =	vshra.s32 v22, $0x1F;
	[tilespmem:v21+s9+$0x0] =	vst.idx.add.s32.msk vm1, v3;
	vm1 =	vmmov vm0;
	v19 =	vshrl.u32 v23, $0x1C  }
0xbb: {  	v16 =	vor.u32 $0x80000000, v16;
	vm0 =	veq.s32 v18, v7;
	v18 =	vshrl.u32 v23, $0x18;
	v21 =	vld [tilespmem:s11+$0x90]  }
0xbc: {  	v11 =	vand.u32 $0xF, v11;
	vm2 =	veq.s32 v19, v7;
	v22 =	vxor.u32 v22, v16  }
0xbd: {  	s24 =	simm.s32 $0xC0;
	s16 =	simm.s32 $0x60;
	v24 =	vmpcnt.ones.xlane vm0;
	vm3 =	vmmov vm1;
	v16 =	vmpcnt.ones.xlane vm2  }
0xbe: {  	s16 =	sand.u32 $0x60, s16;
	s11 =	sand.u32 $0x3F00, s24;
	v19 =	vshrl.u32 v22, $0x1C;
	v25 =	vshrl.u32 v22, $0x18;
	vm1 =	vmmov vm2  }
0xbf: {  	s11 =	sor.u32 s16, s11;
	v26 =	vshra.s32 v20, $0x1F;
	vm5 =	veq.s32 v19, v7;
	(v2sf) =	vpush v16, $0x0  }
0xc0: {  	v16 =	vld [tilespmem:s11+$0x0];
	v26 =	vor.u32 $0x80000000, v26;
	(v2sf) =	vpush v24, $0x0;
	v27 =	vshra.s32 v21, $0x1F  }
0xc1: {  	vm6 =	vmmov vm1;
	v26 =	vxor.u32 v20, v26;
	s25 =	spop (v2sf);
	v20 =	vor.u32 $0x80000000, v27  }
0xc2: {  	v24 =	vld [tilespmem:s11+$0x10];
	v27 =	vshrl.u32 v26, $0x1C;
	v30 =	vxor.u32 v21, v20;
	v20 =	vshrl.u32 v26, $0x18;
	s17 =	spop (v2sf)  }
0xc3: {  	vm4 =	veq.s32 v27, v8;
	v21 =	vshrl.u32 v30, $0x1C;
	v27 =	vshrl.u32 v30, $0x18;
	s15 =	sadd.s32 s15, s17  }
0xc4: {  	v20 =	vand.u32 $0xF, v20;
	v28 =	vmpcnt.ones.xlane vm4;
	vm2 =	veq.s32 v21, v8;
	[tilespmem:s15+$0x4000] =	vst.msk vm3, v15  }
0xc5: {  	v27 =	vand.u32 $0xF, v27;
	v29 =	vor.u32 $0x100, v20;
	v15 =	vshra.s32 v16, $0x1F;
	s15 =	sadd.s32 s15, s25;
	[tilespmem:v17+s9+$0x0] =	vst.idx.add.s32.msk vm3, v3  }
0xc6: {  	(v2sf) =	vpush v28, $0x0;
	v28 =	vand.u32 $0xF, v25;
	v17 =	vmpcnt.ones.xlane vm2;
	[tilespmem:s15+$0x4000] =	vst.msk vm0, v13;
	v31 =	vld [tilespmem:s12+$0x80]  }
0xc7: {  	v25 =	vand.u32 $0xF, v18;
	v15 =	vor.u32 $0x80000000, v15;
	v13 =	vshra.s32 v24, $0x1F;
	[tilespmem:v11+s9+$0x0] =	vst.idx.add.s32.msk vm0, v3  }
0xc8: {  	s26 =	simm.s32 $0x100;
	s28 =	simm.s32 $0x80;
	v16 =	vxor.u32 v16, v15;
	v13 =	vor.u32 $0x80000000, v13;
	v19 =	vld [tilespmem:s12+$0x90];
	(v2sf) =	vpush v17, $0x0  }
0xc9: {  	s16 =	sand.u32 $0x60, s28;
	vm0 =	vmmov vm2;
	v11 =	vshrl.u32 v16, $0x1C;
	v15 =	vxor.u32 v24, v13;
	s12 =	sand.u32 $0x3F00, s26  }
0xca: {  	v20 =	vshrl.u32 v16, $0x18;
	v17 =	vmpcnt.ones.xlane vm5;
	vm3 =	veq.s32 v11, v7;
	s12 =	sor.u32 s16, s12  }
0xcb: {  	[tilespmem:s31+$0x6010] =	vst.msk vm4, v26;
	v24 =	vshrl.u32 v15, $0x1C;
	v21 =	vshrl.u32 v15, $0x18;
	v11 =	vmpcnt.ones.xlane vm3;
	v32 =	vld [tilespmem:s12+$0x0]  }
0xcc: {  	[tilespmem:v29+s9+$0x0] =	vst.idx.add.s32.msk vm4, v3;
	vm3 =	vmmov vm3;
	vm4 =	veq.s32 v24, v7;
	v13 =	vshra.s32 v31, $0x1F  }
0xcd: {  	(v2sf) =	vpush v11, $0x0;
	v11 =	vor.u32 $0x80000000, v13;
	v18 =	vshra.s32 v19, $0x1F  }
0xce: {  	(v2sf) =	vpush v17, $0x0;
	s29 =	spop (v2sf);
	v13 =	vxor.u32 v31, v11;
	v11 =	vor.u32 $0x80000000, v18  }
0xcf: {  	v17 =	vor.u32 $0x100, v27;
	v31 =	vld [tilespmem:s12+$0x10];
	s30 =	spop (v2sf);
	v18 =	vshrl.u32 v13, $0x1C;
	v11 =	vxor.u32 v19, v11  }
0xd0: {  	s13 =	sadd.s32 s15, s30;
	v26 =	vshra.s32 v32, $0x1F;
	vm1 =	veq.s32 v18, v8;
	v18 =	vshrl.u32 v13, $0x18  }
0xd1: {  	v19 =	vshrl.u32 v11, $0x1C;
	[tilespmem:s13+$0x4000] =	vst.msk vm6, v23;
	v23 =	vor.u32 $0x80000000, v26;
	v27 =	vmpcnt.ones.xlane vm1  }
0xd2: {  	vm2 =	veq.s32 v19, v8;
	v19 =	vshrl.u32 v11, $0x18;
	v18 =	vand.u32 $0xF, v18  }
0xd3: {  	s13 =	sadd.s32 s13, s29;
	[tilespmem:v25+s9+$0x0] =	vst.idx.add.s32.msk vm6, v3;
	v23 =	vxor.u32 v32, v23;
	v19 =	vand.u32 $0xF, v19;
	v18 =	vor.u32 $0x100, v18  }
0xd4: {  	[tilespmem:s13+$0x4000] =	vst.msk vm5, v22;
	v25 =	vld [tilespmem:s14+$0x80];
	(v2sf) =	vpush v27, $0x0;
	v27 =	vmpcnt.ones.xlane vm2;
	v26 =	vshra.s32 v31, $0x1F  }
0xd5: {  	v22 =	vshrl.u32 v23, $0x1C;
	[tilespmem:v28+s9+$0x0] =	vst.idx.add.s32.msk vm5, v3;
	v28 =	vmpcnt.ones.xlane vm4;
	v24 =	vor.u32 $0x80000000, v26;
	s31 =	spop (v2sf)  }
0xd6: {  	s17 =	simm.s32 $0xA0;
	vm5 =	veq.s32 v22, v7;
	v26 =	vld [tilespmem:s14+$0x90];
	(v2sf) =	vpush v27, $0x0;
	v22 =	vxor.u32 v31, v24;
	s16 =	sadd.s32 $0x0, s31  }
0xd7: {  	s15 =	simm.s32 $0x8;
	v29 =	vmpcnt.ones.xlane vm5;
	s14 =	simm.s32 $0x140;
	v27 =	vshrl.u32 v23, $0x18;
	v24 =	vshrl.u32 v22, $0x1C;
	[tilespmem:s16+$0x6010] =	vst.msk vm0, v30;
	s18 =	spop (v2sf)  }
.LBB2_8:
0xd8: {  	v30 =	vand.u32 $0xF, v21;
	v21 =	vshrl.u32 v22, $0x18  }
0xd9: {  	s19 =	sand.u32 $0x60, s17;
	s20 =	sand.u32 $0x3F00, s14;
	[tilespmem:v17+s9+$0x0] =	vst.idx.add.s32.msk vm0, v3;
	s16 =	sadd.s32 s16, s18;
	vm0 =	vmmov vm2;
	vm6 =	vmmov vm3;
	vm3 =	vmmov vm5  }
0xda: {  	s15 =	sadd.s32 $0x2, s15;
	v17 =	vshra.s32 v25, $0x1F;
	s18 =	sor.u32 s19, s20;
	(v2sf) =	vpush v29, $0x0;
	v29 =	vand.u32 $0xF, v20;
	[tilespmem:s16+$0x6010] =	vst.msk vm1, v13;
	v20 =	vmovc v27  }
0xdb: {  	p0 =	slt.u32 s15, $0x1FE;
	v13 =	vor.u32 $0x80000000, v17;
	v27 =	vld [tilespmem:s18+$0x0];
	(v2sf) =	vpush v28, $0x0;
	v17 =	vshra.s32 v26, $0x1F  }
0xdc: {  	v13 =	vxor.u32 v25, v13;
	v28 =	vld [tilespmem:s18+$0x10];
	s19 =	spop (v2sf);
	v25 =	vor.u32 $0x80000000, v17;
	v17 =	vor.u32 $0x100, v19  }
0xdd: {  	v19 =	vshrl.u32 v13, $0x1C;
	v31 =	vshrl.u32 v13, $0x18;
	v32 =	vxor.u32 v26, v25;
	s20 =	spop (v2sf);
	[tilespmem:v18+s9+$0x0] =	vst.idx.add.s32.msk vm1, v3  }
0xde: {  	vm1 =	veq.s32 v19, v8;
	s13 =	sadd.s32 s13, s20;
	v18 =	vshrl.u32 v32, $0x1C;
	v19 =	vshrl.u32 v32, $0x18  }
0xdf: {  	v26 =	vand.u32 $0xF, v31;
	v31 =	vmpcnt.ones.xlane vm1;
	[tilespmem:s13+$0x4000] =	vst.msk vm6, v16;
	s13 =	sadd.s32 s13, s19;
	vm2 =	veq.s32 v18, v8;
	v16 =	vmovc v23  }
0xe0: {  	v19 =	vand.u32 $0xF, v19;
	v18 =	vshra.s32 v27, $0x1F;
	[tilespmem:v29+s9+$0x0] =	vst.idx.add.s32.msk vm6, v3;
	v29 =	vmpcnt.ones.xlane vm2  }
.Ltmp3:
0xe1: {  	v23 =	vor.u32 $0x80000000, v18;
	v25 =	vld [tilespmem:s11+$0x80];
	[tilespmem:s13+$0x4000] =	vst.msk vm4, v15;
	v18 =	vor.u32 $0x100, v26;
	(v2sf) =	vpush v31, $0x0;
	v15 =	vmovc v22;
	(pc) =	sbr.rel @p0 .LBB2_8-.Ltmp3, $4  }
0xe2: {  	v22 =	vshra.s32 v28, $0x1F;
	v23 =	vxor.u32 v27, v23;
	[tilespmem:v30+s9+$0x0] =	vst.idx.add.s32.msk vm4, v3;
	vm4 =	veq.s32 v24, v7  }
0xe3: {  	v22 =	vor.u32 $0x80000000, v22;
	v24 =	vshrl.u32 v23, $0x1C;
	v26 =	vld [tilespmem:s11+$0x90];
	(v2sf) =	vpush v29, $0x0;
	s19 =	spop (v2sf);
	s11 =	smov.u32 s12;
	s12 =	smov.u32 s18  }
0xe4: {  	v27 =	vshrl.u32 v23, $0x18;
	v22 =	vxor.u32 v28, v22;
	vm5 =	veq.s32 v24, v7;
	s16 =	sadd.s32 s16, s19  }
0xe5: {  	s14 =	sadd.s32 $0x40, s14;
	s17 =	sadd.s32 $0x20, s17;
	v28 =	vmpcnt.ones.xlane vm4;
	v24 =	vshrl.u32 v22, $0x1C;
	v29 =	vmpcnt.ones.xlane vm5;
	[tilespmem:s16+$0x6010] =	vst.msk vm0, v11;
	s18 =	spop (v2sf);
	v11 =	vmovc v32  }
0xe6: {  	_ = 	snop  }
0xe7: {  	(v2sf) =	vpush v29, $0x0  }
0xe8: {  	(v2sf) =	vpush v28, $0x0;
	_ =	sdelay $0x7  }
0xe9: {  	vm3 =	vmmov vm3  }
0xea: {  	v20 =	vand.u32 $0xF, v20  }
0xeb: {  	s15 =	spop (v2sf)  }
0xec: {  	v21 =	vand.u32 $0xF, v21;
	vm5 =	vmmov vm5;
	s14 =	spop (v2sf)  }
0xed: {  	vm5 =	vmmov vm5;
	s17 =	sadd.s32 s13, s14;
	s20 =	spop (v2sf)  }
0xee: {  	v45 =	vshra.s32 v25, $0x1F;
	[tilespmem:s17+$0x4000] =	vst.msk vm3, v16;
	v16 =	vand.u32 $0xF, v27;
	s21 =	spop (v2sf)  }
0xef: {  	v46 =	vor.u32 $0x80000000, v45;
	v47 =	vshra.s32 v26, $0x1F;
	s15 =	sadd.s32 s17, s15;
	[tilespmem:v20+s9+$0x0] =	vst.idx.add.s32.msk vm3, v3;
	s22 =	spop (v2sf)  }
0xf0: {  	v48 =	vxor.u32 v25, v46;
	v49 =	vor.u32 $0x80000000, v47;
	[tilespmem:s15+$0x4000] =	vst.msk vm4, v15;
	v50 =	vld [tilespmem:s11+$0x80];
	s19 =	spop (v2sf)  }
0xf1: {  	v25 =	vxor.u32 v26, v49;
	v15 =	vshrl.u32 v48, $0x1C;
	[tilespmem:v21+s9+$0x0] =	vst.idx.add.s32.msk vm4, v3;
	s15 =	sadd.s32 s15, s19  }
0xf2: {  	vm13 =	veq.s32 v15, v8;
	v15 =	vshrl.u32 v25, $0x1C;
	v21 =	vld [tilespmem:s11+$0x90];
	[tilespmem:s15+$0x4000] =	vst.msk vm5, v23  }
0xf3: {  	v51 =	vmpcnt.ones.xlane vm13;
	vm6 =	veq.s32 v15, v8;
	[tilespmem:v16+s9+$0x0] =	vst.idx.add.s32.msk vm5, v3  }
0xf4: {  	v15 =	vmpcnt.ones.xlane vm6;
	v16 =	vld [tilespmem:s12+$0x80]  }
0xf5: {  	v52 =	vshrl.u32 v22, $0x18;
	(v2sf) =	vpush v51, $0x0;
	v53 =	vshra.s32 v50, $0x1F  }
0xf6: {  	vm8 =	veq.s32 v24, v7;
	(v2sf) =	vpush v15, $0x0;
	v15 =	vor.u32 $0x80000000, v53  }
0xf7: {  	v54 =	vmpcnt.ones.xlane vm8;
	v55 =	vshra.s32 v21, $0x1F;
	v15 =	vxor.u32 v50, v15  }
0xf8: {  	v26 =	vand.u32 $0xF, v52;
	v24 =	vor.u32 $0x80000000, v55;
	v27 =	vshrl.u32 v15, $0x1C  }
0xf9: {  	v21 =	vxor.u32 v21, v24;
	vm14 =	veq.s32 v27, v8;
	v56 =	vshra.s32 v16, $0x1F  }
0xfa: {  	v57 =	vshrl.u32 v21, $0x1C;
	v58 =	vmpcnt.ones.xlane vm14;
	v24 =	vor.u32 $0x80000000, v56  }
0xfb: {  	(v2sf) =	vpush v54, $0x0;
	vm7 =	veq.s32 v57, v8;
	v16 =	vxor.u32 v16, v24  }
0xfc: {  	v59 =	vmpcnt.ones.xlane vm7;
	(v2sf) =	vpush v58, $0x0;
	v24 =	vshrl.u32 v16, $0x1C  }
0xfd: {  	vm15 =	veq.s32 v24, v8  }
0xfe: {  	(v2sf) =	vpush v59, $0x0;
	v60 =	vmpcnt.ones.xlane vm15  }
0xff: {  	[tilespmem:v17+s9+$0x0] =	vst.idx.add.s32.msk vm0, v3;
	s23 =	sadd.s32 s15, s22  }
0x100: {  	[tilespmem:s23+$0x4000] =	vst.msk vm8, v22;
	(v2sf) =	vpush v60, $0x0  }
0x101: {  	v17 =	vor.u32 $0x100, v19;
	v61 =	vshrl.u32 v48, $0x18;
	[tilespmem:v26+s9+$0x0] =	vst.idx.add.s32.msk vm8, v3  }
0x102: {  	s24 =	sadd.s32 s16, s18;
	v19 =	vand.u32 $0xF, v61;
	v22 =	vld [tilespmem:s12+$0x90]  }
0x103: {  	[tilespmem:s24+$0x6010] =	vst.msk vm1, v13;
	v13 =	vshrl.u32 v25, $0x18;
	v19 =	vor.u32 $0x100, v19  }
0x104: {  	vm9 =	vmmov vm2;
	[tilespmem:v18+s9+$0x0] =	vst.idx.add.s32.msk vm1, v3;
	v13 =	vand.u32 $0xF, v13;
	s11 =	sadd.s32 s24, s20  }
0x105: {  	[tilespmem:s11+$0x6010] =	vst.msk vm9, v11;
	v11 =	vor.u32 $0x100, v13;
	v13 =	vshrl.u32 v15, $0x18  }
0x106: {  	[tilespmem:v17+s9+$0x0] =	vst.idx.add.s32.msk vm2, v3;
	s11 =	sadd.s32 s11, s21;
	v13 =	vand.u32 $0xF, v13  }
0x107: {  	[tilespmem:s11+$0x6010] =	vst.msk vm13, v48;
	v17 =	vshrl.u32 v21, $0x18;
	v13 =	vor.u32 $0x100, v13;
	s25 =	spop (v2sf);
	v62 =	vshra.s32 v22, $0x1F  }
0x108: {  	vm10 =	vmmov vm6;
	[tilespmem:v19+s9+$0x0] =	vst.idx.add.s32.msk vm13, v3;
	v17 =	vand.u32 $0xF, v17;
	s11 =	sadd.s32 s11, s25;
	v18 =	vor.u32 $0x80000000, v62  }
0x109: {  	v17 =	vor.u32 $0x100, v17;
	s26 =	spop (v2sf);
	[tilespmem:s11+$0x6010] =	vst.msk vm10, v25;
	v63 =	vshrl.u32 v16, $0x18;
	v18 =	vxor.u32 v22, v18  }
0x10a: {  	vm11 =	vmmov vm7;
	s11 =	sadd.s32 s11, s26;
	[tilespmem:v11+s9+$0x0] =	vst.idx.add.s32.msk vm6, v3;
	v11 =	vshrl.u32 v18, $0x1C;
	v19 =	vand.u32 $0xF, v63;
	s28 =	spop (v2sf)  }
0x10b: {  	[tilespmem:s11+$0x6010] =	vst.msk vm14, v15;
	v15 =	vshrl.u32 v18, $0x18;
	vm12 =	veq.s32 v11, v8;
	v11 =	vor.u32 $0x100, v19;
	s12 =	spop (v2sf)  }
0x10c: {  	[tilespmem:v13+s9+$0x0] =	vst.idx.add.s32.msk vm14, v3;
	vm14 =	veq.s32 v7, $0xF;
	v13 =	vand.u32 $0xF, v15;
	v15 =	vmpcnt.ones.xlane vm12;
	s11 =	sadd.s32 s11, s12  }
0x10d: {  	v10 =	vsel vm14, $0x0, v10;
	v13 =	vor.u32 $0x100, v13;
	s29 =	spop (v2sf);
	[tilespmem:s11+$0x6010] =	vst.msk vm11, v21  }
0x10e: {  	(v2sf) =	vpush v15, $0x0;
	v15 =	vsub.s32 v9, v10;
	s11 =	sadd.s32 s11, s29;
	[tilespmem:v17+s9+$0x0] =	vst.idx.add.s32.msk vm7, v3  }
0x10f: {  	(v2sf) =	vpush v15, $0x0;
	[tilespmem:s11+$0x6010] =	vst.msk vm15, v16;
	s30 =	spop (v2sf)  }
0x110: {  	vm13 =	vmmov vm12;
	[tilespmem:v11+s9+$0x0] =	vst.idx.add.s32.msk vm15, v3;
	s11 =	sadd.s32 s11, s30  }
0x111: {  	[tilespmem:s11+$0x6010] =	vst.msk vm13, v18  }
0x112: {  	[tilespmem:v13+s9+$0x0] =	vst.idx.add.s32.msk vm12, v3  }
0x113: {  	v9 =	vld [tilespmem:$0xC100];
	_ =	sdelay $0x4  }
0x114: {  	v9 =	vperm.xlane v9, v5;
	_ =	sdelay $0x1  }
0x115: {  	(xrf0) =	vadd.scan.msk.s32 $0xffff, v9;
	_ =	sdelay $0x2  }
0x116: {  	s31 =	spop (v2sf)  }
0x117: {  	s11 =	spop (v2sf)  }
0x118: {  	s11 =	sadd.s32 $0xF, s11  }
0x119: {  	s12 =	sshrl.u32 s11, $0x4;
	v9, _, _ =	vpop (xrf0)  }
0x11a: {  	p0 =	seq.s32 s12, $0x0;
	v11 =	vperm.xlane v9, v5  }
.Ltmp4:
0x11b: {  	v10 =	vsub.s32 $0x20, v10;
	(pc) =	sbr.rel @p0 .LBB2_16-.Ltmp4, $3  }
0x11c: {  	vm15 =	vge.s32 v11, v10  }
0x11d: {  	v13 =	vmpcnt.ones.xlane vm15;
	_ =	sdelay $0x1  }
0x11e: {  	[tilespmem:$0xC100] =	vst v2;
	v9 =	vadd.s32 $0xFFFFFFFF, v13  }
0x11f: {  	p1 =	sne.s32 s12, $0x1  }
.Ltmp5:
0x120: {  	_ = 	snop;
	(pc) =	sbr.rel @!p1 .LBB2_11-.Ltmp5, $3  }
0x121: {  	_ =	sdelay $0x1  }
0x122: {  	s13 =	simm.s32 $0x4000  }
0x123: {  	s11 =	simm.s32 $0x0;
	s12 =	sadd.s32 $0xFFFFFFFF, s12;
	p0 =	por $0x0, $0x0;
	v16 =	vld [tilespmem:s13+$0x0]  }
0x124: {  	_ =	sdelay $0x3  }
0x125: {  	v17 =	vshrl.u32 v16, $0x18  }
0x126: {  	v18 =	vor.u32 s11, v0;
	v17 =	vand.u32 $0xF, v17  }
0x127: {  	vm0 =	vlt.s32 v18, v15;
	vm1 =	veq.s32 v17, v9  }
0x128: {  	vm0 =	vmand vm0, vm1  }
0x129: {  	v17 =	vshrl.u32 v16, $0x14;
	v18 =	vmpcnt.ones.xlane vm0  }
0x12a: {  	v17 =	vand.u32 $0xF, v17  }
0x12b: {  	p1 =	sne.s32 s12, $0x1;
	(v2sf) =	vpush v18, $0x0  }
.Ltmp6:
0x12c: {  	_ = 	snop;
	(pc) =	sbr.rel @!p1 .LBB2_13-.Ltmp6, $4  }
0x12d: {  	_ = 	snop  }
0x12e: {  	[tilespmem:s11+$0x8080] =	vst.msk vm0, v16  }
0x12f: {  	s14 =	simm.s32 $0x4010;
	s15 =	sadd.s32 $0xFFFFFFFF, s12;
	[tilespmem:v17+s9+$0x0] =	vst.idx.add.s32.msk vm0, v3  }
0x130: {  	p0 =	por $0x1, $0x1;
	s13 =	simm.s32 $0x0;
	s12 =	simm.s32 $0x0;
	v16 =	vld [tilespmem:s14+$0x0]  }
.LBB2_14:
0x131: {  	p1 =	sne.s32 s15, $0x1;
	_ =	sdelay $0x3  }
0x132: {  	s13 =	sadd.s32 $0x10, s13;
	v17 =	vshrl.u32 v16, $0x18;
	v18 =	vshrl.u32 v16, $0x14  }
0x133: {  	v19 =	vor.u32 s13, v0;
	v17 =	vand.u32 $0xF, v17  }
0x134: {  	vm0 =	vlt.s32 v19, v15;
	vm1 =	veq.s32 v17, v9  }
0x135: {  	vm0 =	vmand vm0, vm1  }
0x136: {  	v17 =	vand.u32 $0xF, v18;
	v18 =	vmpcnt.ones.xlane vm0  }
0x137: {  	s16 =	spop (v2sf)  }
0x138: {  	(v2sf) =	vpush v18, $0x0;
	s12 =	sadd.s32 s12, s16  }
.Ltmp7:
0x139: {  	[tilespmem:s12+$0x8080] =	vst.msk vm0, v16;
	(pc) =	sbr.rel @p1 .LBB2_14-.Ltmp7, $4  }
0x13a: {  	_ = 	snop  }
0x13b: {  	[tilespmem:v17+s9+$0x0] =	vst.idx.add.s32.msk vm0, v3  }
0x13c: {  	s14 =	sadd.s32 $0x10, s14  }
0x13d: {  	s15 =	sadd.s32 $0xFFFFFFFF, s15;
	v16 =	vld [tilespmem:s14+$0x0]  }
.LBB2_15:
0x13e: {  	_ =	sdelay $0x2  }
0x13f: {  	s13 =	sadd.s32 @p0 $0x10, s13;
	s14 =	simm.s32 $0x0  }
0x140: {  	s14 =	smov.u32 @p0 s13;
	v17 =	vshrl.u32 v16, $0x18  }
0x141: {  	v18 =	vor.u32 s14, v0;
	v17 =	vand.u32 $0xF, v17  }
0x142: {  	vm0 =	vlt.s32 v18, v15;
	vm1 =	veq.s32 v17, v9  }
0x143: {  	vm0 =	vmand vm0, vm1  }
0x144: {  	v15 =	vmpcnt.ones.xlane vm0;
	_ =	sdelay $0x1  }
0x145: {  	(v2sf) =	vpush v15, $0x0;
	_ =	sdelay $0x8  }
0x146: {  	v15 =	vshrl.u32 v16, $0x14  }
0x147: {  	v15 =	vand.u32 $0xF, v15  }
0x148: {  	s13 =	spop @p0 (v2sf)  }
0x149: {  	s12 =	sadd.s32 @p0 s12, s13  }
0x14a: {  	s11 =	smov.u32 @p0 s12  }
0x14b: {  	[tilespmem:s11+$0x8080] =	vst.msk vm0, v16  }
0x14c: {  	[tilespmem:v15+s9+$0x0] =	vst.idx.add.s32.msk vm0, v3;
	s31 =	spop (v2sf)  }
.LBB2_16:
0x14d: {  	vm0 =	vlt.s32 v13, $0xF  }
0x14e: {  	v13 =	vnsel vm0, $0xF, v13  }
0x14f: {  	v13 =	vperm.xlane v11, v13  }
0x150: {  	vm14 =	veq.s32 v9, $0xF;
	v11 =	vperm.xlane v11, v9  }
0x151: {  	v15 =	vsel vm14, $0x0, v13  }
0x152: {  	v16 =	vsub.s32 v11, v15  }
0x153: {  	(v2sf) =	vpush v16, $0x0;
	_ =	sdelay $0x3  }
0x154: {  	v11 =	vld [tilespmem:$0xC100];
	_ =	sdelay $0x4  }
0x155: {  	v11 =	vperm.xlane v11, v5;
	_ =	sdelay $0x1  }
0x156: {  	(xrf0) =	vadd.scan.msk.s32 $0xffff, v11;
	_ =	sdelay $0x3  }
0x157: {  	s11 =	spop (v2sf)  }
0x158: {  	s11 =	sadd.s32 $0xF, s11  }
0x159: {  	v11, _, _ =	vpop (xrf0);
	s12 =	sshrl.u32 s11, $0x4  }
0x15a: {  	v13 =	vperm.xlane v11, v5;
	p0 =	seq.s32 s12, $0x0  }
.Ltmp8:
0x15b: {  	v11 =	vsub.s32 v10, v15;
	(pc) =	sbr.rel @p0 .LBB2_23-.Ltmp8, $3  }
0x15c: {  	vm15 =	vge.s32 v13, v11  }
0x15d: {  	v15 =	vmpcnt.ones.xlane vm15;
	_ =	sdelay $0x1  }
0x15e: {  	[tilespmem:$0xC100] =	vst v2;
	v10 =	vadd.s32 $0xFFFFFFFF, v15  }
0x15f: {  	p1 =	sne.s32 s12, $0x1  }
.Ltmp9:
0x160: {  	_ = 	snop;
	(pc) =	sbr.rel @!p1 .LBB2_18-.Ltmp9, $3  }
0x161: {  	_ =	sdelay $0x1  }
0x162: {  	s13 =	simm.s32 $0x8080  }
0x163: {  	s11 =	simm.s32 $0x0;
	s12 =	sadd.s32 $0xFFFFFFFF, s12;
	p0 =	por $0x0, $0x0;
	v17 =	vld [tilespmem:s13+$0x0]  }
0x164: {  	_ =	sdelay $0x3  }
0x165: {  	v18 =	vshrl.u32 v17, $0x14  }
0x166: {  	v19 =	vor.u32 s11, v0;
	v18 =	vand.u32 $0xF, v18  }
0x167: {  	vm0 =	vlt.s32 v19, v16;
	vm1 =	veq.s32 v18, v10  }
0x168: {  	vm0 =	vmand vm0, vm1  }
0x169: {  	v18 =	vshrl.u32 v17, $0x10;
	v19 =	vmpcnt.ones.xlane vm0  }
0x16a: {  	v18 =	vand.u32 $0xF, v18  }
0x16b: {  	p1 =	sne.s32 s12, $0x1;
	(v2sf) =	vpush v19, $0x0  }
.Ltmp10:
0x16c: {  	_ = 	snop;
	(pc) =	sbr.rel @!p1 .LBB2_20-.Ltmp10, $4  }
0x16d: {  	_ = 	snop  }
0x16e: {  	[tilespmem:s11+$0x4000] =	vst.msk vm0, v17  }
0x16f: {  	s14 =	simm.s32 $0x8090;
	s15 =	sadd.s32 $0xFFFFFFFF, s12;
	[tilespmem:v18+s9+$0x0] =	vst.idx.add.s32.msk vm0, v3  }
0x170: {  	p0 =	por $0x1, $0x1;
	s13 =	simm.s32 $0x0;
	s12 =	simm.s32 $0x0;
	v17 =	vld [tilespmem:s14+$0x0]  }
.LBB2_21:
0x171: {  	p1 =	sne.s32 s15, $0x1;
	_ =	sdelay $0x3  }
0x172: {  	s13 =	sadd.s32 $0x10, s13;
	v18 =	vshrl.u32 v17, $0x14;
	v19 =	vshrl.u32 v17, $0x10  }
0x173: {  	v20 =	vor.u32 s13, v0;
	v18 =	vand.u32 $0xF, v18  }
0x174: {  	vm0 =	vlt.s32 v20, v16;
	vm1 =	veq.s32 v18, v10  }
0x175: {  	vm0 =	vmand vm0, vm1  }
0x176: {  	v18 =	vand.u32 $0xF, v19;
	v19 =	vmpcnt.ones.xlane vm0  }
0x177: {  	s16 =	spop (v2sf)  }
0x178: {  	(v2sf) =	vpush v19, $0x0;
	s12 =	sadd.s32 s12, s16  }
.Ltmp11:
0x179: {  	[tilespmem:s12+$0x4000] =	vst.msk vm0, v17;
	(pc) =	sbr.rel @p1 .LBB2_21-.Ltmp11, $4  }
0x17a: {  	_ = 	snop  }
0x17b: {  	[tilespmem:v18+s9+$0x0] =	vst.idx.add.s32.msk vm0, v3  }
0x17c: {  	s14 =	sadd.s32 $0x10, s14  }
0x17d: {  	s15 =	sadd.s32 $0xFFFFFFFF, s15;
	v17 =	vld [tilespmem:s14+$0x0]  }
.LBB2_22:
0x17e: {  	_ =	sdelay $0x2  }
0x17f: {  	s13 =	sadd.s32 @p0 $0x10, s13;
	s14 =	simm.s32 $0x0  }
0x180: {  	s14 =	smov.u32 @p0 s13;
	v18 =	vshrl.u32 v17, $0x14  }
0x181: {  	v19 =	vor.u32 s14, v0;
	v18 =	vand.u32 $0xF, v18  }
0x182: {  	vm0 =	vlt.s32 v19, v16;
	vm1 =	veq.s32 v18, v10  }
0x183: {  	vm0 =	vmand vm0, vm1  }
0x184: {  	v16 =	vmpcnt.ones.xlane vm0;
	_ =	sdelay $0x1  }
0x185: {  	(v2sf) =	vpush v16, $0x0;
	_ =	sdelay $0x8  }
0x186: {  	v16 =	vshrl.u32 v17, $0x10  }
0x187: {  	v16 =	vand.u32 $0xF, v16  }
0x188: {  	s13 =	spop @p0 (v2sf)  }
0x189: {  	s12 =	sadd.s32 @p0 s12, s13  }
0x18a: {  	s11 =	smov.u32 @p0 s12  }
0x18b: {  	[tilespmem:s11+$0x4000] =	vst.msk vm0, v17  }
0x18c: {  	[tilespmem:v16+s9+$0x0] =	vst.idx.add.s32.msk vm0, v3;
	s31 =	spop (v2sf)  }
.LBB2_23:
0x18d: {  	vm0 =	vlt.s32 v15, $0xF  }
0x18e: {  	v15 =	vnsel vm0, $0xF, v15  }
0x18f: {  	v15 =	vperm.xlane v13, v15  }
0x190: {  	vm14 =	veq.s32 v10, $0xF;
	v13 =	vperm.xlane v13, v10  }
0x191: {  	v16 =	vsel vm14, $0x0, v15  }
0x192: {  	v17 =	vsub.s32 v13, v16  }
0x193: {  	(v2sf) =	vpush v17, $0x0;
	_ =	sdelay $0x3  }
0x194: {  	v13 =	vld [tilespmem:$0xC100];
	_ =	sdelay $0x4  }
0x195: {  	v13 =	vperm.xlane v13, v5;
	_ =	sdelay $0x1  }
0x196: {  	(xrf0) =	vadd.scan.msk.s32 $0xffff, v13;
	_ =	sdelay $0x3  }
0x197: {  	s11 =	spop (v2sf)  }
0x198: {  	s11 =	sadd.s32 $0xF, s11  }
0x199: {  	v13, _, _ =	vpop (xrf0);
	s12 =	sshrl.u32 s11, $0x4  }
0x19a: {  	v15 =	vperm.xlane v13, v5;
	p0 =	seq.s32 s12, $0x0  }
.Ltmp12:
0x19b: {  	v13 =	vsub.s32 v11, v16;
	(pc) =	sbr.rel @p0 .LBB2_30-.Ltmp12, $3  }
0x19c: {  	vm15 =	vge.s32 v15, v13  }
0x19d: {  	v16 =	vmpcnt.ones.xlane vm15;
	_ =	sdelay $0x1  }
0x19e: {  	[tilespmem:$0xC100] =	vst v2;
	v11 =	vadd.s32 $0xFFFFFFFF, v16  }
0x19f: {  	p1 =	sne.s32 s12, $0x1  }
.Ltmp13:
0x1a0: {  	_ = 	snop;
	(pc) =	sbr.rel @!p1 .LBB2_25-.Ltmp13, $3  }
0x1a1: {  	_ =	sdelay $0x1  }
0x1a2: {  	s13 =	simm.s32 $0x4000  }
0x1a3: {  	s11 =	simm.s32 $0x0;
	s12 =	sadd.s32 $0xFFFFFFFF, s12;
	p0 =	por $0x0, $0x0;
	v18 =	vld [tilespmem:s13+$0x0]  }
0x1a4: {  	_ =	sdelay $0x3  }
0x1a5: {  	v19 =	vshrl.u32 v18, $0x10  }
0x1a6: {  	v20 =	vor.u32 s11, v0;
	v19 =	vand.u32 $0xF, v19  }
0x1a7: {  	vm0 =	vlt.s32 v20, v17;
	vm1 =	veq.s32 v19, v11  }
0x1a8: {  	vm0 =	vmand vm0, vm1  }
0x1a9: {  	v19 =	vshrl.u32 v18, $0xC;
	v20 =	vmpcnt.ones.xlane vm0  }
0x1aa: {  	v19 =	vand.u32 $0xF, v19  }
0x1ab: {  	p1 =	sne.s32 s12, $0x1;
	(v2sf) =	vpush v20, $0x0  }
.Ltmp14:
0x1ac: {  	_ = 	snop;
	(pc) =	sbr.rel @!p1 .LBB2_27-.Ltmp14, $4  }
0x1ad: {  	_ = 	snop  }
0x1ae: {  	[tilespmem:s11+$0x8080] =	vst.msk vm0, v18  }
0x1af: {  	s14 =	simm.s32 $0x4010;
	s15 =	sadd.s32 $0xFFFFFFFF, s12;
	[tilespmem:v19+s9+$0x0] =	vst.idx.add.s32.msk vm0, v3  }
0x1b0: {  	p0 =	por $0x1, $0x1;
	s13 =	simm.s32 $0x0;
	s12 =	simm.s32 $0x0;
	v18 =	vld [tilespmem:s14+$0x0]  }
.LBB2_28:
0x1b1: {  	p1 =	sne.s32 s15, $0x1;
	_ =	sdelay $0x3  }
0x1b2: {  	s13 =	sadd.s32 $0x10, s13;
	v19 =	vshrl.u32 v18, $0x10;
	v20 =	vshrl.u32 v18, $0xC  }
0x1b3: {  	v21 =	vor.u32 s13, v0;
	v19 =	vand.u32 $0xF, v19  }
0x1b4: {  	vm0 =	vlt.s32 v21, v17;
	vm1 =	veq.s32 v19, v11  }
0x1b5: {  	vm0 =	vmand vm0, vm1  }
0x1b6: {  	v19 =	vand.u32 $0xF, v20;
	v20 =	vmpcnt.ones.xlane vm0  }
0x1b7: {  	s16 =	spop (v2sf)  }
0x1b8: {  	(v2sf) =	vpush v20, $0x0;
	s12 =	sadd.s32 s12, s16  }
.Ltmp15:
0x1b9: {  	[tilespmem:s12+$0x8080] =	vst.msk vm0, v18;
	(pc) =	sbr.rel @p1 .LBB2_28-.Ltmp15, $4  }
0x1ba: {  	_ = 	snop  }
0x1bb: {  	[tilespmem:v19+s9+$0x0] =	vst.idx.add.s32.msk vm0, v3  }
0x1bc: {  	s14 =	sadd.s32 $0x10, s14  }
0x1bd: {  	s15 =	sadd.s32 $0xFFFFFFFF, s15;
	v18 =	vld [tilespmem:s14+$0x0]  }
.LBB2_29:
0x1be: {  	_ =	sdelay $0x2  }
0x1bf: {  	s13 =	sadd.s32 @p0 $0x10, s13;
	s14 =	simm.s32 $0x0  }
0x1c0: {  	s14 =	smov.u32 @p0 s13;
	v19 =	vshrl.u32 v18, $0x10  }
0x1c1: {  	v20 =	vor.u32 s14, v0;
	v19 =	vand.u32 $0xF, v19  }
0x1c2: {  	vm0 =	vlt.s32 v20, v17;
	vm1 =	veq.s32 v19, v11  }
0x1c3: {  	vm0 =	vmand vm0, vm1  }
0x1c4: {  	v17 =	vmpcnt.ones.xlane vm0;
	_ =	sdelay $0x1  }
0x1c5: {  	(v2sf) =	vpush v17, $0x0;
	_ =	sdelay $0x8  }
0x1c6: {  	v17 =	vshrl.u32 v18, $0xC  }
0x1c7: {  	v17 =	vand.u32 $0xF, v17  }
0x1c8: {  	s13 =	spop @p0 (v2sf)  }
0x1c9: {  	s12 =	sadd.s32 @p0 s12, s13  }
0x1ca: {  	s11 =	smov.u32 @p0 s12  }
0x1cb: {  	[tilespmem:s11+$0x8080] =	vst.msk vm0, v18  }
0x1cc: {  	[tilespmem:v17+s9+$0x0] =	vst.idx.add.s32.msk vm0, v3;
	s31 =	spop (v2sf)  }
.LBB2_30:
0x1cd: {  	vm0 =	vlt.s32 v16, $0xF  }
0x1ce: {  	v16 =	vnsel vm0, $0xF, v16  }
0x1cf: {  	v16 =	vperm.xlane v15, v16  }
0x1d0: {  	vm14 =	veq.s32 v11, $0xF;
	v15 =	vperm.xlane v15, v11  }
0x1d1: {  	v17 =	vsel vm14, $0x0, v16  }
0x1d2: {  	v18 =	vsub.s32 v15, v17  }
0x1d3: {  	(v2sf) =	vpush v18, $0x0;
	_ =	sdelay $0x3  }
0x1d4: {  	v15 =	vld [tilespmem:$0xC100];
	_ =	sdelay $0x4  }
0x1d5: {  	v15 =	vperm.xlane v15, v5;
	_ =	sdelay $0x1  }
0x1d6: {  	(xrf0) =	vadd.scan.msk.s32 $0xffff, v15;
	_ =	sdelay $0x3  }
0x1d7: {  	s11 =	spop (v2sf)  }
0x1d8: {  	s11 =	sadd.s32 $0xF, s11  }
0x1d9: {  	v15, _, _ =	vpop (xrf0);
	s12 =	sshrl.u32 s11, $0x4  }
0x1da: {  	v16 =	vperm.xlane v15, v5;
	p0 =	seq.s32 s12, $0x0  }
.Ltmp16:
0x1db: {  	v15 =	vsub.s32 v13, v17;
	(pc) =	sbr.rel @p0 .LBB2_37-.Ltmp16, $3  }
0x1dc: {  	vm15 =	vge.s32 v16, v15  }
0x1dd: {  	v17 =	vmpcnt.ones.xlane vm15;
	_ =	sdelay $0x1  }
0x1de: {  	[tilespmem:$0xC100] =	vst v2;
	v13 =	vadd.s32 $0xFFFFFFFF, v17  }
0x1df: {  	p1 =	sne.s32 s12, $0x1  }
.Ltmp17:
0x1e0: {  	_ = 	snop;
	(pc) =	sbr.rel @!p1 .LBB2_32-.Ltmp17, $3  }
0x1e1: {  	_ =	sdelay $0x1  }
0x1e2: {  	s13 =	simm.s32 $0x8080  }
0x1e3: {  	s11 =	simm.s32 $0x0;
	s12 =	sadd.s32 $0xFFFFFFFF, s12;
	p0 =	por $0x0, $0x0;
	v19 =	vld [tilespmem:s13+$0x0]  }
0x1e4: {  	_ =	sdelay $0x3  }
0x1e5: {  	v20 =	vshrl.u32 v19, $0xC  }
0x1e6: {  	v21 =	vor.u32 s11, v0;
	v20 =	vand.u32 $0xF, v20  }
0x1e7: {  	vm0 =	vlt.s32 v21, v18;
	vm1 =	veq.s32 v20, v13  }
0x1e8: {  	vm0 =	vmand vm0, vm1  }
0x1e9: {  	v20 =	vshrl.u32 v19, $0x8;
	v63 =	vmpcnt.ones.xlane vm0  }
0x1ea: {  	v20 =	vand.u32 $0xF, v20  }
0x1eb: {  	p1 =	sne.s32 s12, $0x1;
	(v2sf) =	vpush v63, $0x0  }
.Ltmp18:
0x1ec: {  	_ = 	snop;
	(pc) =	sbr.rel @!p1 .LBB2_34-.Ltmp18, $4  }
0x1ed: {  	_ = 	snop  }
0x1ee: {  	[tilespmem:s11+$0x4000] =	vst.msk vm0, v19  }
0x1ef: {  	s14 =	simm.s32 $0x8090;
	s15 =	sadd.s32 $0xFFFFFFFF, s12;
	[tilespmem:v20+s9+$0x0] =	vst.idx.add.s32.msk vm0, v3  }
0x1f0: {  	p0 =	por $0x1, $0x1;
	s13 =	simm.s32 $0x0;
	s12 =	simm.s32 $0x0;
	v19 =	vld [tilespmem:s14+$0x0]  }
.LBB2_35:
0x1f1: {  	p1 =	sne.s32 s15, $0x1;
	_ =	sdelay $0x3  }
0x1f2: {  	s13 =	sadd.s32 $0x10, s13;
	v20 =	vshrl.u32 v19, $0xC;
	v21 =	vshrl.u32 v19, $0x8  }
0x1f3: {  	v22 =	vor.u32 s13, v0;
	v20 =	vand.u32 $0xF, v20  }
0x1f4: {  	vm0 =	vlt.s32 v22, v18;
	vm1 =	veq.s32 v20, v13  }
0x1f5: {  	vm0 =	vmand vm0, vm1  }
0x1f6: {  	v20 =	vand.u32 $0xF, v21;
	v21 =	vmpcnt.ones.xlane vm0  }
0x1f7: {  	s16 =	spop (v2sf)  }
0x1f8: {  	(v2sf) =	vpush v21, $0x0;
	s12 =	sadd.s32 s12, s16  }
.Ltmp19:
0x1f9: {  	[tilespmem:s12+$0x4000] =	vst.msk vm0, v19;
	(pc) =	sbr.rel @p1 .LBB2_35-.Ltmp19, $4  }
0x1fa: {  	_ = 	snop  }
0x1fb: {  	[tilespmem:v20+s9+$0x0] =	vst.idx.add.s32.msk vm0, v3  }
0x1fc: {  	s14 =	sadd.s32 $0x10, s14  }
0x1fd: {  	s15 =	sadd.s32 $0xFFFFFFFF, s15;
	v19 =	vld [tilespmem:s14+$0x0]  }
.LBB2_36:
0x1fe: {  	_ =	sdelay $0x2  }
0x1ff: {  	s13 =	sadd.s32 @p0 $0x10, s13;
	s14 =	simm.s32 $0x0  }
0x200: {  	s14 =	smov.u32 @p0 s13;
	v20 =	vshrl.u32 v19, $0xC  }
0x201: {  	v21 =	vor.u32 s14, v0;
	v20 =	vand.u32 $0xF, v20  }
0x202: {  	vm0 =	vlt.s32 v21, v18;
	vm1 =	veq.s32 v20, v13  }
0x203: {  	vm0 =	vmand vm0, vm1  }
0x204: {  	v18 =	vmpcnt.ones.xlane vm0;
	_ =	sdelay $0x1  }
0x205: {  	(v2sf) =	vpush v18, $0x0;
	_ =	sdelay $0x8  }
0x206: {  	v18 =	vshrl.u32 v19, $0x8  }
0x207: {  	v18 =	vand.u32 $0xF, v18  }
0x208: {  	s13 =	spop @p0 (v2sf)  }
0x209: {  	s12 =	sadd.s32 @p0 s12, s13  }
0x20a: {  	s11 =	smov.u32 @p0 s12  }
0x20b: {  	[tilespmem:s11+$0x4000] =	vst.msk vm0, v19  }
0x20c: {  	[tilespmem:v18+s9+$0x0] =	vst.idx.add.s32.msk vm0, v3;
	s31 =	spop (v2sf)  }
.LBB2_37:
0x20d: {  	vm0 =	vlt.s32 v17, $0xF  }
0x20e: {  	v17 =	vnsel vm0, $0xF, v17  }
0x20f: {  	v17 =	vperm.xlane v16, v17  }
0x210: {  	vm14 =	veq.s32 v13, $0xF;
	v16 =	vperm.xlane v16, v13  }
0x211: {  	v18 =	vsel vm14, $0x0, v17  }
0x212: {  	v19 =	vsub.s32 v16, v18  }
0x213: {  	(v2sf) =	vpush v19, $0x0;
	_ =	sdelay $0x3  }
0x214: {  	v16 =	vld [tilespmem:$0xC100];
	_ =	sdelay $0x4  }
0x215: {  	v16 =	vperm.xlane v16, v5;
	_ =	sdelay $0x1  }
0x216: {  	(xrf0) =	vadd.scan.msk.s32 $0xffff, v16;
	_ =	sdelay $0x3  }
0x217: {  	s11 =	spop (v2sf)  }
0x218: {  	s11 =	sadd.s32 $0xF, s11  }
0x219: {  	v16, _, _ =	vpop (xrf0);
	s12 =	sshrl.u32 s11, $0x4  }
0x21a: {  	v17 =	vperm.xlane v16, v5;
	p0 =	seq.s32 s12, $0x0  }
.Ltmp20:
0x21b: {  	v16 =	vsub.s32 v15, v18;
	(pc) =	sbr.rel @p0 .LBB2_44-.Ltmp20, $3  }
0x21c: {  	vm15 =	vge.s32 v17, v16  }
0x21d: {  	v18 =	vmpcnt.ones.xlane vm15;
	_ =	sdelay $0x1  }
0x21e: {  	[tilespmem:$0xC100] =	vst v2;
	v15 =	vadd.s32 $0xFFFFFFFF, v18  }
0x21f: {  	p1 =	sne.s32 s12, $0x1  }
.Ltmp21:
0x220: {  	_ = 	snop;
	(pc) =	sbr.rel @!p1 .LBB2_39-.Ltmp21, $3  }
0x221: {  	_ =	sdelay $0x1  }
0x222: {  	s13 =	simm.s32 $0x4000  }
0x223: {  	s11 =	simm.s32 $0x0;
	s12 =	sadd.s32 $0xFFFFFFFF, s12;
	p0 =	por $0x0, $0x0;
	v20 =	vld [tilespmem:s13+$0x0]  }
0x224: {  	_ =	sdelay $0x3  }
0x225: {  	v21 =	vshrl.u32 v20, $0x8  }
0x226: {  	v22 =	vor.u32 s11, v0;
	v21 =	vand.u32 $0xF, v21  }
0x227: {  	vm0 =	vlt.s32 v22, v19;
	vm1 =	veq.s32 v21, v15  }
0x228: {  	vm0 =	vmand vm0, vm1  }
0x229: {  	v21 =	vshrl.u32 v20, $0x4;
	v22 =	vmpcnt.ones.xlane vm0  }
0x22a: {  	v21 =	vand.u32 $0xF, v21  }
0x22b: {  	p1 =	sne.s32 s12, $0x1;
	(v2sf) =	vpush v22, $0x0  }
.Ltmp22:
0x22c: {  	_ = 	snop;
	(pc) =	sbr.rel @!p1 .LBB2_41-.Ltmp22, $4  }
0x22d: {  	_ = 	snop  }
0x22e: {  	[tilespmem:s11+$0x8080] =	vst.msk vm0, v20  }
0x22f: {  	s14 =	simm.s32 $0x4010;
	s15 =	sadd.s32 $0xFFFFFFFF, s12;
	[tilespmem:v21+s9+$0x0] =	vst.idx.add.s32.msk vm0, v3  }
0x230: {  	p0 =	por $0x1, $0x1;
	s13 =	simm.s32 $0x0;
	s12 =	simm.s32 $0x0;
	v20 =	vld [tilespmem:s14+$0x0]  }
.LBB2_42:
0x231: {  	p1 =	sne.s32 s15, $0x1;
	_ =	sdelay $0x3  }
0x232: {  	s13 =	sadd.s32 $0x10, s13;
	v21 =	vshrl.u32 v20, $0x8;
	v22 =	vshrl.u32 v20, $0x4  }
0x233: {  	v23 =	vor.u32 s13, v0;
	v21 =	vand.u32 $0xF, v21  }
0x234: {  	vm0 =	vlt.s32 v23, v19;
	vm1 =	veq.s32 v21, v15  }
0x235: {  	vm0 =	vmand vm0, vm1  }
0x236: {  	v21 =	vand.u32 $0xF, v22;
	v22 =	vmpcnt.ones.xlane vm0  }
0x237: {  	s16 =	spop (v2sf)  }
0x238: {  	(v2sf) =	vpush v22, $0x0;
	s12 =	sadd.s32 s12, s16  }
.Ltmp23:
0x239: {  	[tilespmem:s12+$0x8080] =	vst.msk vm0, v20;
	(pc) =	sbr.rel @p1 .LBB2_42-.Ltmp23, $4  }
0x23a: {  	_ = 	snop  }
0x23b: {  	[tilespmem:v21+s9+$0x0] =	vst.idx.add.s32.msk vm0, v3  }
0x23c: {  	s14 =	sadd.s32 $0x10, s14  }
0x23d: {  	s15 =	sadd.s32 $0xFFFFFFFF, s15;
	v20 =	vld [tilespmem:s14+$0x0]  }
.LBB2_43:
0x23e: {  	_ =	sdelay $0x2  }
0x23f: {  	s13 =	sadd.s32 @p0 $0x10, s13;
	s14 =	simm.s32 $0x0  }
0x240: {  	s14 =	smov.u32 @p0 s13;
	v21 =	vshrl.u32 v20, $0x8  }
0x241: {  	v22 =	vor.u32 s14, v0;
	v21 =	vand.u32 $0xF, v21  }
0x242: {  	vm0 =	vlt.s32 v22, v19;
	vm1 =	veq.s32 v21, v15  }
0x243: {  	vm0 =	vmand vm0, vm1  }
0x244: {  	v19 =	vmpcnt.ones.xlane vm0;
	_ =	sdelay $0x1  }
0x245: {  	(v2sf) =	vpush v19, $0x0;
	_ =	sdelay $0x8  }
0x246: {  	v19 =	vshrl.u32 v20, $0x4  }
0x247: {  	v19 =	vand.u32 $0xF, v19  }
0x248: {  	s13 =	spop @p0 (v2sf)  }
0x249: {  	s12 =	sadd.s32 @p0 s12, s13  }
0x24a: {  	s11 =	smov.u32 @p0 s12  }
0x24b: {  	[tilespmem:s11+$0x8080] =	vst.msk vm0, v20  }
0x24c: {  	[tilespmem:v19+s9+$0x0] =	vst.idx.add.s32.msk vm0, v3;
	s31 =	spop (v2sf)  }
.LBB2_44:
0x24d: {  	vm0 =	vlt.s32 v18, $0xF  }
0x24e: {  	v18 =	vnsel vm0, $0xF, v18  }
0x24f: {  	v18 =	vperm.xlane v17, v18  }
0x250: {  	vm14 =	veq.s32 v15, $0xF;
	v17 =	vperm.xlane v17, v15  }
0x251: {  	v19 =	vsel vm14, $0x0, v18  }
0x252: {  	v20 =	vsub.s32 v17, v19  }
0x253: {  	(v2sf) =	vpush v20, $0x0;
	_ =	sdelay $0x3  }
0x254: {  	v17 =	vld [tilespmem:$0xC100];
	_ =	sdelay $0x4  }
0x255: {  	v17 =	vperm.xlane v17, v5;
	_ =	sdelay $0x1  }
0x256: {  	(xrf0) =	vadd.scan.msk.s32 $0xffff, v17;
	_ =	sdelay $0x3  }
0x257: {  	s11 =	spop (v2sf)  }
0x258: {  	s11 =	sadd.s32 $0xF, s11  }
0x259: {  	v17, _, _ =	vpop (xrf0);
	s12 =	sshrl.u32 s11, $0x4  }
0x25a: {  	v18 =	vperm.xlane v17, v5;
	p0 =	seq.s32 s12, $0x0  }
.Ltmp24:
0x25b: {  	v17 =	vsub.s32 v16, v19;
	(pc) =	sbr.rel @p0 .LBB2_51-.Ltmp24, $3  }
0x25c: {  	vm15 =	vge.s32 v18, v17  }
0x25d: {  	v19 =	vmpcnt.ones.xlane vm15;
	_ =	sdelay $0x1  }
0x25e: {  	[tilespmem:$0xC100] =	vst v2;
	v16 =	vadd.s32 $0xFFFFFFFF, v19  }
0x25f: {  	p1 =	sne.s32 s12, $0x1  }
.Ltmp25:
0x260: {  	_ = 	snop;
	(pc) =	sbr.rel @!p1 .LBB2_46-.Ltmp25, $3  }
0x261: {  	_ =	sdelay $0x1  }
0x262: {  	s13 =	simm.s32 $0x8080  }
0x263: {  	s11 =	simm.s32 $0x0;
	s12 =	sadd.s32 $0xFFFFFFFF, s12;
	p0 =	por $0x0, $0x0;
	v21 =	vld [tilespmem:s13+$0x0]  }
0x264: {  	_ =	sdelay $0x3  }
0x265: {  	v22 =	vshrl.u32 v21, $0x4  }
0x266: {  	v23 =	vor.u32 s11, v0;
	v22 =	vand.u32 $0xF, v22  }
0x267: {  	vm0 =	vlt.s32 v23, v20;
	vm1 =	veq.s32 v22, v16  }
0x268: {  	vm0 =	vmand vm0, vm1  }
0x269: {  	v23 =	vmpcnt.ones.xlane vm0  }
0x26a: {  	v22 =	vand.u32 $0xF, v21  }
0x26b: {  	p1 =	sne.s32 s12, $0x1;
	(v2sf) =	vpush v23, $0x0  }
.Ltmp26:
0x26c: {  	_ = 	snop;
	(pc) =	sbr.rel @!p1 .LBB2_48-.Ltmp26, $4  }
0x26d: {  	_ = 	snop  }
0x26e: {  	[tilespmem:s11+$0x4000] =	vst.msk vm0, v21  }
0x26f: {  	s14 =	simm.s32 $0x8090;
	s15 =	sadd.s32 $0xFFFFFFFF, s12;
	[tilespmem:v22+s9+$0x0] =	vst.idx.add.s32.msk vm0, v3  }
0x270: {  	p0 =	por $0x1, $0x1;
	s13 =	simm.s32 $0x0;
	s12 =	simm.s32 $0x0;
	v21 =	vld [tilespmem:s14+$0x0]  }
.LBB2_49:
0x271: {  	p1 =	sne.s32 s15, $0x1;
	_ =	sdelay $0x3  }
0x272: {  	s13 =	sadd.s32 $0x10, s13;
	v22 =	vshrl.u32 v21, $0x4;
	v23 =	vand.u32 $0xF, v21  }
0x273: {  	v24 =	vor.u32 s13, v0;
	v22 =	vand.u32 $0xF, v22  }
0x274: {  	vm0 =	vlt.s32 v24, v20;
	vm1 =	veq.s32 v22, v16  }
0x275: {  	vm0 =	vmand vm0, vm1  }
0x276: {  	v22 =	vmpcnt.ones.xlane vm0  }
0x277: {  	s16 =	spop (v2sf)  }
0x278: {  	(v2sf) =	vpush v22, $0x0;
	s12 =	sadd.s32 s12, s16  }
.Ltmp27:
0x279: {  	[tilespmem:s12+$0x4000] =	vst.msk vm0, v21;
	(pc) =	sbr.rel @p1 .LBB2_49-.Ltmp27, $4  }
0x27a: {  	_ = 	snop  }
0x27b: {  	[tilespmem:v23+s9+$0x0] =	vst.idx.add.s32.msk vm0, v3  }
0x27c: {  	s14 =	sadd.s32 $0x10, s14  }
0x27d: {  	s15 =	sadd.s32 $0xFFFFFFFF, s15;
	v21 =	vld [tilespmem:s14+$0x0]  }
.LBB2_50:
0x27e: {  	_ =	sdelay $0x2  }
0x27f: {  	s13 =	sadd.s32 @p0 $0x10, s13;
	s14 =	simm.s32 $0x0  }
0x280: {  	s14 =	smov.u32 @p0 s13;
	v22 =	vshrl.u32 v21, $0x4  }
0x281: {  	v23 =	vor.u32 s14, v0;
	v22 =	vand.u32 $0xF, v22  }
0x282: {  	vm0 =	vlt.s32 v23, v20;
	vm1 =	veq.s32 v22, v16  }
0x283: {  	vm0 =	vmand vm0, vm1  }
0x284: {  	v20 =	vmpcnt.ones.xlane vm0;
	_ =	sdelay $0x1  }
0x285: {  	(v2sf) =	vpush v20, $0x0;
	_ =	sdelay $0x9  }
0x286: {  	v20 =	vand.u32 $0xF, v21  }
0x287: {  	s13 =	spop @p0 (v2sf)  }
0x288: {  	s12 =	sadd.s32 @p0 s12, s13  }
0x289: {  	s11 =	smov.u32 @p0 s12  }
0x28a: {  	[tilespmem:s11+$0x4000] =	vst.msk vm0, v21  }
0x28b: {  	[tilespmem:v20+s9+$0x0] =	vst.idx.add.s32.msk vm0, v3;
	s31 =	spop (v2sf)  }
.LBB2_51:
0x28c: {  	vm0 =	veq.s32 v8, $0xF  }
0x28d: {  	v20 =	vsel vm0, $0x0, v14  }
0x28e: {  	v23 =	vsub.s32 v12, v20  }
0x28f: {  	(v2sf) =	vpush v23, $0x0;
	_ =	sdelay $0x2  }
0x290: {  	v12 =	vld [tilespmem:$0xC100]  }
0x291: {  	v14 =	vld [tilespmem:$0xC200];
	_ =	sdelay $0x3  }
0x292: {  	v12 =	vperm.xlane v12, v5  }
0x293: {  	v14 =	vperm.xlane v14, v5  }
0x294: {  	(xrf0) =	vadd.scan.msk.s32 $0xffff, v12  }
0x295: {  	(xrf0) =	vadd.scan.msk.s32 $0xffff, v14;
	_ =	sdelay $0x3  }
0x296: {  	s11 =	spop (v2sf)  }
0x297: {  	v14, _, _ =	vpop (xrf0);
	s11 =	sadd.s32 $0xF, s11  }
0x298: {  	v12, _, _ =	vpop (xrf0);
	s12 =	sshrl.u32 s11, $0x4  }
0x299: {  	v21 =	vperm.xlane v12, v5;
	p0 =	seq.s32 s12, $0x0  }
.Ltmp28:
0x29a: {  	v20 =	vsub.s32 $0x20, v20;
	(pc) =	sbr.rel @p0 .LBB2_58-.Ltmp28, $3  }
0x29b: {  	vm15 =	vge.s32 v21, v20  }
0x29c: {  	v22 =	vmpcnt.ones.xlane vm15;
	_ =	sdelay $0x1  }
0x29d: {  	[tilespmem:$0xC200] =	vst v2;
	v12 =	vadd.s32 $0xFFFFFFFF, v22  }
0x29e: {  	p1 =	sne.s32 s12, $0x1  }
.Ltmp29:
0x29f: {  	_ = 	snop;
	(pc) =	sbr.rel @!p1 .LBB2_53-.Ltmp29, $3  }
0x2a0: {  	_ =	sdelay $0x1  }
0x2a1: {  	s13 =	simm.s32 $0x6010  }
0x2a2: {  	s11 =	simm.s32 $0x0;
	s12 =	sadd.s32 $0xFFFFFFFF, s12;
	p0 =	por $0x0, $0x0;
	v24 =	vld [tilespmem:s13+$0x0]  }
0x2a3: {  	_ =	sdelay $0x3  }
0x2a4: {  	v25 =	vshrl.u32 v24, $0x18  }
0x2a5: {  	v26 =	vor.u32 s11, v0;
	v25 =	vand.u32 $0xF, v25  }
0x2a6: {  	vm0 =	vlt.s32 v26, v23;
	vm1 =	veq.s32 v25, v12  }
0x2a7: {  	v27 =	vshrl.u32 v24, $0x14;
	vm0 =	vmand vm0, vm1  }
0x2a8: {  	v25 =	vand.u32 $0xF, v27;
	v26 =	vmpcnt.ones.xlane vm0  }
0x2a9: {  	v25 =	vor.u32 $0x100, v25  }
0x2aa: {  	p1 =	sne.s32 s12, $0x1;
	(v2sf) =	vpush v26, $0x0  }
.Ltmp30:
0x2ab: {  	_ = 	snop;
	(pc) =	sbr.rel @!p1 .LBB2_55-.Ltmp30, $4  }
0x2ac: {  	_ = 	snop  }
0x2ad: {  	[tilespmem:s11+$0xA090] =	vst.msk vm0, v24  }
0x2ae: {  	s14 =	simm.s32 $0x6020;
	s15 =	sadd.s32 $0xFFFFFFFF, s12;
	[tilespmem:v25+s9+$0x0] =	vst.idx.add.s32.msk vm0, v3  }
0x2af: {  	p0 =	por $0x1, $0x1;
	s13 =	simm.s32 $0x0;
	s12 =	simm.s32 $0x0;
	v24 =	vld [tilespmem:s14+$0x0]  }
.LBB2_56:
0x2b0: {  	p1 =	sne.s32 s15, $0x1;
	_ =	sdelay $0x3  }
0x2b1: {  	s13 =	sadd.s32 $0x10, s13;
	v25 =	vshrl.u32 v24, $0x18;
	v26 =	vshrl.u32 v24, $0x14  }
0x2b2: {  	v27 =	vor.u32 s13, v0;
	v25 =	vand.u32 $0xF, v25  }
0x2b3: {  	vm0 =	vlt.s32 v27, v23;
	vm1 =	veq.s32 v25, v12  }
0x2b4: {  	v25 =	vand.u32 $0xF, v26;
	vm0 =	vmand vm0, vm1  }
0x2b5: {  	v25 =	vor.u32 $0x100, v25;
	v26 =	vmpcnt.ones.xlane vm0  }
0x2b6: {  	s16 =	spop (v2sf)  }
0x2b7: {  	(v2sf) =	vpush v26, $0x0;
	s12 =	sadd.s32 s12, s16  }
.Ltmp31:
0x2b8: {  	[tilespmem:s12+$0xA090] =	vst.msk vm0, v24;
	(pc) =	sbr.rel @p1 .LBB2_56-.Ltmp31, $4  }
0x2b9: {  	_ = 	snop  }
0x2ba: {  	[tilespmem:v25+s9+$0x0] =	vst.idx.add.s32.msk vm0, v3  }
0x2bb: {  	s14 =	sadd.s32 $0x10, s14  }
0x2bc: {  	s15 =	sadd.s32 $0xFFFFFFFF, s15;
	v24 =	vld [tilespmem:s14+$0x0]  }
.LBB2_57:
0x2bd: {  	_ =	sdelay $0x2  }
0x2be: {  	s13 =	sadd.s32 @p0 $0x10, s13;
	s14 =	simm.s32 $0x0  }
0x2bf: {  	s14 =	smov.u32 @p0 s13;
	v25 =	vshrl.u32 v24, $0x18  }
0x2c0: {  	v26 =	vor.u32 s14, v0;
	v25 =	vand.u32 $0xF, v25  }
0x2c1: {  	vm0 =	vlt.s32 v26, v23;
	vm1 =	veq.s32 v25, v12  }
0x2c2: {  	vm0 =	vmand vm0, vm1  }
0x2c3: {  	v23 =	vmpcnt.ones.xlane vm0;
	_ =	sdelay $0x1  }
0x2c4: {  	(v2sf) =	vpush v23, $0x0;
	_ =	sdelay $0x7  }
0x2c5: {  	v23 =	vshrl.u32 v24, $0x14  }
0x2c6: {  	v23 =	vand.u32 $0xF, v23  }
0x2c7: {  	v23 =	vor.u32 $0x100, v23  }
0x2c8: {  	s13 =	spop @p0 (v2sf)  }
0x2c9: {  	s12 =	sadd.s32 @p0 s12, s13  }
0x2ca: {  	s11 =	smov.u32 @p0 s12  }
0x2cb: {  	[tilespmem:s11+$0xA090] =	vst.msk vm0, v24  }
0x2cc: {  	[tilespmem:v23+s9+$0x0] =	vst.idx.add.s32.msk vm0, v3;
	s31 =	spop (v2sf)  }
.LBB2_58:
0x2cd: {  	vm0 =	vlt.s32 v22, $0xF  }
0x2ce: {  	v22 =	vnsel vm0, $0xF, v22  }
0x2cf: {  	v22 =	vperm.xlane v21, v22  }
0x2d0: {  	vm14 =	veq.s32 v12, $0xF;
	v21 =	vperm.xlane v21, v12  }
0x2d1: {  	v23 =	vsel vm14, $0x0, v22  }
0x2d2: {  	v24 =	vsub.s32 v21, v23  }
0x2d3: {  	(v2sf) =	vpush v24, $0x0;
	_ =	sdelay $0x3  }
0x2d4: {  	v21 =	vld [tilespmem:$0xC200];
	_ =	sdelay $0x4  }
0x2d5: {  	v21 =	vperm.xlane v21, v5;
	_ =	sdelay $0x1  }
0x2d6: {  	(xrf0) =	vadd.scan.msk.s32 $0xffff, v21;
	_ =	sdelay $0x3  }
0x2d7: {  	s11 =	spop (v2sf)  }
0x2d8: {  	s11 =	sadd.s32 $0xF, s11  }
0x2d9: {  	v21, _, _ =	vpop (xrf0);
	s12 =	sshrl.u32 s11, $0x4  }
0x2da: {  	v22 =	vperm.xlane v21, v5;
	p0 =	seq.s32 s12, $0x0  }
.Ltmp32:
0x2db: {  	v21 =	vsub.s32 v20, v23;
	(pc) =	sbr.rel @p0 .LBB2_65-.Ltmp32, $3  }
0x2dc: {  	vm15 =	vge.s32 v22, v21  }
0x2dd: {  	v23 =	vmpcnt.ones.xlane vm15;
	_ =	sdelay $0x1  }
0x2de: {  	[tilespmem:$0xC200] =	vst v2;
	v20 =	vadd.s32 $0xFFFFFFFF, v23  }
0x2df: {  	p1 =	sne.s32 s12, $0x1  }
.Ltmp33:
0x2e0: {  	_ = 	snop;
	(pc) =	sbr.rel @!p1 .LBB2_60-.Ltmp33, $3  }
0x2e1: {  	_ =	sdelay $0x1  }
0x2e2: {  	s13 =	simm.s32 $0xA090  }
0x2e3: {  	s11 =	simm.s32 $0x0;
	s12 =	sadd.s32 $0xFFFFFFFF, s12;
	p0 =	por $0x0, $0x0;
	v25 =	vld [tilespmem:s13+$0x0]  }
0x2e4: {  	_ =	sdelay $0x3  }
0x2e5: {  	v26 =	vshrl.u32 v25, $0x14  }
0x2e6: {  	v27 =	vor.u32 s11, v0;
	v26 =	vand.u32 $0xF, v26  }
0x2e7: {  	vm0 =	vlt.s32 v27, v24;
	vm1 =	veq.s32 v26, v20  }
0x2e8: {  	v28 =	vshrl.u32 v25, $0x10;
	vm0 =	vmand vm0, vm1  }
0x2e9: {  	v26 =	vand.u32 $0xF, v28;
	v27 =	vmpcnt.ones.xlane vm0  }
0x2ea: {  	v26 =	vor.u32 $0x100, v26  }
0x2eb: {  	p1 =	sne.s32 s12, $0x1;
	(v2sf) =	vpush v27, $0x0  }
.Ltmp34:
0x2ec: {  	_ = 	snop;
	(pc) =	sbr.rel @!p1 .LBB2_62-.Ltmp34, $4  }
0x2ed: {  	_ = 	snop  }
0x2ee: {  	[tilespmem:s11+$0x6010] =	vst.msk vm0, v25  }
0x2ef: {  	s14 =	simm.s32 $0xA0A0;
	s15 =	sadd.s32 $0xFFFFFFFF, s12;
	[tilespmem:v26+s9+$0x0] =	vst.idx.add.s32.msk vm0, v3  }
0x2f0: {  	p0 =	por $0x1, $0x1;
	s13 =	simm.s32 $0x0;
	s12 =	simm.s32 $0x0;
	v25 =	vld [tilespmem:s14+$0x0]  }
.LBB2_63:
0x2f1: {  	p1 =	sne.s32 s15, $0x1;
	_ =	sdelay $0x3  }
0x2f2: {  	s13 =	sadd.s32 $0x10, s13;
	v26 =	vshrl.u32 v25, $0x14;
	v27 =	vshrl.u32 v25, $0x10  }
0x2f3: {  	v28 =	vor.u32 s13, v0;
	v26 =	vand.u32 $0xF, v26  }
0x2f4: {  	vm0 =	vlt.s32 v28, v24;
	vm1 =	veq.s32 v26, v20  }
0x2f5: {  	v26 =	vand.u32 $0xF, v27;
	vm0 =	vmand vm0, vm1  }
0x2f6: {  	v26 =	vor.u32 $0x100, v26;
	v27 =	vmpcnt.ones.xlane vm0  }
0x2f7: {  	s16 =	spop (v2sf)  }
0x2f8: {  	(v2sf) =	vpush v27, $0x0;
	s12 =	sadd.s32 s12, s16  }
.Ltmp35:
0x2f9: {  	[tilespmem:s12+$0x6010] =	vst.msk vm0, v25;
	(pc) =	sbr.rel @p1 .LBB2_63-.Ltmp35, $4  }
0x2fa: {  	_ = 	snop  }
0x2fb: {  	[tilespmem:v26+s9+$0x0] =	vst.idx.add.s32.msk vm0, v3  }
0x2fc: {  	s14 =	sadd.s32 $0x10, s14  }
0x2fd: {  	s15 =	sadd.s32 $0xFFFFFFFF, s15;
	v25 =	vld [tilespmem:s14+$0x0]  }
.LBB2_64:
0x2fe: {  	_ =	sdelay $0x2  }
0x2ff: {  	s13 =	sadd.s32 @p0 $0x10, s13;
	s14 =	simm.s32 $0x0  }
0x300: {  	s14 =	smov.u32 @p0 s13;
	v26 =	vshrl.u32 v25, $0x14  }
0x301: {  	v27 =	vor.u32 s14, v0;
	v26 =	vand.u32 $0xF, v26  }
0x302: {  	vm0 =	vlt.s32 v27, v24;
	vm1 =	veq.s32 v26, v20  }
0x303: {  	vm0 =	vmand vm0, vm1  }
0x304: {  	v62 =	vmpcnt.ones.xlane vm0;
	_ =	sdelay $0x1  }
0x305: {  	(v2sf) =	vpush v62, $0x0;
	_ =	sdelay $0x7  }
0x306: {  	v63 =	vshrl.u32 v25, $0x10  }
0x307: {  	v24 =	vand.u32 $0xF, v63  }
0x308: {  	v24 =	vor.u32 $0x100, v24  }
0x309: {  	s13 =	spop @p0 (v2sf)  }
0x30a: {  	s12 =	sadd.s32 @p0 s12, s13  }
0x30b: {  	s11 =	smov.u32 @p0 s12  }
0x30c: {  	[tilespmem:s11+$0x6010] =	vst.msk vm0, v25  }
0x30d: {  	[tilespmem:v24+s9+$0x0] =	vst.idx.add.s32.msk vm0, v3;
	s31 =	spop (v2sf)  }
.LBB2_65:
0x30e: {  	vm0 =	vlt.s32 v23, $0xF  }
0x30f: {  	v23 =	vnsel vm0, $0xF, v23  }
0x310: {  	v23 =	vperm.xlane v22, v23  }
0x311: {  	vm14 =	veq.s32 v20, $0xF;
	v22 =	vperm.xlane v22, v20  }
0x312: {  	v24 =	vsel vm14, $0x0, v23  }
0x313: {  	v25 =	vsub.s32 v22, v24  }
0x314: {  	(v2sf) =	vpush v25, $0x0;
	_ =	sdelay $0x3  }
0x315: {  	v22 =	vld [tilespmem:$0xC200];
	_ =	sdelay $0x4  }
0x316: {  	v22 =	vperm.xlane v22, v5;
	_ =	sdelay $0x1  }
0x317: {  	(xrf0) =	vadd.scan.msk.s32 $0xffff, v22;
	_ =	sdelay $0x3  }
0x318: {  	s11 =	spop (v2sf)  }
0x319: {  	s11 =	sadd.s32 $0xF, s11  }
0x31a: {  	v22, _, _ =	vpop (xrf0);
	s12 =	sshrl.u32 s11, $0x4  }
0x31b: {  	v23 =	vperm.xlane v22, v5;
	p0 =	seq.s32 s12, $0x0  }
.Ltmp36:
0x31c: {  	v22 =	vsub.s32 v21, v24;
	(pc) =	sbr.rel @p0 .LBB2_72-.Ltmp36, $3  }
0x31d: {  	vm15 =	vge.s32 v23, v22  }
0x31e: {  	v24 =	vmpcnt.ones.xlane vm15;
	_ =	sdelay $0x1  }
0x31f: {  	[tilespmem:$0xC200] =	vst v2;
	v21 =	vadd.s32 $0xFFFFFFFF, v24  }
0x320: {  	p1 =	sne.s32 s12, $0x1  }
.Ltmp37:
0x321: {  	_ = 	snop;
	(pc) =	sbr.rel @!p1 .LBB2_67-.Ltmp37, $3  }
0x322: {  	_ =	sdelay $0x1  }
0x323: {  	s13 =	simm.s32 $0x6010  }
0x324: {  	s11 =	simm.s32 $0x0;
	s12 =	sadd.s32 $0xFFFFFFFF, s12;
	p0 =	por $0x0, $0x0;
	v26 =	vld [tilespmem:s13+$0x0]  }
0x325: {  	_ =	sdelay $0x3  }
0x326: {  	v27 =	vshrl.u32 v26, $0x10  }
0x327: {  	v28 =	vor.u32 s11, v0;
	v27 =	vand.u32 $0xF, v27  }
0x328: {  	vm0 =	vlt.s32 v28, v25;
	vm1 =	veq.s32 v27, v21  }
0x329: {  	v29 =	vshrl.u32 v26, $0xC;
	vm0 =	vmand vm0, vm1  }
0x32a: {  	v27 =	vand.u32 $0xF, v29;
	v63 =	vmpcnt.ones.xlane vm0  }
0x32b: {  	v27 =	vor.u32 $0x100, v27  }
0x32c: {  	p1 =	sne.s32 s12, $0x1;
	(v2sf) =	vpush v63, $0x0  }
.Ltmp38:
0x32d: {  	_ = 	snop;
	(pc) =	sbr.rel @!p1 .LBB2_69-.Ltmp38, $4  }
0x32e: {  	_ = 	snop  }
0x32f: {  	[tilespmem:s11+$0xA090] =	vst.msk vm0, v26  }
0x330: {  	s14 =	simm.s32 $0x6020;
	s15 =	sadd.s32 $0xFFFFFFFF, s12;
	[tilespmem:v27+s9+$0x0] =	vst.idx.add.s32.msk vm0, v3  }
0x331: {  	p0 =	por $0x1, $0x1;
	s13 =	simm.s32 $0x0;
	s12 =	simm.s32 $0x0;
	v26 =	vld [tilespmem:s14+$0x0]  }
.LBB2_70:
0x332: {  	p1 =	sne.s32 s15, $0x1;
	_ =	sdelay $0x3  }
0x333: {  	s13 =	sadd.s32 $0x10, s13;
	v27 =	vshrl.u32 v26, $0x10;
	v28 =	vshrl.u32 v26, $0xC  }
0x334: {  	v29 =	vor.u32 s13, v0;
	v27 =	vand.u32 $0xF, v27  }
0x335: {  	vm0 =	vlt.s32 v29, v25;
	vm1 =	veq.s32 v27, v21  }
0x336: {  	v27 =	vand.u32 $0xF, v28;
	vm0 =	vmand vm0, vm1  }
0x337: {  	v27 =	vor.u32 $0x100, v27;
	v28 =	vmpcnt.ones.xlane vm0  }
0x338: {  	s16 =	spop (v2sf)  }
0x339: {  	(v2sf) =	vpush v28, $0x0;
	s12 =	sadd.s32 s12, s16  }
.Ltmp39:
0x33a: {  	[tilespmem:s12+$0xA090] =	vst.msk vm0, v26;
	(pc) =	sbr.rel @p1 .LBB2_70-.Ltmp39, $4  }
0x33b: {  	_ = 	snop  }
0x33c: {  	[tilespmem:v27+s9+$0x0] =	vst.idx.add.s32.msk vm0, v3  }
0x33d: {  	s14 =	sadd.s32 $0x10, s14  }
0x33e: {  	s15 =	sadd.s32 $0xFFFFFFFF, s15;
	v26 =	vld [tilespmem:s14+$0x0]  }
.LBB2_71:
0x33f: {  	_ =	sdelay $0x2  }
0x340: {  	s13 =	sadd.s32 @p0 $0x10, s13;
	s14 =	simm.s32 $0x0  }
0x341: {  	s14 =	smov.u32 @p0 s13;
	v27 =	vshrl.u32 v26, $0x10  }
0x342: {  	v28 =	vor.u32 s14, v0;
	v27 =	vand.u32 $0xF, v27  }
0x343: {  	vm0 =	vlt.s32 v28, v25;
	vm1 =	veq.s32 v27, v21  }
0x344: {  	vm0 =	vmand vm0, vm1  }
0x345: {  	v25 =	vmpcnt.ones.xlane vm0;
	_ =	sdelay $0x1  }
0x346: {  	(v2sf) =	vpush v25, $0x0;
	_ =	sdelay $0x7  }
0x347: {  	v25 =	vshrl.u32 v26, $0xC  }
0x348: {  	v25 =	vand.u32 $0xF, v25  }
0x349: {  	v25 =	vor.u32 $0x100, v25  }
0x34a: {  	s13 =	spop @p0 (v2sf)  }
0x34b: {  	s12 =	sadd.s32 @p0 s12, s13  }
0x34c: {  	s11 =	smov.u32 @p0 s12  }
0x34d: {  	[tilespmem:s11+$0xA090] =	vst.msk vm0, v26  }
0x34e: {  	[tilespmem:v25+s9+$0x0] =	vst.idx.add.s32.msk vm0, v3;
	s31 =	spop (v2sf)  }
.LBB2_72:
0x34f: {  	vm0 =	vlt.s32 v24, $0xF  }
0x350: {  	v24 =	vnsel vm0, $0xF, v24  }
0x351: {  	v24 =	vperm.xlane v23, v24  }
0x352: {  	vm14 =	veq.s32 v21, $0xF;
	v23 =	vperm.xlane v23, v21  }
0x353: {  	v25 =	vsel vm14, $0x0, v24  }
0x354: {  	v26 =	vsub.s32 v23, v25  }
0x355: {  	(v2sf) =	vpush v26, $0x0;
	_ =	sdelay $0x3  }
0x356: {  	v23 =	vld [tilespmem:$0xC200];
	_ =	sdelay $0x4  }
0x357: {  	v23 =	vperm.xlane v23, v5;
	_ =	sdelay $0x1  }
0x358: {  	(xrf0) =	vadd.scan.msk.s32 $0xffff, v23;
	_ =	sdelay $0x3  }
0x359: {  	s11 =	spop (v2sf)  }
0x35a: {  	s11 =	sadd.s32 $0xF, s11  }
0x35b: {  	v23, _, _ =	vpop (xrf0);
	s12 =	sshrl.u32 s11, $0x4  }
0x35c: {  	v24 =	vperm.xlane v23, v5;
	p0 =	seq.s32 s12, $0x0  }
.Ltmp40:
0x35d: {  	v23 =	vsub.s32 v22, v25;
	(pc) =	sbr.rel @p0 .LBB2_79-.Ltmp40, $3  }
0x35e: {  	vm15 =	vge.s32 v24, v23  }
0x35f: {  	v25 =	vmpcnt.ones.xlane vm15;
	_ =	sdelay $0x1  }
0x360: {  	[tilespmem:$0xC200] =	vst v2;
	v22 =	vadd.s32 $0xFFFFFFFF, v25  }
0x361: {  	p1 =	sne.s32 s12, $0x1  }
.Ltmp41:
0x362: {  	_ = 	snop;
	(pc) =	sbr.rel @!p1 .LBB2_74-.Ltmp41, $3  }
0x363: {  	_ =	sdelay $0x1  }
0x364: {  	s13 =	simm.s32 $0xA090  }
0x365: {  	s11 =	simm.s32 $0x0;
	s12 =	sadd.s32 $0xFFFFFFFF, s12;
	p0 =	por $0x0, $0x0;
	v27 =	vld [tilespmem:s13+$0x0]  }
0x366: {  	_ =	sdelay $0x3  }
0x367: {  	v28 =	vshrl.u32 v27, $0xC  }
0x368: {  	v29 =	vor.u32 s11, v0;
	v28 =	vand.u32 $0xF, v28  }
0x369: {  	vm0 =	vlt.s32 v29, v26;
	vm1 =	veq.s32 v28, v22  }
0x36a: {  	v30 =	vshrl.u32 v27, $0x8;
	vm0 =	vmand vm0, vm1  }
0x36b: {  	v28 =	vand.u32 $0xF, v30;
	v29 =	vmpcnt.ones.xlane vm0  }
0x36c: {  	v28 =	vor.u32 $0x100, v28  }
0x36d: {  	p1 =	sne.s32 s12, $0x1;
	(v2sf) =	vpush v29, $0x0  }
.Ltmp42:
0x36e: {  	_ = 	snop;
	(pc) =	sbr.rel @!p1 .LBB2_76-.Ltmp42, $4  }
0x36f: {  	_ = 	snop  }
0x370: {  	[tilespmem:s11+$0x6010] =	vst.msk vm0, v27  }
0x371: {  	s14 =	simm.s32 $0xA0A0;
	s15 =	sadd.s32 $0xFFFFFFFF, s12;
	[tilespmem:v28+s9+$0x0] =	vst.idx.add.s32.msk vm0, v3  }
0x372: {  	p0 =	por $0x1, $0x1;
	s13 =	simm.s32 $0x0;
	s12 =	simm.s32 $0x0;
	v27 =	vld [tilespmem:s14+$0x0]  }
.LBB2_77:
0x373: {  	p1 =	sne.s32 s15, $0x1;
	_ =	sdelay $0x3  }
0x374: {  	s13 =	sadd.s32 $0x10, s13;
	v28 =	vshrl.u32 v27, $0xC;
	v29 =	vshrl.u32 v27, $0x8  }
0x375: {  	v30 =	vor.u32 s13, v0;
	v28 =	vand.u32 $0xF, v28  }
0x376: {  	vm0 =	vlt.s32 v30, v26;
	vm1 =	veq.s32 v28, v22  }
0x377: {  	v28 =	vand.u32 $0xF, v29;
	vm0 =	vmand vm0, vm1  }
0x378: {  	v28 =	vor.u32 $0x100, v28;
	v29 =	vmpcnt.ones.xlane vm0  }
0x379: {  	s16 =	spop (v2sf)  }
0x37a: {  	(v2sf) =	vpush v29, $0x0;
	s12 =	sadd.s32 s12, s16  }
.Ltmp43:
0x37b: {  	[tilespmem:s12+$0x6010] =	vst.msk vm0, v27;
	(pc) =	sbr.rel @p1 .LBB2_77-.Ltmp43, $4  }
0x37c: {  	_ = 	snop  }
0x37d: {  	[tilespmem:v28+s9+$0x0] =	vst.idx.add.s32.msk vm0, v3  }
0x37e: {  	s14 =	sadd.s32 $0x10, s14  }
0x37f: {  	s15 =	sadd.s32 $0xFFFFFFFF, s15;
	v27 =	vld [tilespmem:s14+$0x0]  }
.LBB2_78:
0x380: {  	_ =	sdelay $0x2  }
0x381: {  	s13 =	sadd.s32 @p0 $0x10, s13;
	s14 =	simm.s32 $0x0  }
0x382: {  	s14 =	smov.u32 @p0 s13;
	v28 =	vshrl.u32 v27, $0xC  }
0x383: {  	v29 =	vor.u32 s14, v0;
	v28 =	vand.u32 $0xF, v28  }
0x384: {  	vm0 =	vlt.s32 v29, v26;
	vm1 =	veq.s32 v28, v22  }
0x385: {  	vm0 =	vmand vm0, vm1  }
0x386: {  	v26 =	vmpcnt.ones.xlane vm0;
	_ =	sdelay $0x1  }
0x387: {  	(v2sf) =	vpush v26, $0x0;
	_ =	sdelay $0x7  }
0x388: {  	v26 =	vshrl.u32 v27, $0x8  }
0x389: {  	v26 =	vand.u32 $0xF, v26  }
0x38a: {  	v26 =	vor.u32 $0x100, v26  }
0x38b: {  	s13 =	spop @p0 (v2sf)  }
0x38c: {  	s12 =	sadd.s32 @p0 s12, s13  }
0x38d: {  	s11 =	smov.u32 @p0 s12  }
0x38e: {  	[tilespmem:s11+$0x6010] =	vst.msk vm0, v27  }
0x38f: {  	[tilespmem:v26+s9+$0x0] =	vst.idx.add.s32.msk vm0, v3;
	s31 =	spop (v2sf)  }
.LBB2_79:
0x390: {  	vm0 =	vlt.s32 v25, $0xF  }
0x391: {  	v25 =	vnsel vm0, $0xF, v25  }
0x392: {  	v25 =	vperm.xlane v24, v25  }
0x393: {  	vm14 =	veq.s32 v22, $0xF;
	v24 =	vperm.xlane v24, v22  }
0x394: {  	v26 =	vsel vm14, $0x0, v25  }
0x395: {  	v27 =	vsub.s32 v24, v26  }
0x396: {  	(v2sf) =	vpush v27, $0x0;
	_ =	sdelay $0x3  }
0x397: {  	v24 =	vld [tilespmem:$0xC200];
	_ =	sdelay $0x4  }
0x398: {  	v24 =	vperm.xlane v24, v5;
	_ =	sdelay $0x1  }
0x399: {  	(xrf0) =	vadd.scan.msk.s32 $0xffff, v24;
	_ =	sdelay $0x3  }
0x39a: {  	s11 =	spop (v2sf)  }
0x39b: {  	s11 =	sadd.s32 $0xF, s11  }
0x39c: {  	v24, _, _ =	vpop (xrf0);
	s12 =	sshrl.u32 s11, $0x4  }
0x39d: {  	v25 =	vperm.xlane v24, v5;
	p0 =	seq.s32 s12, $0x0  }
.Ltmp44:
0x39e: {  	v24 =	vsub.s32 v23, v26;
	(pc) =	sbr.rel @p0 .LBB2_86-.Ltmp44, $3  }
0x39f: {  	vm15 =	vge.s32 v25, v24  }
0x3a0: {  	v26 =	vmpcnt.ones.xlane vm15;
	_ =	sdelay $0x1  }
0x3a1: {  	[tilespmem:$0xC200] =	vst v2;
	v23 =	vadd.s32 $0xFFFFFFFF, v26  }
0x3a2: {  	p1 =	sne.s32 s12, $0x1  }
.Ltmp45:
0x3a3: {  	_ = 	snop;
	(pc) =	sbr.rel @!p1 .LBB2_81-.Ltmp45, $3  }
0x3a4: {  	_ =	sdelay $0x1  }
0x3a5: {  	s13 =	simm.s32 $0x6010  }
0x3a6: {  	s11 =	simm.s32 $0x0;
	s12 =	sadd.s32 $0xFFFFFFFF, s12;
	p0 =	por $0x0, $0x0;
	v28 =	vld [tilespmem:s13+$0x0]  }
0x3a7: {  	_ =	sdelay $0x3  }
0x3a8: {  	v29 =	vshrl.u32 v28, $0x8  }
0x3a9: {  	v30 =	vor.u32 s11, v0;
	v29 =	vand.u32 $0xF, v29  }
0x3aa: {  	vm0 =	vlt.s32 v30, v27;
	vm1 =	veq.s32 v29, v23  }
0x3ab: {  	v31 =	vshrl.u32 v28, $0x4;
	vm0 =	vmand vm0, vm1  }
0x3ac: {  	v29 =	vand.u32 $0xF, v31;
	v30 =	vmpcnt.ones.xlane vm0  }
0x3ad: {  	v29 =	vor.u32 $0x100, v29  }
0x3ae: {  	p1 =	sne.s32 s12, $0x1;
	(v2sf) =	vpush v30, $0x0  }
.Ltmp46:
0x3af: {  	_ = 	snop;
	(pc) =	sbr.rel @!p1 .LBB2_83-.Ltmp46, $4  }
0x3b0: {  	_ = 	snop  }
0x3b1: {  	[tilespmem:s11+$0xA090] =	vst.msk vm0, v28  }
0x3b2: {  	s14 =	simm.s32 $0x6020;
	s15 =	sadd.s32 $0xFFFFFFFF, s12;
	[tilespmem:v29+s9+$0x0] =	vst.idx.add.s32.msk vm0, v3  }
0x3b3: {  	p0 =	por $0x1, $0x1;
	s13 =	simm.s32 $0x0;
	s12 =	simm.s32 $0x0;
	v28 =	vld [tilespmem:s14+$0x0]  }
.LBB2_84:
0x3b4: {  	p1 =	sne.s32 s15, $0x1;
	_ =	sdelay $0x3  }
0x3b5: {  	s13 =	sadd.s32 $0x10, s13;
	v29 =	vshrl.u32 v28, $0x8;
	v30 =	vshrl.u32 v28, $0x4  }
0x3b6: {  	v31 =	vor.u32 s13, v0;
	v29 =	vand.u32 $0xF, v29  }
0x3b7: {  	vm0 =	vlt.s32 v31, v27;
	vm1 =	veq.s32 v29, v23  }
0x3b8: {  	v29 =	vand.u32 $0xF, v30;
	vm0 =	vmand vm0, vm1  }
0x3b9: {  	v29 =	vor.u32 $0x100, v29;
	v30 =	vmpcnt.ones.xlane vm0  }
0x3ba: {  	s16 =	spop (v2sf)  }
0x3bb: {  	(v2sf) =	vpush v30, $0x0;
	s12 =	sadd.s32 s12, s16  }
.Ltmp47:
0x3bc: {  	[tilespmem:s12+$0xA090] =	vst.msk vm0, v28;
	(pc) =	sbr.rel @p1 .LBB2_84-.Ltmp47, $4  }
0x3bd: {  	_ = 	snop  }
0x3be: {  	[tilespmem:v29+s9+$0x0] =	vst.idx.add.s32.msk vm0, v3  }
0x3bf: {  	s14 =	sadd.s32 $0x10, s14  }
0x3c0: {  	s15 =	sadd.s32 $0xFFFFFFFF, s15;
	v28 =	vld [tilespmem:s14+$0x0]  }
.LBB2_85:
0x3c1: {  	_ =	sdelay $0x2  }
0x3c2: {  	s13 =	sadd.s32 @p0 $0x10, s13;
	s14 =	simm.s32 $0x0  }
0x3c3: {  	s14 =	smov.u32 @p0 s13;
	v29 =	vshrl.u32 v28, $0x8  }
0x3c4: {  	v30 =	vor.u32 s14, v0;
	v29 =	vand.u32 $0xF, v29  }
0x3c5: {  	vm0 =	vlt.s32 v30, v27;
	vm1 =	veq.s32 v29, v23  }
0x3c6: {  	vm0 =	vmand vm0, vm1  }
0x3c7: {  	v27 =	vmpcnt.ones.xlane vm0;
	_ =	sdelay $0x1  }
0x3c8: {  	(v2sf) =	vpush v27, $0x0;
	_ =	sdelay $0x7  }
0x3c9: {  	v27 =	vshrl.u32 v28, $0x4  }
0x3ca: {  	v27 =	vand.u32 $0xF, v27  }
0x3cb: {  	v27 =	vor.u32 $0x100, v27  }
0x3cc: {  	s13 =	spop @p0 (v2sf)  }
0x3cd: {  	s12 =	sadd.s32 @p0 s12, s13  }
0x3ce: {  	s11 =	smov.u32 @p0 s12  }
0x3cf: {  	[tilespmem:s11+$0xA090] =	vst.msk vm0, v28  }
0x3d0: {  	[tilespmem:v27+s9+$0x0] =	vst.idx.add.s32.msk vm0, v3;
	s31 =	spop (v2sf)  }
.LBB2_86:
0x3d1: {  	vm0 =	vlt.s32 v26, $0xF  }
0x3d2: {  	v26 =	vnsel vm0, $0xF, v26  }
0x3d3: {  	v26 =	vperm.xlane v25, v26  }
0x3d4: {  	vm14 =	veq.s32 v23, $0xF;
	v25 =	vperm.xlane v25, v23  }
0x3d5: {  	v27 =	vsel vm14, $0x0, v26  }
0x3d6: {  	v28 =	vsub.s32 v25, v27  }
0x3d7: {  	(v2sf) =	vpush v28, $0x0;
	_ =	sdelay $0x3  }
0x3d8: {  	v25 =	vld [tilespmem:$0xC200];
	_ =	sdelay $0x4  }
0x3d9: {  	v25 =	vperm.xlane v25, v5;
	_ =	sdelay $0x1  }
0x3da: {  	(xrf0) =	vadd.scan.msk.s32 $0xffff, v25;
	_ =	sdelay $0x3  }
0x3db: {  	s11 =	spop (v2sf)  }
0x3dc: {  	s11 =	sadd.s32 $0xF, s11  }
0x3dd: {  	v25, _, _ =	vpop (xrf0);
	s12 =	sshrl.u32 s11, $0x4  }
0x3de: {  	v26 =	vperm.xlane v25, v5;
	p0 =	seq.s32 s12, $0x0  }
.Ltmp48:
0x3df: {  	v25 =	vsub.s32 v24, v27;
	(pc) =	sbr.rel @p0 .LBB2_93-.Ltmp48, $3  }
0x3e0: {  	vm15 =	vge.s32 v26, v25  }
0x3e1: {  	v27 =	vmpcnt.ones.xlane vm15;
	_ =	sdelay $0x1  }
0x3e2: {  	[tilespmem:$0xC200] =	vst v2;
	v24 =	vadd.s32 $0xFFFFFFFF, v27  }
0x3e3: {  	p1 =	sne.s32 s12, $0x1  }
.Ltmp49:
0x3e4: {  	_ = 	snop;
	(pc) =	sbr.rel @!p1 .LBB2_88-.Ltmp49, $3  }
0x3e5: {  	_ =	sdelay $0x1  }
0x3e6: {  	s13 =	simm.s32 $0xA090  }
0x3e7: {  	s11 =	simm.s32 $0x0;
	s12 =	sadd.s32 $0xFFFFFFFF, s12;
	p0 =	por $0x0, $0x0;
	v29 =	vld [tilespmem:s13+$0x0]  }
0x3e8: {  	_ =	sdelay $0x3  }
0x3e9: {  	v30 =	vshrl.u32 v29, $0x4  }
0x3ea: {  	v31 =	vor.u32 s11, v0;
	v30 =	vand.u32 $0xF, v30  }
0x3eb: {  	vm0 =	vlt.s32 v31, v28;
	vm1 =	veq.s32 v30, v24  }
0x3ec: {  	vm0 =	vmand vm0, vm1  }
0x3ed: {  	v30 =	vand.u32 $0xF, v29;
	v31 =	vmpcnt.ones.xlane vm0  }
0x3ee: {  	v30 =	vor.u32 $0x100, v30  }
0x3ef: {  	p1 =	sne.s32 s12, $0x1;
	(v2sf) =	vpush v31, $0x0  }
.Ltmp50:
0x3f0: {  	_ = 	snop;
	(pc) =	sbr.rel @!p1 .LBB2_90-.Ltmp50, $4  }
0x3f1: {  	_ = 	snop  }
0x3f2: {  	[tilespmem:s11+$0x6010] =	vst.msk vm0, v29  }
0x3f3: {  	s14 =	simm.s32 $0xA0A0;
	s15 =	sadd.s32 $0xFFFFFFFF, s12;
	[tilespmem:v30+s9+$0x0] =	vst.idx.add.s32.msk vm0, v3  }
0x3f4: {  	p0 =	por $0x1, $0x1;
	s13 =	simm.s32 $0x0;
	s12 =	simm.s32 $0x0;
	v29 =	vld [tilespmem:s14+$0x0]  }
.LBB2_91:
0x3f5: {  	p1 =	sne.s32 s15, $0x1;
	_ =	sdelay $0x3  }
0x3f6: {  	s13 =	sadd.s32 $0x10, s13;
	v30 =	vshrl.u32 v29, $0x4;
	v31 =	vand.u32 $0xF, v29  }
0x3f7: {  	v32 =	vor.u32 s13, v0;
	v30 =	vand.u32 $0xF, v30  }
0x3f8: {  	vm0 =	vlt.s32 v32, v28;
	vm1 =	veq.s32 v30, v24  }
0x3f9: {  	vm0 =	vmand vm0, vm1  }
0x3fa: {  	v30 =	vor.u32 $0x100, v31;
	v31 =	vmpcnt.ones.xlane vm0  }
0x3fb: {  	s16 =	spop (v2sf)  }
0x3fc: {  	(v2sf) =	vpush v31, $0x0;
	s12 =	sadd.s32 s12, s16  }
.Ltmp51:
0x3fd: {  	[tilespmem:s12+$0x6010] =	vst.msk vm0, v29;
	(pc) =	sbr.rel @p1 .LBB2_91-.Ltmp51, $4  }
0x3fe: {  	_ = 	snop  }
0x3ff: {  	[tilespmem:v30+s9+$0x0] =	vst.idx.add.s32.msk vm0, v3  }
0x400: {  	s14 =	sadd.s32 $0x10, s14  }
0x401: {  	s15 =	sadd.s32 $0xFFFFFFFF, s15;
	v29 =	vld [tilespmem:s14+$0x0]  }
.LBB2_92:
0x402: {  	_ =	sdelay $0x2  }
0x403: {  	s13 =	sadd.s32 @p0 $0x10, s13;
	s14 =	simm.s32 $0x0  }
0x404: {  	s14 =	smov.u32 @p0 s13;
	v30 =	vshrl.u32 v29, $0x4  }
0x405: {  	v31 =	vor.u32 s14, v0;
	v30 =	vand.u32 $0xF, v30  }
0x406: {  	vm0 =	vlt.s32 v31, v28;
	vm1 =	veq.s32 v30, v24  }
0x407: {  	vm0 =	vmand vm0, vm1  }
0x408: {  	v28 =	vmpcnt.ones.xlane vm0;
	_ =	sdelay $0x1  }
0x409: {  	(v2sf) =	vpush v28, $0x0;
	_ =	sdelay $0x8  }
0x40a: {  	v28 =	vand.u32 $0xF, v29  }
0x40b: {  	v28 =	vor.u32 $0x100, v28  }
0x40c: {  	s13 =	spop @p0 (v2sf)  }
0x40d: {  	s12 =	sadd.s32 @p0 s12, s13  }
0x40e: {  	s11 =	smov.u32 @p0 s12  }
0x40f: {  	[tilespmem:s11+$0x6010] =	vst.msk vm0, v29  }
0x410: {  	[tilespmem:v28+s9+$0x0] =	vst.idx.add.s32.msk vm0, v3;
	s31 =	spop (v2sf)  }
.LBB2_93:
0x411: {  	vm0 =	vlt.s32 v19, $0xF  }
0x412: {  	v7 =	vshll.u32 v7, $0x1C;
	v9 =	vshll.u32 v9, $0x18;
	v28 =	vld [tilespmem:$0xC200];
	v19 =	vnsel vm0, $0xF, v19  }
0x413: {  	v7 =	vor.u32 v7, v9;
	v9 =	vshll.u32 v10, $0x14;
	v10 =	vperm.xlane v18, v19  }
0x414: {  	vm0 =	veq.s32 v16, $0xF;
	v7 =	vor.u32 v9, v7  }
0x415: {  	v9 =	vshll.u32 v11, $0x10;
	v11 =	vperm.xlane v14, v5;
	v10 =	vsel vm0, $0x0, v10  }
0x416: {  	v7 =	vor.u32 v9, v7;
	v9 =	vsub.s32 v17, v10  }
0x417: {  	v10 =	vshll.u32 v13, $0xC;
	vm0 =	vge.s32 v11, v9;
	v9 =	vperm.xlane v28, v5  }
0x418: {  	v7 =	vor.u32 v10, v7;
	v10 =	vshll.u32 v15, $0x8;
	v11 =	vmpcnt.ones.xlane vm0  }
0x419: {  	v7 =	vor.u32 v10, v7;
	v10 =	vshll.u32 v16, $0x4  }
0x41a: {  	(xrf0) =	vadd.scan.msk.s32 $0xffff, v9;
	v7 =	vor.u32 v10, v7;
	v9 =	vadd.s32 $0xFFFFFFFF, v11  }
0x41b: {  	v7 =	vor.u32 v9, v7  }
0x41c: {  	vm0 =	vlt.s32 v7, $0x0  }
0x41d: {  	s11 =	simm.s32 $0x0;
	vm1 =	vlt.s32 v27, $0xF;
	v9 =	vsel vm0, $0x0, v6  }
0x41e: {  	v8 =	vshll.u32 v8, $0x1C;
	s12 =	sand.u32 $0x40, s11;
	s11 =	sand.u32 $0x3F00, s11;
	v10 =	vshll.u32 v12, $0x18;
	v11 =	vnsel vm1, $0xF, v27  }
0x41f: {  	s12 =	sor.u32 s12, s11;
	v8 =	vor.u32 v8, v10;
	v10 =	vshll.u32 v20, $0x14;
	v11 =	vperm.xlane v26, v11  }
0x420: {  	v12 =	vld [tilespmem:s12+$0x30];
	v8 =	vor.u32 v10, v8;
	vm0 =	veq.s32 v24, $0xF;
	v7 =	vxor.u32 v9, v7;
	v9, _, _ =	vpop (xrf0)  }
0x421: {  	v10 =	vshll.u32 v21, $0x10;
	v11 =	vsel vm0, $0x0, v11;
	v9 =	vperm.xlane v9, v5  }
0x422: {  	p0 =	por $0x0, $0x0;
	s11 =	simm.s32 $0x1;
	v8 =	vor.u32 v10, v8;
	v10 =	vshll.u32 v22, $0xC;
	v11 =	vsub.s32 v25, v11  }
0x423: {  	s13 =	simm.s32 $0x80;
	s14 =	simm.s32 $0x40;
	s11 =	simm.s32 @!p0 $0x0;
	v8 =	vor.u32 v10, v8;
	vm0 =	vge.s32 v9, v11;
	v9 =	vld [tilespmem:s12+$0x0]  }
0x424: {  	s14 =	sand.u32 $0x40, s14;
	s13 =	sand.u32 $0x3F00, s13;
	s11 =	sshll.u32 s11, $0x6;
	v13 =	vld [tilespmem:s12+$0x10];
	v10 =	vshll.u32 v23, $0x8;
	v7 =	vxor.u32 $0x80000000, v7;
	v11 =	vmpcnt.ones.xlane vm0  }
0x425: {  	s17 =	sor.u32 s14, s13;
	v14 =	vld [tilespmem:s12+$0x20];
	s11 =	sadd.s32 $0x0, s11;
	v8 =	vor.u32 v10, v8;
	v10 =	vshll.u32 v24, $0x4;
	vm0 =	vge.f32 v12, v7  }
0x426: {  	s25 =	sadd.s32 $0x30, s11;
	v8 =	vor.u32 v10, v8;
	v12 =	vnsel vm0, $0x0, v12;
	v10 =	vadd.s32 $0xFFFFFFFF, v11;
	v11 =	vld [tilespmem:s17+$0x30]  }
0x427: {  	s26 =	sor.u32 $0x80, s25;
	[tilespmem:s12+$0x30] =	vst v12;
	v12 =	vld [tilespmem:s17+$0x0];
	v8 =	vor.u32 v10, v8  }
0x428: {  	s15 =	simm.s32 $0x1;
	p0 =	por !p0, !p0;
	v10 =	vld [tilespmem:s26+$0x0];
	vm0 =	vlt.s32 v8, $0x0;
	vm1 =	vge.f32 v9, v7  }
0x429: {  	s16 =	simm.s32 $0x80;
	s15 =	simm.s32 @!p0 $0x0;
	v16 =	vld [tilespmem:s17+$0x10];
	v15 =	vsel vm0, $0x0, v6;
	v9 =	vnsel vm1, $0x0, v9;
	vm0 =	vge.f32 v13, v7  }
0x42a: {  	s29 =	sshll.u32 s15, $0x6;
	s28 =	sadd.s32 $0x10, s11;
	s19 =	sor.u32 $0x80, s11;
	[tilespmem:s12+$0x0] =	vst v9;
	v9 =	vnsel vm0, $0x0, v13;
	vm0 =	vge.f32 v14, v7;
	v13 =	vld [tilespmem:s17+$0x20]  }
0x42b: {  	s15 =	simm.s32 $0x100;
	s11 =	sadd.s32 $0x20, s11;
	s22 =	sor.u32 $0x80, s28;
	v8 =	vxor.u32 v15, v8;
	[tilespmem:s12+$0x10] =	vst v9;
	v9 =	vnsel vm0, $0x0, v14;
	vm0 =	vge.f32 v11, v7;
	v14 =	vld [tilespmem:s19+$0x0]  }
0x42c: {  	s30 =	sand.u32 $0x40, s16;
	s31 =	sand.u32 $0x3F00, s15;
	s11 =	sor.u32 $0x80, s11;
	v8 =	vxor.u32 $0x80000000, v8;
	vm1 =	vge.f32 v12, v7;
	[tilespmem:s12+$0x20] =	vst v9;
	v9 =	vnsel vm0, $0x0, v11;
	v15 =	vld [tilespmem:s22+$0x0]  }
0x42d: {  	s18 =	sadd.s32 $0x80, s29;
	vm0 =	vge.f32 v10, v8;
	s12 =	sor.u32 s30, s31;
	v11 =	vnsel vm1, $0x0, v12;
	[tilespmem:s17+$0x30] =	vst v9;
	v17 =	vld [tilespmem:s11+$0x0]  }
0x42e: {  	s13 =	sadd.s32 $0x30, s18;
	v9 =	vnsel vm0, $0x0, v10;
	v10 =	vld [tilespmem:s12+$0x30];
	vm0 =	vge.f32 v16, v7;
	[tilespmem:s17+$0x0] =	vst v11  }
0x42f: {  	s21 =	simm.s32 $0x1;
	p0 =	por !p0, !p0;
	s13 =	sor.u32 $0x80, s13;
	v12 =	vld [tilespmem:s12+$0x0];
	[tilespmem:s26+$0x0] =	vst v9;
	v11 =	vnsel vm0, $0x0, v16;
	vm0 =	vge.f32 v13, v7  }
0x430: {  	s21 =	simm.s32 @!p0 $0x0;
	v9 =	vld [tilespmem:s13+$0x0];
	[tilespmem:s17+$0x10] =	vst v11;
	v13 =	vnsel vm0, $0x0, v13;
	vm0 =	vge.f32 v14, v8  }
0x431: {  	s20 =	sadd.s32 $0x10, s18;
	s14 =	sor.u32 $0x80, s18;
	s18 =	sadd.s32 $0x20, s18;
	v11 =	vld [tilespmem:s12+$0x10];
	[tilespmem:s17+$0x20] =	vst v13;
	v14 =	vnsel vm0, $0x0, v14;
	vm0 =	vge.f32 v15, v8  }
0x432: {  	s16 =	simm.s32 $0x8;
	s21 =	sshll.u32 s21, $0x6;
	s18 =	sor.u32 $0x80, s18;
	v13 =	vld [tilespmem:s12+$0x20];
	[tilespmem:s19+$0x0] =	vst v14;
	v15 =	vnsel vm0, $0x0, v15;
	vm1 =	vge.f32 v17, v8  }
0x433: {  	s17 =	sor.u32 $0x80, s20;
	s20 =	simm.s32 $0xC0;
	vm0 =	vge.f32 v10, v7;
	s19 =	simm.s32 $0x180;
	v14 =	vld [tilespmem:s14+$0x0];
	[tilespmem:s22+$0x0] =	vst v15;
	v15 =	vnsel vm1, $0x0, v17  }
.LBB2_94:
0x434: {  	s22 =	sand.u32 $0x40, s20  }
0x435: {  	s23 =	sand.u32 $0x3F00, s19;
	s21 =	sadd.s32 s21, s15;
	s24 =	smov.u32 s17  }
0x436: {  	v10 =	vnsel vm0, $0x0, v10;
	v16 =	vld [tilespmem:s17+$0x0];
	vm0 =	vge.f32 v9, v8;
	[tilespmem:s11+$0x0] =	vst v15;
	s11 =	smov.u32 s18;
	s15 =	smov.u32 s19;
	s16 =	sadd.s32 $0x4, s16  }
0x437: {  	s22 =	sor.u32 s22, s23;
	vm1 =	vge.f32 v12, v7;
	[tilespmem:s12+$0x30] =	vst v10;
	s17 =	sadd.s32 $0x30, s21;
	v15 =	vld [tilespmem:s11+$0x0];
	v9 =	vnsel vm0, $0x0, v9;
	p1 =	slt.u32 s16, $0x1FC  }
0x438: {  	s18 =	sadd.s32 $0x10, s21;
	s23 =	sor.u32 $0x80, s21;
	v10 =	vld [tilespmem:s22+$0x30];
	v12 =	vnsel vm1, $0x0, v12;
	vm0 =	vge.f32 v11, v7;
	[tilespmem:s13+$0x0] =	vst v9;
	s13 =	sor.u32 $0x80, s17  }
.Ltmp52:
0x439: {  	s17 =	sor.u32 $0x80, s18;
	s18 =	sadd.s32 $0x20, s21;
	[tilespmem:s12+$0x0] =	vst v12;
	v11 =	vnsel vm0, $0x0, v11;
	vm0 =	vge.f32 v13, v7;
	v9 =	vld [tilespmem:s13+$0x0];
	(pc) =	sbr.rel @p1 .LBB2_94-.Ltmp52, $4  }
0x43a: {  	s18 =	sor.u32 $0x80, s18;
	v12 =	vld [tilespmem:s22+$0x0];
	[tilespmem:s12+$0x10] =	vst v11;
	v13 =	vnsel vm0, $0x0, v13;
	vm0 =	vge.f32 v14, v8  }
0x43b: {  	p0 =	por !p0, !p0;
	s21 =	simm.s32 $0x1;
	v11 =	vld [tilespmem:s22+$0x10];
	[tilespmem:s12+$0x20] =	vst v13;
	v14 =	vnsel vm0, $0x0, v14;
	vm0 =	vge.f32 v16, v8;
	s12 =	smov.u32 s22  }
0x43c: {  	s21 =	simm.s32 @!p0 $0x0;
	v13 =	vld [tilespmem:s12+$0x20];
	[tilespmem:s14+$0x0] =	vst v14;
	v16 =	vnsel vm0, $0x0, v16;
	vm1 =	vge.f32 v15, v8;
	s14 =	smov.u32 s23  }
0x43d: {  	s19 =	sadd.s32 $0x80, s19;
	s20 =	sadd.s32 $0x40, s20;
	s21 =	sshll.u32 s21, $0x6;
	vm0 =	vge.f32 v10, v7;
	v14 =	vld [tilespmem:s14+$0x0];
	[tilespmem:s24+$0x0] =	vst v16;
	v15 =	vnsel vm1, $0x0, v15  }
0x43e: {  	s15 =	sadd.s32 s21, s15  }
0x43f: {  	v10 =	vnsel vm0, $0x0, v10;
	v16 =	vld [tilespmem:s17+$0x0];
	[tilespmem:s11+$0x0] =	vst v15;
	vm6 =	vge.f32 v12, v7;
	s30 =	sadd.s32 $0x30, s15  }
0x440: {  	v57 =	vld [tilespmem:s18+$0x0];
	[tilespmem:s12+$0x30] =	vst v10;
	v12 =	vnsel vm6, $0x0, v12;
	vm7 =	vge.f32 v11, v7;
	s11 =	sor.u32 $0x80, s30  }
0x441: {  	s16 =	sadd.s32 $0x10, s15;
	s19 =	sor.u32 $0x80, s15;
	[tilespmem:s12+$0x0] =	vst v12;
	v11 =	vnsel vm7, $0x0, v11;
	vm8 =	vge.f32 v13, v7;
	v7 =	vld [tilespmem:s11+$0x0]  }
0x442: {  	vm1 =	vge.f32 v9, v8;
	s15 =	sadd.s32 $0x20, s15;
	s16 =	sor.u32 $0x80, s16;
	[tilespmem:s12+$0x10] =	vst v11;
	v58 =	vnsel vm8, $0x0, v13;
	v12 =	vld [tilespmem:s19+$0x0]  }
0x443: {  	v9 =	vnsel vm1, $0x0, v9;
	s31 =	sor.u32 $0x80, s15;
	vm9 =	vge.f32 v14, v8;
	[tilespmem:s12+$0x20] =	vst v58;
	v59 =	vld [tilespmem:s16+$0x0]  }
0x444: {  	[tilespmem:s13+$0x0] =	vst v9;
	v60 =	vnsel vm9, $0x0, v14;
	vm10 =	vge.f32 v16, v8;
	v61 =	vld [tilespmem:s31+$0x0]  }
0x445: {  	vm11 =	vge.f32 v57, v8;
	[tilespmem:s14+$0x0] =	vst v60;
	v62 =	vnsel vm10, $0x0, v16  }
0x446: {  	v63 =	vnsel vm11, $0x0, v57;
	[tilespmem:s17+$0x0] =	vst v62;
	vm12 =	vge.f32 v7, v8  }
0x447: {  	[tilespmem:s18+$0x0] =	vst v63;
	v7 =	vnsel vm12, $0x0, v7;
	vm13 =	vge.f32 v12, v8  }
0x448: {  	[tilespmem:s11+$0x0] =	vst v7;
	v7 =	vnsel vm13, $0x0, v12;
	vm14 =	vge.f32 v59, v8  }
0x449: {  	[tilespmem:s19+$0x0] =	vst v7;
	v7 =	vnsel vm14, $0x0, v59;
	vm15 =	vge.f32 v61, v8  }
0x44a: {  	s13 =	simm.s32 $0x100;
	[tilespmem:s16+$0x0] =	vst v7;
	v7 =	vnsel vm15, $0x0, v61  }
0x44b: {  	s12 =	simm.s32 $0x80;
	s14 =	sadd.s32 $0x0, s5;
	s11 =	simm.s32 $0x0;
	[tilespmem:s31+$0x0] =	vst v7  }
.LBB2_96:
0x44c: {  	[hbm4b:s14+s2] =	stream.linear.scatter [tilespmem:s11], [sflag:$0x1], $0x80, $0x38;
	[tilespmem:$0xC300] =	vst v63  }
0x44d: {  	s14 =	smov.u32 s12;
	s11 =	smov.u32 s13;
	p0 =	sne.s32 s12, $0x1F80  }
.Ltmp53:
0x44e: {  	s12 =	sadd.s32 $0x80, s12;
	(pc) =	sbr.rel @p0 .LBB2_96-.Ltmp53, $2  }
0x44f: {  	_ =	sdelay $0x2  }
0x450: {  	s13 =	sadd.s32 $0x100, s13;
	s14 =	sadd.s32 s14, s5  }
0x451: {  	[hbm4b:s14+s2] =	stream.linear.scatter [tilespmem:s11], [sflag:$0x1], $0x80, $0x38;
	[tilespmem:$0xC300] =	vst v63  }
0x452: {  	_ =	swait.ge [sflag:s8], $0x2000  }
0x453: {  	s11 =	simm.s32 $0x80;
	s12 =	simm.s32 $0x80;
	[sflag:s8] =	ssyncset.done $0x0  }
0x454: {  	s14 =	sadd.s32 $0x0, s6;
	s13 =	simm.s32 $0x180;
	[sflag:s8] =	ssyncadd.s32 $0xFFFFE000  }
.LBB2_98:
0x455: {  	[hbm4b:s14+s2] =	stream.linear.scatter [tilespmem:s11], [sflag:$0x1], $0x80, $0x38;
	[tilespmem:$0xC300] =	vst v63  }
0x456: {  	s14 =	smov.u32 s12;
	s11 =	smov.u32 s13;
	p0 =	sne.s32 s12, $0x1F80  }
.Ltmp54:
0x457: {  	s12 =	sadd.s32 $0x80, s12;
	(pc) =	sbr.rel @p0 .LBB2_98-.Ltmp54, $2  }
0x458: {  	_ =	sdelay $0x2  }
0x459: {  	s13 =	sadd.s32 $0x100, s13;
	s14 =	sadd.s32 s14, s6  }
0x45a: {  	[hbm4b:s14+s2] =	stream.linear.scatter [tilespmem:s11], [sflag:$0x1], $0x80, $0x38;
	[tilespmem:$0xC300] =	vst v63  }
0x45b: {  	s10 =	sadd.s32 $0x1, s10  }
0x45c: {  	p0 =	sne.s32 s10, s7  }
.Ltmp55:
0x45d: {  	_ = 	snop;
	(pc) =	sbr.rel @p0 .LBB2_1-.Ltmp55, $4  }
.Ltmp56:
0x45e: {  	_ = 	snop;
	(pc) =	sbr.rel @!p0 .LBB2_100-.Ltmp56, $4  }
0x45f: {  	_ =	swait.ge [sflag:s8], $0x2000  }
0x460: {  	[sflag:s8] =	ssyncset.done $0x0  }
0x461: {  	[sflag:s8] =	ssyncadd.s32 $0xFFFFE000  }
0x462: {  	_ = 	snop  }
.LBB2_11:
.Ltmp57:
0x463: {  	(pc) =	sbr.rel .LBB2_15-.Ltmp57, $2  }
0x464: {  	_ =	sdelay $0x2  }
0x465: {  	s13 =	simm.s32 $0x0;
	s12 =	simm.s32 $0x0  }
.LBB2_18:
.Ltmp58:
0x466: {  	(pc) =	sbr.rel .LBB2_22-.Ltmp58, $2  }
0x467: {  	_ =	sdelay $0x2  }
0x468: {  	s13 =	simm.s32 $0x0;
	s12 =	simm.s32 $0x0  }
.LBB2_25:
.Ltmp59:
0x469: {  	(pc) =	sbr.rel .LBB2_29-.Ltmp59, $2  }
0x46a: {  	_ =	sdelay $0x2  }
0x46b: {  	s13 =	simm.s32 $0x0;
	s12 =	simm.s32 $0x0  }
.LBB2_32:
.Ltmp60:
0x46c: {  	(pc) =	sbr.rel .LBB2_36-.Ltmp60, $2  }
0x46d: {  	_ =	sdelay $0x2  }
0x46e: {  	s13 =	simm.s32 $0x0;
	s12 =	simm.s32 $0x0  }
.LBB2_39:
.Ltmp61:
0x46f: {  	(pc) =	sbr.rel .LBB2_43-.Ltmp61, $2  }
0x470: {  	_ =	sdelay $0x2  }
0x471: {  	s13 =	simm.s32 $0x0;
	s12 =	simm.s32 $0x0  }
.LBB2_46:
.Ltmp62:
0x472: {  	(pc) =	sbr.rel .LBB2_50-.Ltmp62, $2  }
0x473: {  	_ =	sdelay $0x2  }
0x474: {  	s13 =	simm.s32 $0x0;
	s12 =	simm.s32 $0x0  }
.LBB2_53:
.Ltmp63:
0x475: {  	(pc) =	sbr.rel .LBB2_57-.Ltmp63, $2  }
0x476: {  	_ =	sdelay $0x2  }
0x477: {  	s13 =	simm.s32 $0x0;
	s12 =	simm.s32 $0x0  }
.LBB2_60:
.Ltmp64:
0x478: {  	(pc) =	sbr.rel .LBB2_64-.Ltmp64, $2  }
0x479: {  	_ =	sdelay $0x2  }
0x47a: {  	s13 =	simm.s32 $0x0;
	s12 =	simm.s32 $0x0  }
.LBB2_67:
.Ltmp65:
0x47b: {  	(pc) =	sbr.rel .LBB2_71-.Ltmp65, $2  }
0x47c: {  	_ =	sdelay $0x2  }
0x47d: {  	s13 =	simm.s32 $0x0;
	s12 =	simm.s32 $0x0  }
.LBB2_74:
.Ltmp66:
0x47e: {  	(pc) =	sbr.rel .LBB2_78-.Ltmp66, $2  }
0x47f: {  	_ =	sdelay $0x2  }
0x480: {  	s13 =	simm.s32 $0x0;
	s12 =	simm.s32 $0x0  }
.LBB2_81:
.Ltmp67:
0x481: {  	(pc) =	sbr.rel .LBB2_85-.Ltmp67, $2  }
0x482: {  	_ =	sdelay $0x2  }
0x483: {  	s13 =	simm.s32 $0x0;
	s12 =	simm.s32 $0x0  }
.LBB2_88:
.Ltmp68:
0x484: {  	(pc) =	sbr.rel .LBB2_92-.Ltmp68, $2  }
0x485: {  	_ =	sdelay $0x2  }
0x486: {  	s13 =	simm.s32 $0x0;
	s12 =	simm.s32 $0x0  }
.LBB2_13:
.Ltmp69:
0x487: {  	(pc) =	sbr.rel .LBB2_15-.Ltmp69, $2  }
0x488: {  	_ =	sdelay $0x2  }
0x489: {  	s13 =	simm.s32 $0x0;
	s12 =	simm.s32 $0x0  }
.LBB2_20:
.Ltmp70:
0x48a: {  	(pc) =	sbr.rel .LBB2_22-.Ltmp70, $2  }
0x48b: {  	_ =	sdelay $0x2  }
0x48c: {  	s13 =	simm.s32 $0x0;
	s12 =	simm.s32 $0x0  }
.LBB2_27:
.Ltmp71:
0x48d: {  	(pc) =	sbr.rel .LBB2_29-.Ltmp71, $2  }
0x48e: {  	_ =	sdelay $0x2  }
0x48f: {  	s13 =	simm.s32 $0x0;
	s12 =	simm.s32 $0x0  }
.LBB2_34:
.Ltmp72:
0x490: {  	(pc) =	sbr.rel .LBB2_36-.Ltmp72, $2  }
0x491: {  	_ =	sdelay $0x2  }
0x492: {  	s13 =	simm.s32 $0x0;
	s12 =	simm.s32 $0x0  }
.LBB2_41:
.Ltmp73:
0x493: {  	(pc) =	sbr.rel .LBB2_43-.Ltmp73, $2  }
0x494: {  	_ =	sdelay $0x2  }
0x495: {  	s13 =	simm.s32 $0x0;
	s12 =	simm.s32 $0x0  }
.LBB2_48:
.Ltmp74:
0x496: {  	(pc) =	sbr.rel .LBB2_50-.Ltmp74, $2  }
0x497: {  	_ =	sdelay $0x2  }
0x498: {  	s13 =	simm.s32 $0x0;
	s12 =	simm.s32 $0x0  }
.LBB2_55:
.Ltmp75:
0x499: {  	(pc) =	sbr.rel .LBB2_57-.Ltmp75, $2  }
0x49a: {  	_ =	sdelay $0x2  }
0x49b: {  	s13 =	simm.s32 $0x0;
	s12 =	simm.s32 $0x0  }
.LBB2_62:
.Ltmp76:
0x49c: {  	(pc) =	sbr.rel .LBB2_64-.Ltmp76, $2  }
0x49d: {  	_ =	sdelay $0x2  }
0x49e: {  	s13 =	simm.s32 $0x0;
	s12 =	simm.s32 $0x0  }
.LBB2_69:
.Ltmp77:
0x49f: {  	(pc) =	sbr.rel .LBB2_71-.Ltmp77, $2  }
0x4a0: {  	_ =	sdelay $0x2  }
0x4a1: {  	s13 =	simm.s32 $0x0;
	s12 =	simm.s32 $0x0  }
.LBB2_76:
.Ltmp78:
0x4a2: {  	(pc) =	sbr.rel .LBB2_78-.Ltmp78, $2  }
0x4a3: {  	_ =	sdelay $0x2  }
0x4a4: {  	s13 =	simm.s32 $0x0;
	s12 =	simm.s32 $0x0  }
.LBB2_83:
.Ltmp79:
0x4a5: {  	(pc) =	sbr.rel .LBB2_85-.Ltmp79, $2  }
0x4a6: {  	_ =	sdelay $0x2  }
0x4a7: {  	s13 =	simm.s32 $0x0;
	s12 =	simm.s32 $0x0  }
.LBB2_90:
.Ltmp80:
0x4a8: {  	(pc) =	sbr.rel .LBB2_92-.Ltmp80, $2  }
0x4a9: {  	_ =	sdelay $0x2  }
0x4aa: {  	s13 =	simm.s32 $0x0;
	s12 =	simm.s32 $0x0  }
.LBB2_100:
0x4ab: {  	_ =	sfence.sel $0x180000  }
0x4ac: {  	[bflag:$0x0] =	sbarrier.arrive $0xFFFF  }
0x4ad: {  	p0 =	sne.s32 s1, $0x0;
	_ =	strace $0x90000047  }
0x4ae: {  	s0 =	sadd.s32 @!p0 $0x100000, s0;
	[bflag:$0x2] =	sbarrier.arrive $0xFFFF  }
0x4af: {  	[sflag:s0] =	ssyncadd.tile.s32 @!p0 $0x1;
	_ =	shalt  }
.Lfunc_end2:
_tile_overlayer_lowered:
.L_overlay_start_2:
0x4b0: {  	(tag) =	ssettag $0x2  }
0x4b1: {  	s0 =	rddreg [dreg:$0x0];
	s2 =	stileid.u32  }
0x4b2: {  	s1 =	rddreg [dreg:$0x1];
	p0 =	sne.s32 s2, $0x0  }
0x4b3: {  	s3 =	rddreg [dreg:$0x2];
	[bflag:$0x3] =	sbarrier.arrive $0xFFFF;
	s2 =	simm.s32 @!p0 $0x1C01  }
0x4b4: {  	[timem:s3], [sflag:s2] =	dma.local @!p0 [hbm:s0], s1  }
0x4b5: {  	s0 =	simm.s32 @!p0 $0x1  }
0x4b6: {  	_ =	swait.ge @!p0 [sflag:s0], s1  }
0x4b7: {  	s1 =	ssub.s32 @!p0 $0x0, s1;
	[sflag:s0] =	ssyncset.done @!p0 $0x0  }
0x4b8: {  	[sflag:s0] =	ssyncadd.s32 @!p0 s1  }
0x4b9: {  	[bflag:$0x3] =	sbarrier.arrive $0xFFFF  }
0x4ba: {  	_ =	shalt  }

</sc_bundles>
